<compile_context>
chip_gen: v7x
topology: tpu7x:2x2x1
jax: 0.10.2.dev20260603
libtpu: 0.0.44.dev20260713+nightly
codegen_flags: <defaults>
</compile_context>

<pallas_src>
import functools

import jax
import jax.numpy as jnp
from jax import lax
from jax.experimental import pallas as pl
from jax.experimental.pallas import tpu as pltpu
from jax.experimental.pallas import tpu_sc as plsc

N = 10000
H = 128
L = 3
NG = 16
E = 300000

NC = 2
NS = 16
ROWS = 148
EPT = ROWS * 128
EPAD = NS * EPT
ROWS_PT = 632
NPAD = NS * ROWS_PT
SBLK = 4
SBROWS = ROWS // SBLK
BLK = 1000
GRID = N // BLK

DEPTH = 2


def _sc_segsum_body(src_hbm, dst_hbm, h_hbm, zeros_hbm, out_hbm,
                    sidx, didx, b0, b1, acc, s0, s1):
    bufs = (b0, b1)
    sems = (s0, s1)
    c = lax.axis_index("c")
    s = lax.axis_index("s")
    rbase = s * ROWS_PT
    pltpu.sync_copy(zeros_hbm, acc.at[pl.ds(rbase, ROWS_PT)])
    plsc.subcore_barrier()

    for sb in range(SBLK):
        pltpu.sync_copy(src_hbm.at[c, s, sb], sidx)
        pltpu.sync_copy(dst_hbm.at[c, s, sb], didx)
        for k in range(DEPTH - 1):
            pltpu.async_copy(h_hbm.at[sidx.at[k]], bufs[k], sems[k])

        nfull = (SBROWS - (DEPTH - 1)) // DEPTH

        def ring(g, carry):
            for b in range(DEPTH):
                j = g * DEPTH + b
                nb = (b + DEPTH - 1) % DEPTH
                pltpu.async_copy(h_hbm.at[sidx.at[j + DEPTH - 1]], bufs[nb],
                                 sems[nb])
                pltpu.make_async_copy(h_hbm.at[sidx.at[j]], bufs[b],
                                      sems[b]).wait()
                pltpu.sync_copy(bufs[b], acc.at[didx.at[j]], add=True)
            return carry

        lax.fori_loop(0, nfull, ring, 0)
        for j in range(nfull * DEPTH, SBROWS):
            b = j % DEPTH
            if j + DEPTH - 1 < SBROWS:
                nb = (j + DEPTH - 1) % DEPTH
                pltpu.async_copy(h_hbm.at[sidx.at[j + DEPTH - 1]], bufs[nb],
                                 sems[nb])
            pltpu.make_async_copy(h_hbm.at[sidx.at[j]], bufs[b],
                                  sems[b]).wait()
            pltpu.sync_copy(bufs[b], acc.at[didx.at[j]], add=True)

    plsc.subcore_barrier()
    pltpu.sync_copy(acc.at[pl.ds(rbase, ROWS_PT)],
                    out_hbm.at[pl.ds(c * NPAD + rbase, ROWS_PT)])


@functools.cache
def _sc_kernels():
    mesh = plsc.VectorSubcoreMesh(
        core_axis_name="c", subcore_axis_name="s",
        num_cores=NC, num_subcores=NS)
    segsum = pl.kernel(
        _sc_segsum_body,
        out_type=jax.ShapeDtypeStruct((NC * NPAD, H), jnp.float32),
        mesh=mesh,
        scratch_types=[
            pltpu.VMEM((SBROWS, 128), jnp.int32),
            pltpu.VMEM((SBROWS, 128), jnp.int32),
            pltpu.VMEM((128, H), jnp.float32),
            pltpu.VMEM((128, H), jnp.float32),
            pltpu.VMEM_SHARED((NPAD, H), jnp.float32),
            pltpu.SemaphoreType.DMA,
            pltpu.SemaphoreType.DMA,
        ],
    )
    return segsum


def _ln(z, g, b):
    m = jnp.mean(z, axis=-1, keepdims=True)
    v = jnp.mean((z - m) ** 2, axis=-1, keepdims=True)
    return (z - m) / jnp.sqrt(v + 1e-5) * g + b


def _enc_body(xu_ref, xi_ref, w1_ref, b1_ref, w2_ref, b2_ref, g_ref, b_ref,
              out_ref):
    for t, x_ref in ((0, xu_ref), (1, xi_ref)):
        z = jnp.maximum(
            jnp.dot(x_ref[...], w1_ref[t], preferred_element_type=jnp.float32)
            + b1_ref[t][None, :], 0.0)
        z = jnp.dot(z, w2_ref[t], preferred_element_type=jnp.float32) \
            + b2_ref[t][None, :]
        out_ref[t] = _ln(z, g_ref[t][None, :], b_ref[t][None, :])


def _layer_body(h_ref, ssum_ref, cnt_ref, wl_ref, bl_ref, wr_ref, g_ref,
                b_ref, out_ref):
    for t in range(2):
        e = 1 - t
        cnt = jnp.maximum(cnt_ref[e, :, 0:1], 1.0)
        mean = ssum_ref[e] / cnt
        h_t = h_ref[t]
        upd = jnp.dot(mean, wl_ref[e], preferred_element_type=jnp.float32) \
            + bl_ref[e][None, :] \
            + jnp.dot(h_t, wr_ref[e], preferred_element_type=jnp.float32)
        nt = _ln(upd + h_t, g_ref[t][None, :], b_ref[t][None, :])
        out_ref[t] = jnp.maximum(nt, 0.0)


def _pool_body(h_ref, bu_ref, bi_ref, w1_ref, b1_ref, w2_ref, b2_ref,
               pu_ref, pi_ref, ge_ref, gs_ref, psum, pcnt):
    i = pl.program_id(0)

    @pl.when(i == 0)
    def _():
        psum[...] = jnp.zeros_like(psum)
        pcnt[...] = jnp.zeros_like(pcnt)

    for t, bref in ((0, bu_ref), (1, bi_ref)):
        bb = bref[0, 0, :]
        mask = (bb[:, None] ==
                lax.broadcasted_iota(jnp.int32, (BLK, NG), 1)
                ).astype(jnp.float32)
        psum[t] += lax.dot_general(mask, h_ref[t], (((0,), (0,)), ((), ())),
                                   preferred_element_type=jnp.float32)
        cnts = jnp.sum(mask, axis=0)
        pcnt[t] += jnp.broadcast_to(cnts[:, None], (NG, H))

    @pl.when(i == pl.num_programs(0) - 1)
    def _():
        pu = psum[0] / jnp.maximum(pcnt[0], 1.0)
        pi = psum[1] / jnp.maximum(pcnt[1], 1.0)
        pu_ref[...] = pu
        pi_ref[...] = pi
        ge = (pu + pi) * 0.5
        ge_ref[...] = ge
        hid = jnp.maximum(
            jnp.dot(ge, w1_ref[...], preferred_element_type=jnp.float32)
            + b1_ref[...], 0.0)
        gs_ref[...] = jnp.sum(hid * w2_ref[...], axis=-1, keepdims=True) \
            + b2_ref[...]


def _recon_body(h_ref, w_ref, b_ref, o0_ref, o1_ref):
    o0_ref[...] = jnp.dot(h_ref[0], w_ref[0], preferred_element_type=jnp.float32) + b_ref[0][None, :]
    o1_ref[...] = jnp.dot(h_ref[1], w_ref[1], preferred_element_type=jnp.float32) + b_ref[1][None, :]


def _row_spec(nrows=BLK, lead=None):
    if lead is None:
        return pl.BlockSpec((nrows, H), lambda i: (i, 0))
    return pl.BlockSpec((lead, nrows, H), lambda i: (0, i, 0))


def _full_spec(shape):
    nd = len(shape)
    return pl.BlockSpec(shape, lambda i: (0,) * nd)


def kernel(x_user, x_item, edge_index_u2i, edge_index_i2u, batch_user,
           batch_item, enc_W1, enc_b1, enc_W2, enc_b2, enc_ln_g, enc_ln_b,
           conv_Wl, conv_bl, conv_Wr, ln_g, ln_b, rec_W, rec_b, gs_W1, gs_b1,
           gs_W2, gs_b2):
    f32 = jnp.float32
    pad = EPAD - E

    def prep(ei, off):
        src = jnp.concatenate(
            [ei[0].astype(jnp.int32), jnp.zeros((pad,), jnp.int32)]) + off
        dst = jnp.concatenate(
            [ei[1].astype(jnp.int32), jnp.full((pad,), N, jnp.int32)])
        return src, dst

    s0, d0 = prep(edge_index_u2i, 0)
    s1, d1 = prep(edge_index_i2u, N)
    src_all = jnp.stack([s0, s1]).reshape(NC, NS, SBLK, SBROWS, 128)
    dst_all = jnp.stack([d0, d1]).reshape(NC, NS, SBLK, SBROWS, 128)

    h = pl.pallas_call(
        _enc_body,
        grid=(GRID,),
        in_specs=[_row_spec(), _row_spec(),
                  _full_spec((2, H, H)), _full_spec((2, H)),
                  _full_spec((2, H, H)), _full_spec((2, H)),
                  _full_spec((2, H)), _full_spec((2, H))],
        out_specs=_row_spec(lead=2),
        out_shape=jax.ShapeDtypeStruct((2, N, H), f32),
    )(x_user, x_item, enc_W1, enc_b1, enc_W2, enc_b2, enc_ln_g, enc_ln_b)

    sc_segsum = _sc_kernels()
    zrows = jnp.zeros((ROWS_PT, H), f32)
    cnt = sc_segsum(dst_all, dst_all, jnp.ones((2 * N, H), f32),
                    zrows).reshape(NC, NPAD, H)

    h, cnt = lax.optimization_barrier((h, cnt))
    for l in range(L):
        ssum = sc_segsum(src_all, dst_all, h.reshape(2 * N, H),
                         zrows).reshape(NC, NPAD, H)
        h = pl.pallas_call(
            _layer_body,
            grid=(GRID,),
            in_specs=[_row_spec(lead=2), _row_spec(lead=2),
                      pl.BlockSpec((2, BLK, H), lambda i: (0, i, 0)),
                      _full_spec((2, H, H)), _full_spec((2, H)),
                      _full_spec((2, H, H)), _full_spec((2, H)),
                      _full_spec((2, H))],
            out_specs=_row_spec(lead=2),
            out_shape=jax.ShapeDtypeStruct((2, N, H), f32),
        )(h, ssum, cnt, conv_Wl[l], conv_bl[l], conv_Wr[l], ln_g[l], ln_b[l])

    bu = batch_user.astype(jnp.int32).reshape(GRID, 1, BLK)
    bi = batch_item.astype(jnp.int32).reshape(GRID, 1, BLK)
    g16 = jax.ShapeDtypeStruct((NG, H), f32)
    pooled_u, pooled_i, graph_emb, gscore = pl.pallas_call(
        _pool_body,
        grid=(GRID,),
        in_specs=[_row_spec(lead=2),
                  pl.BlockSpec((1, 1, BLK), lambda i: (i, 0, 0)),
                  pl.BlockSpec((1, 1, BLK), lambda i: (i, 0, 0)),
                  _full_spec((H, H)), _full_spec((1, H)),
                  _full_spec((1, H)), _full_spec((1, 1))],
        out_specs=[_full_spec((NG, H)), _full_spec((NG, H)),
                   _full_spec((NG, H)), _full_spec((NG, 1))],
        out_shape=[g16, g16, g16, jax.ShapeDtypeStruct((NG, 1), f32)],
        scratch_shapes=[pltpu.VMEM((2, NG, H), f32),
                        pltpu.VMEM((2, NG, H), f32)],
    )(h, bu, bi, gs_W1, gs_b1.reshape(1, H), gs_W2.reshape(1, H),
      gs_b2.reshape(1, 1))

    recon0, recon1 = pl.pallas_call(
        _recon_body,
        grid=(GRID,),
        in_specs=[_row_spec(lead=2), _full_spec((2, H, H)),
                  _full_spec((2, H))],
        out_specs=[_row_spec(), _row_spec()],
        out_shape=[jax.ShapeDtypeStruct((N, H), f32)] * 2,
    )(h, rec_W, rec_b)

    return (h[0], h[1], graph_emb, gscore, recon0, recon1, pooled_u, pooled_i)

# --- scband reference (transcript-rebuilt; emitter-appended) ---
"""Pipeline reference for scband-teacher-gnn-12627203850283 (READ-ONLY COPY).

The authoritative reference and input builder live on the scoring server;
editing this copy changes nothing except your own understanding.
"""

import jax, jax.numpy as jnp
import numpy as np

H = 128
L = 3
NG = 16
N = 10000
E = 300000


def layer_norm(x, g, b, eps=1e-5):
    m = jnp.mean(x, axis=-1, keepdims=True)
    v = jnp.mean((x - m) ** 2, axis=-1, keepdims=True)
    return (x - m) / jnp.sqrt(v + eps) * g + b


def setup_inputs(seed: int = 0):
    key = jax.random.key(seed)
    ks = jax.random.split(key, 24)
    s = 0.05
    inp = {}
    inp["x_user"] = jax.random.normal(ks[0], (N, H), jnp.float32)
    inp["x_item"] = jax.random.normal(ks[1], (N, H), jnp.float32)
    inp["edge_index_u2i"] = jax.random.randint(ks[2], (2, E), 0, N)
    inp["edge_index_i2u"] = jax.random.randint(ks[3], (2, E), 0, N)
    inp["batch_user"] = jnp.sort(jax.random.randint(ks[4], (N,), 0, NG))
    inp["batch_item"] = jnp.sort(jax.random.randint(ks[5], (N,), 0, NG))
    # NodeEncoder params per node type (Linear-ReLU-Linear), stacked [2, ...]
    inp["enc_W1"] = jax.random.normal(ks[6], (2, H, H), jnp.float32) * s
    inp["enc_b1"] = jnp.zeros((2, H), jnp.float32)
    inp["enc_W2"] = jax.random.normal(ks[7], (2, H, H), jnp.float32) * s
    inp["enc_b2"] = jnp.zeros((2, H), jnp.float32)
    inp["enc_ln_g"] = jnp.ones((2, H), jnp.float32)
    inp["enc_ln_b"] = jnp.zeros((2, H), jnp.float32)
    # SAGEConv params per layer per edge type: lin_l (neighbor, with bias), lin_r (root, no bias)
    inp["conv_Wl"] = jax.random.normal(ks[8], (L, 2, H, H), jnp.float32) * s
    inp["conv_bl"] = jnp.zeros((L, 2, H), jnp.float32)
    inp["conv_Wr"] = jax.random.normal(ks[9], (L, 2, H, H), jnp.float32) * s
    # per-layer per-node-type LayerNorm
    inp["ln_g"] = jnp.ones((L, 2, H), jnp.float32)
    inp["ln_b"] = jnp.zeros((L, 2, H), jnp.float32)
    # reconstruction heads per node type
    inp["rec_W"] = jax.random.normal(ks[10], (2, H, H), jnp.float32) * s
    inp["rec_b"] = jnp.zeros((2, H), jnp.float32)
    # graph score head (MLP hidden -> 1)
    inp["gs_W1"] = jax.random.normal(ks[11], (H, H), jnp.float32) * s
    inp["gs_b1"] = jnp.zeros((H,), jnp.float32)
    inp["gs_W2"] = jax.random.normal(ks[12], (H, 1), jnp.float32) * s
    inp["gs_b2"] = jnp.zeros((1,), jnp.float32)
    return inp


def reference(x_user, x_item, edge_index_u2i, edge_index_i2u, batch_user, batch_item,
              enc_W1, enc_b1, enc_W2, enc_b2, enc_ln_g, enc_ln_b,
              conv_Wl, conv_bl, conv_Wr, ln_g, ln_b,
              rec_W, rec_b, gs_W1, gs_b1, gs_W2, gs_b2):
    xs = [x_user, x_item]
    # encode_nodes: encoder + layer norm per node type
    h = []
    for i in range(2):
        z = jnp.maximum(xs[i] @ enc_W1[i] + enc_b1[i], 0.0) @ enc_W2[i] + enc_b2[i]
        h.append(layer_norm(z, enc_ln_g[i], enc_ln_b[i]))
    edges = [edge_index_u2i, edge_index_i2u]
    # backbone: L layers of HeteroConv(SAGEConv, aggr='sum') + residual + LN + relu
    # edge type 0: user -> item ; edge type 1: item -> user
    for l in range(L):
        upd = [None, None]
        for e in range(2):
            src_t, dst_t = e, 1 - e
            ei = edges[e]
            msg = h[src_t][ei[0]]
            ssum = jax.ops.segment_sum(msg, ei[1], num_segments=h[dst_t].shape[0])
            cnt = jax.ops.segment_sum(jnp.ones((ei.shape[1], 1), msg.dtype), ei[1], num_segments=h[dst_t].shape[0])
            mean = ssum / jnp.clip(cnt, 1.0)
            out = mean @ conv_Wl[l, e] + conv_bl[l, e] + h[dst_t] @ conv_Wr[l, e]
            upd[dst_t] = out if upd[dst_t] is None else upd[dst_t] + out
        nh = []
        for t in range(2):
            nt = upd[t] if upd[t] is not None else h[t]
            if nt.shape == h[t].shape:
                nt = nt + h[t]  # residual
            nt = jnp.maximum(layer_norm(nt, ln_g[l, t], ln_b[l, t]), 0.0)
            # dropout is identity in eval mode
            nh.append(nt)
        h = nh
    # MultiTypeMeanPooling: segment-mean per node type over graphs, combine across types
    batches = [batch_user, batch_item]
    pooled = []
    for t in range(2):
        ssum = jax.ops.segment_sum(h[t], batches[t], num_segments=NG)
        cnt = jax.ops.segment_sum(jnp.ones((h[t].shape[0], 1), h[t].dtype), batches[t], num_segments=NG)
        pooled.append(ssum / jnp.clip(cnt, 1.0))
    graph_emb = (pooled[0] + pooled[1]) * 0.5
    # reconstruction heads + graph score head
    recon0 = h[0] @ rec_W[0] + rec_b[0]
    recon1 = h[1] @ rec_W[1] + rec_b[1]
    gscore = jnp.maximum(graph_emb @ gs_W1 + gs_b1, 0.0) @ gs_W2 + gs_b2
    return (h[0], h[1], graph_emb, gscore, recon0, recon1, pooled[0], pooled[1])

if __name__ == "__main__":
    import jax
    _d = setup_inputs()
    print(jax.jit(kernel)(*tuple(_d.values())))

</pallas_src>

<mosaic_0001>
#map = affine_map<(d0, d1) -> (0, 0, 0, 0, 0)>
#map1 = affine_map<(d0, d1) -> (0, 0)>
module attributes {stable_mosaic.version = 14 : i64} {
  func.func @_sc_segsum_body(%arg0: i32, %arg1: i32, %arg2: memref<2x16x4x37x128xi32, #tpu.memory_space<hbm>>, %arg3: memref<2x16x4x37x128xi32, #tpu.memory_space<hbm>>, %arg4: memref<20000x128xf32, #tpu.memory_space<hbm>>, %arg5: memref<632x128xf32, #tpu.memory_space<hbm>>, %arg6: memref<20224x128xf32, #tpu.memory_space<hbm>>, %arg7: memref<37x128xi32, #tpu.memory_space<vmem>>, %arg8: memref<37x128xi32, #tpu.memory_space<vmem>>, %arg9: memref<128x128xf32, #tpu.memory_space<vmem>>, %arg10: memref<128x128xf32, #tpu.memory_space<vmem>>, %arg11: memref<10112x128xf32, #tpu.memory_space<vmem_shared>>, %arg12: memref<!tpu.dma_semaphore, #tpu.memory_space<semaphore_mem>>, %arg13: memref<!tpu.dma_semaphore, #tpu.memory_space<semaphore_mem>>) attributes {dimension_semantics = [#tpu.dimension_semantics<core_parallel>, #tpu.dimension_semantics<subcore_parallel>], iteration_bounds = array<i64: 2, 16>, scalar_prefetch = 0 : i64, scratch_operands = 7 : i64, tpu.core_type = #tpu.core_type<sc_vector_subcore>, window_params = [{transform_indices = #map}, {transform_indices = #map}, {transform_indices = #map1}, {transform_indices = #map1}, {transform_indices = #map1}]} {
    %mul3A = arith.constant 632 : i32
    %mul3A_0 = arith.muli %arg1, %mul3A : i32
    "tpu.region"() ({
      %run_scoped3A_92 = tpu.sem_alloc : memref<!tpu.dma_semaphore, #tpu.memory_space<semaphore_mem>>
      %dma_start3A_93 = arith.constant 0 : i32
      %dma_start3A_94 = tpu.memref_slice %arg11[%mul3A_0, %dma_start3A_93] : memref<10112x128xf32, #tpu.memory_space<vmem_shared>> -> memref<632x128xf32, #tpu.memory_space<vmem_shared>>
      tpu.enqueue_dma source(%arg5 : memref<632x128xf32, #tpu.memory_space<hbm>>) target(%dma_start3A_94 : memref<632x128xf32, #tpu.memory_space<vmem_shared>>) target_semaphore(%run_scoped3A_92 : memref<!tpu.dma_semaphore, #tpu.memory_space<semaphore_mem>>)
      %dma_wait3A_95 = arith.constant 0 : i32
      %dma_wait3A_96 = tpu.memref_slice %arg11[%mul3A_0, %dma_wait3A_95] : memref<10112x128xf32, #tpu.memory_space<vmem_shared>> -> memref<632x128xf32, #tpu.memory_space<vmem_shared>>
      tpu.wait_dma2 semaphore(%run_scoped3A_92 : memref<!tpu.dma_semaphore, #tpu.memory_space<semaphore_mem>>) src(%arg5 : memref<632x128xf32, #tpu.memory_space<hbm>>) dst(%dma_wait3A_96 : memref<632x128xf32, #tpu.memory_space<vmem_shared>>)
      tpu.yield
    }) : () -> ()
    %barrier3A = arith.constant 0 : index
    tpu.barrier barrier_id(%barrier3A)
    %run_scoped3A = arith.constant 0 : i32
    "tpu.region"() ({
      %run_scoped3A_92 = tpu.sem_alloc : memref<!tpu.dma_semaphore, #tpu.memory_space<semaphore_mem>>
      %dma_start3A_93 = arith.constant 0 : i32
      %dma_start3A_94 = arith.constant 0 : i32
      %dma_start3A_95 = tpu.memref_slice %arg2[%arg0, %arg1, %run_scoped3A, %dma_start3A_93, %dma_start3A_94] : memref<2x16x4x37x128xi32, #tpu.memory_space<hbm>> -> memref<1x1x1x37x128xi32, #tpu.memory_space<hbm>>
      %dma_start3A_96 = tpu.memref_squeeze %dma_start3A_95 : memref<1x1x1x37x128xi32, #tpu.memory_space<hbm>> -> memref<37x128xi32, #tpu.memory_space<hbm>>
      %dma_start3A_97 = arith.constant 0 : i32
      %dma_start3A_98 = arith.constant 0 : i32
      %dma_start3A_99 = tpu.memref_slice %arg2[%arg0, %arg1, %run_scoped3A, %dma_start3A_97, %dma_start3A_98] : memref<2x16x4x37x128xi32, #tpu.memory_space<hbm>> -> memref<1x1x1x37x128xi32, #tpu.memory_space<hbm>>
      %dma_start3A_100 = tpu.memref_squeeze %dma_start3A_99 : memref<1x1x1x37x128xi32, #tpu.memory_space<hbm>> -> memref<37x128xi32, #tpu.memory_space<hbm>>
      tpu.enqueue_dma source(%dma_start3A_100 : memref<37x128xi32, #tpu.memory_space<hbm>>) target(%arg7 : memref<37x128xi32, #tpu.memory_space<vmem>>) target_semaphore(%run_scoped3A_92 : memref<!tpu.dma_semaphore, #tpu.memory_space<semaphore_mem>>)
      %dma_wait3A_101 = arith.constant 0 : i32
      %dma_wait3A_102 = arith.constant 0 : i32
      %dma_wait3A_103 = tpu.memref_slice %arg2[%arg0, %arg1, %run_scoped3A, %dma_wait3A_101, %dma_wait3A_102] : memref<2x16x4x37x128xi32, #tpu.memory_space<hbm>> -> memref<1x1x1x37x128xi32, #tpu.memory_space<hbm>>
      %dma_wait3A_104 = tpu.memref_squeeze %dma_wait3A_103 : memref<1x1x1x37x128xi32, #tpu.memory_space<hbm>> -> memref<37x128xi32, #tpu.memory_space<hbm>>
      %dma_wait3A_105 = arith.constant 0 : i32
      %dma_wait3A_106 = arith.constant 0 : i32
      %dma_wait3A_107 = tpu.memref_slice %arg2[%arg0, %arg1, %run_scoped3A, %dma_wait3A_105, %dma_wait3A_106] : memref<2x16x4x37x128xi32, #tpu.memory_space<hbm>> -> memref<1x1x1x37x128xi32, #tpu.memory_space<hbm>>
      %dma_wait3A_108 = tpu.memref_squeeze %dma_wait3A_107 : memref<1x1x1x37x128xi32, #tpu.memory_space<hbm>> -> memref<37x128xi32, #tpu.memory_space<hbm>>
      tpu.wait_dma2 semaphore(%run_scoped3A_92 : memref<!tpu.dma_semaphore, #tpu.memory_space<semaphore_mem>>) src(%dma_wait3A_108 : memref<37x128xi32, #tpu.memory_space<hbm>>) dst(%arg7 : memref<37x128xi32, #tpu.memory_space<vmem>>)
      tpu.yield
    }) : () -> ()
    %run_scoped3A_1 = arith.constant 0 : i32
    "tpu.region"() ({
      %run_scoped3A_92 = tpu.sem_alloc : memref<!tpu.dma_semaphore, #tpu.memory_space<semaphore_mem>>
      %dma_start3A_93 = arith.constant 0 : i32
      %dma_start3A_94 = arith.constant 0 : i32
      %dma_start3A_95 = tpu.memref_slice %arg3[%arg0, %arg1, %run_scoped3A_1, %dma_start3A_93, %dma_start3A_94] : memref<2x16x4x37x128xi32, #tpu.memory_space<hbm>> -> memref<1x1x1x37x128xi32, #tpu.memory_space<hbm>>
      %dma_start3A_96 = tpu.memref_squeeze %dma_start3A_95 : memref<1x1x1x37x128xi32, #tpu.memory_space<hbm>> -> memref<37x128xi32, #tpu.memory_space<hbm>>
      %dma_start3A_97 = arith.constant 0 : i32
      %dma_start3A_98 = arith.constant 0 : i32
      %dma_start3A_99 = tpu.memref_slice %arg3[%arg0, %arg1, %run_scoped3A_1, %dma_start3A_97, %dma_start3A_98] : memref<2x16x4x37x128xi32, #tpu.memory_space<hbm>> -> memref<1x1x1x37x128xi32, #tpu.memory_space<hbm>>
      %dma_start3A_100 = tpu.memref_squeeze %dma_start3A_99 : memref<1x1x1x37x128xi32, #tpu.memory_space<hbm>> -> memref<37x128xi32, #tpu.memory_space<hbm>>
      tpu.enqueue_dma source(%dma_start3A_100 : memref<37x128xi32, #tpu.memory_space<hbm>>) target(%arg8 : memref<37x128xi32, #tpu.memory_space<vmem>>) target_semaphore(%run_scoped3A_92 : memref<!tpu.dma_semaphore, #tpu.memory_space<semaphore_mem>>)
      %dma_wait3A_101 = arith.constant 0 : i32
      %dma_wait3A_102 = arith.constant 0 : i32
      %dma_wait3A_103 = tpu.memref_slice %arg3[%arg0, %arg1, %run_scoped3A_1, %dma_wait3A_101, %dma_wait3A_102] : memref<2x16x4x37x128xi32, #tpu.memory_space<hbm>> -> memref<1x1x1x37x128xi32, #tpu.memory_space<hbm>>
      %dma_wait3A_104 = tpu.memref_squeeze %dma_wait3A_103 : memref<1x1x1x37x128xi32, #tpu.memory_space<hbm>> -> memref<37x128xi32, #tpu.memory_space<hbm>>
      %dma_wait3A_105 = arith.constant 0 : i32
      %dma_wait3A_106 = arith.constant 0 : i32
      %dma_wait3A_107 = tpu.memref_slice %arg3[%arg0, %arg1, %run_scoped3A_1, %dma_wait3A_105, %dma_wait3A_106] : memref<2x16x4x37x128xi32, #tpu.memory_space<hbm>> -> memref<1x1x1x37x128xi32, #tpu.memory_space<hbm>>
      %dma_wait3A_108 = tpu.memref_squeeze %dma_wait3A_107 : memref<1x1x1x37x128xi32, #tpu.memory_space<hbm>> -> memref<37x128xi32, #tpu.memory_space<hbm>>
      tpu.wait_dma2 semaphore(%run_scoped3A_92 : memref<!tpu.dma_semaphore, #tpu.memory_space<semaphore_mem>>) src(%dma_wait3A_108 : memref<37x128xi32, #tpu.memory_space<hbm>>) dst(%arg8 : memref<37x128xi32, #tpu.memory_space<vmem>>)
      tpu.yield
    }) : () -> ()
    %dma_start3A = arith.constant 0 : i32
    %dma_start3A_2 = arith.constant 0 : i32
    %dma_start3A_3 = tpu.memref_slice %arg7[%dma_start3A, %dma_start3A_2] : memref<37x128xi32, #tpu.memory_space<vmem>> -> memref<1x128xi32, #tpu.memory_space<vmem>>
    %dma_start3A_4 = tpu.memref_squeeze %dma_start3A_3 : memref<1x128xi32, #tpu.memory_space<vmem>> -> memref<128xi32, #tpu.memory_space<vmem>>
    %dma_start3A_5 = arith.constant 0 : i32
    %dma_start3A_6 = arith.constant 0 : i32
    %dma_start3A_7 = tpu.memref_slice %arg4[%dma_start3A_5, %dma_start3A_6] : memref<20000x128xf32, #tpu.memory_space<hbm>> -> memref<20000x128xf32, #tpu.memory_space<hbm>>
    tpu.enqueue_indirect_dma source(%dma_start3A_7 : memref<20000x128xf32, #tpu.memory_space<hbm>>) target(%arg9 : memref<128x128xf32, #tpu.memory_space<vmem>>) offsets(%dma_start3A_4 : memref<128xi32, #tpu.memory_space<vmem>>) semaphore(%arg12 : memref<!tpu.dma_semaphore, #tpu.memory_space<semaphore_mem>>)
    %scan3A = arith.constant 0 : i32
    %scan3A_8 = arith.constant 0 : i32
    %scan3A_9 = arith.constant 18 : i32
    %scan3A_10 = arith.addi %scan3A_8, %scan3A_9 : i32
    %scan3A_11 = arith.constant 1 : i32
    scf.for %scan3A_92 = %scan3A_8 to %scan3A_10 step %scan3A_11  : i32 {
      %mul3A_93 = arith.constant 2 : i32
      %mul3A_94 = arith.muli %scan3A_92, %mul3A_93 : i32
      %add3A_95 = arith.constant 0 : i32
      %add3A_96 = arith.addi %mul3A_94, %add3A_95 : i32
      %add3A_97 = arith.constant 2 : i32
      %add3A_98 = arith.addi %add3A_96, %add3A_97 : i32
      %sub3A = arith.constant 1 : i32
      %sub3A_99 = arith.subi %add3A_98, %sub3A : i32
      %dma_start3A_100 = arith.constant 0 : i32
      %dma_start3A_101 = tpu.memref_slice %arg7[%sub3A_99, %dma_start3A_100] : memref<37x128xi32, #tpu.memory_space<vmem>> -> memref<1x128xi32, #tpu.memory_space<vmem>>
      %dma_start3A_102 = tpu.memref_squeeze %dma_start3A_101 : memref<1x128xi32, #tpu.memory_space<vmem>> -> memref<128xi32, #tpu.memory_space<vmem>>
      %dma_start3A_103 = arith.constant 0 : i32
      %dma_start3A_104 = arith.constant 0 : i32
      %dma_start3A_105 = tpu.memref_slice %arg4[%dma_start3A_103, %dma_start3A_104] : memref<20000x128xf32, #tpu.memory_space<hbm>> -> memref<20000x128xf32, #tpu.memory_space<hbm>>
      tpu.enqueue_indirect_dma source(%dma_start3A_105 : memref<20000x128xf32, #tpu.memory_space<hbm>>) target(%arg10 : memref<128x128xf32, #tpu.memory_space<vmem>>) offsets(%dma_start3A_102 : memref<128xi32, #tpu.memory_space<vmem>>) semaphore(%arg13 : memref<!tpu.dma_semaphore, #tpu.memory_space<semaphore_mem>>)
      %dma_wait3A_106 = arith.constant 0 : i32
      %dma_wait3A_107 = tpu.memref_slice %arg7[%add3A_96, %dma_wait3A_106] : memref<37x128xi32, #tpu.memory_space<vmem>> -> memref<1x128xi32, #tpu.memory_space<vmem>>
      %dma_wait3A_108 = tpu.memref_squeeze %dma_wait3A_107 : memref<1x128xi32, #tpu.memory_space<vmem>> -> memref<128xi32, #tpu.memory_space<vmem>>
      %dma_wait3A_109 = arith.constant 0 : i32
      %dma_wait3A_110 = arith.constant 0 : i32
      %dma_wait3A_111 = tpu.memref_slice %arg4[%dma_wait3A_109, %dma_wait3A_110] : memref<20000x128xf32, #tpu.memory_space<hbm>> -> memref<20000x128xf32, #tpu.memory_space<hbm>>
      tpu.wait_indirect_dma semaphore(%arg12 : memref<!tpu.dma_semaphore, #tpu.memory_space<semaphore_mem>>) src(%dma_wait3A_111 : memref<20000x128xf32, #tpu.memory_space<hbm>>) dst(%arg9 : memref<128x128xf32, #tpu.memory_space<vmem>>)
      "tpu.region"() ({
        %run_scoped3A_132 = tpu.sem_alloc : memref<!tpu.dma_semaphore, #tpu.memory_space<semaphore_mem>>
        %dma_start3A_133 = arith.constant 0 : i32
        %dma_start3A_134 = tpu.memref_slice %arg8[%add3A_96, %dma_start3A_133] : memref<37x128xi32, #tpu.memory_space<vmem>> -> memref<1x128xi32, #tpu.memory_space<vmem>>
        %dma_start3A_135 = tpu.memref_squeeze %dma_start3A_134 : memref<1x128xi32, #tpu.memory_space<vmem>> -> memref<128xi32, #tpu.memory_space<vmem>>
        %dma_start3A_136 = arith.constant 0 : i32
        %dma_start3A_137 = arith.constant 0 : i32
        %dma_start3A_138 = tpu.memref_slice %arg11[%dma_start3A_136, %dma_start3A_137] : memref<10112x128xf32, #tpu.memory_space<vmem_shared>> -> memref<10112x128xf32, #tpu.memory_space<vmem_shared>>
        tpu.enqueue_indirect_dma source(%arg9 : memref<128x128xf32, #tpu.memory_space<vmem>>) target(%dma_start3A_138 : memref<10112x128xf32, #tpu.memory_space<vmem_shared>>) offsets(%dma_start3A_135 : memref<128xi32, #tpu.memory_space<vmem>>) semaphore(%run_scoped3A_132 : memref<!tpu.dma_semaphore, #tpu.memory_space<semaphore_mem>>) {add = true}
        %dma_wait3A_139 = arith.constant 0 : i32
        %dma_wait3A_140 = tpu.memref_slice %arg8[%add3A_96, %dma_wait3A_139] : memref<37x128xi32, #tpu.memory_space<vmem>> -> memref<1x128xi32, #tpu.memory_space<vmem>>
        %dma_wait3A_141 = tpu.memref_squeeze %dma_wait3A_140 : memref<1x128xi32, #tpu.memory_space<vmem>> -> memref<128xi32, #tpu.memory_space<vmem>>
        %dma_wait3A_142 = arith.constant 0 : i32
        %dma_wait3A_143 = arith.constant 0 : i32
        %dma_wait3A_144 = tpu.memref_slice %arg11[%dma_wait3A_142, %dma_wait3A_143] : memref<10112x128xf32, #tpu.memory_space<vmem_shared>> -> memref<10112x128xf32, #tpu.memory_space<vmem_shared>>
        tpu.wait_indirect_dma semaphore(%run_scoped3A_132 : memref<!tpu.dma_semaphore, #tpu.memory_space<semaphore_mem>>) src(%arg9 : memref<128x128xf32, #tpu.memory_space<vmem>>) dst(%dma_wait3A_144 : memref<10112x128xf32, #tpu.memory_space<vmem_shared>>)
        tpu.yield
      }) : () -> ()
      %mul3A_112 = arith.constant 2 : i32
      %mul3A_113 = arith.muli %scan3A_92, %mul3A_112 : i32
      %add3A_114 = arith.constant 1 : i32
      %add3A_115 = arith.addi %mul3A_113, %add3A_114 : i32
      %add3A_116 = arith.constant 2 : i32
      %add3A_117 = arith.addi %add3A_115, %add3A_116 : i32
      %sub3A_118 = arith.constant 1 : i32
      %sub3A_119 = arith.subi %add3A_117, %sub3A_118 : i32
      %dma_start3A_120 = arith.constant 0 : i32
      %dma_start3A_121 = tpu.memref_slice %arg7[%sub3A_119, %dma_start3A_120] : memref<37x128xi32, #tpu.memory_space<vmem>> -> memref<1x128xi32, #tpu.memory_space<vmem>>
      %dma_start3A_122 = tpu.memref_squeeze %dma_start3A_121 : memref<1x128xi32, #tpu.memory_space<vmem>> -> memref<128xi32, #tpu.memory_space<vmem>>
      %dma_start3A_123 = arith.constant 0 : i32
      %dma_start3A_124 = arith.constant 0 : i32
      %dma_start3A_125 = tpu.memref_slice %arg4[%dma_start3A_123, %dma_start3A_124] : memref<20000x128xf32, #tpu.memory_space<hbm>> -> memref<20000x128xf32, #tpu.memory_space<hbm>>
      tpu.enqueue_indirect_dma source(%dma_start3A_125 : memref<20000x128xf32, #tpu.memory_space<hbm>>) target(%arg9 : memref<128x128xf32, #tpu.memory_space<vmem>>) offsets(%dma_start3A_122 : memref<128xi32, #tpu.memory_space<vmem>>) semaphore(%arg12 : memref<!tpu.dma_semaphore, #tpu.memory_space<semaphore_mem>>)
      %dma_wait3A_126 = arith.constant 0 : i32
      %dma_wait3A_127 = tpu.memref_slice %arg7[%add3A_115, %dma_wait3A_126] : memref<37x128xi32, #tpu.memory_space<vmem>> -> memref<1x128xi32, #tpu.memory_space<vmem>>
      %dma_wait3A_128 = tpu.memref_squeeze %dma_wait3A_127 : memref<1x128xi32, #tpu.memory_space<vmem>> -> memref<128xi32, #tpu.memory_space<vmem>>
      %dma_wait3A_129 = arith.constant 0 : i32
      %dma_wait3A_130 = arith.constant 0 : i32
      %dma_wait3A_131 = tpu.memref_slice %arg4[%dma_wait3A_129, %dma_wait3A_130] : memref<20000x128xf32, #tpu.memory_space<hbm>> -> memref<20000x128xf32, #tpu.memory_space<hbm>>
      tpu.wait_indirect_dma semaphore(%arg13 : memref<!tpu.dma_semaphore, #tpu.memory_space<semaphore_mem>>) src(%dma_wait3A_131 : memref<20000x128xf32, #tpu.memory_space<hbm>>) dst(%arg10 : memref<128x128xf32, #tpu.memory_space<vmem>>)
      "tpu.region"() ({
        %run_scoped3A_132 = tpu.sem_alloc : memref<!tpu.dma_semaphore, #tpu.memory_space<semaphore_mem>>
        %dma_start3A_133 = arith.constant 0 : i32
        %dma_start3A_134 = tpu.memref_slice %arg8[%add3A_115, %dma_start3A_133] : memref<37x128xi32, #tpu.memory_space<vmem>> -> memref<1x128xi32, #tpu.memory_space<vmem>>
        %dma_start3A_135 = tpu.memref_squeeze %dma_start3A_134 : memref<1x128xi32, #tpu.memory_space<vmem>> -> memref<128xi32, #tpu.memory_space<vmem>>
        %dma_start3A_136 = arith.constant 0 : i32
        %dma_start3A_137 = arith.constant 0 : i32
        %dma_start3A_138 = tpu.memref_slice %arg11[%dma_start3A_136, %dma_start3A_137] : memref<10112x128xf32, #tpu.memory_space<vmem_shared>> -> memref<10112x128xf32, #tpu.memory_space<vmem_shared>>
        tpu.enqueue_indirect_dma source(%arg10 : memref<128x128xf32, #tpu.memory_space<vmem>>) target(%dma_start3A_138 : memref<10112x128xf32, #tpu.memory_space<vmem_shared>>) offsets(%dma_start3A_135 : memref<128xi32, #tpu.memory_space<vmem>>) semaphore(%run_scoped3A_132 : memref<!tpu.dma_semaphore, #tpu.memory_space<semaphore_mem>>) {add = true}
        %dma_wait3A_139 = arith.constant 0 : i32
        %dma_wait3A_140 = tpu.memref_slice %arg8[%add3A_115, %dma_wait3A_139] : memref<37x128xi32, #tpu.memory_space<vmem>> -> memref<1x128xi32, #tpu.memory_space<vmem>>
        %dma_wait3A_141 = tpu.memref_squeeze %dma_wait3A_140 : memref<1x128xi32, #tpu.memory_space<vmem>> -> memref<128xi32, #tpu.memory_space<vmem>>
        %dma_wait3A_142 = arith.constant 0 : i32
        %dma_wait3A_143 = arith.constant 0 : i32
        %dma_wait3A_144 = tpu.memref_slice %arg11[%dma_wait3A_142, %dma_wait3A_143] : memref<10112x128xf32, #tpu.memory_space<vmem_shared>> -> memref<10112x128xf32, #tpu.memory_space<vmem_shared>>
        tpu.wait_indirect_dma semaphore(%run_scoped3A_132 : memref<!tpu.dma_semaphore, #tpu.memory_space<semaphore_mem>>) src(%arg10 : memref<128x128xf32, #tpu.memory_space<vmem>>) dst(%dma_wait3A_144 : memref<10112x128xf32, #tpu.memory_space<vmem_shared>>)
        tpu.yield
      }) : () -> ()
    }
    %scan3A_12 = arith.constant 18 : i32
    %dma_wait3A = arith.constant 36 : i32
    %dma_wait3A_13 = arith.constant 0 : i32
    %dma_wait3A_14 = tpu.memref_slice %arg7[%dma_wait3A, %dma_wait3A_13] : memref<37x128xi32, #tpu.memory_space<vmem>> -> memref<1x128xi32, #tpu.memory_space<vmem>>
    %dma_wait3A_15 = tpu.memref_squeeze %dma_wait3A_14 : memref<1x128xi32, #tpu.memory_space<vmem>> -> memref<128xi32, #tpu.memory_space<vmem>>
    %dma_wait3A_16 = arith.constant 0 : i32
    %dma_wait3A_17 = arith.constant 0 : i32
    %dma_wait3A_18 = tpu.memref_slice %arg4[%dma_wait3A_16, %dma_wait3A_17] : memref<20000x128xf32, #tpu.memory_space<hbm>> -> memref<20000x128xf32, #tpu.memory_space<hbm>>
    tpu.wait_indirect_dma semaphore(%arg12 : memref<!tpu.dma_semaphore, #tpu.memory_space<semaphore_mem>>) src(%dma_wait3A_18 : memref<20000x128xf32, #tpu.memory_space<hbm>>) dst(%arg9 : memref<128x128xf32, #tpu.memory_space<vmem>>)
    %run_scoped3A_19 = arith.constant 36 : i32
    "tpu.region"() ({
      %run_scoped3A_92 = tpu.sem_alloc : memref<!tpu.dma_semaphore, #tpu.memory_space<semaphore_mem>>
      %dma_start3A_93 = arith.constant 0 : i32
      %dma_start3A_94 = tpu.memref_slice %arg8[%run_scoped3A_19, %dma_start3A_93] : memref<37x128xi32, #tpu.memory_space<vmem>> -> memref<1x128xi32, #tpu.memory_space<vmem>>
      %dma_start3A_95 = tpu.memref_squeeze %dma_start3A_94 : memref<1x128xi32, #tpu.memory_space<vmem>> -> memref<128xi32, #tpu.memory_space<vmem>>
      %dma_start3A_96 = arith.constant 0 : i32
      %dma_start3A_97 = arith.constant 0 : i32
      %dma_start3A_98 = tpu.memref_slice %arg11[%dma_start3A_96, %dma_start3A_97] : memref<10112x128xf32, #tpu.memory_space<vmem_shared>> -> memref<10112x128xf32, #tpu.memory_space<vmem_shared>>
      tpu.enqueue_indirect_dma source(%arg9 : memref<128x128xf32, #tpu.memory_space<vmem>>) target(%dma_start3A_98 : memref<10112x128xf32, #tpu.memory_space<vmem_shared>>) offsets(%dma_start3A_95 : memref<128xi32, #tpu.memory_space<vmem>>) semaphore(%run_scoped3A_92 : memref<!tpu.dma_semaphore, #tpu.memory_space<semaphore_mem>>) {add = true}
      %dma_wait3A_99 = arith.constant 0 : i32
      %dma_wait3A_100 = tpu.memref_slice %arg8[%run_scoped3A_19, %dma_wait3A_99] : memref<37x128xi32, #tpu.memory_space<vmem>> -> memref<1x128xi32, #tpu.memory_space<vmem>>
      %dma_wait3A_101 = tpu.memref_squeeze %dma_wait3A_100 : memref<1x128xi32, #tpu.memory_space<vmem>> -> memref<128xi32, #tpu.memory_space<vmem>>
      %dma_wait3A_102 = arith.constant 0 : i32
      %dma_wait3A_103 = arith.constant 0 : i32
      %dma_wait3A_104 = tpu.memref_slice %arg11[%dma_wait3A_102, %dma_wait3A_103] : memref<10112x128xf32, #tpu.memory_space<vmem_shared>> -> memref<10112x128xf32, #tpu.memory_space<vmem_shared>>
      tpu.wait_indirect_dma semaphore(%run_scoped3A_92 : memref<!tpu.dma_semaphore, #tpu.memory_space<semaphore_mem>>) src(%arg9 : memref<128x128xf32, #tpu.memory_space<vmem>>) dst(%dma_wait3A_104 : memref<10112x128xf32, #tpu.memory_space<vmem_shared>>)
      tpu.yield
    }) : () -> ()
    %run_scoped3A_20 = arith.constant 1 : i32
    "tpu.region"() ({
      %run_scoped3A_92 = tpu.sem_alloc : memref<!tpu.dma_semaphore, #tpu.memory_space<semaphore_mem>>
      %dma_start3A_93 = arith.constant 0 : i32
      %dma_start3A_94 = arith.constant 0 : i32
      %dma_start3A_95 = tpu.memref_slice %arg2[%arg0, %arg1, %run_scoped3A_20, %dma_start3A_93, %dma_start3A_94] : memref<2x16x4x37x128xi32, #tpu.memory_space<hbm>> -> memref<1x1x1x37x128xi32, #tpu.memory_space<hbm>>
      %dma_start3A_96 = tpu.memref_squeeze %dma_start3A_95 : memref<1x1x1x37x128xi32, #tpu.memory_space<hbm>> -> memref<37x128xi32, #tpu.memory_space<hbm>>
      %dma_start3A_97 = arith.constant 0 : i32
      %dma_start3A_98 = arith.constant 0 : i32
      %dma_start3A_99 = tpu.memref_slice %arg2[%arg0, %arg1, %run_scoped3A_20, %dma_start3A_97, %dma_start3A_98] : memref<2x16x4x37x128xi32, #tpu.memory_space<hbm>> -> memref<1x1x1x37x128xi32, #tpu.memory_space<hbm>>
      %dma_start3A_100 = tpu.memref_squeeze %dma_start3A_99 : memref<1x1x1x37x128xi32, #tpu.memory_space<hbm>> -> memref<37x128xi32, #tpu.memory_space<hbm>>
      tpu.enqueue_dma source(%dma_start3A_100 : memref<37x128xi32, #tpu.memory_space<hbm>>) target(%arg7 : memref<37x128xi32, #tpu.memory_space<vmem>>) target_semaphore(%run_scoped3A_92 : memref<!tpu.dma_semaphore, #tpu.memory_space<semaphore_mem>>)
      %dma_wait3A_101 = arith.constant 0 : i32
      %dma_wait3A_102 = arith.constant 0 : i32
      %dma_wait3A_103 = tpu.memref_slice %arg2[%arg0, %arg1, %run_scoped3A_20, %dma_wait3A_101, %dma_wait3A_102] : memref<2x16x4x37x128xi32, #tpu.memory_space<hbm>> -> memref<1x1x1x37x128xi32, #tpu.memory_space<hbm>>
      %dma_wait3A_104 = tpu.memref_squeeze %dma_wait3A_103 : memref<1x1x1x37x128xi32, #tpu.memory_space<hbm>> -> memref<37x128xi32, #tpu.memory_space<hbm>>
      %dma_wait3A_105 = arith.constant 0 : i32
      %dma_wait3A_106 = arith.constant 0 : i32
      %dma_wait3A_107 = tpu.memref_slice %arg2[%arg0, %arg1, %run_scoped3A_20, %dma_wait3A_105, %dma_wait3A_106] : memref<2x16x4x37x128xi32, #tpu.memory_space<hbm>> -> memref<1x1x1x37x128xi32, #tpu.memory_space<hbm>>
      %dma_wait3A_108 = tpu.memref_squeeze %dma_wait3A_107 : memref<1x1x1x37x128xi32, #tpu.memory_space<hbm>> -> memref<37x128xi32, #tpu.memory_space<hbm>>
      tpu.wait_dma2 semaphore(%run_scoped3A_92 : memref<!tpu.dma_semaphore, #tpu.memory_space<semaphore_mem>>) src(%dma_wait3A_108 : memref<37x128xi32, #tpu.memory_space<hbm>>) dst(%arg7 : memref<37x128xi32, #tpu.memory_space<vmem>>)
      tpu.yield
    }) : () -> ()
    %run_scoped3A_21 = arith.constant 1 : i32
    "tpu.region"() ({
      %run_scoped3A_92 = tpu.sem_alloc : memref<!tpu.dma_semaphore, #tpu.memory_space<semaphore_mem>>
      %dma_start3A_93 = arith.constant 0 : i32
      %dma_start3A_94 = arith.constant 0 : i32
      %dma_start3A_95 = tpu.memref_slice %arg3[%arg0, %arg1, %run_scoped3A_21, %dma_start3A_93, %dma_start3A_94] : memref<2x16x4x37x128xi32, #tpu.memory_space<hbm>> -> memref<1x1x1x37x128xi32, #tpu.memory_space<hbm>>
      %dma_start3A_96 = tpu.memref_squeeze %dma_start3A_95 : memref<1x1x1x37x128xi32, #tpu.memory_space<hbm>> -> memref<37x128xi32, #tpu.memory_space<hbm>>
      %dma_start3A_97 = arith.constant 0 : i32
      %dma_start3A_98 = arith.constant 0 : i32
      %dma_start3A_99 = tpu.memref_slice %arg3[%arg0, %arg1, %run_scoped3A_21, %dma_start3A_97, %dma_start3A_98] : memref<2x16x4x37x128xi32, #tpu.memory_space<hbm>> -> memref<1x1x1x37x128xi32, #tpu.memory_space<hbm>>
      %dma_start3A_100 = tpu.memref_squeeze %dma_start3A_99 : memref<1x1x1x37x128xi32, #tpu.memory_space<hbm>> -> memref<37x128xi32, #tpu.memory_space<hbm>>
      tpu.enqueue_dma source(%dma_start3A_100 : memref<37x128xi32, #tpu.memory_space<hbm>>) target(%arg8 : memref<37x128xi32, #tpu.memory_space<vmem>>) target_semaphore(%run_scoped3A_92 : memref<!tpu.dma_semaphore, #tpu.memory_space<semaphore_mem>>)
      %dma_wait3A_101 = arith.constant 0 : i32
      %dma_wait3A_102 = arith.constant 0 : i32
      %dma_wait3A_103 = tpu.memref_slice %arg3[%arg0, %arg1, %run_scoped3A_21, %dma_wait3A_101, %dma_wait3A_102] : memref<2x16x4x37x128xi32, #tpu.memory_space<hbm>> -> memref<1x1x1x37x128xi32, #tpu.memory_space<hbm>>
      %dma_wait3A_104 = tpu.memref_squeeze %dma_wait3A_103 : memref<1x1x1x37x128xi32, #tpu.memory_space<hbm>> -> memref<37x128xi32, #tpu.memory_space<hbm>>
      %dma_wait3A_105 = arith.constant 0 : i32
      %dma_wait3A_106 = arith.constant 0 : i32
      %dma_wait3A_107 = tpu.memref_slice %arg3[%arg0, %arg1, %run_scoped3A_21, %dma_wait3A_105, %dma_wait3A_106] : memref<2x16x4x37x128xi32, #tpu.memory_space<hbm>> -> memref<1x1x1x37x128xi32, #tpu.memory_space<hbm>>
      %dma_wait3A_108 = tpu.memref_squeeze %dma_wait3A_107 : memref<1x1x1x37x128xi32, #tpu.memory_space<hbm>> -> memref<37x128xi32, #tpu.memory_space<hbm>>
      tpu.wait_dma2 semaphore(%run_scoped3A_92 : memref<!tpu.dma_semaphore, #tpu.memory_space<semaphore_mem>>) src(%dma_wait3A_108 : memref<37x128xi32, #tpu.memory_space<hbm>>) dst(%arg8 : memref<37x128xi32, #tpu.memory_space<vmem>>)
      tpu.yield
    }) : () -> ()
    %dma_start3A_22 = arith.constant 0 : i32
    %dma_start3A_23 = arith.constant 0 : i32
    %dma_start3A_24 = tpu.memref_slice %arg7[%dma_start3A_22, %dma_start3A_23] : memref<37x128xi32, #tpu.memory_space<vmem>> -> memref<1x128xi32, #tpu.memory_space<vmem>>
    %dma_start3A_25 = tpu.memref_squeeze %dma_start3A_24 : memref<1x128xi32, #tpu.memory_space<vmem>> -> memref<128xi32, #tpu.memory_space<vmem>>
    %dma_start3A_26 = arith.constant 0 : i32
    %dma_start3A_27 = arith.constant 0 : i32
    %dma_start3A_28 = tpu.memref_slice %arg4[%dma_start3A_26, %dma_start3A_27] : memref<20000x128xf32, #tpu.memory_space<hbm>> -> memref<20000x128xf32, #tpu.memory_space<hbm>>
    tpu.enqueue_indirect_dma source(%dma_start3A_28 : memref<20000x128xf32, #tpu.memory_space<hbm>>) target(%arg9 : memref<128x128xf32, #tpu.memory_space<vmem>>) offsets(%dma_start3A_25 : memref<128xi32, #tpu.memory_space<vmem>>) semaphore(%arg12 : memref<!tpu.dma_semaphore, #tpu.memory_space<semaphore_mem>>)
    %scan3A_29 = arith.constant 0 : i32
    %scan3A_30 = arith.constant 0 : i32
    %scan3A_31 = arith.constant 18 : i32
    %scan3A_32 = arith.addi %scan3A_30, %scan3A_31 : i32
    %scan3A_33 = arith.constant 1 : i32
    scf.for %scan3A_92 = %scan3A_30 to %scan3A_32 step %scan3A_33  : i32 {
      %mul3A_93 = arith.constant 2 : i32
      %mul3A_94 = arith.muli %scan3A_92, %mul3A_93 : i32
      %add3A_95 = arith.constant 0 : i32
      %add3A_96 = arith.addi %mul3A_94, %add3A_95 : i32
      %add3A_97 = arith.constant 2 : i32
      %add3A_98 = arith.addi %add3A_96, %add3A_97 : i32
      %sub3A = arith.constant 1 : i32
      %sub3A_99 = arith.subi %add3A_98, %sub3A : i32
      %dma_start3A_100 = arith.constant 0 : i32
      %dma_start3A_101 = tpu.memref_slice %arg7[%sub3A_99, %dma_start3A_100] : memref<37x128xi32, #tpu.memory_space<vmem>> -> memref<1x128xi32, #tpu.memory_space<vmem>>
      %dma_start3A_102 = tpu.memref_squeeze %dma_start3A_101 : memref<1x128xi32, #tpu.memory_space<vmem>> -> memref<128xi32, #tpu.memory_space<vmem>>
      %dma_start3A_103 = arith.constant 0 : i32
      %dma_start3A_104 = arith.constant 0 : i32
      %dma_start3A_105 = tpu.memref_slice %arg4[%dma_start3A_103, %dma_start3A_104] : memref<20000x128xf32, #tpu.memory_space<hbm>> -> memref<20000x128xf32, #tpu.memory_space<hbm>>
      tpu.enqueue_indirect_dma source(%dma_start3A_105 : memref<20000x128xf32, #tpu.memory_space<hbm>>) target(%arg10 : memref<128x128xf32, #tpu.memory_space<vmem>>) offsets(%dma_start3A_102 : memref<128xi32, #tpu.memory_space<vmem>>) semaphore(%arg13 : memref<!tpu.dma_semaphore, #tpu.memory_space<semaphore_mem>>)
      %dma_wait3A_106 = arith.constant 0 : i32
      %dma_wait3A_107 = tpu.memref_slice %arg7[%add3A_96, %dma_wait3A_106] : memref<37x128xi32, #tpu.memory_space<vmem>> -> memref<1x128xi32, #tpu.memory_space<vmem>>
      %dma_wait3A_108 = tpu.memref_squeeze %dma_wait3A_107 : memref<1x128xi32, #tpu.memory_space<vmem>> -> memref<128xi32, #tpu.memory_space<vmem>>
      %dma_wait3A_109 = arith.constant 0 : i32
      %dma_wait3A_110 = arith.constant 0 : i32
      %dma_wait3A_111 = tpu.memref_slice %arg4[%dma_wait3A_109, %dma_wait3A_110] : memref<20000x128xf32, #tpu.memory_space<hbm>> -> memref<20000x128xf32, #tpu.memory_space<hbm>>
      tpu.wait_indirect_dma semaphore(%arg12 : memref<!tpu.dma_semaphore, #tpu.memory_space<semaphore_mem>>) src(%dma_wait3A_111 : memref<20000x128xf32, #tpu.memory_space<hbm>>) dst(%arg9 : memref<128x128xf32, #tpu.memory_space<vmem>>)
      "tpu.region"() ({
        %run_scoped3A_132 = tpu.sem_alloc : memref<!tpu.dma_semaphore, #tpu.memory_space<semaphore_mem>>
        %dma_start3A_133 = arith.constant 0 : i32
        %dma_start3A_134 = tpu.memref_slice %arg8[%add3A_96, %dma_start3A_133] : memref<37x128xi32, #tpu.memory_space<vmem>> -> memref<1x128xi32, #tpu.memory_space<vmem>>
        %dma_start3A_135 = tpu.memref_squeeze %dma_start3A_134 : memref<1x128xi32, #tpu.memory_space<vmem>> -> memref<128xi32, #tpu.memory_space<vmem>>
        %dma_start3A_136 = arith.constant 0 : i32
        %dma_start3A_137 = arith.constant 0 : i32
        %dma_start3A_138 = tpu.memref_slice %arg11[%dma_start3A_136, %dma_start3A_137] : memref<10112x128xf32, #tpu.memory_space<vmem_shared>> -> memref<10112x128xf32, #tpu.memory_space<vmem_shared>>
        tpu.enqueue_indirect_dma source(%arg9 : memref<128x128xf32, #tpu.memory_space<vmem>>) target(%dma_start3A_138 : memref<10112x128xf32, #tpu.memory_space<vmem_shared>>) offsets(%dma_start3A_135 : memref<128xi32, #tpu.memory_space<vmem>>) semaphore(%run_scoped3A_132 : memref<!tpu.dma_semaphore, #tpu.memory_space<semaphore_mem>>) {add = true}
        %dma_wait3A_139 = arith.constant 0 : i32
        %dma_wait3A_140 = tpu.memref_slice %arg8[%add3A_96, %dma_wait3A_139] : memref<37x128xi32, #tpu.memory_space<vmem>> -> memref<1x128xi32, #tpu.memory_space<vmem>>
        %dma_wait3A_141 = tpu.memref_squeeze %dma_wait3A_140 : memref<1x128xi32, #tpu.memory_space<vmem>> -> memref<128xi32, #tpu.memory_space<vmem>>
        %dma_wait3A_142 = arith.constant 0 : i32
        %dma_wait3A_143 = arith.constant 0 : i32
        %dma_wait3A_144 = tpu.memref_slice %arg11[%dma_wait3A_142, %dma_wait3A_143] : memref<10112x128xf32, #tpu.memory_space<vmem_shared>> -> memref<10112x128xf32, #tpu.memory_space<vmem_shared>>
        tpu.wait_indirect_dma semaphore(%run_scoped3A_132 : memref<!tpu.dma_semaphore, #tpu.memory_space<semaphore_mem>>) src(%arg9 : memref<128x128xf32, #tpu.memory_space<vmem>>) dst(%dma_wait3A_144 : memref<10112x128xf32, #tpu.memory_space<vmem_shared>>)
        tpu.yield
      }) : () -> ()
      %mul3A_112 = arith.constant 2 : i32
      %mul3A_113 = arith.muli %scan3A_92, %mul3A_112 : i32
      %add3A_114 = arith.constant 1 : i32
      %add3A_115 = arith.addi %mul3A_113, %add3A_114 : i32
      %add3A_116 = arith.constant 2 : i32
      %add3A_117 = arith.addi %add3A_115, %add3A_116 : i32
      %sub3A_118 = arith.constant 1 : i32
      %sub3A_119 = arith.subi %add3A_117, %sub3A_118 : i32
      %dma_start3A_120 = arith.constant 0 : i32
      %dma_start3A_121 = tpu.memref_slice %arg7[%sub3A_119, %dma_start3A_120] : memref<37x128xi32, #tpu.memory_space<vmem>> -> memref<1x128xi32, #tpu.memory_space<vmem>>
      %dma_start3A_122 = tpu.memref_squeeze %dma_start3A_121 : memref<1x128xi32, #tpu.memory_space<vmem>> -> memref<128xi32, #tpu.memory_space<vmem>>
      %dma_start3A_123 = arith.constant 0 : i32
      %dma_start3A_124 = arith.constant 0 : i32
      %dma_start3A_125 = tpu.memref_slice %arg4[%dma_start3A_123, %dma_start3A_124] : memref<20000x128xf32, #tpu.memory_space<hbm>> -> memref<20000x128xf32, #tpu.memory_space<hbm>>
      tpu.enqueue_indirect_dma source(%dma_start3A_125 : memref<20000x128xf32, #tpu.memory_space<hbm>>) target(%arg9 : memref<128x128xf32, #tpu.memory_space<vmem>>) offsets(%dma_start3A_122 : memref<128xi32, #tpu.memory_space<vmem>>) semaphore(%arg12 : memref<!tpu.dma_semaphore, #tpu.memory_space<semaphore_mem>>)
      %dma_wait3A_126 = arith.constant 0 : i32
      %dma_wait3A_127 = tpu.memref_slice %arg7[%add3A_115, %dma_wait3A_126] : memref<37x128xi32, #tpu.memory_space<vmem>> -> memref<1x128xi32, #tpu.memory_space<vmem>>
      %dma_wait3A_128 = tpu.memref_squeeze %dma_wait3A_127 : memref<1x128xi32, #tpu.memory_space<vmem>> -> memref<128xi32, #tpu.memory_space<vmem>>
      %dma_wait3A_129 = arith.constant 0 : i32
      %dma_wait3A_130 = arith.constant 0 : i32
      %dma_wait3A_131 = tpu.memref_slice %arg4[%dma_wait3A_129, %dma_wait3A_130] : memref<20000x128xf32, #tpu.memory_space<hbm>> -> memref<20000x128xf32, #tpu.memory_space<hbm>>
      tpu.wait_indirect_dma semaphore(%arg13 : memref<!tpu.dma_semaphore, #tpu.memory_space<semaphore_mem>>) src(%dma_wait3A_131 : memref<20000x128xf32, #tpu.memory_space<hbm>>) dst(%arg10 : memref<128x128xf32, #tpu.memory_space<vmem>>)
      "tpu.region"() ({
        %run_scoped3A_132 = tpu.sem_alloc : memref<!tpu.dma_semaphore, #tpu.memory_space<semaphore_mem>>
        %dma_start3A_133 = arith.constant 0 : i32
        %dma_start3A_134 = tpu.memref_slice %arg8[%add3A_115, %dma_start3A_133] : memref<37x128xi32, #tpu.memory_space<vmem>> -> memref<1x128xi32, #tpu.memory_space<vmem>>
        %dma_start3A_135 = tpu.memref_squeeze %dma_start3A_134 : memref<1x128xi32, #tpu.memory_space<vmem>> -> memref<128xi32, #tpu.memory_space<vmem>>
        %dma_start3A_136 = arith.constant 0 : i32
        %dma_start3A_137 = arith.constant 0 : i32
        %dma_start3A_138 = tpu.memref_slice %arg11[%dma_start3A_136, %dma_start3A_137] : memref<10112x128xf32, #tpu.memory_space<vmem_shared>> -> memref<10112x128xf32, #tpu.memory_space<vmem_shared>>
        tpu.enqueue_indirect_dma source(%arg10 : memref<128x128xf32, #tpu.memory_space<vmem>>) target(%dma_start3A_138 : memref<10112x128xf32, #tpu.memory_space<vmem_shared>>) offsets(%dma_start3A_135 : memref<128xi32, #tpu.memory_space<vmem>>) semaphore(%run_scoped3A_132 : memref<!tpu.dma_semaphore, #tpu.memory_space<semaphore_mem>>) {add = true}
        %dma_wait3A_139 = arith.constant 0 : i32
        %dma_wait3A_140 = tpu.memref_slice %arg8[%add3A_115, %dma_wait3A_139] : memref<37x128xi32, #tpu.memory_space<vmem>> -> memref<1x128xi32, #tpu.memory_space<vmem>>
        %dma_wait3A_141 = tpu.memref_squeeze %dma_wait3A_140 : memref<1x128xi32, #tpu.memory_space<vmem>> -> memref<128xi32, #tpu.memory_space<vmem>>
        %dma_wait3A_142 = arith.constant 0 : i32
        %dma_wait3A_143 = arith.constant 0 : i32
        %dma_wait3A_144 = tpu.memref_slice %arg11[%dma_wait3A_142, %dma_wait3A_143] : memref<10112x128xf32, #tpu.memory_space<vmem_shared>> -> memref<10112x128xf32, #tpu.memory_space<vmem_shared>>
        tpu.wait_indirect_dma semaphore(%run_scoped3A_132 : memref<!tpu.dma_semaphore, #tpu.memory_space<semaphore_mem>>) src(%arg10 : memref<128x128xf32, #tpu.memory_space<vmem>>) dst(%dma_wait3A_144 : memref<10112x128xf32, #tpu.memory_space<vmem_shared>>)
        tpu.yield
      }) : () -> ()
    }
    %scan3A_34 = arith.constant 18 : i32
    %dma_wait3A_35 = arith.constant 36 : i32
    %dma_wait3A_36 = arith.constant 0 : i32
    %dma_wait3A_37 = tpu.memref_slice %arg7[%dma_wait3A_35, %dma_wait3A_36] : memref<37x128xi32, #tpu.memory_space<vmem>> -> memref<1x128xi32, #tpu.memory_space<vmem>>
    %dma_wait3A_38 = tpu.memref_squeeze %dma_wait3A_37 : memref<1x128xi32, #tpu.memory_space<vmem>> -> memref<128xi32, #tpu.memory_space<vmem>>
    %dma_wait3A_39 = arith.constant 0 : i32
    %dma_wait3A_40 = arith.constant 0 : i32
    %dma_wait3A_41 = tpu.memref_slice %arg4[%dma_wait3A_39, %dma_wait3A_40] : memref<20000x128xf32, #tpu.memory_space<hbm>> -> memref<20000x128xf32, #tpu.memory_space<hbm>>
    tpu.wait_indirect_dma semaphore(%arg12 : memref<!tpu.dma_semaphore, #tpu.memory_space<semaphore_mem>>) src(%dma_wait3A_41 : memref<20000x128xf32, #tpu.memory_space<hbm>>) dst(%arg9 : memref<128x128xf32, #tpu.memory_space<vmem>>)
    %run_scoped3A_42 = arith.constant 36 : i32
    "tpu.region"() ({
      %run_scoped3A_92 = tpu.sem_alloc : memref<!tpu.dma_semaphore, #tpu.memory_space<semaphore_mem>>
      %dma_start3A_93 = arith.constant 0 : i32
      %dma_start3A_94 = tpu.memref_slice %arg8[%run_scoped3A_42, %dma_start3A_93] : memref<37x128xi32, #tpu.memory_space<vmem>> -> memref<1x128xi32, #tpu.memory_space<vmem>>
      %dma_start3A_95 = tpu.memref_squeeze %dma_start3A_94 : memref<1x128xi32, #tpu.memory_space<vmem>> -> memref<128xi32, #tpu.memory_space<vmem>>
      %dma_start3A_96 = arith.constant 0 : i32
      %dma_start3A_97 = arith.constant 0 : i32
      %dma_start3A_98 = tpu.memref_slice %arg11[%dma_start3A_96, %dma_start3A_97] : memref<10112x128xf32, #tpu.memory_space<vmem_shared>> -> memref<10112x128xf32, #tpu.memory_space<vmem_shared>>
      tpu.enqueue_indirect_dma source(%arg9 : memref<128x128xf32, #tpu.memory_space<vmem>>) target(%dma_start3A_98 : memref<10112x128xf32, #tpu.memory_space<vmem_shared>>) offsets(%dma_start3A_95 : memref<128xi32, #tpu.memory_space<vmem>>) semaphore(%run_scoped3A_92 : memref<!tpu.dma_semaphore, #tpu.memory_space<semaphore_mem>>) {add = true}
      %dma_wait3A_99 = arith.constant 0 : i32
      %dma_wait3A_100 = tpu.memref_slice %arg8[%run_scoped3A_42, %dma_wait3A_99] : memref<37x128xi32, #tpu.memory_space<vmem>> -> memref<1x128xi32, #tpu.memory_space<vmem>>
      %dma_wait3A_101 = tpu.memref_squeeze %dma_wait3A_100 : memref<1x128xi32, #tpu.memory_space<vmem>> -> memref<128xi32, #tpu.memory_space<vmem>>
      %dma_wait3A_102 = arith.constant 0 : i32
      %dma_wait3A_103 = arith.constant 0 : i32
      %dma_wait3A_104 = tpu.memref_slice %arg11[%dma_wait3A_102, %dma_wait3A_103] : memref<10112x128xf32, #tpu.memory_space<vmem_shared>> -> memref<10112x128xf32, #tpu.memory_space<vmem_shared>>
      tpu.wait_indirect_dma semaphore(%run_scoped3A_92 : memref<!tpu.dma_semaphore, #tpu.memory_space<semaphore_mem>>) src(%arg9 : memref<128x128xf32, #tpu.memory_space<vmem>>) dst(%dma_wait3A_104 : memref<10112x128xf32, #tpu.memory_space<vmem_shared>>)
      tpu.yield
    }) : () -> ()
    %run_scoped3A_43 = arith.constant 2 : i32
    "tpu.region"() ({
      %run_scoped3A_92 = tpu.sem_alloc : memref<!tpu.dma_semaphore, #tpu.memory_space<semaphore_mem>>
      %dma_start3A_93 = arith.constant 0 : i32
      %dma_start3A_94 = arith.constant 0 : i32
      %dma_start3A_95 = tpu.memref_slice %arg2[%arg0, %arg1, %run_scoped3A_43, %dma_start3A_93, %dma_start3A_94] : memref<2x16x4x37x128xi32, #tpu.memory_space<hbm>> -> memref<1x1x1x37x128xi32, #tpu.memory_space<hbm>>
      %dma_start3A_96 = tpu.memref_squeeze %dma_start3A_95 : memref<1x1x1x37x128xi32, #tpu.memory_space<hbm>> -> memref<37x128xi32, #tpu.memory_space<hbm>>
      %dma_start3A_97 = arith.constant 0 : i32
      %dma_start3A_98 = arith.constant 0 : i32
      %dma_start3A_99 = tpu.memref_slice %arg2[%arg0, %arg1, %run_scoped3A_43, %dma_start3A_97, %dma_start3A_98] : memref<2x16x4x37x128xi32, #tpu.memory_space<hbm>> -> memref<1x1x1x37x128xi32, #tpu.memory_space<hbm>>
      %dma_start3A_100 = tpu.memref_squeeze %dma_start3A_99 : memref<1x1x1x37x128xi32, #tpu.memory_space<hbm>> -> memref<37x128xi32, #tpu.memory_space<hbm>>
      tpu.enqueue_dma source(%dma_start3A_100 : memref<37x128xi32, #tpu.memory_space<hbm>>) target(%arg7 : memref<37x128xi32, #tpu.memory_space<vmem>>) target_semaphore(%run_scoped3A_92 : memref<!tpu.dma_semaphore, #tpu.memory_space<semaphore_mem>>)
      %dma_wait3A_101 = arith.constant 0 : i32
      %dma_wait3A_102 = arith.constant 0 : i32
      %dma_wait3A_103 = tpu.memref_slice %arg2[%arg0, %arg1, %run_scoped3A_43, %dma_wait3A_101, %dma_wait3A_102] : memref<2x16x4x37x128xi32, #tpu.memory_space<hbm>> -> memref<1x1x1x37x128xi32, #tpu.memory_space<hbm>>
      %dma_wait3A_104 = tpu.memref_squeeze %dma_wait3A_103 : memref<1x1x1x37x128xi32, #tpu.memory_space<hbm>> -> memref<37x128xi32, #tpu.memory_space<hbm>>
      %dma_wait3A_105 = arith.constant 0 : i32
      %dma_wait3A_106 = arith.constant 0 : i32
      %dma_wait3A_107 = tpu.memref_slice %arg2[%arg0, %arg1, %run_scoped3A_43, %dma_wait3A_105, %dma_wait3A_106] : memref<2x16x4x37x128xi32, #tpu.memory_space<hbm>> -> memref<1x1x1x37x128xi32, #tpu.memory_space<hbm>>
      %dma_wait3A_108 = tpu.memref_squeeze %dma_wait3A_107 : memref<1x1x1x37x128xi32, #tpu.memory_space<hbm>> -> memref<37x128xi32, #tpu.memory_space<hbm>>
      tpu.wait_dma2 semaphore(%run_scoped3A_92 : memref<!tpu.dma_semaphore, #tpu.memory_space<semaphore_mem>>) src(%dma_wait3A_108 : memref<37x128xi32, #tpu.memory_space<hbm>>) dst(%arg7 : memref<37x128xi32, #tpu.memory_space<vmem>>)
      tpu.yield
    }) : () -> ()
    %run_scoped3A_44 = arith.constant 2 : i32
    "tpu.region"() ({
      %run_scoped3A_92 = tpu.sem_alloc : memref<!tpu.dma_semaphore, #tpu.memory_space<semaphore_mem>>
      %dma_start3A_93 = arith.constant 0 : i32
      %dma_start3A_94 = arith.constant 0 : i32
      %dma_start3A_95 = tpu.memref_slice %arg3[%arg0, %arg1, %run_scoped3A_44, %dma_start3A_93, %dma_start3A_94] : memref<2x16x4x37x128xi32, #tpu.memory_space<hbm>> -> memref<1x1x1x37x128xi32, #tpu.memory_space<hbm>>
      %dma_start3A_96 = tpu.memref_squeeze %dma_start3A_95 : memref<1x1x1x37x128xi32, #tpu.memory_space<hbm>> -> memref<37x128xi32, #tpu.memory_space<hbm>>
      %dma_start3A_97 = arith.constant 0 : i32
      %dma_start3A_98 = arith.constant 0 : i32
      %dma_start3A_99 = tpu.memref_slice %arg3[%arg0, %arg1, %run_scoped3A_44, %dma_start3A_97, %dma_start3A_98] : memref<2x16x4x37x128xi32, #tpu.memory_space<hbm>> -> memref<1x1x1x37x128xi32, #tpu.memory_space<hbm>>
      %dma_start3A_100 = tpu.memref_squeeze %dma_start3A_99 : memref<1x1x1x37x128xi32, #tpu.memory_space<hbm>> -> memref<37x128xi32, #tpu.memory_space<hbm>>
      tpu.enqueue_dma source(%dma_start3A_100 : memref<37x128xi32, #tpu.memory_space<hbm>>) target(%arg8 : memref<37x128xi32, #tpu.memory_space<vmem>>) target_semaphore(%run_scoped3A_92 : memref<!tpu.dma_semaphore, #tpu.memory_space<semaphore_mem>>)
      %dma_wait3A_101 = arith.constant 0 : i32
      %dma_wait3A_102 = arith.constant 0 : i32
      %dma_wait3A_103 = tpu.memref_slice %arg3[%arg0, %arg1, %run_scoped3A_44, %dma_wait3A_101, %dma_wait3A_102] : memref<2x16x4x37x128xi32, #tpu.memory_space<hbm>> -> memref<1x1x1x37x128xi32, #tpu.memory_space<hbm>>
      %dma_wait3A_104 = tpu.memref_squeeze %dma_wait3A_103 : memref<1x1x1x37x128xi32, #tpu.memory_space<hbm>> -> memref<37x128xi32, #tpu.memory_space<hbm>>
      %dma_wait3A_105 = arith.constant 0 : i32
      %dma_wait3A_106 = arith.constant 0 : i32
      %dma_wait3A_107 = tpu.memref_slice %arg3[%arg0, %arg1, %run_scoped3A_44, %dma_wait3A_105, %dma_wait3A_106] : memref<2x16x4x37x128xi32, #tpu.memory_space<hbm>> -> memref<1x1x1x37x128xi32, #tpu.memory_space<hbm>>
      %dma_wait3A_108 = tpu.memref_squeeze %dma_wait3A_107 : memref<1x1x1x37x128xi32, #tpu.memory_space<hbm>> -> memref<37x128xi32, #tpu.memory_space<hbm>>
      tpu.wait_dma2 semaphore(%run_scoped3A_92 : memref<!tpu.dma_semaphore, #tpu.memory_space<semaphore_mem>>) src(%dma_wait3A_108 : memref<37x128xi32, #tpu.memory_space<hbm>>) dst(%arg8 : memref<37x128xi32, #tpu.memory_space<vmem>>)
      tpu.yield
    }) : () -> ()
    %dma_start3A_45 = arith.constant 0 : i32
    %dma_start3A_46 = arith.constant 0 : i32
    %dma_start3A_47 = tpu.memref_slice %arg7[%dma_start3A_45, %dma_start3A_46] : memref<37x128xi32, #tpu.memory_space<vmem>> -> memref<1x128xi32, #tpu.memory_space<vmem>>
    %dma_start3A_48 = tpu.memref_squeeze %dma_start3A_47 : memref<1x128xi32, #tpu.memory_space<vmem>> -> memref<128xi32, #tpu.memory_space<vmem>>
    %dma_start3A_49 = arith.constant 0 : i32
    %dma_start3A_50 = arith.constant 0 : i32
    %dma_start3A_51 = tpu.memref_slice %arg4[%dma_start3A_49, %dma_start3A_50] : memref<20000x128xf32, #tpu.memory_space<hbm>> -> memref<20000x128xf32, #tpu.memory_space<hbm>>
    tpu.enqueue_indirect_dma source(%dma_start3A_51 : memref<20000x128xf32, #tpu.memory_space<hbm>>) target(%arg9 : memref<128x128xf32, #tpu.memory_space<vmem>>) offsets(%dma_start3A_48 : memref<128xi32, #tpu.memory_space<vmem>>) semaphore(%arg12 : memref<!tpu.dma_semaphore, #tpu.memory_space<semaphore_mem>>)
    %scan3A_52 = arith.constant 0 : i32
    %scan3A_53 = arith.constant 0 : i32
    %scan3A_54 = arith.constant 18 : i32
    %scan3A_55 = arith.addi %scan3A_53, %scan3A_54 : i32
    %scan3A_56 = arith.constant 1 : i32
    scf.for %scan3A_92 = %scan3A_53 to %scan3A_55 step %scan3A_56  : i32 {
      %mul3A_93 = arith.constant 2 : i32
      %mul3A_94 = arith.muli %scan3A_92, %mul3A_93 : i32
      %add3A_95 = arith.constant 0 : i32
      %add3A_96 = arith.addi %mul3A_94, %add3A_95 : i32
      %add3A_97 = arith.constant 2 : i32
      %add3A_98 = arith.addi %add3A_96, %add3A_97 : i32
      %sub3A = arith.constant 1 : i32
      %sub3A_99 = arith.subi %add3A_98, %sub3A : i32
      %dma_start3A_100 = arith.constant 0 : i32
      %dma_start3A_101 = tpu.memref_slice %arg7[%sub3A_99, %dma_start3A_100] : memref<37x128xi32, #tpu.memory_space<vmem>> -> memref<1x128xi32, #tpu.memory_space<vmem>>
      %dma_start3A_102 = tpu.memref_squeeze %dma_start3A_101 : memref<1x128xi32, #tpu.memory_space<vmem>> -> memref<128xi32, #tpu.memory_space<vmem>>
      %dma_start3A_103 = arith.constant 0 : i32
      %dma_start3A_104 = arith.constant 0 : i32
      %dma_start3A_105 = tpu.memref_slice %arg4[%dma_start3A_103, %dma_start3A_104] : memref<20000x128xf32, #tpu.memory_space<hbm>> -> memref<20000x128xf32, #tpu.memory_space<hbm>>
      tpu.enqueue_indirect_dma source(%dma_start3A_105 : memref<20000x128xf32, #tpu.memory_space<hbm>>) target(%arg10 : memref<128x128xf32, #tpu.memory_space<vmem>>) offsets(%dma_start3A_102 : memref<128xi32, #tpu.memory_space<vmem>>) semaphore(%arg13 : memref<!tpu.dma_semaphore, #tpu.memory_space<semaphore_mem>>)
      %dma_wait3A_106 = arith.constant 0 : i32
      %dma_wait3A_107 = tpu.memref_slice %arg7[%add3A_96, %dma_wait3A_106] : memref<37x128xi32, #tpu.memory_space<vmem>> -> memref<1x128xi32, #tpu.memory_space<vmem>>
      %dma_wait3A_108 = tpu.memref_squeeze %dma_wait3A_107 : memref<1x128xi32, #tpu.memory_space<vmem>> -> memref<128xi32, #tpu.memory_space<vmem>>
      %dma_wait3A_109 = arith.constant 0 : i32
      %dma_wait3A_110 = arith.constant 0 : i32
      %dma_wait3A_111 = tpu.memref_slice %arg4[%dma_wait3A_109, %dma_wait3A_110] : memref<20000x128xf32, #tpu.memory_space<hbm>> -> memref<20000x128xf32, #tpu.memory_space<hbm>>
      tpu.wait_indirect_dma semaphore(%arg12 : memref<!tpu.dma_semaphore, #tpu.memory_space<semaphore_mem>>) src(%dma_wait3A_111 : memref<20000x128xf32, #tpu.memory_space<hbm>>) dst(%arg9 : memref<128x128xf32, #tpu.memory_space<vmem>>)
      "tpu.region"() ({
        %run_scoped3A_132 = tpu.sem_alloc : memref<!tpu.dma_semaphore, #tpu.memory_space<semaphore_mem>>
        %dma_start3A_133 = arith.constant 0 : i32
        %dma_start3A_134 = tpu.memref_slice %arg8[%add3A_96, %dma_start3A_133] : memref<37x128xi32, #tpu.memory_space<vmem>> -> memref<1x128xi32, #tpu.memory_space<vmem>>
        %dma_start3A_135 = tpu.memref_squeeze %dma_start3A_134 : memref<1x128xi32, #tpu.memory_space<vmem>> -> memref<128xi32, #tpu.memory_space<vmem>>
        %dma_start3A_136 = arith.constant 0 : i32
        %dma_start3A_137 = arith.constant 0 : i32
        %dma_start3A_138 = tpu.memref_slice %arg11[%dma_start3A_136, %dma_start3A_137] : memref<10112x128xf32, #tpu.memory_space<vmem_shared>> -> memref<10112x128xf32, #tpu.memory_space<vmem_shared>>
        tpu.enqueue_indirect_dma source(%arg9 : memref<128x128xf32, #tpu.memory_space<vmem>>) target(%dma_start3A_138 : memref<10112x128xf32, #tpu.memory_space<vmem_shared>>) offsets(%dma_start3A_135 : memref<128xi32, #tpu.memory_space<vmem>>) semaphore(%run_scoped3A_132 : memref<!tpu.dma_semaphore, #tpu.memory_space<semaphore_mem>>) {add = true}
        %dma_wait3A_139 = arith.constant 0 : i32
        %dma_wait3A_140 = tpu.memref_slice %arg8[%add3A_96, %dma_wait3A_139] : memref<37x128xi32, #tpu.memory_space<vmem>> -> memref<1x128xi32, #tpu.memory_space<vmem>>
        %dma_wait3A_141 = tpu.memref_squeeze %dma_wait3A_140 : memref<1x128xi32, #tpu.memory_space<vmem>> -> memref<128xi32, #tpu.memory_space<vmem>>
        %dma_wait3A_142 = arith.constant 0 : i32
        %dma_wait3A_143 = arith.constant 0 : i32
        %dma_wait3A_144 = tpu.memref_slice %arg11[%dma_wait3A_142, %dma_wait3A_143] : memref<10112x128xf32, #tpu.memory_space<vmem_shared>> -> memref<10112x128xf32, #tpu.memory_space<vmem_shared>>
        tpu.wait_indirect_dma semaphore(%run_scoped3A_132 : memref<!tpu.dma_semaphore, #tpu.memory_space<semaphore_mem>>) src(%arg9 : memref<128x128xf32, #tpu.memory_space<vmem>>) dst(%dma_wait3A_144 : memref<10112x128xf32, #tpu.memory_space<vmem_shared>>)
        tpu.yield
      }) : () -> ()
      %mul3A_112 = arith.constant 2 : i32
      %mul3A_113 = arith.muli %scan3A_92, %mul3A_112 : i32
      %add3A_114 = arith.constant 1 : i32
      %add3A_115 = arith.addi %mul3A_113, %add3A_114 : i32
      %add3A_116 = arith.constant 2 : i32
      %add3A_117 = arith.addi %add3A_115, %add3A_116 : i32
      %sub3A_118 = arith.constant 1 : i32
      %sub3A_119 = arith.subi %add3A_117, %sub3A_118 : i32
      %dma_start3A_120 = arith.constant 0 : i32
      %dma_start3A_121 = tpu.memref_slice %arg7[%sub3A_119, %dma_start3A_120] : memref<37x128xi32, #tpu.memory_space<vmem>> -> memref<1x128xi32, #tpu.memory_space<vmem>>
      %dma_start3A_122 = tpu.memref_squeeze %dma_start3A_121 : memref<1x128xi32, #tpu.memory_space<vmem>> -> memref<128xi32, #tpu.memory_space<vmem>>
      %dma_start3A_123 = arith.constant 0 : i32
      %dma_start3A_124 = arith.constant 0 : i32
      %dma_start3A_125 = tpu.memref_slice %arg4[%dma_start3A_123, %dma_start3A_124] : memref<20000x128xf32, #tpu.memory_space<hbm>> -> memref<20000x128xf32, #tpu.memory_space<hbm>>
      tpu.enqueue_indirect_dma source(%dma_start3A_125 : memref<20000x128xf32, #tpu.memory_space<hbm>>) target(%arg9 : memref<128x128xf32, #tpu.memory_space<vmem>>) offsets(%dma_start3A_122 : memref<128xi32, #tpu.memory_space<vmem>>) semaphore(%arg12 : memref<!tpu.dma_semaphore, #tpu.memory_space<semaphore_mem>>)
      %dma_wait3A_126 = arith.constant 0 : i32
      %dma_wait3A_127 = tpu.memref_slice %arg7[%add3A_115, %dma_wait3A_126] : memref<37x128xi32, #tpu.memory_space<vmem>> -> memref<1x128xi32, #tpu.memory_space<vmem>>
      %dma_wait3A_128 = tpu.memref_squeeze %dma_wait3A_127 : memref<1x128xi32, #tpu.memory_space<vmem>> -> memref<128xi32, #tpu.memory_space<vmem>>
      %dma_wait3A_129 = arith.constant 0 : i32
      %dma_wait3A_130 = arith.constant 0 : i32
      %dma_wait3A_131 = tpu.memref_slice %arg4[%dma_wait3A_129, %dma_wait3A_130] : memref<20000x128xf32, #tpu.memory_space<hbm>> -> memref<20000x128xf32, #tpu.memory_space<hbm>>
      tpu.wait_indirect_dma semaphore(%arg13 : memref<!tpu.dma_semaphore, #tpu.memory_space<semaphore_mem>>) src(%dma_wait3A_131 : memref<20000x128xf32, #tpu.memory_space<hbm>>) dst(%arg10 : memref<128x128xf32, #tpu.memory_space<vmem>>)
      "tpu.region"() ({
        %run_scoped3A_132 = tpu.sem_alloc : memref<!tpu.dma_semaphore, #tpu.memory_space<semaphore_mem>>
        %dma_start3A_133 = arith.constant 0 : i32
        %dma_start3A_134 = tpu.memref_slice %arg8[%add3A_115, %dma_start3A_133] : memref<37x128xi32, #tpu.memory_space<vmem>> -> memref<1x128xi32, #tpu.memory_space<vmem>>
        %dma_start3A_135 = tpu.memref_squeeze %dma_start3A_134 : memref<1x128xi32, #tpu.memory_space<vmem>> -> memref<128xi32, #tpu.memory_space<vmem>>
        %dma_start3A_136 = arith.constant 0 : i32
        %dma_start3A_137 = arith.constant 0 : i32
        %dma_start3A_138 = tpu.memref_slice %arg11[%dma_start3A_136, %dma_start3A_137] : memref<10112x128xf32, #tpu.memory_space<vmem_shared>> -> memref<10112x128xf32, #tpu.memory_space<vmem_shared>>
        tpu.enqueue_indirect_dma source(%arg10 : memref<128x128xf32, #tpu.memory_space<vmem>>) target(%dma_start3A_138 : memref<10112x128xf32, #tpu.memory_space<vmem_shared>>) offsets(%dma_start3A_135 : memref<128xi32, #tpu.memory_space<vmem>>) semaphore(%run_scoped3A_132 : memref<!tpu.dma_semaphore, #tpu.memory_space<semaphore_mem>>) {add = true}
        %dma_wait3A_139 = arith.constant 0 : i32
        %dma_wait3A_140 = tpu.memref_slice %arg8[%add3A_115, %dma_wait3A_139] : memref<37x128xi32, #tpu.memory_space<vmem>> -> memref<1x128xi32, #tpu.memory_space<vmem>>
        %dma_wait3A_141 = tpu.memref_squeeze %dma_wait3A_140 : memref<1x128xi32, #tpu.memory_space<vmem>> -> memref<128xi32, #tpu.memory_space<vmem>>
        %dma_wait3A_142 = arith.constant 0 : i32
        %dma_wait3A_143 = arith.constant 0 : i32
        %dma_wait3A_144 = tpu.memref_slice %arg11[%dma_wait3A_142, %dma_wait3A_143] : memref<10112x128xf32, #tpu.memory_space<vmem_shared>> -> memref<10112x128xf32, #tpu.memory_space<vmem_shared>>
        tpu.wait_indirect_dma semaphore(%run_scoped3A_132 : memref<!tpu.dma_semaphore, #tpu.memory_space<semaphore_mem>>) src(%arg10 : memref<128x128xf32, #tpu.memory_space<vmem>>) dst(%dma_wait3A_144 : memref<10112x128xf32, #tpu.memory_space<vmem_shared>>)
        tpu.yield
      }) : () -> ()
    }
    %scan3A_57 = arith.constant 18 : i32
    %dma_wait3A_58 = arith.constant 36 : i32
    %dma_wait3A_59 = arith.constant 0 : i32
    %dma_wait3A_60 = tpu.memref_slice %arg7[%dma_wait3A_58, %dma_wait3A_59] : memref<37x128xi32, #tpu.memory_space<vmem>> -> memref<1x128xi32, #tpu.memory_space<vmem>>
    %dma_wait3A_61 = tpu.memref_squeeze %dma_wait3A_60 : memref<1x128xi32, #tpu.memory_space<vmem>> -> memref<128xi32, #tpu.memory_space<vmem>>
    %dma_wait3A_62 = arith.constant 0 : i32
    %dma_wait3A_63 = arith.constant 0 : i32
    %dma_wait3A_64 = tpu.memref_slice %arg4[%dma_wait3A_62, %dma_wait3A_63] : memref<20000x128xf32, #tpu.memory_space<hbm>> -> memref<20000x128xf32, #tpu.memory_space<hbm>>
    tpu.wait_indirect_dma semaphore(%arg12 : memref<!tpu.dma_semaphore, #tpu.memory_space<semaphore_mem>>) src(%dma_wait3A_64 : memref<20000x128xf32, #tpu.memory_space<hbm>>) dst(%arg9 : memref<128x128xf32, #tpu.memory_space<vmem>>)
    %run_scoped3A_65 = arith.constant 36 : i32
    "tpu.region"() ({
      %run_scoped3A_92 = tpu.sem_alloc : memref<!tpu.dma_semaphore, #tpu.memory_space<semaphore_mem>>
      %dma_start3A_93 = arith.constant 0 : i32
      %dma_start3A_94 = tpu.memref_slice %arg8[%run_scoped3A_65, %dma_start3A_93] : memref<37x128xi32, #tpu.memory_space<vmem>> -> memref<1x128xi32, #tpu.memory_space<vmem>>
      %dma_start3A_95 = tpu.memref_squeeze %dma_start3A_94 : memref<1x128xi32, #tpu.memory_space<vmem>> -> memref<128xi32, #tpu.memory_space<vmem>>
      %dma_start3A_96 = arith.constant 0 : i32
      %dma_start3A_97 = arith.constant 0 : i32
      %dma_start3A_98 = tpu.memref_slice %arg11[%dma_start3A_96, %dma_start3A_97] : memref<10112x128xf32, #tpu.memory_space<vmem_shared>> -> memref<10112x128xf32, #tpu.memory_space<vmem_shared>>
      tpu.enqueue_indirect_dma source(%arg9 : memref<128x128xf32, #tpu.memory_space<vmem>>) target(%dma_start3A_98 : memref<10112x128xf32, #tpu.memory_space<vmem_shared>>) offsets(%dma_start3A_95 : memref<128xi32, #tpu.memory_space<vmem>>) semaphore(%run_scoped3A_92 : memref<!tpu.dma_semaphore, #tpu.memory_space<semaphore_mem>>) {add = true}
      %dma_wait3A_99 = arith.constant 0 : i32
      %dma_wait3A_100 = tpu.memref_slice %arg8[%run_scoped3A_65, %dma_wait3A_99] : memref<37x128xi32, #tpu.memory_space<vmem>> -> memref<1x128xi32, #tpu.memory_space<vmem>>
      %dma_wait3A_101 = tpu.memref_squeeze %dma_wait3A_100 : memref<1x128xi32, #tpu.memory_space<vmem>> -> memref<128xi32, #tpu.memory_space<vmem>>
      %dma_wait3A_102 = arith.constant 0 : i32
      %dma_wait3A_103 = arith.constant 0 : i32
      %dma_wait3A_104 = tpu.memref_slice %arg11[%dma_wait3A_102, %dma_wait3A_103] : memref<10112x128xf32, #tpu.memory_space<vmem_shared>> -> memref<10112x128xf32, #tpu.memory_space<vmem_shared>>
      tpu.wait_indirect_dma semaphore(%run_scoped3A_92 : memref<!tpu.dma_semaphore, #tpu.memory_space<semaphore_mem>>) src(%arg9 : memref<128x128xf32, #tpu.memory_space<vmem>>) dst(%dma_wait3A_104 : memref<10112x128xf32, #tpu.memory_space<vmem_shared>>)
      tpu.yield
    }) : () -> ()
    %run_scoped3A_66 = arith.constant 3 : i32
    "tpu.region"() ({
      %run_scoped3A_92 = tpu.sem_alloc : memref<!tpu.dma_semaphore, #tpu.memory_space<semaphore_mem>>
      %dma_start3A_93 = arith.constant 0 : i32
      %dma_start3A_94 = arith.constant 0 : i32
      %dma_start3A_95 = tpu.memref_slice %arg2[%arg0, %arg1, %run_scoped3A_66, %dma_start3A_93, %dma_start3A_94] : memref<2x16x4x37x128xi32, #tpu.memory_space<hbm>> -> memref<1x1x1x37x128xi32, #tpu.memory_space<hbm>>
      %dma_start3A_96 = tpu.memref_squeeze %dma_start3A_95 : memref<1x1x1x37x128xi32, #tpu.memory_space<hbm>> -> memref<37x128xi32, #tpu.memory_space<hbm>>
      %dma_start3A_97 = arith.constant 0 : i32
      %dma_start3A_98 = arith.constant 0 : i32
      %dma_start3A_99 = tpu.memref_slice %arg2[%arg0, %arg1, %run_scoped3A_66, %dma_start3A_97, %dma_start3A_98] : memref<2x16x4x37x128xi32, #tpu.memory_space<hbm>> -> memref<1x1x1x37x128xi32, #tpu.memory_space<hbm>>
      %dma_start3A_100 = tpu.memref_squeeze %dma_start3A_99 : memref<1x1x1x37x128xi32, #tpu.memory_space<hbm>> -> memref<37x128xi32, #tpu.memory_space<hbm>>
      tpu.enqueue_dma source(%dma_start3A_100 : memref<37x128xi32, #tpu.memory_space<hbm>>) target(%arg7 : memref<37x128xi32, #tpu.memory_space<vmem>>) target_semaphore(%run_scoped3A_92 : memref<!tpu.dma_semaphore, #tpu.memory_space<semaphore_mem>>)
      %dma_wait3A_101 = arith.constant 0 : i32
      %dma_wait3A_102 = arith.constant 0 : i32
      %dma_wait3A_103 = tpu.memref_slice %arg2[%arg0, %arg1, %run_scoped3A_66, %dma_wait3A_101, %dma_wait3A_102] : memref<2x16x4x37x128xi32, #tpu.memory_space<hbm>> -> memref<1x1x1x37x128xi32, #tpu.memory_space<hbm>>
      %dma_wait3A_104 = tpu.memref_squeeze %dma_wait3A_103 : memref<1x1x1x37x128xi32, #tpu.memory_space<hbm>> -> memref<37x128xi32, #tpu.memory_space<hbm>>
      %dma_wait3A_105 = arith.constant 0 : i32
      %dma_wait3A_106 = arith.constant 0 : i32
      %dma_wait3A_107 = tpu.memref_slice %arg2[%arg0, %arg1, %run_scoped3A_66, %dma_wait3A_105, %dma_wait3A_106] : memref<2x16x4x37x128xi32, #tpu.memory_space<hbm>> -> memref<1x1x1x37x128xi32, #tpu.memory_space<hbm>>
      %dma_wait3A_108 = tpu.memref_squeeze %dma_wait3A_107 : memref<1x1x1x37x128xi32, #tpu.memory_space<hbm>> -> memref<37x128xi32, #tpu.memory_space<hbm>>
      tpu.wait_dma2 semaphore(%run_scoped3A_92 : memref<!tpu.dma_semaphore, #tpu.memory_space<semaphore_mem>>) src(%dma_wait3A_108 : memref<37x128xi32, #tpu.memory_space<hbm>>) dst(%arg7 : memref<37x128xi32, #tpu.memory_space<vmem>>)
      tpu.yield
    }) : () -> ()
    %run_scoped3A_67 = arith.constant 3 : i32
    "tpu.region"() ({
      %run_scoped3A_92 = tpu.sem_alloc : memref<!tpu.dma_semaphore, #tpu.memory_space<semaphore_mem>>
      %dma_start3A_93 = arith.constant 0 : i32
      %dma_start3A_94 = arith.constant 0 : i32
      %dma_start3A_95 = tpu.memref_slice %arg3[%arg0, %arg1, %run_scoped3A_67, %dma_start3A_93, %dma_start3A_94] : memref<2x16x4x37x128xi32, #tpu.memory_space<hbm>> -> memref<1x1x1x37x128xi32, #tpu.memory_space<hbm>>
      %dma_start3A_96 = tpu.memref_squeeze %dma_start3A_95 : memref<1x1x1x37x128xi32, #tpu.memory_space<hbm>> -> memref<37x128xi32, #tpu.memory_space<hbm>>
      %dma_start3A_97 = arith.constant 0 : i32
      %dma_start3A_98 = arith.constant 0 : i32
      %dma_start3A_99 = tpu.memref_slice %arg3[%arg0, %arg1, %run_scoped3A_67, %dma_start3A_97, %dma_start3A_98] : memref<2x16x4x37x128xi32, #tpu.memory_space<hbm>> -> memref<1x1x1x37x128xi32, #tpu.memory_space<hbm>>
      %dma_start3A_100 = tpu.memref_squeeze %dma_start3A_99 : memref<1x1x1x37x128xi32, #tpu.memory_space<hbm>> -> memref<37x128xi32, #tpu.memory_space<hbm>>
      tpu.enqueue_dma source(%dma_start3A_100 : memref<37x128xi32, #tpu.memory_space<hbm>>) target(%arg8 : memref<37x128xi32, #tpu.memory_space<vmem>>) target_semaphore(%run_scoped3A_92 : memref<!tpu.dma_semaphore, #tpu.memory_space<semaphore_mem>>)
      %dma_wait3A_101 = arith.constant 0 : i32
      %dma_wait3A_102 = arith.constant 0 : i32
      %dma_wait3A_103 = tpu.memref_slice %arg3[%arg0, %arg1, %run_scoped3A_67, %dma_wait3A_101, %dma_wait3A_102] : memref<2x16x4x37x128xi32, #tpu.memory_space<hbm>> -> memref<1x1x1x37x128xi32, #tpu.memory_space<hbm>>
      %dma_wait3A_104 = tpu.memref_squeeze %dma_wait3A_103 : memref<1x1x1x37x128xi32, #tpu.memory_space<hbm>> -> memref<37x128xi32, #tpu.memory_space<hbm>>
      %dma_wait3A_105 = arith.constant 0 : i32
      %dma_wait3A_106 = arith.constant 0 : i32
      %dma_wait3A_107 = tpu.memref_slice %arg3[%arg0, %arg1, %run_scoped3A_67, %dma_wait3A_105, %dma_wait3A_106] : memref<2x16x4x37x128xi32, #tpu.memory_space<hbm>> -> memref<1x1x1x37x128xi32, #tpu.memory_space<hbm>>
      %dma_wait3A_108 = tpu.memref_squeeze %dma_wait3A_107 : memref<1x1x1x37x128xi32, #tpu.memory_space<hbm>> -> memref<37x128xi32, #tpu.memory_space<hbm>>
      tpu.wait_dma2 semaphore(%run_scoped3A_92 : memref<!tpu.dma_semaphore, #tpu.memory_space<semaphore_mem>>) src(%dma_wait3A_108 : memref<37x128xi32, #tpu.memory_space<hbm>>) dst(%arg8 : memref<37x128xi32, #tpu.memory_space<vmem>>)
      tpu.yield
    }) : () -> ()
    %dma_start3A_68 = arith.constant 0 : i32
    %dma_start3A_69 = arith.constant 0 : i32
    %dma_start3A_70 = tpu.memref_slice %arg7[%dma_start3A_68, %dma_start3A_69] : memref<37x128xi32, #tpu.memory_space<vmem>> -> memref<1x128xi32, #tpu.memory_space<vmem>>
    %dma_start3A_71 = tpu.memref_squeeze %dma_start3A_70 : memref<1x128xi32, #tpu.memory_space<vmem>> -> memref<128xi32, #tpu.memory_space<vmem>>
    %dma_start3A_72 = arith.constant 0 : i32
    %dma_start3A_73 = arith.constant 0 : i32
    %dma_start3A_74 = tpu.memref_slice %arg4[%dma_start3A_72, %dma_start3A_73] : memref<20000x128xf32, #tpu.memory_space<hbm>> -> memref<20000x128xf32, #tpu.memory_space<hbm>>
    tpu.enqueue_indirect_dma source(%dma_start3A_74 : memref<20000x128xf32, #tpu.memory_space<hbm>>) target(%arg9 : memref<128x128xf32, #tpu.memory_space<vmem>>) offsets(%dma_start3A_71 : memref<128xi32, #tpu.memory_space<vmem>>) semaphore(%arg12 : memref<!tpu.dma_semaphore, #tpu.memory_space<semaphore_mem>>)
    %scan3A_75 = arith.constant 0 : i32
    %scan3A_76 = arith.constant 0 : i32
    %scan3A_77 = arith.constant 18 : i32
    %scan3A_78 = arith.addi %scan3A_76, %scan3A_77 : i32
    %scan3A_79 = arith.constant 1 : i32
    scf.for %scan3A_92 = %scan3A_76 to %scan3A_78 step %scan3A_79  : i32 {
      %mul3A_93 = arith.constant 2 : i32
      %mul3A_94 = arith.muli %scan3A_92, %mul3A_93 : i32
      %add3A_95 = arith.constant 0 : i32
      %add3A_96 = arith.addi %mul3A_94, %add3A_95 : i32
      %add3A_97 = arith.constant 2 : i32
      %add3A_98 = arith.addi %add3A_96, %add3A_97 : i32
      %sub3A = arith.constant 1 : i32
      %sub3A_99 = arith.subi %add3A_98, %sub3A : i32
      %dma_start3A_100 = arith.constant 0 : i32
      %dma_start3A_101 = tpu.memref_slice %arg7[%sub3A_99, %dma_start3A_100] : memref<37x128xi32, #tpu.memory_space<vmem>> -> memref<1x128xi32, #tpu.memory_space<vmem>>
      %dma_start3A_102 = tpu.memref_squeeze %dma_start3A_101 : memref<1x128xi32, #tpu.memory_space<vmem>> -> memref<128xi32, #tpu.memory_space<vmem>>
      %dma_start3A_103 = arith.constant 0 : i32
      %dma_start3A_104 = arith.constant 0 : i32
      %dma_start3A_105 = tpu.memref_slice %arg4[%dma_start3A_103, %dma_start3A_104] : memref<20000x128xf32, #tpu.memory_space<hbm>> -> memref<20000x128xf32, #tpu.memory_space<hbm>>
      tpu.enqueue_indirect_dma source(%dma_start3A_105 : memref<20000x128xf32, #tpu.memory_space<hbm>>) target(%arg10 : memref<128x128xf32, #tpu.memory_space<vmem>>) offsets(%dma_start3A_102 : memref<128xi32, #tpu.memory_space<vmem>>) semaphore(%arg13 : memref<!tpu.dma_semaphore, #tpu.memory_space<semaphore_mem>>)
      %dma_wait3A_106 = arith.constant 0 : i32
      %dma_wait3A_107 = tpu.memref_slice %arg7[%add3A_96, %dma_wait3A_106] : memref<37x128xi32, #tpu.memory_space<vmem>> -> memref<1x128xi32, #tpu.memory_space<vmem>>
      %dma_wait3A_108 = tpu.memref_squeeze %dma_wait3A_107 : memref<1x128xi32, #tpu.memory_space<vmem>> -> memref<128xi32, #tpu.memory_space<vmem>>
      %dma_wait3A_109 = arith.constant 0 : i32
      %dma_wait3A_110 = arith.constant 0 : i32
      %dma_wait3A_111 = tpu.memref_slice %arg4[%dma_wait3A_109, %dma_wait3A_110] : memref<20000x128xf32, #tpu.memory_space<hbm>> -> memref<20000x128xf32, #tpu.memory_space<hbm>>
      tpu.wait_indirect_dma semaphore(%arg12 : memref<!tpu.dma_semaphore, #tpu.memory_space<semaphore_mem>>) src(%dma_wait3A_111 : memref<20000x128xf32, #tpu.memory_space<hbm>>) dst(%arg9 : memref<128x128xf32, #tpu.memory_space<vmem>>)
      "tpu.region"() ({
        %run_scoped3A_132 = tpu.sem_alloc : memref<!tpu.dma_semaphore, #tpu.memory_space<semaphore_mem>>
        %dma_start3A_133 = arith.constant 0 : i32
        %dma_start3A_134 = tpu.memref_slice %arg8[%add3A_96, %dma_start3A_133] : memref<37x128xi32, #tpu.memory_space<vmem>> -> memref<1x128xi32, #tpu.memory_space<vmem>>
        %dma_start3A_135 = tpu.memref_squeeze %dma_start3A_134 : memref<1x128xi32, #tpu.memory_space<vmem>> -> memref<128xi32, #tpu.memory_space<vmem>>
        %dma_start3A_136 = arith.constant 0 : i32
        %dma_start3A_137 = arith.constant 0 : i32
        %dma_start3A_138 = tpu.memref_slice %arg11[%dma_start3A_136, %dma_start3A_137] : memref<10112x128xf32, #tpu.memory_space<vmem_shared>> -> memref<10112x128xf32, #tpu.memory_space<vmem_shared>>
        tpu.enqueue_indirect_dma source(%arg9 : memref<128x128xf32, #tpu.memory_space<vmem>>) target(%dma_start3A_138 : memref<10112x128xf32, #tpu.memory_space<vmem_shared>>) offsets(%dma_start3A_135 : memref<128xi32, #tpu.memory_space<vmem>>) semaphore(%run_scoped3A_132 : memref<!tpu.dma_semaphore, #tpu.memory_space<semaphore_mem>>) {add = true}
        %dma_wait3A_139 = arith.constant 0 : i32
        %dma_wait3A_140 = tpu.memref_slice %arg8[%add3A_96, %dma_wait3A_139] : memref<37x128xi32, #tpu.memory_space<vmem>> -> memref<1x128xi32, #tpu.memory_space<vmem>>
        %dma_wait3A_141 = tpu.memref_squeeze %dma_wait3A_140 : memref<1x128xi32, #tpu.memory_space<vmem>> -> memref<128xi32, #tpu.memory_space<vmem>>
        %dma_wait3A_142 = arith.constant 0 : i32
        %dma_wait3A_143 = arith.constant 0 : i32
        %dma_wait3A_144 = tpu.memref_slice %arg11[%dma_wait3A_142, %dma_wait3A_143] : memref<10112x128xf32, #tpu.memory_space<vmem_shared>> -> memref<10112x128xf32, #tpu.memory_space<vmem_shared>>
        tpu.wait_indirect_dma semaphore(%run_scoped3A_132 : memref<!tpu.dma_semaphore, #tpu.memory_space<semaphore_mem>>) src(%arg9 : memref<128x128xf32, #tpu.memory_space<vmem>>) dst(%dma_wait3A_144 : memref<10112x128xf32, #tpu.memory_space<vmem_shared>>)
        tpu.yield
      }) : () -> ()
      %mul3A_112 = arith.constant 2 : i32
      %mul3A_113 = arith.muli %scan3A_92, %mul3A_112 : i32
      %add3A_114 = arith.constant 1 : i32
      %add3A_115 = arith.addi %mul3A_113, %add3A_114 : i32
      %add3A_116 = arith.constant 2 : i32
      %add3A_117 = arith.addi %add3A_115, %add3A_116 : i32
      %sub3A_118 = arith.constant 1 : i32
      %sub3A_119 = arith.subi %add3A_117, %sub3A_118 : i32
      %dma_start3A_120 = arith.constant 0 : i32
      %dma_start3A_121 = tpu.memref_slice %arg7[%sub3A_119, %dma_start3A_120] : memref<37x128xi32, #tpu.memory_space<vmem>> -> memref<1x128xi32, #tpu.memory_space<vmem>>
      %dma_start3A_122 = tpu.memref_squeeze %dma_start3A_121 : memref<1x128xi32, #tpu.memory_space<vmem>> -> memref<128xi32, #tpu.memory_space<vmem>>
      %dma_start3A_123 = arith.constant 0 : i32
      %dma_start3A_124 = arith.constant 0 : i32
      %dma_start3A_125 = tpu.memref_slice %arg4[%dma_start3A_123, %dma_start3A_124] : memref<20000x128xf32, #tpu.memory_space<hbm>> -> memref<20000x128xf32, #tpu.memory_space<hbm>>
      tpu.enqueue_indirect_dma source(%dma_start3A_125 : memref<20000x128xf32, #tpu.memory_space<hbm>>) target(%arg9 : memref<128x128xf32, #tpu.memory_space<vmem>>) offsets(%dma_start3A_122 : memref<128xi32, #tpu.memory_space<vmem>>) semaphore(%arg12 : memref<!tpu.dma_semaphore, #tpu.memory_space<semaphore_mem>>)
      %dma_wait3A_126 = arith.constant 0 : i32
      %dma_wait3A_127 = tpu.memref_slice %arg7[%add3A_115, %dma_wait3A_126] : memref<37x128xi32, #tpu.memory_space<vmem>> -> memref<1x128xi32, #tpu.memory_space<vmem>>
      %dma_wait3A_128 = tpu.memref_squeeze %dma_wait3A_127 : memref<1x128xi32, #tpu.memory_space<vmem>> -> memref<128xi32, #tpu.memory_space<vmem>>
      %dma_wait3A_129 = arith.constant 0 : i32
      %dma_wait3A_130 = arith.constant 0 : i32
      %dma_wait3A_131 = tpu.memref_slice %arg4[%dma_wait3A_129, %dma_wait3A_130] : memref<20000x128xf32, #tpu.memory_space<hbm>> -> memref<20000x128xf32, #tpu.memory_space<hbm>>
      tpu.wait_indirect_dma semaphore(%arg13 : memref<!tpu.dma_semaphore, #tpu.memory_space<semaphore_mem>>) src(%dma_wait3A_131 : memref<20000x128xf32, #tpu.memory_space<hbm>>) dst(%arg10 : memref<128x128xf32, #tpu.memory_space<vmem>>)
      "tpu.region"() ({
        %run_scoped3A_132 = tpu.sem_alloc : memref<!tpu.dma_semaphore, #tpu.memory_space<semaphore_mem>>
        %dma_start3A_133 = arith.constant 0 : i32
        %dma_start3A_134 = tpu.memref_slice %arg8[%add3A_115, %dma_start3A_133] : memref<37x128xi32, #tpu.memory_space<vmem>> -> memref<1x128xi32, #tpu.memory_space<vmem>>
        %dma_start3A_135 = tpu.memref_squeeze %dma_start3A_134 : memref<1x128xi32, #tpu.memory_space<vmem>> -> memref<128xi32, #tpu.memory_space<vmem>>
        %dma_start3A_136 = arith.constant 0 : i32
        %dma_start3A_137 = arith.constant 0 : i32
        %dma_start3A_138 = tpu.memref_slice %arg11[%dma_start3A_136, %dma_start3A_137] : memref<10112x128xf32, #tpu.memory_space<vmem_shared>> -> memref<10112x128xf32, #tpu.memory_space<vmem_shared>>
        tpu.enqueue_indirect_dma source(%arg10 : memref<128x128xf32, #tpu.memory_space<vmem>>) target(%dma_start3A_138 : memref<10112x128xf32, #tpu.memory_space<vmem_shared>>) offsets(%dma_start3A_135 : memref<128xi32, #tpu.memory_space<vmem>>) semaphore(%run_scoped3A_132 : memref<!tpu.dma_semaphore, #tpu.memory_space<semaphore_mem>>) {add = true}
        %dma_wait3A_139 = arith.constant 0 : i32
        %dma_wait3A_140 = tpu.memref_slice %arg8[%add3A_115, %dma_wait3A_139] : memref<37x128xi32, #tpu.memory_space<vmem>> -> memref<1x128xi32, #tpu.memory_space<vmem>>
        %dma_wait3A_141 = tpu.memref_squeeze %dma_wait3A_140 : memref<1x128xi32, #tpu.memory_space<vmem>> -> memref<128xi32, #tpu.memory_space<vmem>>
        %dma_wait3A_142 = arith.constant 0 : i32
        %dma_wait3A_143 = arith.constant 0 : i32
        %dma_wait3A_144 = tpu.memref_slice %arg11[%dma_wait3A_142, %dma_wait3A_143] : memref<10112x128xf32, #tpu.memory_space<vmem_shared>> -> memref<10112x128xf32, #tpu.memory_space<vmem_shared>>
        tpu.wait_indirect_dma semaphore(%run_scoped3A_132 : memref<!tpu.dma_semaphore, #tpu.memory_space<semaphore_mem>>) src(%arg10 : memref<128x128xf32, #tpu.memory_space<vmem>>) dst(%dma_wait3A_144 : memref<10112x128xf32, #tpu.memory_space<vmem_shared>>)
        tpu.yield
      }) : () -> ()
    }
    %scan3A_80 = arith.constant 18 : i32
    %dma_wait3A_81 = arith.constant 36 : i32
    %dma_wait3A_82 = arith.constant 0 : i32
    %dma_wait3A_83 = tpu.memref_slice %arg7[%dma_wait3A_81, %dma_wait3A_82] : memref<37x128xi32, #tpu.memory_space<vmem>> -> memref<1x128xi32, #tpu.memory_space<vmem>>
    %dma_wait3A_84 = tpu.memref_squeeze %dma_wait3A_83 : memref<1x128xi32, #tpu.memory_space<vmem>> -> memref<128xi32, #tpu.memory_space<vmem>>
    %dma_wait3A_85 = arith.constant 0 : i32
    %dma_wait3A_86 = arith.constant 0 : i32
    %dma_wait3A_87 = tpu.memref_slice %arg4[%dma_wait3A_85, %dma_wait3A_86] : memref<20000x128xf32, #tpu.memory_space<hbm>> -> memref<20000x128xf32, #tpu.memory_space<hbm>>
    tpu.wait_indirect_dma semaphore(%arg12 : memref<!tpu.dma_semaphore, #tpu.memory_space<semaphore_mem>>) src(%dma_wait3A_87 : memref<20000x128xf32, #tpu.memory_space<hbm>>) dst(%arg9 : memref<128x128xf32, #tpu.memory_space<vmem>>)
    %run_scoped3A_88 = arith.constant 36 : i32
    "tpu.region"() ({
      %run_scoped3A_92 = tpu.sem_alloc : memref<!tpu.dma_semaphore, #tpu.memory_space<semaphore_mem>>
      %dma_start3A_93 = arith.constant 0 : i32
      %dma_start3A_94 = tpu.memref_slice %arg8[%run_scoped3A_88, %dma_start3A_93] : memref<37x128xi32, #tpu.memory_space<vmem>> -> memref<1x128xi32, #tpu.memory_space<vmem>>
      %dma_start3A_95 = tpu.memref_squeeze %dma_start3A_94 : memref<1x128xi32, #tpu.memory_space<vmem>> -> memref<128xi32, #tpu.memory_space<vmem>>
      %dma_start3A_96 = arith.constant 0 : i32
      %dma_start3A_97 = arith.constant 0 : i32
      %dma_start3A_98 = tpu.memref_slice %arg11[%dma_start3A_96, %dma_start3A_97] : memref<10112x128xf32, #tpu.memory_space<vmem_shared>> -> memref<10112x128xf32, #tpu.memory_space<vmem_shared>>
      tpu.enqueue_indirect_dma source(%arg9 : memref<128x128xf32, #tpu.memory_space<vmem>>) target(%dma_start3A_98 : memref<10112x128xf32, #tpu.memory_space<vmem_shared>>) offsets(%dma_start3A_95 : memref<128xi32, #tpu.memory_space<vmem>>) semaphore(%run_scoped3A_92 : memref<!tpu.dma_semaphore, #tpu.memory_space<semaphore_mem>>) {add = true}
      %dma_wait3A_99 = arith.constant 0 : i32
      %dma_wait3A_100 = tpu.memref_slice %arg8[%run_scoped3A_88, %dma_wait3A_99] : memref<37x128xi32, #tpu.memory_space<vmem>> -> memref<1x128xi32, #tpu.memory_space<vmem>>
      %dma_wait3A_101 = tpu.memref_squeeze %dma_wait3A_100 : memref<1x128xi32, #tpu.memory_space<vmem>> -> memref<128xi32, #tpu.memory_space<vmem>>
      %dma_wait3A_102 = arith.constant 0 : i32
      %dma_wait3A_103 = arith.constant 0 : i32
      %dma_wait3A_104 = tpu.memref_slice %arg11[%dma_wait3A_102, %dma_wait3A_103] : memref<10112x128xf32, #tpu.memory_space<vmem_shared>> -> memref<10112x128xf32, #tpu.memory_space<vmem_shared>>
      tpu.wait_indirect_dma semaphore(%run_scoped3A_92 : memref<!tpu.dma_semaphore, #tpu.memory_space<semaphore_mem>>) src(%arg9 : memref<128x128xf32, #tpu.memory_space<vmem>>) dst(%dma_wait3A_104 : memref<10112x128xf32, #tpu.memory_space<vmem_shared>>)
      tpu.yield
    }) : () -> ()
    %barrier3A_89 = arith.constant 0 : index
    tpu.barrier barrier_id(%barrier3A_89)
    %mul3A_90 = arith.constant 10112 : i32
    %mul3A_91 = arith.muli %arg0, %mul3A_90 : i32
    %add3A = arith.addi %mul3A_91, %mul3A_0 : i32
    "tpu.region"() ({
      %run_scoped3A_92 = tpu.sem_alloc : memref<!tpu.dma_semaphore, #tpu.memory_space<semaphore_mem>>
      %dma_start3A_93 = arith.constant 0 : i32
      %dma_start3A_94 = tpu.memref_slice %arg6[%add3A, %dma_start3A_93] : memref<20224x128xf32, #tpu.memory_space<hbm>> -> memref<632x128xf32, #tpu.memory_space<hbm>>
      %dma_start3A_95 = arith.constant 0 : i32
      %dma_start3A_96 = tpu.memref_slice %arg11[%mul3A_0, %dma_start3A_95] : memref<10112x128xf32, #tpu.memory_space<vmem_shared>> -> memref<632x128xf32, #tpu.memory_space<vmem_shared>>
      tpu.enqueue_dma source(%dma_start3A_96 : memref<632x128xf32, #tpu.memory_space<vmem_shared>>) target(%dma_start3A_94 : memref<632x128xf32, #tpu.memory_space<hbm>>) target_semaphore(%run_scoped3A_92 : memref<!tpu.dma_semaphore, #tpu.memory_space<semaphore_mem>>)
      %dma_wait3A_97 = arith.constant 0 : i32
      %dma_wait3A_98 = tpu.memref_slice %arg6[%add3A, %dma_wait3A_97] : memref<20224x128xf32, #tpu.memory_space<hbm>> -> memref<632x128xf32, #tpu.memory_space<hbm>>
      %dma_wait3A_99 = arith.constant 0 : i32
      %dma_wait3A_100 = tpu.memref_slice %arg11[%mul3A_0, %dma_wait3A_99] : memref<10112x128xf32, #tpu.memory_space<vmem_shared>> -> memref<632x128xf32, #tpu.memory_space<vmem_shared>>
      tpu.wait_dma2 semaphore(%run_scoped3A_92 : memref<!tpu.dma_semaphore, #tpu.memory_space<semaphore_mem>>) src(%dma_wait3A_100 : memref<632x128xf32, #tpu.memory_space<vmem_shared>>) dst(%dma_wait3A_98 : memref<632x128xf32, #tpu.memory_space<hbm>>)
      tpu.yield
    }) : () -> ()
    return
  }
}

#map = affine_map<(d0, d1) -> (0, 0, 0, 0, 0)>
#map1 = affine_map<(d0, d1) -> (0, 0)>
module attributes {stable_mosaic.version = 14 : i64} {
  func.func @_sc_segsum_body(%arg0: i32, %arg1: i32, %arg2: memref<2x16x4x37x128xi32, #tpu.memory_space<hbm>>, %arg3: memref<2x16x4x37x128xi32, #tpu.memory_space<hbm>>, %arg4: memref<20000x128xf32, #tpu.memory_space<hbm>>, %arg5: memref<632x128xf32, #tpu.memory_space<hbm>>, %arg6: memref<20224x128xf32, #tpu.memory_space<hbm>>, %arg7: memref<37x128xi32, #tpu.memory_space<vmem>>, %arg8: memref<37x128xi32, #tpu.memory_space<vmem>>, %arg9: memref<128x128xf32, #tpu.memory_space<vmem>>, %arg10: memref<128x128xf32, #tpu.memory_space<vmem>>, %arg11: memref<10112x128xf32, #tpu.memory_space<vmem_shared>>, %arg12: memref<!tpu.dma_semaphore, #tpu.memory_space<semaphore_mem>>, %arg13: memref<!tpu.dma_semaphore, #tpu.memory_space<semaphore_mem>>) attributes {dimension_semantics = [#tpu.dimension_semantics<core_parallel>, #tpu.dimension_semantics<subcore_parallel>], iteration_bounds = array<i64: 2, 16>, scalar_prefetch = 0 : i64, scratch_operands = 7 : i64, tpu.core_type = #tpu.core_type<sc_vector_subcore>, window_params = [{transform_indices = #map}, {transform_indices = #map}, {transform_indices = #map1}, {transform_indices = #map1}, {transform_indices = #map1}]} {
    %mul3A = arith.constant 632 : i32
    %mul3A_0 = arith.muli %arg1, %mul3A : i32
    "tpu.region"() ({
      %run_scoped3A_92 = tpu.sem_alloc : memref<!tpu.dma_semaphore, #tpu.memory_space<semaphore_mem>>
      %dma_start3A_93 = arith.constant 0 : i32
      %dma_start3A_94 = tpu.memref_slice %arg11[%mul3A_0, %dma_start3A_93] : memref<10112x128xf32, #tpu.memory_space<vmem_shared>> -> memref<632x128xf32, #tpu.memory_space<vmem_shared>>
      tpu.enqueue_dma source(%arg5 : memref<632x128xf32, #tpu.memory_space<hbm>>) target(%dma_start3A_94 : memref<632x128xf32, #tpu.memory_space<vmem_shared>>) target_semaphore(%run_scoped3A_92 : memref<!tpu.dma_semaphore, #tpu.memory_space<semaphore_mem>>)
      %dma_wait3A_95 = arith.constant 0 : i32
      %dma_wait3A_96 = tpu.memref_slice %arg11[%mul3A_0, %dma_wait3A_95] : memref<10112x128xf32, #tpu.memory_space<vmem_shared>> -> memref<632x128xf32, #tpu.memory_space<vmem_shared>>
      tpu.wait_dma2 semaphore(%run_scoped3A_92 : memref<!tpu.dma_semaphore, #tpu.memory_space<semaphore_mem>>) src(%arg5 : memref<632x128xf32, #tpu.memory_space<hbm>>) dst(%dma_wait3A_96 : memref<632x128xf32, #tpu.memory_space<vmem_shared>>)
      tpu.yield
    }) : () -> ()
    %barrier3A = arith.constant 0 : index
    tpu.barrier barrier_id(%barrier3A)
    %run_scoped3A = arith.constant 0 : i32
    "tpu.region"() ({
      %run_scoped3A_92 = tpu.sem_alloc : memref<!tpu.dma_semaphore, #tpu.memory_space<semaphore_mem>>
      %dma_start3A_93 = arith.constant 0 : i32
      %dma_start3A_94 = arith.constant 0 : i32
      %dma_start3A_95 = tpu.memref_slice %arg2[%arg0, %arg1, %run_scoped3A, %dma_start3A_93, %dma_start3A_94] : memref<2x16x4x37x128xi32, #tpu.memory_space<hbm>> -> memref<1x1x1x37x128xi32, #tpu.memory_space<hbm>>
      %dma_start3A_96 = tpu.memref_squeeze %dma_start3A_95 : memref<1x1x1x37x128xi32, #tpu.memory_space<hbm>> -> memref<37x128xi32, #tpu.memory_space<hbm>>
      %dma_start3A_97 = arith.constant 0 : i32
      %dma_start3A_98 = arith.constant 0 : i32
      %dma_start3A_99 = tpu.memref_slice %arg2[%arg0, %arg1, %run_scoped3A, %dma_start3A_97, %dma_start3A_98] : memref<2x16x4x37x128xi32, #tpu.memory_space<hbm>> -> memref<1x1x1x37x128xi32, #tpu.memory_space<hbm>>
      %dma_start3A_100 = tpu.memref_squeeze %dma_start3A_99 : memref<1x1x1x37x128xi32, #tpu.memory_space<hbm>> -> memref<37x128xi32, #tpu.memory_space<hbm>>
      tpu.enqueue_dma source(%dma_start3A_100 : memref<37x128xi32, #tpu.memory_space<hbm>>) target(%arg7 : memref<37x128xi32, #tpu.memory_space<vmem>>) target_semaphore(%run_scoped3A_92 : memref<!tpu.dma_semaphore, #tpu.memory_space<semaphore_mem>>)
      %dma_wait3A_101 = arith.constant 0 : i32
      %dma_wait3A_102 = arith.constant 0 : i32
      %dma_wait3A_103 = tpu.memref_slice %arg2[%arg0, %arg1, %run_scoped3A, %dma_wait3A_101, %dma_wait3A_102] : memref<2x16x4x37x128xi32, #tpu.memory_space<hbm>> -> memref<1x1x1x37x128xi32, #tpu.memory_space<hbm>>
      %dma_wait3A_104 = tpu.memref_squeeze %dma_wait3A_103 : memref<1x1x1x37x128xi32, #tpu.memory_space<hbm>> -> memref<37x128xi32, #tpu.memory_space<hbm>>
      %dma_wait3A_105 = arith.constant 0 : i32
      %dma_wait3A_106 = arith.constant 0 : i32
      %dma_wait3A_107 = tpu.memref_slice %arg2[%arg0, %arg1, %run_scoped3A, %dma_wait3A_105, %dma_wait3A_106] : memref<2x16x4x37x128xi32, #tpu.memory_space<hbm>> -> memref<1x1x1x37x128xi32, #tpu.memory_space<hbm>>
      %dma_wait3A_108 = tpu.memref_squeeze %dma_wait3A_107 : memref<1x1x1x37x128xi32, #tpu.memory_space<hbm>> -> memref<37x128xi32, #tpu.memory_space<hbm>>
      tpu.wait_dma2 semaphore(%run_scoped3A_92 : memref<!tpu.dma_semaphore, #tpu.memory_space<semaphore_mem>>) src(%dma_wait3A_108 : memref<37x128xi32, #tpu.memory_space<hbm>>) dst(%arg7 : memref<37x128xi32, #tpu.memory_space<vmem>>)
      tpu.yield
    }) : () -> ()
    %run_scoped3A_1 = arith.constant 0 : i32
    "tpu.region"() ({
      %run_scoped3A_92 = tpu.sem_alloc : memref<!tpu.dma_semaphore, #tpu.memory_space<semaphore_mem>>
      %dma_start3A_93 = arith.constant 0 : i32
      %dma_start3A_94 = arith.constant 0 : i32
      %dma_start3A_95 = tpu.memref_slice %arg3[%arg0, %arg1, %run_scoped3A_1, %dma_start3A_93, %dma_start3A_94] : memref<2x16x4x37x128xi32, #tpu.memory_space<hbm>> -> memref<1x1x1x37x128xi32, #tpu.memory_space<hbm>>
      %dma_start3A_96 = tpu.memref_squeeze %dma_start3A_95 : memref<1x1x1x37x128xi32, #tpu.memory_space<hbm>> -> memref<37x128xi32, #tpu.memory_space<hbm>>
      %dma_start3A_97 = arith.constant 0 : i32
      %dma_start3A_98 = arith.constant 0 : i32
      %dma_start3A_99 = tpu.memref_slice %arg3[%arg0, %arg1, %run_scoped3A_1, %dma_start3A_97, %dma_start3A_98] : memref<2x16x4x37x128xi32, #tpu.memory_space<hbm>> -> memref<1x1x1x37x128xi32, #tpu.memory_space<hbm>>
      %dma_start3A_100 = tpu.memref_squeeze %dma_start3A_99 : memref<1x1x1x37x128xi32, #tpu.memory_space<hbm>> -> memref<37x128xi32, #tpu.memory_space<hbm>>
      tpu.enqueue_dma source(%dma_start3A_100 : memref<37x128xi32, #tpu.memory_space<hbm>>) target(%arg8 : memref<37x128xi32, #tpu.memory_space<vmem>>) target_semaphore(%run_scoped3A_92 : memref<!tpu.dma_semaphore, #tpu.memory_space<semaphore_mem>>)
      %dma_wait3A_101 = arith.constant 0 : i32
      %dma_wait3A_102 = arith.constant 0 : i32
      %dma_wait3A_103 = tpu.memref_slice %arg3[%arg0, %arg1, %run_scoped3A_1, %dma_wait3A_101, %dma_wait3A_102] : memref<2x16x4x37x128xi32, #tpu.memory_space<hbm>> -> memref<1x1x1x37x128xi32, #tpu.memory_space<hbm>>
      %dma_wait3A_104 = tpu.memref_squeeze %dma_wait3A_103 : memref<1x1x1x37x128xi32, #tpu.memory_space<hbm>> -> memref<37x128xi32, #tpu.memory_space<hbm>>
      %dma_wait3A_105 = arith.constant 0 : i32
      %dma_wait3A_106 = arith.constant 0 : i32
      %dma_wait3A_107 = tpu.memref_slice %arg3[%arg0, %arg1, %run_scoped3A_1, %dma_wait3A_105, %dma_wait3A_106] : memref<2x16x4x37x128xi32, #tpu.memory_space<hbm>> -> memref<1x1x1x37x128xi32, #tpu.memory_space<hbm>>
      %dma_wait3A_108 = tpu.memref_squeeze %dma_wait3A_107 : memref<1x1x1x37x128xi32, #tpu.memory_space<hbm>> -> memref<37x128xi32, #tpu.memory_space<hbm>>
      tpu.wait_dma2 semaphore(%run_scoped3A_92 : memref<!tpu.dma_semaphore, #tpu.memory_space<semaphore_mem>>) src(%dma_wait3A_108 : memref<37x128xi32, #tpu.memory_space<hbm>>) dst(%arg8 : memref<37x128xi32, #tpu.memory_space<vmem>>)
      tpu.yield
    }) : () -> ()
    %dma_start3A = arith.constant 0 : i32
    %dma_start3A_2 = arith.constant 0 : i32
    %dma_start3A_3 = tpu.memref_slice %arg7[%dma_start3A, %dma_start3A_2] : memref<37x128xi32, #tpu.memory_space<vmem>> -> memref<1x128xi32, #tpu.memory_space<vmem>>
    %dma_start3A_4 = tpu.memref_squeeze %dma_start3A_3 : memref<1x128xi32, #tpu.memory_space<vmem>> -> memref<128xi32, #tpu.memory_space<vmem>>
    %dma_start3A_5 = arith.constant 0 : i32
    %dma_start3A_6 = arith.constant 0 : i32
    %dma_start3A_7 = tpu.memref_slice %arg4[%dma_start3A_5, %dma_start3A_6] : memref<20000x128xf32, #tpu.memory_space<hbm>> -> memref<20000x128xf32, #tpu.memory_space<hbm>>
    tpu.enqueue_indirect_dma source(%dma_start3A_7 : memref<20000x128xf32, #tpu.memory_space<hbm>>) target(%arg9 : memref<128x128xf32, #tpu.memory_space<vmem>>) offsets(%dma_start3A_4 : memref<128xi32, #tpu.memory_space<vmem>>) semaphore(%arg12 : memref<!tpu.dma_semaphore, #tpu.memory_space<semaphore_mem>>)
    %scan3A = arith.constant 0 : i32
    %scan3A_8 = arith.constant 0 : i32
    %scan3A_9 = arith.constant 18 : i32
    %scan3A_10 = arith.addi %scan3A_8, %scan3A_9 : i32
    %scan3A_11 = arith.constant 1 : i32
    scf.for %scan3A_92 = %scan3A_8 to %scan3A_10 step %scan3A_11  : i32 {
      %mul3A_93 = arith.constant 2 : i32
      %mul3A_94 = arith.muli %scan3A_92, %mul3A_93 : i32
      %add3A_95 = arith.constant 0 : i32
      %add3A_96 = arith.addi %mul3A_94, %add3A_95 : i32
      %add3A_97 = arith.constant 2 : i32
      %add3A_98 = arith.addi %add3A_96, %add3A_97 : i32
      %sub3A = arith.constant 1 : i32
      %sub3A_99 = arith.subi %add3A_98, %sub3A : i32
      %dma_start3A_100 = arith.constant 0 : i32
      %dma_start3A_101 = tpu.memref_slice %arg7[%sub3A_99, %dma_start3A_100] : memref<37x128xi32, #tpu.memory_space<vmem>> -> memref<1x128xi32, #tpu.memory_space<vmem>>
      %dma_start3A_102 = tpu.memref_squeeze %dma_start3A_101 : memref<1x128xi32, #tpu.memory_space<vmem>> -> memref<128xi32, #tpu.memory_space<vmem>>
      %dma_start3A_103 = arith.constant 0 : i32
      %dma_start3A_104 = arith.constant 0 : i32
      %dma_start3A_105 = tpu.memref_slice %arg4[%dma_start3A_103, %dma_start3A_104] : memref<20000x128xf32, #tpu.memory_space<hbm>> -> memref<20000x128xf32, #tpu.memory_space<hbm>>
      tpu.enqueue_indirect_dma source(%dma_start3A_105 : memref<20000x128xf32, #tpu.memory_space<hbm>>) target(%arg10 : memref<128x128xf32, #tpu.memory_space<vmem>>) offsets(%dma_start3A_102 : memref<128xi32, #tpu.memory_space<vmem>>) semaphore(%arg13 : memref<!tpu.dma_semaphore, #tpu.memory_space<semaphore_mem>>)
      %dma_wait3A_106 = arith.constant 0 : i32
      %dma_wait3A_107 = tpu.memref_slice %arg7[%add3A_96, %dma_wait3A_106] : memref<37x128xi32, #tpu.memory_space<vmem>> -> memref<1x128xi32, #tpu.memory_space<vmem>>
      %dma_wait3A_108 = tpu.memref_squeeze %dma_wait3A_107 : memref<1x128xi32, #tpu.memory_space<vmem>> -> memref<128xi32, #tpu.memory_space<vmem>>
      %dma_wait3A_109 = arith.constant 0 : i32
      %dma_wait3A_110 = arith.constant 0 : i32
      %dma_wait3A_111 = tpu.memref_slice %arg4[%dma_wait3A_109, %dma_wait3A_110] : memref<20000x128xf32, #tpu.memory_space<hbm>> -> memref<20000x128xf32, #tpu.memory_space<hbm>>
      tpu.wait_indirect_dma semaphore(%arg12 : memref<!tpu.dma_semaphore, #tpu.memory_space<semaphore_mem>>) src(%dma_wait3A_111 : memref<20000x128xf32, #tpu.memory_space<hbm>>) dst(%arg9 : memref<128x128xf32, #tpu.memory_space<vmem>>)
      "tpu.region"() ({
        %run_scoped3A_132 = tpu.sem_alloc : memref<!tpu.dma_semaphore, #tpu.memory_space<semaphore_mem>>
        %dma_start3A_133 = arith.constant 0 : i32
        %dma_start3A_134 = tpu.memref_slice %arg8[%add3A_96, %dma_start3A_133] : memref<37x128xi32, #tpu.memory_space<vmem>> -> memref<1x128xi32, #tpu.memory_space<vmem>>
        %dma_start3A_135 = tpu.memref_squeeze %dma_start3A_134 : memref<1x128xi32, #tpu.memory_space<vmem>> -> memref<128xi32, #tpu.memory_space<vmem>>
        %dma_start3A_136 = arith.constant 0 : i32
        %dma_start3A_137 = arith.constant 0 : i32
        %dma_start3A_138 = tpu.memref_slice %arg11[%dma_start3A_136, %dma_start3A_137] : memref<10112x128xf32, #tpu.memory_space<vmem_shared>> -> memref<10112x128xf32, #tpu.memory_space<vmem_shared>>
        tpu.enqueue_indirect_dma source(%arg9 : memref<128x128xf32, #tpu.memory_space<vmem>>) target(%dma_start3A_138 : memref<10112x128xf32, #tpu.memory_space<vmem_shared>>) offsets(%dma_start3A_135 : memref<128xi32, #tpu.memory_space<vmem>>) semaphore(%run_scoped3A_132 : memref<!tpu.dma_semaphore, #tpu.memory_space<semaphore_mem>>) {add = true}
        %dma_wait3A_139 = arith.constant 0 : i32
        %dma_wait3A_140 = tpu.memref_slice %arg8[%add3A_96, %dma_wait3A_139] : memref<37x128xi32, #tpu.memory_space<vmem>> -> memref<1x128xi32, #tpu.memory_space<vmem>>
        %dma_wait3A_141 = tpu.memref_squeeze %dma_wait3A_140 : memref<1x128xi32, #tpu.memory_space<vmem>> -> memref<128xi32, #tpu.memory_space<vmem>>
        %dma_wait3A_142 = arith.constant 0 : i32
        %dma_wait3A_143 = arith.constant 0 : i32
        %dma_wait3A_144 = tpu.memref_slice %arg11[%dma_wait3A_142, %dma_wait3A_143] : memref<10112x128xf32, #tpu.memory_space<vmem_shared>> -> memref<10112x128xf32, #tpu.memory_space<vmem_shared>>
        tpu.wait_indirect_dma semaphore(%run_scoped3A_132 : memref<!tpu.dma_semaphore, #tpu.memory_space<semaphore_mem>>) src(%arg9 : memref<128x128xf32, #tpu.memory_space<vmem>>) dst(%dma_wait3A_144 : memref<10112x128xf32, #tpu.memory_space<vmem_shared>>)
        tpu.yield
      }) : () -> ()
      %mul3A_112 = arith.constant 2 : i32
      %mul3A_113 = arith.muli %scan3A_92, %mul3A_112 : i32
      %add3A_114 = arith.constant 1 : i32
      %add3A_115 = arith.addi %mul3A_113, %add3A_114 : i32
      %add3A_116 = arith.constant 2 : i32
      %add3A_117 = arith.addi %add3A_115, %add3A_116 : i32
      %sub3A_118 = arith.constant 1 : i32
      %sub3A_119 = arith.subi %add3A_117, %sub3A_118 : i32
      %dma_start3A_120 = arith.constant 0 : i32
      %dma_start3A_121 = tpu.memref_slice %arg7[%sub3A_119, %dma_start3A_120] : memref<37x128xi32, #tpu.memory_space<vmem>> -> memref<1x128xi32, #tpu.memory_space<vmem>>
      %dma_start3A_122 = tpu.memref_squeeze %dma_start3A_121 : memref<1x128xi32, #tpu.memory_space<vmem>> -> memref<128xi32, #tpu.memory_space<vmem>>
      %dma_start3A_123 = arith.constant 0 : i32
      %dma_start3A_124 = arith.constant 0 : i32
      %dma_start3A_125 = tpu.memref_slice %arg4[%dma_start3A_123, %dma_start3A_124] : memref<20000x128xf32, #tpu.memory_space<hbm>> -> memref<20000x128xf32, #tpu.memory_space<hbm>>
      tpu.enqueue_indirect_dma source(%dma_start3A_125 : memref<20000x128xf32, #tpu.memory_space<hbm>>) target(%arg9 : memref<128x128xf32, #tpu.memory_space<vmem>>) offsets(%dma_start3A_122 : memref<128xi32, #tpu.memory_space<vmem>>) semaphore(%arg12 : memref<!tpu.dma_semaphore, #tpu.memory_space<semaphore_mem>>)
      %dma_wait3A_126 = arith.constant 0 : i32
      %dma_wait3A_127 = tpu.memref_slice %arg7[%add3A_115, %dma_wait3A_126] : memref<37x128xi32, #tpu.memory_space<vmem>> -> memref<1x128xi32, #tpu.memory_space<vmem>>
      %dma_wait3A_128 = tpu.memref_squeeze %dma_wait3A_127 : memref<1x128xi32, #tpu.memory_space<vmem>> -> memref<128xi32, #tpu.memory_space<vmem>>
      %dma_wait3A_129 = arith.constant 0 : i32
      %dma_wait3A_130 = arith.constant 0 : i32
      %dma_wait3A_131 = tpu.memref_slice %arg4[%dma_wait3A_129, %dma_wait3A_130] : memref<20000x128xf32, #tpu.memory_space<hbm>> -> memref<20000x128xf32, #tpu.memory_space<hbm>>
      tpu.wait_indirect_dma semaphore(%arg13 : memref<!tpu.dma_semaphore, #tpu.memory_space<semaphore_mem>>) src(%dma_wait3A_131 : memref<20000x128xf32, #tpu.memory_space<hbm>>) dst(%arg10 : memref<128x128xf32, #tpu.memory_space<vmem>>)
      "tpu.region"() ({
        %run_scoped3A_132 = tpu.sem_alloc : memref<!tpu.dma_semaphore, #tpu.memory_space<semaphore_mem>>
        %dma_start3A_133 = arith.constant 0 : i32
        %dma_start3A_134 = tpu.memref_slice %arg8[%add3A_115, %dma_start3A_133] : memref<37x128xi32, #tpu.memory_space<vmem>> -> memref<1x128xi32, #tpu.memory_space<vmem>>
        %dma_start3A_135 = tpu.memref_squeeze %dma_start3A_134 : memref<1x128xi32, #tpu.memory_space<vmem>> -> memref<128xi32, #tpu.memory_space<vmem>>
        %dma_start3A_136 = arith.constant 0 : i32
        %dma_start3A_137 = arith.constant 0 : i32
        %dma_start3A_138 = tpu.memref_slice %arg11[%dma_start3A_136, %dma_start3A_137] : memref<10112x128xf32, #tpu.memory_space<vmem_shared>> -> memref<10112x128xf32, #tpu.memory_space<vmem_shared>>
        tpu.enqueue_indirect_dma source(%arg10 : memref<128x128xf32, #tpu.memory_space<vmem>>) target(%dma_start3A_138 : memref<10112x128xf32, #tpu.memory_space<vmem_shared>>) offsets(%dma_start3A_135 : memref<128xi32, #tpu.memory_space<vmem>>) semaphore(%run_scoped3A_132 : memref<!tpu.dma_semaphore, #tpu.memory_space<semaphore_mem>>) {add = true}
        %dma_wait3A_139 = arith.constant 0 : i32
        %dma_wait3A_140 = tpu.memref_slice %arg8[%add3A_115, %dma_wait3A_139] : memref<37x128xi32, #tpu.memory_space<vmem>> -> memref<1x128xi32, #tpu.memory_space<vmem>>
        %dma_wait3A_141 = tpu.memref_squeeze %dma_wait3A_140 : memref<1x128xi32, #tpu.memory_space<vmem>> -> memref<128xi32, #tpu.memory_space<vmem>>
        %dma_wait3A_142 = arith.constant 0 : i32
        %dma_wait3A_143 = arith.constant 0 : i32
        %dma_wait3A_144 = tpu.memref_slice %arg11[%dma_wait3A_142, %dma_wait3A_143] : memref<10112x128xf32, #tpu.memory_space<vmem_shared>> -> memref<10112x128xf32, #tpu.memory_space<vmem_shared>>
        tpu.wait_indirect_dma semaphore(%run_scoped3A_132 : memref<!tpu.dma_semaphore, #tpu.memory_space<semaphore_mem>>) src(%arg10 : memref<128x128xf32, #tpu.memory_space<vmem>>) dst(%dma_wait3A_144 : memref<10112x128xf32, #tpu.memory_space<vmem_shared>>)
        tpu.yield
      }) : () -> ()
    }
    %scan3A_12 = arith.constant 18 : i32
    %dma_wait3A = arith.constant 36 : i32
    %dma_wait3A_13 = arith.constant 0 : i32
    %dma_wait3A_14 = tpu.memref_slice %arg7[%dma_wait3A, %dma_wait3A_13] : memref<37x128xi32, #tpu.memory_space<vmem>> -> memref<1x128xi32, #tpu.memory_space<vmem>>
    %dma_wait3A_15 = tpu.memref_squeeze %dma_wait3A_14 : memref<1x128xi32, #tpu.memory_space<vmem>> -> memref<128xi32, #tpu.memory_space<vmem>>
    %dma_wait3A_16 = arith.constant 0 : i32
    %dma_wait3A_17 = arith.constant 0 : i32
    %dma_wait3A_18 = tpu.memref_slice %arg4[%dma_wait3A_16, %dma_wait3A_17] : memref<20000x128xf32, #tpu.memory_space<hbm>> -> memref<20000x128xf32, #tpu.memory_space<hbm>>
    tpu.wait_indirect_dma semaphore(%arg12 : memref<!tpu.dma_semaphore, #tpu.memory_space<semaphore_mem>>) src(%dma_wait3A_18 : memref<20000x128xf32, #tpu.memory_space<hbm>>) dst(%arg9 : memref<128x128xf32, #tpu.memory_space<vmem>>)
    %run_scoped3A_19 = arith.constant 36 : i32
    "tpu.region"() ({
      %run_scoped3A_92 = tpu.sem_alloc : memref<!tpu.dma_semaphore, #tpu.memory_space<semaphore_mem>>
      %dma_start3A_93 = arith.constant 0 : i32
      %dma_start3A_94 = tpu.memref_slice %arg8[%run_scoped3A_19, %dma_start3A_93] : memref<37x128xi32, #tpu.memory_space<vmem>> -> memref<1x128xi32, #tpu.memory_space<vmem>>
      %dma_start3A_95 = tpu.memref_squeeze %dma_start3A_94 : memref<1x128xi32, #tpu.memory_space<vmem>> -> memref<128xi32, #tpu.memory_space<vmem>>
      %dma_start3A_96 = arith.constant 0 : i32
      %dma_start3A_97 = arith.constant 0 : i32
      %dma_start3A_98 = tpu.memref_slice %arg11[%dma_start3A_96, %dma_start3A_97] : memref<10112x128xf32, #tpu.memory_space<vmem_shared>> -> memref<10112x128xf32, #tpu.memory_space<vmem_shared>>
      tpu.enqueue_indirect_dma source(%arg9 : memref<128x128xf32, #tpu.memory_space<vmem>>) target(%dma_start3A_98 : memref<10112x128xf32, #tpu.memory_space<vmem_shared>>) offsets(%dma_start3A_95 : memref<128xi32, #tpu.memory_space<vmem>>) semaphore(%run_scoped3A_92 : memref<!tpu.dma_semaphore, #tpu.memory_space<semaphore_mem>>) {add = true}
      %dma_wait3A_99 = arith.constant 0 : i32
      %dma_wait3A_100 = tpu.memref_slice %arg8[%run_scoped3A_19, %dma_wait3A_99] : memref<37x128xi32, #tpu.memory_space<vmem>> -> memref<1x128xi32, #tpu.memory_space<vmem>>
      %dma_wait3A_101 = tpu.memref_squeeze %dma_wait3A_100 : memref<1x128xi32, #tpu.memory_space<vmem>> -> memref<128xi32, #tpu.memory_space<vmem>>
      %dma_wait3A_102 = arith.constant 0 : i32
      %dma_wait3A_103 = arith.constant 0 : i32
      %dma_wait3A_104 = tpu.memref_slice %arg11[%dma_wait3A_102, %dma_wait3A_103] : memref<10112x128xf32, #tpu.memory_space<vmem_shared>> -> memref<10112x128xf32, #tpu.memory_space<vmem_shared>>
      tpu.wait_indirect_dma semaphore(%run_scoped3A_92 : memref<!tpu.dma_semaphore, #tpu.memory_space<semaphore_mem>>) src(%arg9 : memref<128x128xf32, #tpu.memory_space<vmem>>) dst(%dma_wait3A_104 : memref<10112x128xf32, #tpu.memory_space<vmem_shared>>)
      tpu.yield
    }) : () -> ()
    %run_scoped3A_20 = arith.constant 1 : i32
    "tpu.region"() ({
      %run_scoped3A_92 = tpu.sem_alloc : memref<!tpu.dma_semaphore, #tpu.memory_space<semaphore_mem>>
      %dma_start3A_93 = arith.constant 0 : i32
      %dma_start3A_94 = arith.constant 0 : i32
      %dma_start3A_95 = tpu.memref_slice %arg2[%arg0, %arg1, %run_scoped3A_20, %dma_start3A_93, %dma_start3A_94] : memref<2x16x4x37x128xi32, #tpu.memory_space<hbm>> -> memref<1x1x1x37x128xi32, #tpu.memory_space<hbm>>
      %dma_start3A_96 = tpu.memref_squeeze %dma_start3A_95 : memref<1x1x1x37x128xi32, #tpu.memory_space<hbm>> -> memref<37x128xi32, #tpu.memory_space<hbm>>
      %dma_start3A_97 = arith.constant 0 : i32
      %dma_start3A_98 = arith.constant 0 : i32
      %dma_start3A_99 = tpu.memref_slice %arg2[%arg0, %arg1, %run_scoped3A_20, %dma_start3A_97, %dma_start3A_98] : memref<2x16x4x37x128xi32, #tpu.memory_space<hbm>> -> memref<1x1x1x37x128xi32, #tpu.memory_space<hbm>>
      %dma_start3A_100 = tpu.memref_squeeze %dma_start3A_99 : memref<1x1x1x37x128xi32, #tpu.memory_space<hbm>> -> memref<37x128xi32, #tpu.memory_space<hbm>>
      tpu.enqueue_dma source(%dma_start3A_100 : memref<37x128xi32, #tpu.memory_space<hbm>>) target(%arg7 : memref<37x128xi32, #tpu.memory_space<vmem>>) target_semaphore(%run_scoped3A_92 : memref<!tpu.dma_semaphore, #tpu.memory_space<semaphore_mem>>)
      %dma_wait3A_101 = arith.constant 0 : i32
      %dma_wait3A_102 = arith.constant 0 : i32
      %dma_wait3A_103 = tpu.memref_slice %arg2[%arg0, %arg1, %run_scoped3A_20, %dma_wait3A_101, %dma_wait3A_102] : memref<2x16x4x37x128xi32, #tpu.memory_space<hbm>> -> memref<1x1x1x37x128xi32, #tpu.memory_space<hbm>>
      %dma_wait3A_104 = tpu.memref_squeeze %dma_wait3A_103 : memref<1x1x1x37x128xi32, #tpu.memory_space<hbm>> -> memref<37x128xi32, #tpu.memory_space<hbm>>
      %dma_wait3A_105 = arith.constant 0 : i32
      %dma_wait3A_106 = arith.constant 0 : i32
      %dma_wait3A_107 = tpu.memref_slice %arg2[%arg0, %arg1, %run_scoped3A_20, %dma_wait3A_105, %dma_wait3A_106] : memref<2x16x4x37x128xi32, #tpu.memory_space<hbm>> -> memref<1x1x1x37x128xi32, #tpu.memory_space<hbm>>
      %dma_wait3A_108 = tpu.memref_squeeze %dma_wait3A_107 : memref<1x1x1x37x128xi32, #tpu.memory_space<hbm>> -> memref<37x128xi32, #tpu.memory_space<hbm>>
      tpu.wait_dma2 semaphore(%run_scoped3A_92 : memref<!tpu.dma_semaphore, #tpu.memory_space<semaphore_mem>>) src(%dma_wait3A_108 : memref<37x128xi32, #tpu.memory_space<hbm>>) dst(%arg7 : memref<37x128xi32, #tpu.memory_space<vmem>>)
      tpu.yield
    }) : () -> ()
    %run_scoped3A_21 = arith.constant 1 : i32
    "tpu.region"() ({
      %run_scoped3A_92 = tpu.sem_alloc : memref<!tpu.dma_semaphore, #tpu.memory_space<semaphore_mem>>
      %dma_start3A_93 = arith.constant 0 : i32
      %dma_start3A_94 = arith.constant 0 : i32
      %dma_start3A_95 = tpu.memref_slice %arg3[%arg0, %arg1, %run_scoped3A_21, %dma_start3A_93, %dma_start3A_94] : memref<2x16x4x37x128xi32, #tpu.memory_space<hbm>> -> memref<1x1x1x37x128xi32, #tpu.memory_space<hbm>>
      %dma_start3A_96 = tpu.memref_squeeze %dma_start3A_95 : memref<1x1x1x37x128xi32, #tpu.memory_space<hbm>> -> memref<37x128xi32, #tpu.memory_space<hbm>>
      %dma_start3A_97 = arith.constant 0 : i32
      %dma_start3A_98 = arith.constant 0 : i32
      %dma_start3A_99 = tpu.memref_slice %arg3[%arg0, %arg1, %run_scoped3A_21, %dma_start3A_97, %dma_start3A_98] : memref<2x16x4x37x128xi32, #tpu.memory_space<hbm>> -> memref<1x1x1x37x128xi32, #tpu.memory_space<hbm>>
      %dma_start3A_100 = tpu.memref_squeeze %dma_start3A_99 : memref<1x1x1x37x128xi32, #tpu.memory_space<hbm>> -> memref<37x128xi32, #tpu.memory_space<hbm>>
      tpu.enqueue_dma source(%dma_start3A_100 : memref<37x128xi32, #tpu.memory_space<hbm>>) target(%arg8 : memref<37x128xi32, #tpu.memory_space<vmem>>) target_semaphore(%run_scoped3A_92 : memref<!tpu.dma_semaphore, #tpu.memory_space<semaphore_mem>>)
      %dma_wait3A_101 = arith.constant 0 : i32
      %dma_wait3A_102 = arith.constant 0 : i32
      %dma_wait3A_103 = tpu.memref_slice %arg3[%arg0, %arg1, %run_scoped3A_21, %dma_wait3A_101, %dma_wait3A_102] : memref<2x16x4x37x128xi32, #tpu.memory_space<hbm>> -> memref<1x1x1x37x128xi32, #tpu.memory_space<hbm>>
      %dma_wait3A_104 = tpu.memref_squeeze %dma_wait3A_103 : memref<1x1x1x37x128xi32, #tpu.memory_space<hbm>> -> memref<37x128xi32, #tpu.memory_space<hbm>>
      %dma_wait3A_105 = arith.constant 0 : i32
      %dma_wait3A_106 = arith.constant 0 : i32
      %dma_wait3A_107 = tpu.memref_slice %arg3[%arg0, %arg1, %run_scoped3A_21, %dma_wait3A_105, %dma_wait3A_106] : memref<2x16x4x37x128xi32, #tpu.memory_space<hbm>> -> memref<1x1x1x37x128xi32, #tpu.memory_space<hbm>>
      %dma_wait3A_108 = tpu.memref_squeeze %dma_wait3A_107 : memref<1x1x1x37x128xi32, #tpu.memory_space<hbm>> -> memref<37x128xi32, #tpu.memory_space<hbm>>
      tpu.wait_dma2 semaphore(%run_scoped3A_92 : memref<!tpu.dma_semaphore, #tpu.memory_space<semaphore_mem>>) src(%dma_wait3A_108 : memref<37x128xi32, #tpu.memory_space<hbm>>) dst(%arg8 : memref<37x128xi32, #tpu.memory_space<vmem>>)
      tpu.yield
    }) : () -> ()
    %dma_start3A_22 = arith.constant 0 : i32
    %dma_start3A_23 = arith.constant 0 : i32
    %dma_start3A_24 = tpu.memref_slice %arg7[%dma_start3A_22, %dma_start3A_23] : memref<37x128xi32, #tpu.memory_space<vmem>> -> memref<1x128xi32, #tpu.memory_space<vmem>>
    %dma_start3A_25 = tpu.memref_squeeze %dma_start3A_24 : memref<1x128xi32, #tpu.memory_space<vmem>> -> memref<128xi32, #tpu.memory_space<vmem>>
    %dma_start3A_26 = arith.constant 0 : i32
    %dma_start3A_27 = arith.constant 0 : i32
    %dma_start3A_28 = tpu.memref_slice %arg4[%dma_start3A_26, %dma_start3A_27] : memref<20000x128xf32, #tpu.memory_space<hbm>> -> memref<20000x128xf32, #tpu.memory_space<hbm>>
    tpu.enqueue_indirect_dma source(%dma_start3A_28 : memref<20000x128xf32, #tpu.memory_space<hbm>>) target(%arg9 : memref<128x128xf32, #tpu.memory_space<vmem>>) offsets(%dma_start3A_25 : memref<128xi32, #tpu.memory_space<vmem>>) semaphore(%arg12 : memref<!tpu.dma_semaphore, #tpu.memory_space<semaphore_mem>>)
    %scan3A_29 = arith.constant 0 : i32
    %scan3A_30 = arith.constant 0 : i32
    %scan3A_31 = arith.constant 18 : i32
    %scan3A_32 = arith.addi %scan3A_30, %scan3A_31 : i32
    %scan3A_33 = arith.constant 1 : i32
    scf.for %scan3A_92 = %scan3A_30 to %scan3A_32 step %scan3A_33  : i32 {
      %mul3A_93 = arith.constant 2 : i32
      %mul3A_94 = arith.muli %scan3A_92, %mul3A_93 : i32
      %add3A_95 = arith.constant 0 : i32
      %add3A_96 = arith.addi %mul3A_94, %add3A_95 : i32
      %add3A_97 = arith.constant 2 : i32
      %add3A_98 = arith.addi %add3A_96, %add3A_97 : i32
      %sub3A = arith.constant 1 : i32
      %sub3A_99 = arith.subi %add3A_98, %sub3A : i32
      %dma_start3A_100 = arith.constant 0 : i32
      %dma_start3A_101 = tpu.memref_slice %arg7[%sub3A_99, %dma_start3A_100] : memref<37x128xi32, #tpu.memory_space<vmem>> -> memref<1x128xi32, #tpu.memory_space<vmem>>
      %dma_start3A_102 = tpu.memref_squeeze %dma_start3A_101 : memref<1x128xi32, #tpu.memory_space<vmem>> -> memref<128xi32, #tpu.memory_space<vmem>>
      %dma_start3A_103 = arith.constant 0 : i32
      %dma_start3A_104 = arith.constant 0 : i32
      %dma_start3A_105 = tpu.memref_slice %arg4[%dma_start3A_103, %dma_start3A_104] : memref<20000x128xf32, #tpu.memory_space<hbm>> -> memref<20000x128xf32, #tpu.memory_space<hbm>>
      tpu.enqueue_indirect_dma source(%dma_start3A_105 : memref<20000x128xf32, #tpu.memory_space<hbm>>) target(%arg10 : memref<128x128xf32, #tpu.memory_space<vmem>>) offsets(%dma_start3A_102 : memref<128xi32, #tpu.memory_space<vmem>>) semaphore(%arg13 : memref<!tpu.dma_semaphore, #tpu.memory_space<semaphore_mem>>)
      %dma_wait3A_106 = arith.constant 0 : i32
      %dma_wait3A_107 = tpu.memref_slice %arg7[%add3A_96, %dma_wait3A_106] : memref<37x128xi32, #tpu.memory_space<vmem>> -> memref<1x128xi32, #tpu.memory_space<vmem>>
      %dma_wait3A_108 = tpu.memref_squeeze %dma_wait3A_107 : memref<1x128xi32, #tpu.memory_space<vmem>> -> memref<128xi32, #tpu.memory_space<vmem>>
      %dma_wait3A_109 = arith.constant 0 : i32
      %dma_wait3A_110 = arith.constant 0 : i32
      %dma_wait3A_111 = tpu.memref_slice %arg4[%dma_wait3A_109, %dma_wait3A_110] : memref<20000x128xf32, #tpu.memory_space<hbm>> -> memref<20000x128xf32, #tpu.memory_space<hbm>>
      tpu.wait_indirect_dma semaphore(%arg12 : memref<!tpu.dma_semaphore, #tpu.memory_space<semaphore_mem>>) src(%dma_wait3A_111 : memref<20000x128xf32, #tpu.memory_space<hbm>>) dst(%arg9 : memref<128x128xf32, #tpu.memory_space<vmem>>)
      "tpu.region"() ({
        %run_scoped3A_132 = tpu.sem_alloc : memref<!tpu.dma_semaphore, #tpu.memory_space<semaphore_mem>>
        %dma_start3A_133 = arith.constant 0 : i32
        %dma_start3A_134 = tpu.memref_slice %arg8[%add3A_96, %dma_start3A_133] : memref<37x128xi32, #tpu.memory_space<vmem>> -> memref<1x128xi32, #tpu.memory_space<vmem>>
        %dma_start3A_135 = tpu.memref_squeeze %dma_start3A_134 : memref<1x128xi32, #tpu.memory_space<vmem>> -> memref<128xi32, #tpu.memory_space<vmem>>
        %dma_start3A_136 = arith.constant 0 : i32
        %dma_start3A_137 = arith.constant 0 : i32
        %dma_start3A_138 = tpu.memref_slice %arg11[%dma_start3A_136, %dma_start3A_137] : memref<10112x128xf32, #tpu.memory_space<vmem_shared>> -> memref<10112x128xf32, #tpu.memory_space<vmem_shared>>
        tpu.enqueue_indirect_dma source(%arg9 : memref<128x128xf32, #tpu.memory_space<vmem>>) target(%dma_start3A_138 : memref<10112x128xf32, #tpu.memory_space<vmem_shared>>) offsets(%dma_start3A_135 : memref<128xi32, #tpu.memory_space<vmem>>) semaphore(%run_scoped3A_132 : memref<!tpu.dma_semaphore, #tpu.memory_space<semaphore_mem>>) {add = true}
        %dma_wait3A_139 = arith.constant 0 : i32
        %dma_wait3A_140 = tpu.memref_slice %arg8[%add3A_96, %dma_wait3A_139] : memref<37x128xi32, #tpu.memory_space<vmem>> -> memref<1x128xi32, #tpu.memory_space<vmem>>
        %dma_wait3A_141 = tpu.memref_squeeze %dma_wait3A_140 : memref<1x128xi32, #tpu.memory_space<vmem>> -> memref<128xi32, #tpu.memory_space<vmem>>
        %dma_wait3A_142 = arith.constant 0 : i32
        %dma_wait3A_143 = arith.constant 0 : i32
        %dma_wait3A_144 = tpu.memref_slice %arg11[%dma_wait3A_142, %dma_wait3A_143] : memref<10112x128xf32, #tpu.memory_space<vmem_shared>> -> memref<10112x128xf32, #tpu.memory_space<vmem_shared>>
        tpu.wait_indirect_dma semaphore(%run_scoped3A_132 : memref<!tpu.dma_semaphore, #tpu.memory_space<semaphore_mem>>) src(%arg9 : memref<128x128xf32, #tpu.memory_space<vmem>>) dst(%dma_wait3A_144 : memref<10112x128xf32, #tpu.memory_space<vmem_shared>>)
        tpu.yield
      }) : () -> ()
      %mul3A_112 = arith.constant 2 : i32
      %mul3A_113 = arith.muli %scan3A_92, %mul3A_112 : i32
      %add3A_114 = arith.constant 1 : i32
      %add3A_115 = arith.addi %mul3A_113, %add3A_114 : i32
      %add3A_116 = arith.constant 2 : i32
      %add3A_117 = arith.addi %add3A_115, %add3A_116 : i32
      %sub3A_118 = arith.constant 1 : i32
      %sub3A_119 = arith.subi %add3A_117, %sub3A_118 : i32
      %dma_start3A_120 = arith.constant 0 : i32
      %dma_start3A_121 = tpu.memref_slice %arg7[%sub3A_119, %dma_start3A_120] : memref<37x128xi32, #tpu.memory_space<vmem>> -> memref<1x128xi32, #tpu.memory_space<vmem>>
      %dma_start3A_122 = tpu.memref_squeeze %dma_start3A_121 : memref<1x128xi32, #tpu.memory_space<vmem>> -> memref<128xi32, #tpu.memory_space<vmem>>
      %dma_start3A_123 = arith.constant 0 : i32
      %dma_start3A_124 = arith.constant 0 : i32
      %dma_start3A_125 = tpu.memref_slice %arg4[%dma_start3A_123, %dma_start3A_124] : memref<20000x128xf32, #tpu.memory_space<hbm>> -> memref<20000x128xf32, #tpu.memory_space<hbm>>
      tpu.enqueue_indirect_dma source(%dma_start3A_125 : memref<20000x128xf32, #tpu.memory_space<hbm>>) target(%arg9 : memref<128x128xf32, #tpu.memory_space<vmem>>) offsets(%dma_start3A_122 : memref<128xi32, #tpu.memory_space<vmem>>) semaphore(%arg12 : memref<!tpu.dma_semaphore, #tpu.memory_space<semaphore_mem>>)
      %dma_wait3A_126 = arith.constant 0 : i32
      %dma_wait3A_127 = tpu.memref_slice %arg7[%add3A_115, %dma_wait3A_126] : memref<37x128xi32, #tpu.memory_space<vmem>> -> memref<1x128xi32, #tpu.memory_space<vmem>>
      %dma_wait3A_128 = tpu.memref_squeeze %dma_wait3A_127 : memref<1x128xi32, #tpu.memory_space<vmem>> -> memref<128xi32, #tpu.memory_space<vmem>>
      %dma_wait3A_129 = arith.constant 0 : i32
      %dma_wait3A_130 = arith.constant 0 : i32
      %dma_wait3A_131 = tpu.memref_slice %arg4[%dma_wait3A_129, %dma_wait3A_130] : memref<20000x128xf32, #tpu.memory_space<hbm>> -> memref<20000x128xf32, #tpu.memory_space<hbm>>
      tpu.wait_indirect_dma semaphore(%arg13 : memref<!tpu.dma_semaphore, #tpu.memory_space<semaphore_mem>>) src(%dma_wait3A_131 : memref<20000x128xf32, #tpu.memory_space<hbm>>) dst(%arg10 : memref<128x128xf32, #tpu.memory_space<vmem>>)
      "tpu.region"() ({
        %run_scoped3A_132 = tpu.sem_alloc : memref<!tpu.dma_semaphore, #tpu.memory_space<semaphore_mem>>
        %dma_start3A_133 = arith.constant 0 : i32
        %dma_start3A_134 = tpu.memref_slice %arg8[%add3A_115, %dma_start3A_133] : memref<37x128xi32, #tpu.memory_space<vmem>> -> memref<1x128xi32, #tpu.memory_space<vmem>>
        %dma_start3A_135 = tpu.memref_squeeze %dma_start3A_134 : memref<1x128xi32, #tpu.memory_space<vmem>> -> memref<128xi32, #tpu.memory_space<vmem>>
        %dma_start3A_136 = arith.constant 0 : i32
        %dma_start3A_137 = arith.constant 0 : i32
        %dma_start3A_138 = tpu.memref_slice %arg11[%dma_start3A_136, %dma_start3A_137] : memref<10112x128xf32, #tpu.memory_space<vmem_shared>> -> memref<10112x128xf32, #tpu.memory_space<vmem_shared>>
        tpu.enqueue_indirect_dma source(%arg10 : memref<128x128xf32, #tpu.memory_space<vmem>>) target(%dma_start3A_138 : memref<10112x128xf32, #tpu.memory_space<vmem_shared>>) offsets(%dma_start3A_135 : memref<128xi32, #tpu.memory_space<vmem>>) semaphore(%run_scoped3A_132 : memref<!tpu.dma_semaphore, #tpu.memory_space<semaphore_mem>>) {add = true}
        %dma_wait3A_139 = arith.constant 0 : i32
        %dma_wait3A_140 = tpu.memref_slice %arg8[%add3A_115, %dma_wait3A_139] : memref<37x128xi32, #tpu.memory_space<vmem>> -> memref<1x128xi32, #tpu.memory_space<vmem>>
        %dma_wait3A_141 = tpu.memref_squeeze %dma_wait3A_140 : memref<1x128xi32, #tpu.memory_space<vmem>> -> memref<128xi32, #tpu.memory_space<vmem>>
        %dma_wait3A_142 = arith.constant 0 : i32
        %dma_wait3A_143 = arith.constant 0 : i32
        %dma_wait3A_144 = tpu.memref_slice %arg11[%dma_wait3A_142, %dma_wait3A_143] : memref<10112x128xf32, #tpu.memory_space<vmem_shared>> -> memref<10112x128xf32, #tpu.memory_space<vmem_shared>>
        tpu.wait_indirect_dma semaphore(%run_scoped3A_132 : memref<!tpu.dma_semaphore, #tpu.memory_space<semaphore_mem>>) src(%arg10 : memref<128x128xf32, #tpu.memory_space<vmem>>) dst(%dma_wait3A_144 : memref<10112x128xf32, #tpu.memory_space<vmem_shared>>)
        tpu.yield
      }) : () -> ()
    }
    %scan3A_34 = arith.constant 18 : i32
    %dma_wait3A_35 = arith.constant 36 : i32
    %dma_wait3A_36 = arith.constant 0 : i32
    %dma_wait3A_37 = tpu.memref_slice %arg7[%dma_wait3A_35, %dma_wait3A_36] : memref<37x128xi32, #tpu.memory_space<vmem>> -> memref<1x128xi32, #tpu.memory_space<vmem>>
    %dma_wait3A_38 = tpu.memref_squeeze %dma_wait3A_37 : memref<1x128xi32, #tpu.memory_space<vmem>> -> memref<128xi32, #tpu.memory_space<vmem>>
    %dma_wait3A_39 = arith.constant 0 : i32
    %dma_wait3A_40 = arith.constant 0 : i32
    %dma_wait3A_41 = tpu.memref_slice %arg4[%dma_wait3A_39, %dma_wait3A_40] : memref<20000x128xf32, #tpu.memory_space<hbm>> -> memref<20000x128xf32, #tpu.memory_space<hbm>>
    tpu.wait_indirect_dma semaphore(%arg12 : memref<!tpu.dma_semaphore, #tpu.memory_space<semaphore_mem>>) src(%dma_wait3A_41 : memref<20000x128xf32, #tpu.memory_space<hbm>>) dst(%arg9 : memref<128x128xf32, #tpu.memory_space<vmem>>)
    %run_scoped3A_42 = arith.constant 36 : i32
    "tpu.region"() ({
      %run_scoped3A_92 = tpu.sem_alloc : memref<!tpu.dma_semaphore, #tpu.memory_space<semaphore_mem>>
      %dma_start3A_93 = arith.constant 0 : i32
      %dma_start3A_94 = tpu.memref_slice %arg8[%run_scoped3A_42, %dma_start3A_93] : memref<37x128xi32, #tpu.memory_space<vmem>> -> memref<1x128xi32, #tpu.memory_space<vmem>>
      %dma_start3A_95 = tpu.memref_squeeze %dma_start3A_94 : memref<1x128xi32, #tpu.memory_space<vmem>> -> memref<128xi32, #tpu.memory_space<vmem>>
      %dma_start3A_96 = arith.constant 0 : i32
      %dma_start3A_97 = arith.constant 0 : i32
      %dma_start3A_98 = tpu.memref_slice %arg11[%dma_start3A_96, %dma_start3A_97] : memref<10112x128xf32, #tpu.memory_space<vmem_shared>> -> memref<10112x128xf32, #tpu.memory_space<vmem_shared>>
      tpu.enqueue_indirect_dma source(%arg9 : memref<128x128xf32, #tpu.memory_space<vmem>>) target(%dma_start3A_98 : memref<10112x128xf32, #tpu.memory_space<vmem_shared>>) offsets(%dma_start3A_95 : memref<128xi32, #tpu.memory_space<vmem>>) semaphore(%run_scoped3A_92 : memref<!tpu.dma_semaphore, #tpu.memory_space<semaphore_mem>>) {add = true}
      %dma_wait3A_99 = arith.constant 0 : i32
      %dma_wait3A_100 = tpu.memref_slice %arg8[%run_scoped3A_42, %dma_wait3A_99] : memref<37x128xi32, #tpu.memory_space<vmem>> -> memref<1x128xi32, #tpu.memory_space<vmem>>
      %dma_wait3A_101 = tpu.memref_squeeze %dma_wait3A_100 : memref<1x128xi32, #tpu.memory_space<vmem>> -> memref<128xi32, #tpu.memory_space<vmem>>
      %dma_wait3A_102 = arith.constant 0 : i32
      %dma_wait3A_103 = arith.constant 0 : i32
      %dma_wait3A_104 = tpu.memref_slice %arg11[%dma_wait3A_102, %dma_wait3A_103] : memref<10112x128xf32, #tpu.memory_space<vmem_shared>> -> memref<10112x128xf32, #tpu.memory_space<vmem_shared>>
      tpu.wait_indirect_dma semaphore(%run_scoped3A_92 : memref<!tpu.dma_semaphore, #tpu.memory_space<semaphore_mem>>) src(%arg9 : memref<128x128xf32, #tpu.memory_space<vmem>>) dst(%dma_wait3A_104 : memref<10112x128xf32, #tpu.memory_space<vmem_shared>>)
      tpu.yield
    }) : () -> ()
    %run_scoped3A_43 = arith.constant 2 : i32
    "tpu.region"() ({
      %run_scoped3A_92 = tpu.sem_alloc : memref<!tpu.dma_semaphore, #tpu.memory_space<semaphore_mem>>
      %dma_start3A_93 = arith.constant 0 : i32
      %dma_start3A_94 = arith.constant 0 : i32
      %dma_start3A_95 = tpu.memref_slice %arg2[%arg0, %arg1, %run_scoped3A_43, %dma_start3A_93, %dma_start3A_94] : memref<2x16x4x37x128xi32, #tpu.memory_space<hbm>> -> memref<1x1x1x37x128xi32, #tpu.memory_space<hbm>>
      %dma_start3A_96 = tpu.memref_squeeze %dma_start3A_95 : memref<1x1x1x37x128xi32, #tpu.memory_space<hbm>> -> memref<37x128xi32, #tpu.memory_space<hbm>>
      %dma_start3A_97 = arith.constant 0 : i32
      %dma_start3A_98 = arith.constant 0 : i32
      %dma_start3A_99 = tpu.memref_slice %arg2[%arg0, %arg1, %run_scoped3A_43, %dma_start3A_97, %dma_start3A_98] : memref<2x16x4x37x128xi32, #tpu.memory_space<hbm>> -> memref<1x1x1x37x128xi32, #tpu.memory_space<hbm>>
      %dma_start3A_100 = tpu.memref_squeeze %dma_start3A_99 : memref<1x1x1x37x128xi32, #tpu.memory_space<hbm>> -> memref<37x128xi32, #tpu.memory_space<hbm>>
      tpu.enqueue_dma source(%dma_start3A_100 : memref<37x128xi32, #tpu.memory_space<hbm>>) target(%arg7 : memref<37x128xi32, #tpu.memory_space<vmem>>) target_semaphore(%run_scoped3A_92 : memref<!tpu.dma_semaphore, #tpu.memory_space<semaphore_mem>>)
      %dma_wait3A_101 = arith.constant 0 : i32
      %dma_wait3A_102 = arith.constant 0 : i32
      %dma_wait3A_103 = tpu.memref_slice %arg2[%arg0, %arg1, %run_scoped3A_43, %dma_wait3A_101, %dma_wait3A_102] : memref<2x16x4x37x128xi32, #tpu.memory_space<hbm>> -> memref<1x1x1x37x128xi32, #tpu.memory_space<hbm>>
      %dma_wait3A_104 = tpu.memref_squeeze %dma_wait3A_103 : memref<1x1x1x37x128xi32, #tpu.memory_space<hbm>> -> memref<37x128xi32, #tpu.memory_space<hbm>>
      %dma_wait3A_105 = arith.constant 0 : i32
      %dma_wait3A_106 = arith.constant 0 : i32
      %dma_wait3A_107 = tpu.memref_slice %arg2[%arg0, %arg1, %run_scoped3A_43, %dma_wait3A_105, %dma_wait3A_106] : memref<2x16x4x37x128xi32, #tpu.memory_space<hbm>> -> memref<1x1x1x37x128xi32, #tpu.memory_space<hbm>>
      %dma_wait3A_108 = tpu.memref_squeeze %dma_wait3A_107 : memref<1x1x1x37x128xi32, #tpu.memory_space<hbm>> -> memref<37x128xi32, #tpu.memory_space<hbm>>
      tpu.wait_dma2 semaphore(%run_scoped3A_92 : memref<!tpu.dma_semaphore, #tpu.memory_space<semaphore_mem>>) src(%dma_wait3A_108 : memref<37x128xi32, #tpu.memory_space<hbm>>) dst(%arg7 : memref<37x128xi32, #tpu.memory_space<vmem>>)
      tpu.yield
    }) : () -> ()
    %run_scoped3A_44 = arith.constant 2 : i32
    "tpu.region"() ({
      %run_scoped3A_92 = tpu.sem_alloc : memref<!tpu.dma_semaphore, #tpu.memory_space<semaphore_mem>>
      %dma_start3A_93 = arith.constant 0 : i32
      %dma_start3A_94 = arith.constant 0 : i32
      %dma_start3A_95 = tpu.memref_slice %arg3[%arg0, %arg1, %run_scoped3A_44, %dma_start3A_93, %dma_start3A_94] : memref<2x16x4x37x128xi32, #tpu.memory_space<hbm>> -> memref<1x1x1x37x128xi32, #tpu.memory_space<hbm>>
      %dma_start3A_96 = tpu.memref_squeeze %dma_start3A_95 : memref<1x1x1x37x128xi32, #tpu.memory_space<hbm>> -> memref<37x128xi32, #tpu.memory_space<hbm>>
      %dma_start3A_97 = arith.constant 0 : i32
      %dma_start3A_98 = arith.constant 0 : i32
      %dma_start3A_99 = tpu.memref_slice %arg3[%arg0, %arg1, %run_scoped3A_44, %dma_start3A_97, %dma_start3A_98] : memref<2x16x4x37x128xi32, #tpu.memory_space<hbm>> -> memref<1x1x1x37x128xi32, #tpu.memory_space<hbm>>
      %dma_start3A_100 = tpu.memref_squeeze %dma_start3A_99 : memref<1x1x1x37x128xi32, #tpu.memory_space<hbm>> -> memref<37x128xi32, #tpu.memory_space<hbm>>
      tpu.enqueue_dma source(%dma_start3A_100 : memref<37x128xi32, #tpu.memory_space<hbm>>) target(%arg8 : memref<37x128xi32, #tpu.memory_space<vmem>>) target_semaphore(%run_scoped3A_92 : memref<!tpu.dma_semaphore, #tpu.memory_space<semaphore_mem>>)
      %dma_wait3A_101 = arith.constant 0 : i32
      %dma_wait3A_102 = arith.constant 0 : i32
      %dma_wait3A_103 = tpu.memref_slice %arg3[%arg0, %arg1, %run_scoped3A_44, %dma_wait3A_101, %dma_wait3A_102] : memref<2x16x4x37x128xi32, #tpu.memory_space<hbm>> -> memref<1x1x1x37x128xi32, #tpu.memory_space<hbm>>
      %dma_wait3A_104 = tpu.memref_squeeze %dma_wait3A_103 : memref<1x1x1x37x128xi32, #tpu.memory_space<hbm>> -> memref<37x128xi32, #tpu.memory_space<hbm>>
      %dma_wait3A_105 = arith.constant 0 : i32
      %dma_wait3A_106 = arith.constant 0 : i32
      %dma_wait3A_107 = tpu.memref_slice %arg3[%arg0, %arg1, %run_scoped3A_44, %dma_wait3A_105, %dma_wait3A_106] : memref<2x16x4x37x128xi32, #tpu.memory_space<hbm>> -> memref<1x1x1x37x128xi32, #tpu.memory_space<hbm>>
      %dma_wait3A_108 = tpu.memref_squeeze %dma_wait3A_107 : memref<1x1x1x37x128xi32, #tpu.memory_space<hbm>> -> memref<37x128xi32, #tpu.memory_space<hbm>>
      tpu.wait_dma2 semaphore(%run_scoped3A_92 : memref<!tpu.dma_semaphore, #tpu.memory_space<semaphore_mem>>) src(%dma_wait3A_108 : memref<37x128xi32, #tpu.memory_space<hbm>>) dst(%arg8 : memref<37x128xi32, #tpu.memory_space<vmem>>)
      tpu.yield
    }) : () -> ()
    %dma_start3A_45 = arith.constant 0 : i32
    %dma_start3A_46 = arith.constant 0 : i32
    %dma_start3A_47 = tpu.memref_slice %arg7[%dma_start3A_45, %dma_start3A_46] : memref<37x128xi32, #tpu.memory_space<vmem>> -> memref<1x128xi32, #tpu.memory_space<vmem>>
    %dma_start3A_48 = tpu.memref_squeeze %dma_start3A_47 : memref<1x128xi32, #tpu.memory_space<vmem>> -> memref<128xi32, #tpu.memory_space<vmem>>
    %dma_start3A_49 = arith.constant 0 : i32
    %dma_start3A_50 = arith.constant 0 : i32
    %dma_start3A_51 = tpu.memref_slice %arg4[%dma_start3A_49, %dma_start3A_50] : memref<20000x128xf32, #tpu.memory_space<hbm>> -> memref<20000x128xf32, #tpu.memory_space<hbm>>
    tpu.enqueue_indirect_dma source(%dma_start3A_51 : memref<20000x128xf32, #tpu.memory_space<hbm>>) target(%arg9 : memref<128x128xf32, #tpu.memory_space<vmem>>) offsets(%dma_start3A_48 : memref<128xi32, #tpu.memory_space<vmem>>) semaphore(%arg12 : memref<!tpu.dma_semaphore, #tpu.memory_space<semaphore_mem>>)
    %scan3A_52 = arith.constant 0 : i32
    %scan3A_53 = arith.constant 0 : i32
    %scan3A_54 = arith.constant 18 : i32
    %scan3A_55 = arith.addi %scan3A_53, %scan3A_54 : i32
    %scan3A_56 = arith.constant 1 : i32
    scf.for %scan3A_92 = %scan3A_53 to %scan3A_55 step %scan3A_56  : i32 {
      %mul3A_93 = arith.constant 2 : i32
      %mul3A_94 = arith.muli %scan3A_92, %mul3A_93 : i32
      %add3A_95 = arith.constant 0 : i32
      %add3A_96 = arith.addi %mul3A_94, %add3A_95 : i32
      %add3A_97 = arith.constant 2 : i32
      %add3A_98 = arith.addi %add3A_96, %add3A_97 : i32
      %sub3A = arith.constant 1 : i32
      %sub3A_99 = arith.subi %add3A_98, %sub3A : i32
      %dma_start3A_100 = arith.constant 0 : i32
      %dma_start3A_101 = tpu.memref_slice %arg7[%sub3A_99, %dma_start3A_100] : memref<37x128xi32, #tpu.memory_space<vmem>> -> memref<1x128xi32, #tpu.memory_space<vmem>>
      %dma_start3A_102 = tpu.memref_squeeze %dma_start3A_101 : memref<1x128xi32, #tpu.memory_space<vmem>> -> memref<128xi32, #tpu.memory_space<vmem>>
      %dma_start3A_103 = arith.constant 0 : i32
      %dma_start3A_104 = arith.constant 0 : i32
      %dma_start3A_105 = tpu.memref_slice %arg4[%dma_start3A_103, %dma_start3A_104] : memref<20000x128xf32, #tpu.memory_space<hbm>> -> memref<20000x128xf32, #tpu.memory_space<hbm>>
      tpu.enqueue_indirect_dma source(%dma_start3A_105 : memref<20000x128xf32, #tpu.memory_space<hbm>>) target(%arg10 : memref<128x128xf32, #tpu.memory_space<vmem>>) offsets(%dma_start3A_102 : memref<128xi32, #tpu.memory_space<vmem>>) semaphore(%arg13 : memref<!tpu.dma_semaphore, #tpu.memory_space<semaphore_mem>>)
      %dma_wait3A_106 = arith.constant 0 : i32
      %dma_wait3A_107 = tpu.memref_slice %arg7[%add3A_96, %dma_wait3A_106] : memref<37x128xi32, #tpu.memory_space<vmem>> -> memref<1x128xi32, #tpu.memory_space<vmem>>
      %dma_wait3A_108 = tpu.memref_squeeze %dma_wait3A_107 : memref<1x128xi32, #tpu.memory_space<vmem>> -> memref<128xi32, #tpu.memory_space<vmem>>
      %dma_wait3A_109 = arith.constant 0 : i32
      %dma_wait3A_110 = arith.constant 0 : i32
      %dma_wait3A_111 = tpu.memref_slice %arg4[%dma_wait3A_109, %dma_wait3A_110] : memref<20000x128xf32, #tpu.memory_space<hbm>> -> memref<20000x128xf32, #tpu.memory_space<hbm>>
      tpu.wait_indirect_dma semaphore(%arg12 : memref<!tpu.dma_semaphore, #tpu.memory_space<semaphore_mem>>) src(%dma_wait3A_111 : memref<20000x128xf32, #tpu.memory_space<hbm>>) dst(%arg9 : memref<128x128xf32, #tpu.memory_space<vmem>>)
      "tpu.region"() ({
        %run_scoped3A_132 = tpu.sem_alloc : memref<!tpu.dma_semaphore, #tpu.memory_space<semaphore_mem>>
        %dma_start3A_133 = arith.constant 0 : i32
        %dma_start3A_134 = tpu.memref_slice %arg8[%add3A_96, %dma_start3A_133] : memref<37x128xi32, #tpu.memory_space<vmem>> -> memref<1x128xi32, #tpu.memory_space<vmem>>
        %dma_start3A_135 = tpu.memref_squeeze %dma_start3A_134 : memref<1x128xi32, #tpu.memory_space<vmem>> -> memref<128xi32, #tpu.memory_space<vmem>>
        %dma_start3A_136 = arith.constant 0 : i32
        %dma_start3A_137 = arith.constant 0 : i32
        %dma_start3A_138 = tpu.memref_slice %arg11[%dma_start3A_136, %dma_start3A_137] : memref<10112x128xf32, #tpu.memory_space<vmem_shared>> -> memref<10112x128xf32, #tpu.memory_space<vmem_shared>>
        tpu.enqueue_indirect_dma source(%arg9 : memref<128x128xf32, #tpu.memory_space<vmem>>) target(%dma_start3A_138 : memref<10112x128xf32, #tpu.memory_space<vmem_shared>>) offsets(%dma_start3A_135 : memref<128xi32, #tpu.memory_space<vmem>>) semaphore(%run_scoped3A_132 : memref<!tpu.dma_semaphore, #tpu.memory_space<semaphore_mem>>) {add = true}
        %dma_wait3A_139 = arith.constant 0 : i32
        %dma_wait3A_140 = tpu.memref_slice %arg8[%add3A_96, %dma_wait3A_139] : memref<37x128xi32, #tpu.memory_space<vmem>> -> memref<1x128xi32, #tpu.memory_space<vmem>>
        %dma_wait3A_141 = tpu.memref_squeeze %dma_wait3A_140 : memref<1x128xi32, #tpu.memory_space<vmem>> -> memref<128xi32, #tpu.memory_space<vmem>>
        %dma_wait3A_142 = arith.constant 0 : i32
        %dma_wait3A_143 = arith.constant 0 : i32
        %dma_wait3A_144 = tpu.memref_slice %arg11[%dma_wait3A_142, %dma_wait3A_143] : memref<10112x128xf32, #tpu.memory_space<vmem_shared>> -> memref<10112x128xf32, #tpu.memory_space<vmem_shared>>
        tpu.wait_indirect_dma semaphore(%run_scoped3A_132 : memref<!tpu.dma_semaphore, #tpu.memory_space<semaphore_mem>>) src(%arg9 : memref<128x128xf32, #tpu.memory_space<vmem>>) dst(%dma_wait3A_144 : memref<10112x128xf32, #tpu.memory_space<vmem_shared>>)
        tpu.yield
      }) : () -> ()
      %mul3A_112 = arith.constant 2 : i32
      %mul3A_113 = arith.muli %scan3A_92, %mul3A_112 : i32
      %add3A_114 = arith.constant 1 : i32
      %add3A_115 = arith.addi %mul3A_113, %add3A_114 : i32
      %add3A_116 = arith.constant 2 : i32
      %add3A_117 = arith.addi %add3A_115, %add3A_116 : i32
      %sub3A_118 = arith.constant 1 : i32
      %sub3A_119 = arith.subi %add3A_117, %sub3A_118 : i32
      %dma_start3A_120 = arith.constant 0 : i32
      %dma_start3A_121 = tpu.memref_slice %arg7[%sub3A_119, %dma_start3A_120] : memref<37x128xi32, #tpu.memory_space<vmem>> -> memref<1x128xi32, #tpu.memory_space<vmem>>
      %dma_start3A_122 = tpu.memref_squeeze %dma_start3A_121 : memref<1x128xi32, #tpu.memory_space<vmem>> -> memref<128xi32, #tpu.memory_space<vmem>>
      %dma_start3A_123 = arith.constant 0 : i32
      %dma_start3A_124 = arith.constant 0 : i32
      %dma_start3A_125 = tpu.memref_slice %arg4[%dma_start3A_123, %dma_start3A_124] : memref<20000x128xf32, #tpu.memory_space<hbm>> -> memref<20000x128xf32, #tpu.memory_space<hbm>>
      tpu.enqueue_indirect_dma source(%dma_start3A_125 : memref<20000x128xf32, #tpu.memory_space<hbm>>) target(%arg9 : memref<128x128xf32, #tpu.memory_space<vmem>>) offsets(%dma_start3A_122 : memref<128xi32, #tpu.memory_space<vmem>>) semaphore(%arg12 : memref<!tpu.dma_semaphore, #tpu.memory_space<semaphore_mem>>)
      %dma_wait3A_126 = arith.constant 0 : i32
      %dma_wait3A_127 = tpu.memref_slice %arg7[%add3A_115, %dma_wait3A_126] : memref<37x128xi32, #tpu.memory_space<vmem>> -> memref<1x128xi32, #tpu.memory_space<vmem>>
      %dma_wait3A_128 = tpu.memref_squeeze %dma_wait3A_127 : memref<1x128xi32, #tpu.memory_space<vmem>> -> memref<128xi32, #tpu.memory_space<vmem>>
      %dma_wait3A_129 = arith.constant 0 : i32
      %dma_wait3A_130 = arith.constant 0 : i32
      %dma_wait3A_131 = tpu.memref_slice %arg4[%dma_wait3A_129, %dma_wait3A_130] : memref<20000x128xf32, #tpu.memory_space<hbm>> -> memref<20000x128xf32, #tpu.memory_space<hbm>>
      tpu.wait_indirect_dma semaphore(%arg13 : memref<!tpu.dma_semaphore, #tpu.memory_space<semaphore_mem>>) src(%dma_wait3A_131 : memref<20000x128xf32, #tpu.memory_space<hbm>>) dst(%arg10 : memref<128x128xf32, #tpu.memory_space<vmem>>)
      "tpu.region"() ({
        %run_scoped3A_132 = tpu.sem_alloc : memref<!tpu.dma_semaphore, #tpu.memory_space<semaphore_mem>>
        %dma_start3A_133 = arith.constant 0 : i32
        %dma_start3A_134 = tpu.memref_slice %arg8[%add3A_115, %dma_start3A_133] : memref<37x128xi32, #tpu.memory_space<vmem>> -> memref<1x128xi32, #tpu.memory_space<vmem>>
        %dma_start3A_135 = tpu.memref_squeeze %dma_start3A_134 : memref<1x128xi32, #tpu.memory_space<vmem>> -> memref<128xi32, #tpu.memory_space<vmem>>
        %dma_start3A_136 = arith.constant 0 : i32
        %dma_start3A_137 = arith.constant 0 : i32
        %dma_start3A_138 = tpu.memref_slice %arg11[%dma_start3A_136, %dma_start3A_137] : memref<10112x128xf32, #tpu.memory_space<vmem_shared>> -> memref<10112x128xf32, #tpu.memory_space<vmem_shared>>
        tpu.enqueue_indirect_dma source(%arg10 : memref<128x128xf32, #tpu.memory_space<vmem>>) target(%dma_start3A_138 : memref<10112x128xf32, #tpu.memory_space<vmem_shared>>) offsets(%dma_start3A_135 : memref<128xi32, #tpu.memory_space<vmem>>) semaphore(%run_scoped3A_132 : memref<!tpu.dma_semaphore, #tpu.memory_space<semaphore_mem>>) {add = true}
        %dma_wait3A_139 = arith.constant 0 : i32
        %dma_wait3A_140 = tpu.memref_slice %arg8[%add3A_115, %dma_wait3A_139] : memref<37x128xi32, #tpu.memory_space<vmem>> -> memref<1x128xi32, #tpu.memory_space<vmem>>
        %dma_wait3A_141 = tpu.memref_squeeze %dma_wait3A_140 : memref<1x128xi32, #tpu.memory_space<vmem>> -> memref<128xi32, #tpu.memory_space<vmem>>
        %dma_wait3A_142 = arith.constant 0 : i32
        %dma_wait3A_143 = arith.constant 0 : i32
        %dma_wait3A_144 = tpu.memref_slice %arg11[%dma_wait3A_142, %dma_wait3A_143] : memref<10112x128xf32, #tpu.memory_space<vmem_shared>> -> memref<10112x128xf32, #tpu.memory_space<vmem_shared>>
        tpu.wait_indirect_dma semaphore(%run_scoped3A_132 : memref<!tpu.dma_semaphore, #tpu.memory_space<semaphore_mem>>) src(%arg10 : memref<128x128xf32, #tpu.memory_space<vmem>>) dst(%dma_wait3A_144 : memref<10112x128xf32, #tpu.memory_space<vmem_shared>>)
        tpu.yield
      }) : () -> ()
    }
    %scan3A_57 = arith.constant 18 : i32
    %dma_wait3A_58 = arith.constant 36 : i32
    %dma_wait3A_59 = arith.constant 0 : i32
    %dma_wait3A_60 = tpu.memref_slice %arg7[%dma_wait3A_58, %dma_wait3A_59] : memref<37x128xi32, #tpu.memory_space<vmem>> -> memref<1x128xi32, #tpu.memory_space<vmem>>
    %dma_wait3A_61 = tpu.memref_squeeze %dma_wait3A_60 : memref<1x128xi32, #tpu.memory_space<vmem>> -> memref<128xi32, #tpu.memory_space<vmem>>
    %dma_wait3A_62 = arith.constant 0 : i32
    %dma_wait3A_63 = arith.constant 0 : i32
    %dma_wait3A_64 = tpu.memref_slice %arg4[%dma_wait3A_62, %dma_wait3A_63] : memref<20000x128xf32, #tpu.memory_space<hbm>> -> memref<20000x128xf32, #tpu.memory_space<hbm>>
    tpu.wait_indirect_dma semaphore(%arg12 : memref<!tpu.dma_semaphore, #tpu.memory_space<semaphore_mem>>) src(%dma_wait3A_64 : memref<20000x128xf32, #tpu.memory_space<hbm>>) dst(%arg9 : memref<128x128xf32, #tpu.memory_space<vmem>>)
    %run_scoped3A_65 = arith.constant 36 : i32
    "tpu.region"() ({
      %run_scoped3A_92 = tpu.sem_alloc : memref<!tpu.dma_semaphore, #tpu.memory_space<semaphore_mem>>
      %dma_start3A_93 = arith.constant 0 : i32
      %dma_start3A_94 = tpu.memref_slice %arg8[%run_scoped3A_65, %dma_start3A_93] : memref<37x128xi32, #tpu.memory_space<vmem>> -> memref<1x128xi32, #tpu.memory_space<vmem>>
      %dma_start3A_95 = tpu.memref_squeeze %dma_start3A_94 : memref<1x128xi32, #tpu.memory_space<vmem>> -> memref<128xi32, #tpu.memory_space<vmem>>
      %dma_start3A_96 = arith.constant 0 : i32
      %dma_start3A_97 = arith.constant 0 : i32
      %dma_start3A_98 = tpu.memref_slice %arg11[%dma_start3A_96, %dma_start3A_97] : memref<10112x128xf32, #tpu.memory_space<vmem_shared>> -> memref<10112x128xf32, #tpu.memory_space<vmem_shared>>
      tpu.enqueue_indirect_dma source(%arg9 : memref<128x128xf32, #tpu.memory_space<vmem>>) target(%dma_start3A_98 : memref<10112x128xf32, #tpu.memory_space<vmem_shared>>) offsets(%dma_start3A_95 : memref<128xi32, #tpu.memory_space<vmem>>) semaphore(%run_scoped3A_92 : memref<!tpu.dma_semaphore, #tpu.memory_space<semaphore_mem>>) {add = true}
      %dma_wait3A_99 = arith.constant 0 : i32
      %dma_wait3A_100 = tpu.memref_slice %arg8[%run_scoped3A_65, %dma_wait3A_99] : memref<37x128xi32, #tpu.memory_space<vmem>> -> memref<1x128xi32, #tpu.memory_space<vmem>>
      %dma_wait3A_101 = tpu.memref_squeeze %dma_wait3A_100 : memref<1x128xi32, #tpu.memory_space<vmem>> -> memref<128xi32, #tpu.memory_space<vmem>>
      %dma_wait3A_102 = arith.constant 0 : i32
      %dma_wait3A_103 = arith.constant 0 : i32
      %dma_wait3A_104 = tpu.memref_slice %arg11[%dma_wait3A_102, %dma_wait3A_103] : memref<10112x128xf32, #tpu.memory_space<vmem_shared>> -> memref<10112x128xf32, #tpu.memory_space<vmem_shared>>
      tpu.wait_indirect_dma semaphore(%run_scoped3A_92 : memref<!tpu.dma_semaphore, #tpu.memory_space<semaphore_mem>>) src(%arg9 : memref<128x128xf32, #tpu.memory_space<vmem>>) dst(%dma_wait3A_104 : memref<10112x128xf32, #tpu.memory_space<vmem_shared>>)
      tpu.yield
    }) : () -> ()
    %run_scoped3A_66 = arith.constant 3 : i32
    "tpu.region"() ({
      %run_scoped3A_92 = tpu.sem_alloc : memref<!tpu.dma_semaphore, #tpu.memory_space<semaphore_mem>>
      %dma_start3A_93 = arith.constant 0 : i32
      %dma_start3A_94 = arith.constant 0 : i32
      %dma_start3A_95 = tpu.memref_slice %arg2[%arg0, %arg1, %run_scoped3A_66, %dma_start3A_93, %dma_start3A_94] : memref<2x16x4x37x128xi32, #tpu.memory_space<hbm>> -> memref<1x1x1x37x128xi32, #tpu.memory_space<hbm>>
      %dma_start3A_96 = tpu.memref_squeeze %dma_start3A_95 : memref<1x1x1x37x128xi32, #tpu.memory_space<hbm>> -> memref<37x128xi32, #tpu.memory_space<hbm>>
      %dma_start3A_97 = arith.constant 0 : i32
      %dma_start3A_98 = arith.constant 0 : i32
      %dma_start3A_99 = tpu.memref_slice %arg2[%arg0, %arg1, %run_scoped3A_66, %dma_start3A_97, %dma_start3A_98] : memref<2x16x4x37x128xi32, #tpu.memory_space<hbm>> -> memref<1x1x1x37x128xi32, #tpu.memory_space<hbm>>
      %dma_start3A_100 = tpu.memref_squeeze %dma_start3A_99 : memref<1x1x1x37x128xi32, #tpu.memory_space<hbm>> -> memref<37x128xi32, #tpu.memory_space<hbm>>
      tpu.enqueue_dma source(%dma_start3A_100 : memref<37x128xi32, #tpu.memory_space<hbm>>) target(%arg7 : memref<37x128xi32, #tpu.memory_space<vmem>>) target_semaphore(%run_scoped3A_92 : memref<!tpu.dma_semaphore, #tpu.memory_space<semaphore_mem>>)
      %dma_wait3A_101 = arith.constant 0 : i32
      %dma_wait3A_102 = arith.constant 0 : i32
      %dma_wait3A_103 = tpu.memref_slice %arg2[%arg0, %arg1, %run_scoped3A_66, %dma_wait3A_101, %dma_wait3A_102] : memref<2x16x4x37x128xi32, #tpu.memory_space<hbm>> -> memref<1x1x1x37x128xi32, #tpu.memory_space<hbm>>
      %dma_wait3A_104 = tpu.memref_squeeze %dma_wait3A_103 : memref<1x1x1x37x128xi32, #tpu.memory_space<hbm>> -> memref<37x128xi32, #tpu.memory_space<hbm>>
      %dma_wait3A_105 = arith.constant 0 : i32
      %dma_wait3A_106 = arith.constant 0 : i32
      %dma_wait3A_107 = tpu.memref_slice %arg2[%arg0, %arg1, %run_scoped3A_66, %dma_wait3A_105, %dma_wait3A_106] : memref<2x16x4x37x128xi32, #tpu.memory_space<hbm>> -> memref<1x1x1x37x128xi32, #tpu.memory_space<hbm>>
      %dma_wait3A_108 = tpu.memref_squeeze %dma_wait3A_107 : memref<1x1x1x37x128xi32, #tpu.memory_space<hbm>> -> memref<37x128xi32, #tpu.memory_space<hbm>>
      tpu.wait_dma2 semaphore(%run_scoped3A_92 : memref<!tpu.dma_semaphore, #tpu.memory_space<semaphore_mem>>) src(%dma_wait3A_108 : memref<37x128xi32, #tpu.memory_space<hbm>>) dst(%arg7 : memref<37x128xi32, #tpu.memory_space<vmem>>)
      tpu.yield
    }) : () -> ()
    %run_scoped3A_67 = arith.constant 3 : i32
    "tpu.region"() ({
      %run_scoped3A_92 = tpu.sem_alloc : memref<!tpu.dma_semaphore, #tpu.memory_space<semaphore_mem>>
      %dma_start3A_93 = arith.constant 0 : i32
      %dma_start3A_94 = arith.constant 0 : i32
      %dma_start3A_95 = tpu.memref_slice %arg3[%arg0, %arg1, %run_scoped3A_67, %dma_start3A_93, %dma_start3A_94] : memref<2x16x4x37x128xi32, #tpu.memory_space<hbm>> -> memref<1x1x1x37x128xi32, #tpu.memory_space<hbm>>
      %dma_start3A_96 = tpu.memref_squeeze %dma_start3A_95 : memref<1x1x1x37x128xi32, #tpu.memory_space<hbm>> -> memref<37x128xi32, #tpu.memory_space<hbm>>
      %dma_start3A_97 = arith.constant 0 : i32
      %dma_start3A_98 = arith.constant 0 : i32
      %dma_start3A_99 = tpu.memref_slice %arg3[%arg0, %arg1, %run_scoped3A_67, %dma_start3A_97, %dma_start3A_98] : memref<2x16x4x37x128xi32, #tpu.memory_space<hbm>> -> memref<1x1x1x37x128xi32, #tpu.memory_space<hbm>>
      %dma_start3A_100 = tpu.memref_squeeze %dma_start3A_99 : memref<1x1x1x37x128xi32, #tpu.memory_space<hbm>> -> memref<37x128xi32, #tpu.memory_space<hbm>>
      tpu.enqueue_dma source(%dma_start3A_100 : memref<37x128xi32, #tpu.memory_space<hbm>>) target(%arg8 : memref<37x128xi32, #tpu.memory_space<vmem>>) target_semaphore(%run_scoped3A_92 : memref<!tpu.dma_semaphore, #tpu.memory_space<semaphore_mem>>)
      %dma_wait3A_101 = arith.constant 0 : i32
      %dma_wait3A_102 = arith.constant 0 : i32
      %dma_wait3A_103 = tpu.memref_slice %arg3[%arg0, %arg1, %run_scoped3A_67, %dma_wait3A_101, %dma_wait3A_102] : memref<2x16x4x37x128xi32, #tpu.memory_space<hbm>> -> memref<1x1x1x37x128xi32, #tpu.memory_space<hbm>>
      %dma_wait3A_104 = tpu.memref_squeeze %dma_wait3A_103 : memref<1x1x1x37x128xi32, #tpu.memory_space<hbm>> -> memref<37x128xi32, #tpu.memory_space<hbm>>
      %dma_wait3A_105 = arith.constant 0 : i32
      %dma_wait3A_106 = arith.constant 0 : i32
      %dma_wait3A_107 = tpu.memref_slice %arg3[%arg0, %arg1, %run_scoped3A_67, %dma_wait3A_105, %dma_wait3A_106] : memref<2x16x4x37x128xi32, #tpu.memory_space<hbm>> -> memref<1x1x1x37x128xi32, #tpu.memory_space<hbm>>
      %dma_wait3A_108 = tpu.memref_squeeze %dma_wait3A_107 : memref<1x1x1x37x128xi32, #tpu.memory_space<hbm>> -> memref<37x128xi32, #tpu.memory_space<hbm>>
      tpu.wait_dma2 semaphore(%run_scoped3A_92 : memref<!tpu.dma_semaphore, #tpu.memory_space<semaphore_mem>>) src(%dma_wait3A_108 : memref<37x128xi32, #tpu.memory_space<hbm>>) dst(%arg8 : memref<37x128xi32, #tpu.memory_space<vmem>>)
      tpu.yield
    }) : () -> ()
    %dma_start3A_68 = arith.constant 0 : i32
    %dma_start3A_69 = arith.constant 0 : i32
    %dma_start3A_70 = tpu.memref_slice %arg7[%dma_start3A_68, %dma_start3A_69] : memref<37x128xi32, #tpu.memory_space<vmem>> -> memref<1x128xi32, #tpu.memory_space<vmem>>
    %dma_start3A_71 = tpu.memref_squeeze %dma_start3A_70 : memref<1x128xi32, #tpu.memory_space<vmem>> -> memref<128xi32, #tpu.memory_space<vmem>>
    %dma_start3A_72 = arith.constant 0 : i32
    %dma_start3A_73 = arith.constant 0 : i32
    %dma_start3A_74 = tpu.memref_slice %arg4[%dma_start3A_72, %dma_start3A_73] : memref<20000x128xf32, #tpu.memory_space<hbm>> -> memref<20000x128xf32, #tpu.memory_space<hbm>>
    tpu.enqueue_indirect_dma source(%dma_start3A_74 : memref<20000x128xf32, #tpu.memory_space<hbm>>) target(%arg9 : memref<128x128xf32, #tpu.memory_space<vmem>>) offsets(%dma_start3A_71 : memref<128xi32, #tpu.memory_space<vmem>>) semaphore(%arg12 : memref<!tpu.dma_semaphore, #tpu.memory_space<semaphore_mem>>)
    %scan3A_75 = arith.constant 0 : i32
    %scan3A_76 = arith.constant 0 : i32
    %scan3A_77 = arith.constant 18 : i32
    %scan3A_78 = arith.addi %scan3A_76, %scan3A_77 : i32
    %scan3A_79 = arith.constant 1 : i32
    scf.for %scan3A_92 = %scan3A_76 to %scan3A_78 step %scan3A_79  : i32 {
      %mul3A_93 = arith.constant 2 : i32
      %mul3A_94 = arith.muli %scan3A_92, %mul3A_93 : i32
      %add3A_95 = arith.constant 0 : i32
      %add3A_96 = arith.addi %mul3A_94, %add3A_95 : i32
      %add3A_97 = arith.constant 2 : i32
      %add3A_98 = arith.addi %add3A_96, %add3A_97 : i32
      %sub3A = arith.constant 1 : i32
      %sub3A_99 = arith.subi %add3A_98, %sub3A : i32
      %dma_start3A_100 = arith.constant 0 : i32
      %dma_start3A_101 = tpu.memref_slice %arg7[%sub3A_99, %dma_start3A_100] : memref<37x128xi32, #tpu.memory_space<vmem>> -> memref<1x128xi32, #tpu.memory_space<vmem>>
      %dma_start3A_102 = tpu.memref_squeeze %dma_start3A_101 : memref<1x128xi32, #tpu.memory_space<vmem>> -> memref<128xi32, #tpu.memory_space<vmem>>
      %dma_start3A_103 = arith.constant 0 : i32
      %dma_start3A_104 = arith.constant 0 : i32
      %dma_start3A_105 = tpu.memref_slice %arg4[%dma_start3A_103, %dma_start3A_104] : memref<20000x128xf32, #tpu.memory_space<hbm>> -> memref<20000x128xf32, #tpu.memory_space<hbm>>
      tpu.enqueue_indirect_dma source(%dma_start3A_105 : memref<20000x128xf32, #tpu.memory_space<hbm>>) target(%arg10 : memref<128x128xf32, #tpu.memory_space<vmem>>) offsets(%dma_start3A_102 : memref<128xi32, #tpu.memory_space<vmem>>) semaphore(%arg13 : memref<!tpu.dma_semaphore, #tpu.memory_space<semaphore_mem>>)
      %dma_wait3A_106 = arith.constant 0 : i32
      %dma_wait3A_107 = tpu.memref_slice %arg7[%add3A_96, %dma_wait3A_106] : memref<37x128xi32, #tpu.memory_space<vmem>> -> memref<1x128xi32, #tpu.memory_space<vmem>>
      %dma_wait3A_108 = tpu.memref_squeeze %dma_wait3A_107 : memref<1x128xi32, #tpu.memory_space<vmem>> -> memref<128xi32, #tpu.memory_space<vmem>>
      %dma_wait3A_109 = arith.constant 0 : i32
      %dma_wait3A_110 = arith.constant 0 : i32
      %dma_wait3A_111 = tpu.memref_slice %arg4[%dma_wait3A_109, %dma_wait3A_110] : memref<20000x128xf32, #tpu.memory_space<hbm>> -> memref<20000x128xf32, #tpu.memory_space<hbm>>
      tpu.wait_indirect_dma semaphore(%arg12 : memref<!tpu.dma_semaphore, #tpu.memory_space<semaphore_mem>>) src(%dma_wait3A_111 : memref<20000x128xf32, #tpu.memory_space<hbm>>) dst(%arg9 : memref<128x128xf32, #tpu.memory_space<vmem>>)
      "tpu.region"() ({
        %run_scoped3A_132 = tpu.sem_alloc : memref<!tpu.dma_semaphore, #tpu.memory_space<semaphore_mem>>
        %dma_start3A_133 = arith.constant 0 : i32
        %dma_start3A_134 = tpu.memref_slice %arg8[%add3A_96, %dma_start3A_133] : memref<37x128xi32, #tpu.memory_space<vmem>> -> memref<1x128xi32, #tpu.memory_space<vmem>>
        %dma_start3A_135 = tpu.memref_squeeze %dma_start3A_134 : memref<1x128xi32, #tpu.memory_space<vmem>> -> memref<128xi32, #tpu.memory_space<vmem>>
        %dma_start3A_136 = arith.constant 0 : i32
        %dma_start3A_137 = arith.constant 0 : i32
        %dma_start3A_138 = tpu.memref_slice %arg11[%dma_start3A_136, %dma_start3A_137] : memref<10112x128xf32, #tpu.memory_space<vmem_shared>> -> memref<10112x128xf32, #tpu.memory_space<vmem_shared>>
        tpu.enqueue_indirect_dma source(%arg9 : memref<128x128xf32, #tpu.memory_space<vmem>>) target(%dma_start3A_138 : memref<10112x128xf32, #tpu.memory_space<vmem_shared>>) offsets(%dma_start3A_135 : memref<128xi32, #tpu.memory_space<vmem>>) semaphore(%run_scoped3A_132 : memref<!tpu.dma_semaphore, #tpu.memory_space<semaphore_mem>>) {add = true}
        %dma_wait3A_139 = arith.constant 0 : i32
        %dma_wait3A_140 = tpu.memref_slice %arg8[%add3A_96, %dma_wait3A_139] : memref<37x128xi32, #tpu.memory_space<vmem>> -> memref<1x128xi32, #tpu.memory_space<vmem>>
        %dma_wait3A_141 = tpu.memref_squeeze %dma_wait3A_140 : memref<1x128xi32, #tpu.memory_space<vmem>> -> memref<128xi32, #tpu.memory_space<vmem>>
        %dma_wait3A_142 = arith.constant 0 : i32
        %dma_wait3A_143 = arith.constant 0 : i32
        %dma_wait3A_144 = tpu.memref_slice %arg11[%dma_wait3A_142, %dma_wait3A_143] : memref<10112x128xf32, #tpu.memory_space<vmem_shared>> -> memref<10112x128xf32, #tpu.memory_space<vmem_shared>>
        tpu.wait_indirect_dma semaphore(%run_scoped3A_132 : memref<!tpu.dma_semaphore, #tpu.memory_space<semaphore_mem>>) src(%arg9 : memref<128x128xf32, #tpu.memory_space<vmem>>) dst(%dma_wait3A_144 : memref<10112x128xf32, #tpu.memory_space<vmem_shared>>)
        tpu.yield
      }) : () -> ()
      %mul3A_112 = arith.constant 2 : i32
      %mul3A_113 = arith.muli %scan3A_92, %mul3A_112 : i32
      %add3A_114 = arith.constant 1 : i32
      %add3A_115 = arith.addi %mul3A_113, %add3A_114 : i32
      %add3A_116 = arith.constant 2 : i32
      %add3A_117 = arith.addi %add3A_115, %add3A_116 : i32
      %sub3A_118 = arith.constant 1 : i32
      %sub3A_119 = arith.subi %add3A_117, %sub3A_118 : i32
      %dma_start3A_120 = arith.constant 0 : i32
      %dma_start3A_121 = tpu.memref_slice %arg7[%sub3A_119, %dma_start3A_120] : memref<37x128xi32, #tpu.memory_space<vmem>> -> memref<1x128xi32, #tpu.memory_space<vmem>>
      %dma_start3A_122 = tpu.memref_squeeze %dma_start3A_121 : memref<1x128xi32, #tpu.memory_space<vmem>> -> memref<128xi32, #tpu.memory_space<vmem>>
      %dma_start3A_123 = arith.constant 0 : i32
      %dma_start3A_124 = arith.constant 0 : i32
      %dma_start3A_125 = tpu.memref_slice %arg4[%dma_start3A_123, %dma_start3A_124] : memref<20000x128xf32, #tpu.memory_space<hbm>> -> memref<20000x128xf32, #tpu.memory_space<hbm>>
      tpu.enqueue_indirect_dma source(%dma_start3A_125 : memref<20000x128xf32, #tpu.memory_space<hbm>>) target(%arg9 : memref<128x128xf32, #tpu.memory_space<vmem>>) offsets(%dma_start3A_122 : memref<128xi32, #tpu.memory_space<vmem>>) semaphore(%arg12 : memref<!tpu.dma_semaphore, #tpu.memory_space<semaphore_mem>>)
      %dma_wait3A_126 = arith.constant 0 : i32
      %dma_wait3A_127 = tpu.memref_slice %arg7[%add3A_115, %dma_wait3A_126] : memref<37x128xi32, #tpu.memory_space<vmem>> -> memref<1x128xi32, #tpu.memory_space<vmem>>
      %dma_wait3A_128 = tpu.memref_squeeze %dma_wait3A_127 : memref<1x128xi32, #tpu.memory_space<vmem>> -> memref<128xi32, #tpu.memory_space<vmem>>
      %dma_wait3A_129 = arith.constant 0 : i32
      %dma_wait3A_130 = arith.constant 0 : i32
      %dma_wait3A_131 = tpu.memref_slice %arg4[%dma_wait3A_129, %dma_wait3A_130] : memref<20000x128xf32, #tpu.memory_space<hbm>> -> memref<20000x128xf32, #tpu.memory_space<hbm>>
      tpu.wait_indirect_dma semaphore(%arg13 : memref<!tpu.dma_semaphore, #tpu.memory_space<semaphore_mem>>) src(%dma_wait3A_131 : memref<20000x128xf32, #tpu.memory_space<hbm>>) dst(%arg10 : memref<128x128xf32, #tpu.memory_space<vmem>>)
      "tpu.region"() ({
        %run_scoped3A_132 = tpu.sem_alloc : memref<!tpu.dma_semaphore, #tpu.memory_space<semaphore_mem>>
        %dma_start3A_133 = arith.constant 0 : i32
        %dma_start3A_134 = tpu.memref_slice %arg8[%add3A_115, %dma_start3A_133] : memref<37x128xi32, #tpu.memory_space<vmem>> -> memref<1x128xi32, #tpu.memory_space<vmem>>
        %dma_start3A_135 = tpu.memref_squeeze %dma_start3A_134 : memref<1x128xi32, #tpu.memory_space<vmem>> -> memref<128xi32, #tpu.memory_space<vmem>>
        %dma_start3A_136 = arith.constant 0 : i32
        %dma_start3A_137 = arith.constant 0 : i32
        %dma_start3A_138 = tpu.memref_slice %arg11[%dma_start3A_136, %dma_start3A_137] : memref<10112x128xf32, #tpu.memory_space<vmem_shared>> -> memref<10112x128xf32, #tpu.memory_space<vmem_shared>>
        tpu.enqueue_indirect_dma source(%arg10 : memref<128x128xf32, #tpu.memory_space<vmem>>) target(%dma_start3A_138 : memref<10112x128xf32, #tpu.memory_space<vmem_shared>>) offsets(%dma_start3A_135 : memref<128xi32, #tpu.memory_space<vmem>>) semaphore(%run_scoped3A_132 : memref<!tpu.dma_semaphore, #tpu.memory_space<semaphore_mem>>) {add = true}
        %dma_wait3A_139 = arith.constant 0 : i32
        %dma_wait3A_140 = tpu.memref_slice %arg8[%add3A_115, %dma_wait3A_139] : memref<37x128xi32, #tpu.memory_space<vmem>> -> memref<1x128xi32, #tpu.memory_space<vmem>>
        %dma_wait3A_141 = tpu.memref_squeeze %dma_wait3A_140 : memref<1x128xi32, #tpu.memory_space<vmem>> -> memref<128xi32, #tpu.memory_space<vmem>>
        %dma_wait3A_142 = arith.constant 0 : i32
        %dma_wait3A_143 = arith.constant 0 : i32
        %dma_wait3A_144 = tpu.memref_slice %arg11[%dma_wait3A_142, %dma_wait3A_143] : memref<10112x128xf32, #tpu.memory_space<vmem_shared>> -> memref<10112x128xf32, #tpu.memory_space<vmem_shared>>
        tpu.wait_indirect_dma semaphore(%run_scoped3A_132 : memref<!tpu.dma_semaphore, #tpu.memory_space<semaphore_mem>>) src(%arg10 : memref<128x128xf32, #tpu.memory_space<vmem>>) dst(%dma_wait3A_144 : memref<10112x128xf32, #tpu.memory_space<vmem_shared>>)
        tpu.yield
      }) : () -> ()
    }
    %scan3A_80 = arith.constant 18 : i32
    %dma_wait3A_81 = arith.constant 36 : i32
    %dma_wait3A_82 = arith.constant 0 : i32
    %dma_wait3A_83 = tpu.memref_slice %arg7[%dma_wait3A_81, %dma_wait3A_82] : memref<37x128xi32, #tpu.memory_space<vmem>> -> memref<1x128xi32, #tpu.memory_space<vmem>>
    %dma_wait3A_84 = tpu.memref_squeeze %dma_wait3A_83 : memref<1x128xi32, #tpu.memory_space<vmem>> -> memref<128xi32, #tpu.memory_space<vmem>>
    %dma_wait3A_85 = arith.constant 0 : i32
    %dma_wait3A_86 = arith.constant 0 : i32
    %dma_wait3A_87 = tpu.memref_slice %arg4[%dma_wait3A_85, %dma_wait3A_86] : memref<20000x128xf32, #tpu.memory_space<hbm>> -> memref<20000x128xf32, #tpu.memory_space<hbm>>
    tpu.wait_indirect_dma semaphore(%arg12 : memref<!tpu.dma_semaphore, #tpu.memory_space<semaphore_mem>>) src(%dma_wait3A_87 : memref<20000x128xf32, #tpu.memory_space<hbm>>) dst(%arg9 : memref<128x128xf32, #tpu.memory_space<vmem>>)
    %run_scoped3A_88 = arith.constant 36 : i32
    "tpu.region"() ({
      %run_scoped3A_92 = tpu.sem_alloc : memref<!tpu.dma_semaphore, #tpu.memory_space<semaphore_mem>>
      %dma_start3A_93 = arith.constant 0 : i32
      %dma_start3A_94 = tpu.memref_slice %arg8[%run_scoped3A_88, %dma_start3A_93] : memref<37x128xi32, #tpu.memory_space<vmem>> -> memref<1x128xi32, #tpu.memory_space<vmem>>
      %dma_start3A_95 = tpu.memref_squeeze %dma_start3A_94 : memref<1x128xi32, #tpu.memory_space<vmem>> -> memref<128xi32, #tpu.memory_space<vmem>>
      %dma_start3A_96 = arith.constant 0 : i32
      %dma_start3A_97 = arith.constant 0 : i32
      %dma_start3A_98 = tpu.memref_slice %arg11[%dma_start3A_96, %dma_start3A_97] : memref<10112x128xf32, #tpu.memory_space<vmem_shared>> -> memref<10112x128xf32, #tpu.memory_space<vmem_shared>>
      tpu.enqueue_indirect_dma source(%arg9 : memref<128x128xf32, #tpu.memory_space<vmem>>) target(%dma_start3A_98 : memref<10112x128xf32, #tpu.memory_space<vmem_shared>>) offsets(%dma_start3A_95 : memref<128xi32, #tpu.memory_space<vmem>>) semaphore(%run_scoped3A_92 : memref<!tpu.dma_semaphore, #tpu.memory_space<semaphore_mem>>) {add = true}
      %dma_wait3A_99 = arith.constant 0 : i32
      %dma_wait3A_100 = tpu.memref_slice %arg8[%run_scoped3A_88, %dma_wait3A_99] : memref<37x128xi32, #tpu.memory_space<vmem>> -> memref<1x128xi32, #tpu.memory_space<vmem>>
      %dma_wait3A_101 = tpu.memref_squeeze %dma_wait3A_100 : memref<1x128xi32, #tpu.memory_space<vmem>> -> memref<128xi32, #tpu.memory_space<vmem>>
      %dma_wait3A_102 = arith.constant 0 : i32
      %dma_wait3A_103 = arith.constant 0 : i32
      %dma_wait3A_104 = tpu.memref_slice %arg11[%dma_wait3A_102, %dma_wait3A_103] : memref<10112x128xf32, #tpu.memory_space<vmem_shared>> -> memref<10112x128xf32, #tpu.memory_space<vmem_shared>>
      tpu.wait_indirect_dma semaphore(%run_scoped3A_92 : memref<!tpu.dma_semaphore, #tpu.memory_space<semaphore_mem>>) src(%arg9 : memref<128x128xf32, #tpu.memory_space<vmem>>) dst(%dma_wait3A_104 : memref<10112x128xf32, #tpu.memory_space<vmem_shared>>)
      tpu.yield
    }) : () -> ()
    %barrier3A_89 = arith.constant 0 : index
    tpu.barrier barrier_id(%barrier3A_89)
    %mul3A_90 = arith.constant 10112 : i32
    %mul3A_91 = arith.muli %arg0, %mul3A_90 : i32
    %add3A = arith.addi %mul3A_91, %mul3A_0 : i32
    "tpu.region"() ({
      %run_scoped3A_92 = tpu.sem_alloc : memref<!tpu.dma_semaphore, #tpu.memory_space<semaphore_mem>>
      %dma_start3A_93 = arith.constant 0 : i32
      %dma_start3A_94 = tpu.memref_slice %arg6[%add3A, %dma_start3A_93] : memref<20224x128xf32, #tpu.memory_space<hbm>> -> memref<632x128xf32, #tpu.memory_space<hbm>>
      %dma_start3A_95 = arith.constant 0 : i32
      %dma_start3A_96 = tpu.memref_slice %arg11[%mul3A_0, %dma_start3A_95] : memref<10112x128xf32, #tpu.memory_space<vmem_shared>> -> memref<632x128xf32, #tpu.memory_space<vmem_shared>>
      tpu.enqueue_dma source(%dma_start3A_96 : memref<632x128xf32, #tpu.memory_space<vmem_shared>>) target(%dma_start3A_94 : memref<632x128xf32, #tpu.memory_space<hbm>>) target_semaphore(%run_scoped3A_92 : memref<!tpu.dma_semaphore, #tpu.memory_space<semaphore_mem>>)
      %dma_wait3A_97 = arith.constant 0 : i32
      %dma_wait3A_98 = tpu.memref_slice %arg6[%add3A, %dma_wait3A_97] : memref<20224x128xf32, #tpu.memory_space<hbm>> -> memref<632x128xf32, #tpu.memory_space<hbm>>
      %dma_wait3A_99 = arith.constant 0 : i32
      %dma_wait3A_100 = tpu.memref_slice %arg11[%mul3A_0, %dma_wait3A_99] : memref<10112x128xf32, #tpu.memory_space<vmem_shared>> -> memref<632x128xf32, #tpu.memory_space<vmem_shared>>
      tpu.wait_dma2 semaphore(%run_scoped3A_92 : memref<!tpu.dma_semaphore, #tpu.memory_space<semaphore_mem>>) src(%dma_wait3A_100 : memref<632x128xf32, #tpu.memory_space<vmem_shared>>) dst(%dma_wait3A_98 : memref<632x128xf32, #tpu.memory_space<hbm>>)
      tpu.yield
    }) : () -> ()
    return
  }
}

#map = affine_map<(d0, d1) -> (0, 0, 0, 0, 0)>
#map1 = affine_map<(d0, d1) -> (0, 0)>
module attributes {stable_mosaic.version = 14 : i64} {
  func.func @_sc_segsum_body(%arg0: i32, %arg1: i32, %arg2: memref<2x16x4x37x128xi32, #tpu.memory_space<hbm>>, %arg3: memref<2x16x4x37x128xi32, #tpu.memory_space<hbm>>, %arg4: memref<20000x128xf32, #tpu.memory_space<hbm>>, %arg5: memref<632x128xf32, #tpu.memory_space<hbm>>, %arg6: memref<20224x128xf32, #tpu.memory_space<hbm>>, %arg7: memref<37x128xi32, #tpu.memory_space<vmem>>, %arg8: memref<37x128xi32, #tpu.memory_space<vmem>>, %arg9: memref<128x128xf32, #tpu.memory_space<vmem>>, %arg10: memref<128x128xf32, #tpu.memory_space<vmem>>, %arg11: memref<10112x128xf32, #tpu.memory_space<vmem_shared>>, %arg12: memref<!tpu.dma_semaphore, #tpu.memory_space<semaphore_mem>>, %arg13: memref<!tpu.dma_semaphore, #tpu.memory_space<semaphore_mem>>) attributes {dimension_semantics = [#tpu.dimension_semantics<core_parallel>, #tpu.dimension_semantics<subcore_parallel>], iteration_bounds = array<i64: 2, 16>, scalar_prefetch = 0 : i64, scratch_operands = 7 : i64, tpu.core_type = #tpu.core_type<sc_vector_subcore>, window_params = [{transform_indices = #map}, {transform_indices = #map}, {transform_indices = #map1}, {transform_indices = #map1}, {transform_indices = #map1}]} {
    %mul3A = arith.constant 632 : i32
    %mul3A_0 = arith.muli %arg1, %mul3A : i32
    "tpu.region"() ({
      %run_scoped3A_92 = tpu.sem_alloc : memref<!tpu.dma_semaphore, #tpu.memory_space<semaphore_mem>>
      %dma_start3A_93 = arith.constant 0 : i32
      %dma_start3A_94 = tpu.memref_slice %arg11[%mul3A_0, %dma_start3A_93] : memref<10112x128xf32, #tpu.memory_space<vmem_shared>> -> memref<632x128xf32, #tpu.memory_space<vmem_shared>>
      tpu.enqueue_dma source(%arg5 : memref<632x128xf32, #tpu.memory_space<hbm>>) target(%dma_start3A_94 : memref<632x128xf32, #tpu.memory_space<vmem_shared>>) target_semaphore(%run_scoped3A_92 : memref<!tpu.dma_semaphore, #tpu.memory_space<semaphore_mem>>)
      %dma_wait3A_95 = arith.constant 0 : i32
      %dma_wait3A_96 = tpu.memref_slice %arg11[%mul3A_0, %dma_wait3A_95] : memref<10112x128xf32, #tpu.memory_space<vmem_shared>> -> memref<632x128xf32, #tpu.memory_space<vmem_shared>>
      tpu.wait_dma2 semaphore(%run_scoped3A_92 : memref<!tpu.dma_semaphore, #tpu.memory_space<semaphore_mem>>) src(%arg5 : memref<632x128xf32, #tpu.memory_space<hbm>>) dst(%dma_wait3A_96 : memref<632x128xf32, #tpu.memory_space<vmem_shared>>)
      tpu.yield
    }) : () -> ()
    %barrier3A = arith.constant 0 : index
    tpu.barrier barrier_id(%barrier3A)
    %run_scoped3A = arith.constant 0 : i32
    "tpu.region"() ({
      %run_scoped3A_92 = tpu.sem_alloc : memref<!tpu.dma_semaphore, #tpu.memory_space<semaphore_mem>>
      %dma_start3A_93 = arith.constant 0 : i32
      %dma_start3A_94 = arith.constant 0 : i32
      %dma_start3A_95 = tpu.memref_slice %arg2[%arg0, %arg1, %run_scoped3A, %dma_start3A_93, %dma_start3A_94] : memref<2x16x4x37x128xi32, #tpu.memory_space<hbm>> -> memref<1x1x1x37x128xi32, #tpu.memory_space<hbm>>
      %dma_start3A_96 = tpu.memref_squeeze %dma_start3A_95 : memref<1x1x1x37x128xi32, #tpu.memory_space<hbm>> -> memref<37x128xi32, #tpu.memory_space<hbm>>
      %dma_start3A_97 = arith.constant 0 : i32
      %dma_start3A_98 = arith.constant 0 : i32
      %dma_start3A_99 = tpu.memref_slice %arg2[%arg0, %arg1, %run_scoped3A, %dma_start3A_97, %dma_start3A_98] : memref<2x16x4x37x128xi32, #tpu.memory_space<hbm>> -> memref<1x1x1x37x128xi32, #tpu.memory_space<hbm>>
      %dma_start3A_100 = tpu.memref_squeeze %dma_start3A_99 : memref<1x1x1x37x128xi32, #tpu.memory_space<hbm>> -> memref<37x128xi32, #tpu.memory_space<hbm>>
      tpu.enqueue_dma source(%dma_start3A_100 : memref<37x128xi32, #tpu.memory_space<hbm>>) target(%arg7 : memref<37x128xi32, #tpu.memory_space<vmem>>) target_semaphore(%run_scoped3A_92 : memref<!tpu.dma_semaphore, #tpu.memory_space<semaphore_mem>>)
      %dma_wait3A_101 = arith.constant 0 : i32
      %dma_wait3A_102 = arith.constant 0 : i32
      %dma_wait3A_103 = tpu.memref_slice %arg2[%arg0, %arg1, %run_scoped3A, %dma_wait3A_101, %dma_wait3A_102] : memref<2x16x4x37x128xi32, #tpu.memory_space<hbm>> -> memref<1x1x1x37x128xi32, #tpu.memory_space<hbm>>
      %dma_wait3A_104 = tpu.memref_squeeze %dma_wait3A_103 : memref<1x1x1x37x128xi32, #tpu.memory_space<hbm>> -> memref<37x128xi32, #tpu.memory_space<hbm>>
      %dma_wait3A_105 = arith.constant 0 : i32
      %dma_wait3A_106 = arith.constant 0 : i32
      %dma_wait3A_107 = tpu.memref_slice %arg2[%arg0, %arg1, %run_scoped3A, %dma_wait3A_105, %dma_wait3A_106] : memref<2x16x4x37x128xi32, #tpu.memory_space<hbm>> -> memref<1x1x1x37x128xi32, #tpu.memory_space<hbm>>
      %dma_wait3A_108 = tpu.memref_squeeze %dma_wait3A_107 : memref<1x1x1x37x128xi32, #tpu.memory_space<hbm>> -> memref<37x128xi32, #tpu.memory_space<hbm>>
      tpu.wait_dma2 semaphore(%run_scoped3A_92 : memref<!tpu.dma_semaphore, #tpu.memory_space<semaphore_mem>>) src(%dma_wait3A_108 : memref<37x128xi32, #tpu.memory_space<hbm>>) dst(%arg7 : memref<37x128xi32, #tpu.memory_space<vmem>>)
      tpu.yield
    }) : () -> ()
    %run_scoped3A_1 = arith.constant 0 : i32
    "tpu.region"() ({
      %run_scoped3A_92 = tpu.sem_alloc : memref<!tpu.dma_semaphore, #tpu.memory_space<semaphore_mem>>
      %dma_start3A_93 = arith.constant 0 : i32
      %dma_start3A_94 = arith.constant 0 : i32
      %dma_start3A_95 = tpu.memref_slice %arg3[%arg0, %arg1, %run_scoped3A_1, %dma_start3A_93, %dma_start3A_94] : memref<2x16x4x37x128xi32, #tpu.memory_space<hbm>> -> memref<1x1x1x37x128xi32, #tpu.memory_space<hbm>>
      %dma_start3A_96 = tpu.memref_squeeze %dma_start3A_95 : memref<1x1x1x37x128xi32, #tpu.memory_space<hbm>> -> memref<37x128xi32, #tpu.memory_space<hbm>>
      %dma_start3A_97 = arith.constant 0 : i32
      %dma_start3A_98 = arith.constant 0 : i32
      %dma_start3A_99 = tpu.memref_slice %arg3[%arg0, %arg1, %run_scoped3A_1, %dma_start3A_97, %dma_start3A_98] : memref<2x16x4x37x128xi32, #tpu.memory_space<hbm>> -> memref<1x1x1x37x128xi32, #tpu.memory_space<hbm>>
      %dma_start3A_100 = tpu.memref_squeeze %dma_start3A_99 : memref<1x1x1x37x128xi32, #tpu.memory_space<hbm>> -> memref<37x128xi32, #tpu.memory_space<hbm>>
      tpu.enqueue_dma source(%dma_start3A_100 : memref<37x128xi32, #tpu.memory_space<hbm>>) target(%arg8 : memref<37x128xi32, #tpu.memory_space<vmem>>) target_semaphore(%run_scoped3A_92 : memref<!tpu.dma_semaphore, #tpu.memory_space<semaphore_mem>>)
      %dma_wait3A_101 = arith.constant 0 : i32
      %dma_wait3A_102 = arith.constant 0 : i32
      %dma_wait3A_103 = tpu.memref_slice %arg3[%arg0, %arg1, %run_scoped3A_1, %dma_wait3A_101, %dma_wait3A_102] : memref<2x16x4x37x128xi32, #tpu.memory_space<hbm>> -> memref<1x1x1x37x128xi32, #tpu.memory_space<hbm>>
      %dma_wait3A_104 = tpu.memref_squeeze %dma_wait3A_103 : memref<1x1x1x37x128xi32, #tpu.memory_space<hbm>> -> memref<37x128xi32, #tpu.memory_space<hbm>>
      %dma_wait3A_105 = arith.constant 0 : i32
      %dma_wait3A_106 = arith.constant 0 : i32
      %dma_wait3A_107 = tpu.memref_slice %arg3[%arg0, %arg1, %run_scoped3A_1, %dma_wait3A_105, %dma_wait3A_106] : memref<2x16x4x37x128xi32, #tpu.memory_space<hbm>> -> memref<1x1x1x37x128xi32, #tpu.memory_space<hbm>>
      %dma_wait3A_108 = tpu.memref_squeeze %dma_wait3A_107 : memref<1x1x1x37x128xi32, #tpu.memory_space<hbm>> -> memref<37x128xi32, #tpu.memory_space<hbm>>
      tpu.wait_dma2 semaphore(%run_scoped3A_92 : memref<!tpu.dma_semaphore, #tpu.memory_space<semaphore_mem>>) src(%dma_wait3A_108 : memref<37x128xi32, #tpu.memory_space<hbm>>) dst(%arg8 : memref<37x128xi32, #tpu.memory_space<vmem>>)
      tpu.yield
    }) : () -> ()
    %dma_start3A = arith.constant 0 : i32
    %dma_start3A_2 = arith.constant 0 : i32
    %dma_start3A_3 = tpu.memref_slice %arg7[%dma_start3A, %dma_start3A_2] : memref<37x128xi32, #tpu.memory_space<vmem>> -> memref<1x128xi32, #tpu.memory_space<vmem>>
    %dma_start3A_4 = tpu.memref_squeeze %dma_start3A_3 : memref<1x128xi32, #tpu.memory_space<vmem>> -> memref<128xi32, #tpu.memory_space<vmem>>
    %dma_start3A_5 = arith.constant 0 : i32
    %dma_start3A_6 = arith.constant 0 : i32
    %dma_start3A_7 = tpu.memref_slice %arg4[%dma_start3A_5, %dma_start3A_6] : memref<20000x128xf32, #tpu.memory_space<hbm>> -> memref<20000x128xf32, #tpu.memory_space<hbm>>
    tpu.enqueue_indirect_dma source(%dma_start3A_7 : memref<20000x128xf32, #tpu.memory_space<hbm>>) target(%arg9 : memref<128x128xf32, #tpu.memory_space<vmem>>) offsets(%dma_start3A_4 : memref<128xi32, #tpu.memory_space<vmem>>) semaphore(%arg12 : memref<!tpu.dma_semaphore, #tpu.memory_space<semaphore_mem>>)
    %scan3A = arith.constant 0 : i32
    %scan3A_8 = arith.constant 0 : i32
    %scan3A_9 = arith.constant 18 : i32
    %scan3A_10 = arith.addi %scan3A_8, %scan3A_9 : i32
    %scan3A_11 = arith.constant 1 : i32
    scf.for %scan3A_92 = %scan3A_8 to %scan3A_10 step %scan3A_11  : i32 {
      %mul3A_93 = arith.constant 2 : i32
      %mul3A_94 = arith.muli %scan3A_92, %mul3A_93 : i32
      %add3A_95 = arith.constant 0 : i32
      %add3A_96 = arith.addi %mul3A_94, %add3A_95 : i32
      %add3A_97 = arith.constant 2 : i32
      %add3A_98 = arith.addi %add3A_96, %add3A_97 : i32
      %sub3A = arith.constant 1 : i32
      %sub3A_99 = arith.subi %add3A_98, %sub3A : i32
      %dma_start3A_100 = arith.constant 0 : i32
      %dma_start3A_101 = tpu.memref_slice %arg7[%sub3A_99, %dma_start3A_100] : memref<37x128xi32, #tpu.memory_space<vmem>> -> memref<1x128xi32, #tpu.memory_space<vmem>>
      %dma_start3A_102 = tpu.memref_squeeze %dma_start3A_101 : memref<1x128xi32, #tpu.memory_space<vmem>> -> memref<128xi32, #tpu.memory_space<vmem>>
      %dma_start3A_103 = arith.constant 0 : i32
      %dma_start3A_104 = arith.constant 0 : i32
      %dma_start3A_105 = tpu.memref_slice %arg4[%dma_start3A_103, %dma_start3A_104] : memref<20000x128xf32, #tpu.memory_space<hbm>> -> memref<20000x128xf32, #tpu.memory_space<hbm>>
      tpu.enqueue_indirect_dma source(%dma_start3A_105 : memref<20000x128xf32, #tpu.memory_space<hbm>>) target(%arg10 : memref<128x128xf32, #tpu.memory_space<vmem>>) offsets(%dma_start3A_102 : memref<128xi32, #tpu.memory_space<vmem>>) semaphore(%arg13 : memref<!tpu.dma_semaphore, #tpu.memory_space<semaphore_mem>>)
      %dma_wait3A_106 = arith.constant 0 : i32
      %dma_wait3A_107 = tpu.memref_slice %arg7[%add3A_96, %dma_wait3A_106] : memref<37x128xi32, #tpu.memory_space<vmem>> -> memref<1x128xi32, #tpu.memory_space<vmem>>
      %dma_wait3A_108 = tpu.memref_squeeze %dma_wait3A_107 : memref<1x128xi32, #tpu.memory_space<vmem>> -> memref<128xi32, #tpu.memory_space<vmem>>
      %dma_wait3A_109 = arith.constant 0 : i32
      %dma_wait3A_110 = arith.constant 0 : i32
      %dma_wait3A_111 = tpu.memref_slice %arg4[%dma_wait3A_109, %dma_wait3A_110] : memref<20000x128xf32, #tpu.memory_space<hbm>> -> memref<20000x128xf32, #tpu.memory_space<hbm>>
      tpu.wait_indirect_dma semaphore(%arg12 : memref<!tpu.dma_semaphore, #tpu.memory_space<semaphore_mem>>) src(%dma_wait3A_111 : memref<20000x128xf32, #tpu.memory_space<hbm>>) dst(%arg9 : memref<128x128xf32, #tpu.memory_space<vmem>>)
      "tpu.region"() ({
        %run_scoped3A_132 = tpu.sem_alloc : memref<!tpu.dma_semaphore, #tpu.memory_space<semaphore_mem>>
        %dma_start3A_133 = arith.constant 0 : i32
        %dma_start3A_134 = tpu.memref_slice %arg8[%add3A_96, %dma_start3A_133] : memref<37x128xi32, #tpu.memory_space<vmem>> -> memref<1x128xi32, #tpu.memory_space<vmem>>
        %dma_start3A_135 = tpu.memref_squeeze %dma_start3A_134 : memref<1x128xi32, #tpu.memory_space<vmem>> -> memref<128xi32, #tpu.memory_space<vmem>>
        %dma_start3A_136 = arith.constant 0 : i32
        %dma_start3A_137 = arith.constant 0 : i32
        %dma_start3A_138 = tpu.memref_slice %arg11[%dma_start3A_136, %dma_start3A_137] : memref<10112x128xf32, #tpu.memory_space<vmem_shared>> -> memref<10112x128xf32, #tpu.memory_space<vmem_shared>>
        tpu.enqueue_indirect_dma source(%arg9 : memref<128x128xf32, #tpu.memory_space<vmem>>) target(%dma_start3A_138 : memref<10112x128xf32, #tpu.memory_space<vmem_shared>>) offsets(%dma_start3A_135 : memref<128xi32, #tpu.memory_space<vmem>>) semaphore(%run_scoped3A_132 : memref<!tpu.dma_semaphore, #tpu.memory_space<semaphore_mem>>) {add = true}
        %dma_wait3A_139 = arith.constant 0 : i32
        %dma_wait3A_140 = tpu.memref_slice %arg8[%add3A_96, %dma_wait3A_139] : memref<37x128xi32, #tpu.memory_space<vmem>> -> memref<1x128xi32, #tpu.memory_space<vmem>>
        %dma_wait3A_141 = tpu.memref_squeeze %dma_wait3A_140 : memref<1x128xi32, #tpu.memory_space<vmem>> -> memref<128xi32, #tpu.memory_space<vmem>>
        %dma_wait3A_142 = arith.constant 0 : i32
        %dma_wait3A_143 = arith.constant 0 : i32
        %dma_wait3A_144 = tpu.memref_slice %arg11[%dma_wait3A_142, %dma_wait3A_143] : memref<10112x128xf32, #tpu.memory_space<vmem_shared>> -> memref<10112x128xf32, #tpu.memory_space<vmem_shared>>
        tpu.wait_indirect_dma semaphore(%run_scoped3A_132 : memref<!tpu.dma_semaphore, #tpu.memory_space<semaphore_mem>>) src(%arg9 : memref<128x128xf32, #tpu.memory_space<vmem>>) dst(%dma_wait3A_144 : memref<10112x128xf32, #tpu.memory_space<vmem_shared>>)
        tpu.yield
      }) : () -> ()
      %mul3A_112 = arith.constant 2 : i32
      %mul3A_113 = arith.muli %scan3A_92, %mul3A_112 : i32
      %add3A_114 = arith.constant 1 : i32
      %add3A_115 = arith.addi %mul3A_113, %add3A_114 : i32
      %add3A_116 = arith.constant 2 : i32
      %add3A_117 = arith.addi %add3A_115, %add3A_116 : i32
      %sub3A_118 = arith.constant 1 : i32
      %sub3A_119 = arith.subi %add3A_117, %sub3A_118 : i32
      %dma_start3A_120 = arith.constant 0 : i32
      %dma_start3A_121 = tpu.memref_slice %arg7[%sub3A_119, %dma_start3A_120] : memref<37x128xi32, #tpu.memory_space<vmem>> -> memref<1x128xi32, #tpu.memory_space<vmem>>
      %dma_start3A_122 = tpu.memref_squeeze %dma_start3A_121 : memref<1x128xi32, #tpu.memory_space<vmem>> -> memref<128xi32, #tpu.memory_space<vmem>>
      %dma_start3A_123 = arith.constant 0 : i32
      %dma_start3A_124 = arith.constant 0 : i32
      %dma_start3A_125 = tpu.memref_slice %arg4[%dma_start3A_123, %dma_start3A_124] : memref<20000x128xf32, #tpu.memory_space<hbm>> -> memref<20000x128xf32, #tpu.memory_space<hbm>>
      tpu.enqueue_indirect_dma source(%dma_start3A_125 : memref<20000x128xf32, #tpu.memory_space<hbm>>) target(%arg9 : memref<128x128xf32, #tpu.memory_space<vmem>>) offsets(%dma_start3A_122 : memref<128xi32, #tpu.memory_space<vmem>>) semaphore(%arg12 : memref<!tpu.dma_semaphore, #tpu.memory_space<semaphore_mem>>)
      %dma_wait3A_126 = arith.constant 0 : i32
      %dma_wait3A_127 = tpu.memref_slice %arg7[%add3A_115, %dma_wait3A_126] : memref<37x128xi32, #tpu.memory_space<vmem>> -> memref<1x128xi32, #tpu.memory_space<vmem>>
      %dma_wait3A_128 = tpu.memref_squeeze %dma_wait3A_127 : memref<1x128xi32, #tpu.memory_space<vmem>> -> memref<128xi32, #tpu.memory_space<vmem>>
      %dma_wait3A_129 = arith.constant 0 : i32
      %dma_wait3A_130 = arith.constant 0 : i32
      %dma_wait3A_131 = tpu.memref_slice %arg4[%dma_wait3A_129, %dma_wait3A_130] : memref<20000x128xf32, #tpu.memory_space<hbm>> -> memref<20000x128xf32, #tpu.memory_space<hbm>>
      tpu.wait_indirect_dma semaphore(%arg13 : memref<!tpu.dma_semaphore, #tpu.memory_space<semaphore_mem>>) src(%dma_wait3A_131 : memref<20000x128xf32, #tpu.memory_space<hbm>>) dst(%arg10 : memref<128x128xf32, #tpu.memory_space<vmem>>)
      "tpu.region"() ({
        %run_scoped3A_132 = tpu.sem_alloc : memref<!tpu.dma_semaphore, #tpu.memory_space<semaphore_mem>>
        %dma_start3A_133 = arith.constant 0 : i32
        %dma_start3A_134 = tpu.memref_slice %arg8[%add3A_115, %dma_start3A_133] : memref<37x128xi32, #tpu.memory_space<vmem>> -> memref<1x128xi32, #tpu.memory_space<vmem>>
        %dma_start3A_135 = tpu.memref_squeeze %dma_start3A_134 : memref<1x128xi32, #tpu.memory_space<vmem>> -> memref<128xi32, #tpu.memory_space<vmem>>
        %dma_start3A_136 = arith.constant 0 : i32
        %dma_start3A_137 = arith.constant 0 : i32
        %dma_start3A_138 = tpu.memref_slice %arg11[%dma_start3A_136, %dma_start3A_137] : memref<10112x128xf32, #tpu.memory_space<vmem_shared>> -> memref<10112x128xf32, #tpu.memory_space<vmem_shared>>
        tpu.enqueue_indirect_dma source(%arg10 : memref<128x128xf32, #tpu.memory_space<vmem>>) target(%dma_start3A_138 : memref<10112x128xf32, #tpu.memory_space<vmem_shared>>) offsets(%dma_start3A_135 : memref<128xi32, #tpu.memory_space<vmem>>) semaphore(%run_scoped3A_132 : memref<!tpu.dma_semaphore, #tpu.memory_space<semaphore_mem>>) {add = true}
        %dma_wait3A_139 = arith.constant 0 : i32
        %dma_wait3A_140 = tpu.memref_slice %arg8[%add3A_115, %dma_wait3A_139] : memref<37x128xi32, #tpu.memory_space<vmem>> -> memref<1x128xi32, #tpu.memory_space<vmem>>
        %dma_wait3A_141 = tpu.memref_squeeze %dma_wait3A_140 : memref<1x128xi32, #tpu.memory_space<vmem>> -> memref<128xi32, #tpu.memory_space<vmem>>
        %dma_wait3A_142 = arith.constant 0 : i32
        %dma_wait3A_143 = arith.constant 0 : i32
        %dma_wait3A_144 = tpu.memref_slice %arg11[%dma_wait3A_142, %dma_wait3A_143] : memref<10112x128xf32, #tpu.memory_space<vmem_shared>> -> memref<10112x128xf32, #tpu.memory_space<vmem_shared>>
        tpu.wait_indirect_dma semaphore(%run_scoped3A_132 : memref<!tpu.dma_semaphore, #tpu.memory_space<semaphore_mem>>) src(%arg10 : memref<128x128xf32, #tpu.memory_space<vmem>>) dst(%dma_wait3A_144 : memref<10112x128xf32, #tpu.memory_space<vmem_shared>>)
        tpu.yield
      }) : () -> ()
    }
    %scan3A_12 = arith.constant 18 : i32
    %dma_wait3A = arith.constant 36 : i32
    %dma_wait3A_13 = arith.constant 0 : i32
    %dma_wait3A_14 = tpu.memref_slice %arg7[%dma_wait3A, %dma_wait3A_13] : memref<37x128xi32, #tpu.memory_space<vmem>> -> memref<1x128xi32, #tpu.memory_space<vmem>>
    %dma_wait3A_15 = tpu.memref_squeeze %dma_wait3A_14 : memref<1x128xi32, #tpu.memory_space<vmem>> -> memref<128xi32, #tpu.memory_space<vmem>>
    %dma_wait3A_16 = arith.constant 0 : i32
    %dma_wait3A_17 = arith.constant 0 : i32
    %dma_wait3A_18 = tpu.memref_slice %arg4[%dma_wait3A_16, %dma_wait3A_17] : memref<20000x128xf32, #tpu.memory_space<hbm>> -> memref<20000x128xf32, #tpu.memory_space<hbm>>
    tpu.wait_indirect_dma semaphore(%arg12 : memref<!tpu.dma_semaphore, #tpu.memory_space<semaphore_mem>>) src(%dma_wait3A_18 : memref<20000x128xf32, #tpu.memory_space<hbm>>) dst(%arg9 : memref<128x128xf32, #tpu.memory_space<vmem>>)
    %run_scoped3A_19 = arith.constant 36 : i32
    "tpu.region"() ({
      %run_scoped3A_92 = tpu.sem_alloc : memref<!tpu.dma_semaphore, #tpu.memory_space<semaphore_mem>>
      %dma_start3A_93 = arith.constant 0 : i32
      %dma_start3A_94 = tpu.memref_slice %arg8[%run_scoped3A_19, %dma_start3A_93] : memref<37x128xi32, #tpu.memory_space<vmem>> -> memref<1x128xi32, #tpu.memory_space<vmem>>
      %dma_start3A_95 = tpu.memref_squeeze %dma_start3A_94 : memref<1x128xi32, #tpu.memory_space<vmem>> -> memref<128xi32, #tpu.memory_space<vmem>>
      %dma_start3A_96 = arith.constant 0 : i32
      %dma_start3A_97 = arith.constant 0 : i32
      %dma_start3A_98 = tpu.memref_slice %arg11[%dma_start3A_96, %dma_start3A_97] : memref<10112x128xf32, #tpu.memory_space<vmem_shared>> -> memref<10112x128xf32, #tpu.memory_space<vmem_shared>>
      tpu.enqueue_indirect_dma source(%arg9 : memref<128x128xf32, #tpu.memory_space<vmem>>) target(%dma_start3A_98 : memref<10112x128xf32, #tpu.memory_space<vmem_shared>>) offsets(%dma_start3A_95 : memref<128xi32, #tpu.memory_space<vmem>>) semaphore(%run_scoped3A_92 : memref<!tpu.dma_semaphore, #tpu.memory_space<semaphore_mem>>) {add = true}
      %dma_wait3A_99 = arith.constant 0 : i32
      %dma_wait3A_100 = tpu.memref_slice %arg8[%run_scoped3A_19, %dma_wait3A_99] : memref<37x128xi32, #tpu.memory_space<vmem>> -> memref<1x128xi32, #tpu.memory_space<vmem>>
      %dma_wait3A_101 = tpu.memref_squeeze %dma_wait3A_100 : memref<1x128xi32, #tpu.memory_space<vmem>> -> memref<128xi32, #tpu.memory_space<vmem>>
      %dma_wait3A_102 = arith.constant 0 : i32
      %dma_wait3A_103 = arith.constant 0 : i32
      %dma_wait3A_104 = tpu.memref_slice %arg11[%dma_wait3A_102, %dma_wait3A_103] : memref<10112x128xf32, #tpu.memory_space<vmem_shared>> -> memref<10112x128xf32, #tpu.memory_space<vmem_shared>>
      tpu.wait_indirect_dma semaphore(%run_scoped3A_92 : memref<!tpu.dma_semaphore, #tpu.memory_space<semaphore_mem>>) src(%arg9 : memref<128x128xf32, #tpu.memory_space<vmem>>) dst(%dma_wait3A_104 : memref<10112x128xf32, #tpu.memory_space<vmem_shared>>)
      tpu.yield
    }) : () -> ()
    %run_scoped3A_20 = arith.constant 1 : i32
    "tpu.region"() ({
      %run_scoped3A_92 = tpu.sem_alloc : memref<!tpu.dma_semaphore, #tpu.memory_space<semaphore_mem>>
      %dma_start3A_93 = arith.constant 0 : i32
      %dma_start3A_94 = arith.constant 0 : i32
      %dma_start3A_95 = tpu.memref_slice %arg2[%arg0, %arg1, %run_scoped3A_20, %dma_start3A_93, %dma_start3A_94] : memref<2x16x4x37x128xi32, #tpu.memory_space<hbm>> -> memref<1x1x1x37x128xi32, #tpu.memory_space<hbm>>
      %dma_start3A_96 = tpu.memref_squeeze %dma_start3A_95 : memref<1x1x1x37x128xi32, #tpu.memory_space<hbm>> -> memref<37x128xi32, #tpu.memory_space<hbm>>
      %dma_start3A_97 = arith.constant 0 : i32
      %dma_start3A_98 = arith.constant 0 : i32
      %dma_start3A_99 = tpu.memref_slice %arg2[%arg0, %arg1, %run_scoped3A_20, %dma_start3A_97, %dma_start3A_98] : memref<2x16x4x37x128xi32, #tpu.memory_space<hbm>> -> memref<1x1x1x37x128xi32, #tpu.memory_space<hbm>>
      %dma_start3A_100 = tpu.memref_squeeze %dma_start3A_99 : memref<1x1x1x37x128xi32, #tpu.memory_space<hbm>> -> memref<37x128xi32, #tpu.memory_space<hbm>>
      tpu.enqueue_dma source(%dma_start3A_100 : memref<37x128xi32, #tpu.memory_space<hbm>>) target(%arg7 : memref<37x128xi32, #tpu.memory_space<vmem>>) target_semaphore(%run_scoped3A_92 : memref<!tpu.dma_semaphore, #tpu.memory_space<semaphore_mem>>)
      %dma_wait3A_101 = arith.constant 0 : i32
      %dma_wait3A_102 = arith.constant 0 : i32
      %dma_wait3A_103 = tpu.memref_slice %arg2[%arg0, %arg1, %run_scoped3A_20, %dma_wait3A_101, %dma_wait3A_102] : memref<2x16x4x37x128xi32, #tpu.memory_space<hbm>> -> memref<1x1x1x37x128xi32, #tpu.memory_space<hbm>>
      %dma_wait3A_104 = tpu.memref_squeeze %dma_wait3A_103 : memref<1x1x1x37x128xi32, #tpu.memory_space<hbm>> -> memref<37x128xi32, #tpu.memory_space<hbm>>
      %dma_wait3A_105 = arith.constant 0 : i32
      %dma_wait3A_106 = arith.constant 0 : i32
      %dma_wait3A_107 = tpu.memref_slice %arg2[%arg0, %arg1, %run_scoped3A_20, %dma_wait3A_105, %dma_wait3A_106] : memref<2x16x4x37x128xi32, #tpu.memory_space<hbm>> -> memref<1x1x1x37x128xi32, #tpu.memory_space<hbm>>
      %dma_wait3A_108 = tpu.memref_squeeze %dma_wait3A_107 : memref<1x1x1x37x128xi32, #tpu.memory_space<hbm>> -> memref<37x128xi32, #tpu.memory_space<hbm>>
      tpu.wait_dma2 semaphore(%run_scoped3A_92 : memref<!tpu.dma_semaphore, #tpu.memory_space<semaphore_mem>>) src(%dma_wait3A_108 : memref<37x128xi32, #tpu.memory_space<hbm>>) dst(%arg7 : memref<37x128xi32, #tpu.memory_space<vmem>>)
      tpu.yield
    }) : () -> ()
    %run_scoped3A_21 = arith.constant 1 : i32
    "tpu.region"() ({
      %run_scoped3A_92 = tpu.sem_alloc : memref<!tpu.dma_semaphore, #tpu.memory_space<semaphore_mem>>
      %dma_start3A_93 = arith.constant 0 : i32
      %dma_start3A_94 = arith.constant 0 : i32
      %dma_start3A_95 = tpu.memref_slice %arg3[%arg0, %arg1, %run_scoped3A_21, %dma_start3A_93, %dma_start3A_94] : memref<2x16x4x37x128xi32, #tpu.memory_space<hbm>> -> memref<1x1x1x37x128xi32, #tpu.memory_space<hbm>>
      %dma_start3A_96 = tpu.memref_squeeze %dma_start3A_95 : memref<1x1x1x37x128xi32, #tpu.memory_space<hbm>> -> memref<37x128xi32, #tpu.memory_space<hbm>>
      %dma_start3A_97 = arith.constant 0 : i32
      %dma_start3A_98 = arith.constant 0 : i32
      %dma_start3A_99 = tpu.memref_slice %arg3[%arg0, %arg1, %run_scoped3A_21, %dma_start3A_97, %dma_start3A_98] : memref<2x16x4x37x128xi32, #tpu.memory_space<hbm>> -> memref<1x1x1x37x128xi32, #tpu.memory_space<hbm>>
      %dma_start3A_100 = tpu.memref_squeeze %dma_start3A_99 : memref<1x1x1x37x128xi32, #tpu.memory_space<hbm>> -> memref<37x128xi32, #tpu.memory_space<hbm>>
      tpu.enqueue_dma source(%dma_start3A_100 : memref<37x128xi32, #tpu.memory_space<hbm>>) target(%arg8 : memref<37x128xi32, #tpu.memory_space<vmem>>) target_semaphore(%run_scoped3A_92 : memref<!tpu.dma_semaphore, #tpu.memory_space<semaphore_mem>>)
      %dma_wait3A_101 = arith.constant 0 : i32
      %dma_wait3A_102 = arith.constant 0 : i32
      %dma_wait3A_103 = tpu.memref_slice %arg3[%arg0, %arg1, %run_scoped3A_21, %dma_wait3A_101, %dma_wait3A_102] : memref<2x16x4x37x128xi32, #tpu.memory_space<hbm>> -> memref<1x1x1x37x128xi32, #tpu.memory_space<hbm>>
      %dma_wait3A_104 = tpu.memref_squeeze %dma_wait3A_103 : memref<1x1x1x37x128xi32, #tpu.memory_space<hbm>> -> memref<37x128xi32, #tpu.memory_space<hbm>>
      %dma_wait3A_105 = arith.constant 0 : i32
      %dma_wait3A_106 = arith.constant 0 : i32
      %dma_wait3A_107 = tpu.memref_slice %arg3[%arg0, %arg1, %run_scoped3A_21, %dma_wait3A_105, %dma_wait3A_106] : memref<2x16x4x37x128xi32, #tpu.memory_space<hbm>> -> memref<1x1x1x37x128xi32, #tpu.memory_space<hbm>>
      %dma_wait3A_108 = tpu.memref_squeeze %dma_wait3A_107 : memref<1x1x1x37x128xi32, #tpu.memory_space<hbm>> -> memref<37x128xi32, #tpu.memory_space<hbm>>
      tpu.wait_dma2 semaphore(%run_scoped3A_92 : memref<!tpu.dma_semaphore, #tpu.memory_space<semaphore_mem>>) src(%dma_wait3A_108 : memref<37x128xi32, #tpu.memory_space<hbm>>) dst(%arg8 : memref<37x128xi32, #tpu.memory_space<vmem>>)
      tpu.yield
    }) : () -> ()
    %dma_start3A_22 = arith.constant 0 : i32
    %dma_start3A_23 = arith.constant 0 : i32
    %dma_start3A_24 = tpu.memref_slice %arg7[%dma_start3A_22, %dma_start3A_23] : memref<37x128xi32, #tpu.memory_space<vmem>> -> memref<1x128xi32, #tpu.memory_space<vmem>>
    %dma_start3A_25 = tpu.memref_squeeze %dma_start3A_24 : memref<1x128xi32, #tpu.memory_space<vmem>> -> memref<128xi32, #tpu.memory_space<vmem>>
    %dma_start3A_26 = arith.constant 0 : i32
    %dma_start3A_27 = arith.constant 0 : i32
    %dma_start3A_28 = tpu.memref_slice %arg4[%dma_start3A_26, %dma_start3A_27] : memref<20000x128xf32, #tpu.memory_space<hbm>> -> memref<20000x128xf32, #tpu.memory_space<hbm>>
    tpu.enqueue_indirect_dma source(%dma_start3A_28 : memref<20000x128xf32, #tpu.memory_space<hbm>>) target(%arg9 : memref<128x128xf32, #tpu.memory_space<vmem>>) offsets(%dma_start3A_25 : memref<128xi32, #tpu.memory_space<vmem>>) semaphore(%arg12 : memref<!tpu.dma_semaphore, #tpu.memory_space<semaphore_mem>>)
    %scan3A_29 = arith.constant 0 : i32
    %scan3A_30 = arith.constant 0 : i32
    %scan3A_31 = arith.constant 18 : i32
    %scan3A_32 = arith.addi %scan3A_30, %scan3A_31 : i32
    %scan3A_33 = arith.constant 1 : i32
    scf.for %scan3A_92 = %scan3A_30 to %scan3A_32 step %scan3A_33  : i32 {
      %mul3A_93 = arith.constant 2 : i32
      %mul3A_94 = arith.muli %scan3A_92, %mul3A_93 : i32
      %add3A_95 = arith.constant 0 : i32
      %add3A_96 = arith.addi %mul3A_94, %add3A_95 : i32
      %add3A_97 = arith.constant 2 : i32
      %add3A_98 = arith.addi %add3A_96, %add3A_97 : i32
      %sub3A = arith.constant 1 : i32
      %sub3A_99 = arith.subi %add3A_98, %sub3A : i32
      %dma_start3A_100 = arith.constant 0 : i32
      %dma_start3A_101 = tpu.memref_slice %arg7[%sub3A_99, %dma_start3A_100] : memref<37x128xi32, #tpu.memory_space<vmem>> -> memref<1x128xi32, #tpu.memory_space<vmem>>
      %dma_start3A_102 = tpu.memref_squeeze %dma_start3A_101 : memref<1x128xi32, #tpu.memory_space<vmem>> -> memref<128xi32, #tpu.memory_space<vmem>>
      %dma_start3A_103 = arith.constant 0 : i32
      %dma_start3A_104 = arith.constant 0 : i32
      %dma_start3A_105 = tpu.memref_slice %arg4[%dma_start3A_103, %dma_start3A_104] : memref<20000x128xf32, #tpu.memory_space<hbm>> -> memref<20000x128xf32, #tpu.memory_space<hbm>>
      tpu.enqueue_indirect_dma source(%dma_start3A_105 : memref<20000x128xf32, #tpu.memory_space<hbm>>) target(%arg10 : memref<128x128xf32, #tpu.memory_space<vmem>>) offsets(%dma_start3A_102 : memref<128xi32, #tpu.memory_space<vmem>>) semaphore(%arg13 : memref<!tpu.dma_semaphore, #tpu.memory_space<semaphore_mem>>)
      %dma_wait3A_106 = arith.constant 0 : i32
      %dma_wait3A_107 = tpu.memref_slice %arg7[%add3A_96, %dma_wait3A_106] : memref<37x128xi32, #tpu.memory_space<vmem>> -> memref<1x128xi32, #tpu.memory_space<vmem>>
      %dma_wait3A_108 = tpu.memref_squeeze %dma_wait3A_107 : memref<1x128xi32, #tpu.memory_space<vmem>> -> memref<128xi32, #tpu.memory_space<vmem>>
      %dma_wait3A_109 = arith.constant 0 : i32
      %dma_wait3A_110 = arith.constant 0 : i32
      %dma_wait3A_111 = tpu.memref_slice %arg4[%dma_wait3A_109, %dma_wait3A_110] : memref<20000x128xf32, #tpu.memory_space<hbm>> -> memref<20000x128xf32, #tpu.memory_space<hbm>>
      tpu.wait_indirect_dma semaphore(%arg12 : memref<!tpu.dma_semaphore, #tpu.memory_space<semaphore_mem>>) src(%dma_wait3A_111 : memref<20000x128xf32, #tpu.memory_space<hbm>>) dst(%arg9 : memref<128x128xf32, #tpu.memory_space<vmem>>)
      "tpu.region"() ({
        %run_scoped3A_132 = tpu.sem_alloc : memref<!tpu.dma_semaphore, #tpu.memory_space<semaphore_mem>>
        %dma_start3A_133 = arith.constant 0 : i32
        %dma_start3A_134 = tpu.memref_slice %arg8[%add3A_96, %dma_start3A_133] : memref<37x128xi32, #tpu.memory_space<vmem>> -> memref<1x128xi32, #tpu.memory_space<vmem>>
        %dma_start3A_135 = tpu.memref_squeeze %dma_start3A_134 : memref<1x128xi32, #tpu.memory_space<vmem>> -> memref<128xi32, #tpu.memory_space<vmem>>
        %dma_start3A_136 = arith.constant 0 : i32
        %dma_start3A_137 = arith.constant 0 : i32
        %dma_start3A_138 = tpu.memref_slice %arg11[%dma_start3A_136, %dma_start3A_137] : memref<10112x128xf32, #tpu.memory_space<vmem_shared>> -> memref<10112x128xf32, #tpu.memory_space<vmem_shared>>
        tpu.enqueue_indirect_dma source(%arg9 : memref<128x128xf32, #tpu.memory_space<vmem>>) target(%dma_start3A_138 : memref<10112x128xf32, #tpu.memory_space<vmem_shared>>) offsets(%dma_start3A_135 : memref<128xi32, #tpu.memory_space<vmem>>) semaphore(%run_scoped3A_132 : memref<!tpu.dma_semaphore, #tpu.memory_space<semaphore_mem>>) {add = true}
        %dma_wait3A_139 = arith.constant 0 : i32
        %dma_wait3A_140 = tpu.memref_slice %arg8[%add3A_96, %dma_wait3A_139] : memref<37x128xi32, #tpu.memory_space<vmem>> -> memref<1x128xi32, #tpu.memory_space<vmem>>
        %dma_wait3A_141 = tpu.memref_squeeze %dma_wait3A_140 : memref<1x128xi32, #tpu.memory_space<vmem>> -> memref<128xi32, #tpu.memory_space<vmem>>
        %dma_wait3A_142 = arith.constant 0 : i32
        %dma_wait3A_143 = arith.constant 0 : i32
        %dma_wait3A_144 = tpu.memref_slice %arg11[%dma_wait3A_142, %dma_wait3A_143] : memref<10112x128xf32, #tpu.memory_space<vmem_shared>> -> memref<10112x128xf32, #tpu.memory_space<vmem_shared>>
        tpu.wait_indirect_dma semaphore(%run_scoped3A_132 : memref<!tpu.dma_semaphore, #tpu.memory_space<semaphore_mem>>) src(%arg9 : memref<128x128xf32, #tpu.memory_space<vmem>>) dst(%dma_wait3A_144 : memref<10112x128xf32, #tpu.memory_space<vmem_shared>>)
        tpu.yield
      }) : () -> ()
      %mul3A_112 = arith.constant 2 : i32
      %mul3A_113 = arith.muli %scan3A_92, %mul3A_112 : i32
      %add3A_114 = arith.constant 1 : i32
      %add3A_115 = arith.addi %mul3A_113, %add3A_114 : i32
      %add3A_116 = arith.constant 2 : i32
      %add3A_117 = arith.addi %add3A_115, %add3A_116 : i32
      %sub3A_118 = arith.constant 1 : i32
      %sub3A_119 = arith.subi %add3A_117, %sub3A_118 : i32
      %dma_start3A_120 = arith.constant 0 : i32
      %dma_start3A_121 = tpu.memref_slice %arg7[%sub3A_119, %dma_start3A_120] : memref<37x128xi32, #tpu.memory_space<vmem>> -> memref<1x128xi32, #tpu.memory_space<vmem>>
      %dma_start3A_122 = tpu.memref_squeeze %dma_start3A_121 : memref<1x128xi32, #tpu.memory_space<vmem>> -> memref<128xi32, #tpu.memory_space<vmem>>
      %dma_start3A_123 = arith.constant 0 : i32
      %dma_start3A_124 = arith.constant 0 : i32
      %dma_start3A_125 = tpu.memref_slice %arg4[%dma_start3A_123, %dma_start3A_124] : memref<20000x128xf32, #tpu.memory_space<hbm>> -> memref<20000x128xf32, #tpu.memory_space<hbm>>
      tpu.enqueue_indirect_dma source(%dma_start3A_125 : memref<20000x128xf32, #tpu.memory_space<hbm>>) target(%arg9 : memref<128x128xf32, #tpu.memory_space<vmem>>) offsets(%dma_start3A_122 : memref<128xi32, #tpu.memory_space<vmem>>) semaphore(%arg12 : memref<!tpu.dma_semaphore, #tpu.memory_space<semaphore_mem>>)
      %dma_wait3A_126 = arith.constant 0 : i32
      %dma_wait3A_127 = tpu.memref_slice %arg7[%add3A_115, %dma_wait3A_126] : memref<37x128xi32, #tpu.memory_space<vmem>> -> memref<1x128xi32, #tpu.memory_space<vmem>>
      %dma_wait3A_128 = tpu.memref_squeeze %dma_wait3A_127 : memref<1x128xi32, #tpu.memory_space<vmem>> -> memref<128xi32, #tpu.memory_space<vmem>>
      %dma_wait3A_129 = arith.constant 0 : i32
      %dma_wait3A_130 = arith.constant 0 : i32
      %dma_wait3A_131 = tpu.memref_slice %arg4[%dma_wait3A_129, %dma_wait3A_130] : memref<20000x128xf32, #tpu.memory_space<hbm>> -> memref<20000x128xf32, #tpu.memory_space<hbm>>
      tpu.wait_indirect_dma semaphore(%arg13 : memref<!tpu.dma_semaphore, #tpu.memory_space<semaphore_mem>>) src(%dma_wait3A_131 : memref<20000x128xf32, #tpu.memory_space<hbm>>) dst(%arg10 : memref<128x128xf32, #tpu.memory_space<vmem>>)
      "tpu.region"() ({
        %run_scoped3A_132 = tpu.sem_alloc : memref<!tpu.dma_semaphore, #tpu.memory_space<semaphore_mem>>
        %dma_start3A_133 = arith.constant 0 : i32
        %dma_start3A_134 = tpu.memref_slice %arg8[%add3A_115, %dma_start3A_133] : memref<37x128xi32, #tpu.memory_space<vmem>> -> memref<1x128xi32, #tpu.memory_space<vmem>>
        %dma_start3A_135 = tpu.memref_squeeze %dma_start3A_134 : memref<1x128xi32, #tpu.memory_space<vmem>> -> memref<128xi32, #tpu.memory_space<vmem>>
        %dma_start3A_136 = arith.constant 0 : i32
        %dma_start3A_137 = arith.constant 0 : i32
        %dma_start3A_138 = tpu.memref_slice %arg11[%dma_start3A_136, %dma_start3A_137] : memref<10112x128xf32, #tpu.memory_space<vmem_shared>> -> memref<10112x128xf32, #tpu.memory_space<vmem_shared>>
        tpu.enqueue_indirect_dma source(%arg10 : memref<128x128xf32, #tpu.memory_space<vmem>>) target(%dma_start3A_138 : memref<10112x128xf32, #tpu.memory_space<vmem_shared>>) offsets(%dma_start3A_135 : memref<128xi32, #tpu.memory_space<vmem>>) semaphore(%run_scoped3A_132 : memref<!tpu.dma_semaphore, #tpu.memory_space<semaphore_mem>>) {add = true}
        %dma_wait3A_139 = arith.constant 0 : i32
        %dma_wait3A_140 = tpu.memref_slice %arg8[%add3A_115, %dma_wait3A_139] : memref<37x128xi32, #tpu.memory_space<vmem>> -> memref<1x128xi32, #tpu.memory_space<vmem>>
        %dma_wait3A_141 = tpu.memref_squeeze %dma_wait3A_140 : memref<1x128xi32, #tpu.memory_space<vmem>> -> memref<128xi32, #tpu.memory_space<vmem>>
        %dma_wait3A_142 = arith.constant 0 : i32
        %dma_wait3A_143 = arith.constant 0 : i32
        %dma_wait3A_144 = tpu.memref_slice %arg11[%dma_wait3A_142, %dma_wait3A_143] : memref<10112x128xf32, #tpu.memory_space<vmem_shared>> -> memref<10112x128xf32, #tpu.memory_space<vmem_shared>>
        tpu.wait_indirect_dma semaphore(%run_scoped3A_132 : memref<!tpu.dma_semaphore, #tpu.memory_space<semaphore_mem>>) src(%arg10 : memref<128x128xf32, #tpu.memory_space<vmem>>) dst(%dma_wait3A_144 : memref<10112x128xf32, #tpu.memory_space<vmem_shared>>)
        tpu.yield
      }) : () -> ()
    }
    %scan3A_34 = arith.constant 18 : i32
    %dma_wait3A_35 = arith.constant 36 : i32
    %dma_wait3A_36 = arith.constant 0 : i32
    %dma_wait3A_37 = tpu.memref_slice %arg7[%dma_wait3A_35, %dma_wait3A_36] : memref<37x128xi32, #tpu.memory_space<vmem>> -> memref<1x128xi32, #tpu.memory_space<vmem>>
    %dma_wait3A_38 = tpu.memref_squeeze %dma_wait3A_37 : memref<1x128xi32, #tpu.memory_space<vmem>> -> memref<128xi32, #tpu.memory_space<vmem>>
    %dma_wait3A_39 = arith.constant 0 : i32
    %dma_wait3A_40 = arith.constant 0 : i32
    %dma_wait3A_41 = tpu.memref_slice %arg4[%dma_wait3A_39, %dma_wait3A_40] : memref<20000x128xf32, #tpu.memory_space<hbm>> -> memref<20000x128xf32, #tpu.memory_space<hbm>>
    tpu.wait_indirect_dma semaphore(%arg12 : memref<!tpu.dma_semaphore, #tpu.memory_space<semaphore_mem>>) src(%dma_wait3A_41 : memref<20000x128xf32, #tpu.memory_space<hbm>>) dst(%arg9 : memref<128x128xf32, #tpu.memory_space<vmem>>)
    %run_scoped3A_42 = arith.constant 36 : i32
    "tpu.region"() ({
      %run_scoped3A_92 = tpu.sem_alloc : memref<!tpu.dma_semaphore, #tpu.memory_space<semaphore_mem>>
      %dma_start3A_93 = arith.constant 0 : i32
      %dma_start3A_94 = tpu.memref_slice %arg8[%run_scoped3A_42, %dma_start3A_93] : memref<37x128xi32, #tpu.memory_space<vmem>> -> memref<1x128xi32, #tpu.memory_space<vmem>>
      %dma_start3A_95 = tpu.memref_squeeze %dma_start3A_94 : memref<1x128xi32, #tpu.memory_space<vmem>> -> memref<128xi32, #tpu.memory_space<vmem>>
      %dma_start3A_96 = arith.constant 0 : i32
      %dma_start3A_97 = arith.constant 0 : i32
      %dma_start3A_98 = tpu.memref_slice %arg11[%dma_start3A_96, %dma_start3A_97] : memref<10112x128xf32, #tpu.memory_space<vmem_shared>> -> memref<10112x128xf32, #tpu.memory_space<vmem_shared>>
      tpu.enqueue_indirect_dma source(%arg9 : memref<128x128xf32, #tpu.memory_space<vmem>>) target(%dma_start3A_98 : memref<10112x128xf32, #tpu.memory_space<vmem_shared>>) offsets(%dma_start3A_95 : memref<128xi32, #tpu.memory_space<vmem>>) semaphore(%run_scoped3A_92 : memref<!tpu.dma_semaphore, #tpu.memory_space<semaphore_mem>>) {add = true}
      %dma_wait3A_99 = arith.constant 0 : i32
      %dma_wait3A_100 = tpu.memref_slice %arg8[%run_scoped3A_42, %dma_wait3A_99] : memref<37x128xi32, #tpu.memory_space<vmem>> -> memref<1x128xi32, #tpu.memory_space<vmem>>
      %dma_wait3A_101 = tpu.memref_squeeze %dma_wait3A_100 : memref<1x128xi32, #tpu.memory_space<vmem>> -> memref<128xi32, #tpu.memory_space<vmem>>
      %dma_wait3A_102 = arith.constant 0 : i32
      %dma_wait3A_103 = arith.constant 0 : i32
      %dma_wait3A_104 = tpu.memref_slice %arg11[%dma_wait3A_102, %dma_wait3A_103] : memref<10112x128xf32, #tpu.memory_space<vmem_shared>> -> memref<10112x128xf32, #tpu.memory_space<vmem_shared>>
      tpu.wait_indirect_dma semaphore(%run_scoped3A_92 : memref<!tpu.dma_semaphore, #tpu.memory_space<semaphore_mem>>) src(%arg9 : memref<128x128xf32, #tpu.memory_space<vmem>>) dst(%dma_wait3A_104 : memref<10112x128xf32, #tpu.memory_space<vmem_shared>>)
      tpu.yield
    }) : () -> ()
    %run_scoped3A_43 = arith.constant 2 : i32
    "tpu.region"() ({
      %run_scoped3A_92 = tpu.sem_alloc : memref<!tpu.dma_semaphore, #tpu.memory_space<semaphore_mem>>
      %dma_start3A_93 = arith.constant 0 : i32
      %dma_start3A_94 = arith.constant 0 : i32
      %dma_start3A_95 = tpu.memref_slice %arg2[%arg0, %arg1, %run_scoped3A_43, %dma_start3A_93, %dma_start3A_94] : memref<2x16x4x37x128xi32, #tpu.memory_space<hbm>> -> memref<1x1x1x37x128xi32, #tpu.memory_space<hbm>>
      %dma_start3A_96 = tpu.memref_squeeze %dma_start3A_95 : memref<1x1x1x37x128xi32, #tpu.memory_space<hbm>> -> memref<37x128xi32, #tpu.memory_space<hbm>>
      %dma_start3A_97 = arith.constant 0 : i32
      %dma_start3A_98 = arith.constant 0 : i32
      %dma_start3A_99 = tpu.memref_slice %arg2[%arg0, %arg1, %run_scoped3A_43, %dma_start3A_97, %dma_start3A_98] : memref<2x16x4x37x128xi32, #tpu.memory_space<hbm>> -> memref<1x1x1x37x128xi32, #tpu.memory_space<hbm>>
      %dma_start3A_100 = tpu.memref_squeeze %dma_start3A_99 : memref<1x1x1x37x128xi32, #tpu.memory_space<hbm>> -> memref<37x128xi32, #tpu.memory_space<hbm>>
      tpu.enqueue_dma source(%dma_start3A_100 : memref<37x128xi32, #tpu.memory_space<hbm>>) target(%arg7 : memref<37x128xi32, #tpu.memory_space<vmem>>) target_semaphore(%run_scoped3A_92 : memref<!tpu.dma_semaphore, #tpu.memory_space<semaphore_mem>>)
      %dma_wait3A_101 = arith.constant 0 : i32
      %dma_wait3A_102 = arith.constant 0 : i32
      %dma_wait3A_103 = tpu.memref_slice %arg2[%arg0, %arg1, %run_scoped3A_43, %dma_wait3A_101, %dma_wait3A_102] : memref<2x16x4x37x128xi32, #tpu.memory_space<hbm>> -> memref<1x1x1x37x128xi32, #tpu.memory_space<hbm>>
      %dma_wait3A_104 = tpu.memref_squeeze %dma_wait3A_103 : memref<1x1x1x37x128xi32, #tpu.memory_space<hbm>> -> memref<37x128xi32, #tpu.memory_space<hbm>>
      %dma_wait3A_105 = arith.constant 0 : i32
      %dma_wait3A_106 = arith.constant 0 : i32
      %dma_wait3A_107 = tpu.memref_slice %arg2[%arg0, %arg1, %run_scoped3A_43, %dma_wait3A_105, %dma_wait3A_106] : memref<2x16x4x37x128xi32, #tpu.memory_space<hbm>> -> memref<1x1x1x37x128xi32, #tpu.memory_space<hbm>>
      %dma_wait3A_108 = tpu.memref_squeeze %dma_wait3A_107 : memref<1x1x1x37x128xi32, #tpu.memory_space<hbm>> -> memref<37x128xi32, #tpu.memory_space<hbm>>
      tpu.wait_dma2 semaphore(%run_scoped3A_92 : memref<!tpu.dma_semaphore, #tpu.memory_space<semaphore_mem>>) src(%dma_wait3A_108 : memref<37x128xi32, #tpu.memory_space<hbm>>) dst(%arg7 : memref<37x128xi32, #tpu.memory_space<vmem>>)
      tpu.yield
    }) : () -> ()
    %run_scoped3A_44 = arith.constant 2 : i32
    "tpu.region"() ({
      %run_scoped3A_92 = tpu.sem_alloc : memref<!tpu.dma_semaphore, #tpu.memory_space<semaphore_mem>>
      %dma_start3A_93 = arith.constant 0 : i32
      %dma_start3A_94 = arith.constant 0 : i32
      %dma_start3A_95 = tpu.memref_slice %arg3[%arg0, %arg1, %run_scoped3A_44, %dma_start3A_93, %dma_start3A_94] : memref<2x16x4x37x128xi32, #tpu.memory_space<hbm>> -> memref<1x1x1x37x128xi32, #tpu.memory_space<hbm>>
      %dma_start3A_96 = tpu.memref_squeeze %dma_start3A_95 : memref<1x1x1x37x128xi32, #tpu.memory_space<hbm>> -> memref<37x128xi32, #tpu.memory_space<hbm>>
      %dma_start3A_97 = arith.constant 0 : i32
      %dma_start3A_98 = arith.constant 0 : i32
      %dma_start3A_99 = tpu.memref_slice %arg3[%arg0, %arg1, %run_scoped3A_44, %dma_start3A_97, %dma_start3A_98] : memref<2x16x4x37x128xi32, #tpu.memory_space<hbm>> -> memref<1x1x1x37x128xi32, #tpu.memory_space<hbm>>
      %dma_start3A_100 = tpu.memref_squeeze %dma_start3A_99 : memref<1x1x1x37x128xi32, #tpu.memory_space<hbm>> -> memref<37x128xi32, #tpu.memory_space<hbm>>
      tpu.enqueue_dma source(%dma_start3A_100 : memref<37x128xi32, #tpu.memory_space<hbm>>) target(%arg8 : memref<37x128xi32, #tpu.memory_space<vmem>>) target_semaphore(%run_scoped3A_92 : memref<!tpu.dma_semaphore, #tpu.memory_space<semaphore_mem>>)
      %dma_wait3A_101 = arith.constant 0 : i32
      %dma_wait3A_102 = arith.constant 0 : i32
      %dma_wait3A_103 = tpu.memref_slice %arg3[%arg0, %arg1, %run_scoped3A_44, %dma_wait3A_101, %dma_wait3A_102] : memref<2x16x4x37x128xi32, #tpu.memory_space<hbm>> -> memref<1x1x1x37x128xi32, #tpu.memory_space<hbm>>
      %dma_wait3A_104 = tpu.memref_squeeze %dma_wait3A_103 : memref<1x1x1x37x128xi32, #tpu.memory_space<hbm>> -> memref<37x128xi32, #tpu.memory_space<hbm>>
      %dma_wait3A_105 = arith.constant 0 : i32
      %dma_wait3A_106 = arith.constant 0 : i32
      %dma_wait3A_107 = tpu.memref_slice %arg3[%arg0, %arg1, %run_scoped3A_44, %dma_wait3A_105, %dma_wait3A_106] : memref<2x16x4x37x128xi32, #tpu.memory_space<hbm>> -> memref<1x1x1x37x128xi32, #tpu.memory_space<hbm>>
      %dma_wait3A_108 = tpu.memref_squeeze %dma_wait3A_107 : memref<1x1x1x37x128xi32, #tpu.memory_space<hbm>> -> memref<37x128xi32, #tpu.memory_space<hbm>>
      tpu.wait_dma2 semaphore(%run_scoped3A_92 : memref<!tpu.dma_semaphore, #tpu.memory_space<semaphore_mem>>) src(%dma_wait3A_108 : memref<37x128xi32, #tpu.memory_space<hbm>>) dst(%arg8 : memref<37x128xi32, #tpu.memory_space<vmem>>)
      tpu.yield
    }) : () -> ()
    %dma_start3A_45 = arith.constant 0 : i32
    %dma_start3A_46 = arith.constant 0 : i32
    %dma_start3A_47 = tpu.memref_slice %arg7[%dma_start3A_45, %dma_start3A_46] : memref<37x128xi32, #tpu.memory_space<vmem>> -> memref<1x128xi32, #tpu.memory_space<vmem>>
    %dma_start3A_48 = tpu.memref_squeeze %dma_start3A_47 : memref<1x128xi32, #tpu.memory_space<vmem>> -> memref<128xi32, #tpu.memory_space<vmem>>
    %dma_start3A_49 = arith.constant 0 : i32
    %dma_start3A_50 = arith.constant 0 : i32
    %dma_start3A_51 = tpu.memref_slice %arg4[%dma_start3A_49, %dma_start3A_50] : memref<20000x128xf32, #tpu.memory_space<hbm>> -> memref<20000x128xf32, #tpu.memory_space<hbm>>
    tpu.enqueue_indirect_dma source(%dma_start3A_51 : memref<20000x128xf32, #tpu.memory_space<hbm>>) target(%arg9 : memref<128x128xf32, #tpu.memory_space<vmem>>) offsets(%dma_start3A_48 : memref<128xi32, #tpu.memory_space<vmem>>) semaphore(%arg12 : memref<!tpu.dma_semaphore, #tpu.memory_space<semaphore_mem>>)
    %scan3A_52 = arith.constant 0 : i32
    %scan3A_53 = arith.constant 0 : i32
    %scan3A_54 = arith.constant 18 : i32
    %scan3A_55 = arith.addi %scan3A_53, %scan3A_54 : i32
    %scan3A_56 = arith.constant 1 : i32
    scf.for %scan3A_92 = %scan3A_53 to %scan3A_55 step %scan3A_56  : i32 {
      %mul3A_93 = arith.constant 2 : i32
      %mul3A_94 = arith.muli %scan3A_92, %mul3A_93 : i32
      %add3A_95 = arith.constant 0 : i32
      %add3A_96 = arith.addi %mul3A_94, %add3A_95 : i32
      %add3A_97 = arith.constant 2 : i32
      %add3A_98 = arith.addi %add3A_96, %add3A_97 : i32
      %sub3A = arith.constant 1 : i32
      %sub3A_99 = arith.subi %add3A_98, %sub3A : i32
      %dma_start3A_100 = arith.constant 0 : i32
      %dma_start3A_101 = tpu.memref_slice %arg7[%sub3A_99, %dma_start3A_100] : memref<37x128xi32, #tpu.memory_space<vmem>> -> memref<1x128xi32, #tpu.memory_space<vmem>>
      %dma_start3A_102 = tpu.memref_squeeze %dma_start3A_101 : memref<1x128xi32, #tpu.memory_space<vmem>> -> memref<128xi32, #tpu.memory_space<vmem>>
      %dma_start3A_103 = arith.constant 0 : i32
      %dma_start3A_104 = arith.constant 0 : i32
      %dma_start3A_105 = tpu.memref_slice %arg4[%dma_start3A_103, %dma_start3A_104] : memref<20000x128xf32, #tpu.memory_space<hbm>> -> memref<20000x128xf32, #tpu.memory_space<hbm>>
      tpu.enqueue_indirect_dma source(%dma_start3A_105 : memref<20000x128xf32, #tpu.memory_space<hbm>>) target(%arg10 : memref<128x128xf32, #tpu.memory_space<vmem>>) offsets(%dma_start3A_102 : memref<128xi32, #tpu.memory_space<vmem>>) semaphore(%arg13 : memref<!tpu.dma_semaphore, #tpu.memory_space<semaphore_mem>>)
      %dma_wait3A_106 = arith.constant 0 : i32
      %dma_wait3A_107 = tpu.memref_slice %arg7[%add3A_96, %dma_wait3A_106] : memref<37x128xi32, #tpu.memory_space<vmem>> -> memref<1x128xi32, #tpu.memory_space<vmem>>
      %dma_wait3A_108 = tpu.memref_squeeze %dma_wait3A_107 : memref<1x128xi32, #tpu.memory_space<vmem>> -> memref<128xi32, #tpu.memory_space<vmem>>
      %dma_wait3A_109 = arith.constant 0 : i32
      %dma_wait3A_110 = arith.constant 0 : i32
      %dma_wait3A_111 = tpu.memref_slice %arg4[%dma_wait3A_109, %dma_wait3A_110] : memref<20000x128xf32, #tpu.memory_space<hbm>> -> memref<20000x128xf32, #tpu.memory_space<hbm>>
      tpu.wait_indirect_dma semaphore(%arg12 : memref<!tpu.dma_semaphore, #tpu.memory_space<semaphore_mem>>) src(%dma_wait3A_111 : memref<20000x128xf32, #tpu.memory_space<hbm>>) dst(%arg9 : memref<128x128xf32, #tpu.memory_space<vmem>>)
      "tpu.region"() ({
        %run_scoped3A_132 = tpu.sem_alloc : memref<!tpu.dma_semaphore, #tpu.memory_space<semaphore_mem>>
        %dma_start3A_133 = arith.constant 0 : i32
        %dma_start3A_134 = tpu.memref_slice %arg8[%add3A_96, %dma_start3A_133] : memref<37x128xi32, #tpu.memory_space<vmem>> -> memref<1x128xi32, #tpu.memory_space<vmem>>
        %dma_start3A_135 = tpu.memref_squeeze %dma_start3A_134 : memref<1x128xi32, #tpu.memory_space<vmem>> -> memref<128xi32, #tpu.memory_space<vmem>>
        %dma_start3A_136 = arith.constant 0 : i32
        %dma_start3A_137 = arith.constant 0 : i32
        %dma_start3A_138 = tpu.memref_slice %arg11[%dma_start3A_136, %dma_start3A_137] : memref<10112x128xf32, #tpu.memory_space<vmem_shared>> -> memref<10112x128xf32, #tpu.memory_space<vmem_shared>>
        tpu.enqueue_indirect_dma source(%arg9 : memref<128x128xf32, #tpu.memory_space<vmem>>) target(%dma_start3A_138 : memref<10112x128xf32, #tpu.memory_space<vmem_shared>>) offsets(%dma_start3A_135 : memref<128xi32, #tpu.memory_space<vmem>>) semaphore(%run_scoped3A_132 : memref<!tpu.dma_semaphore, #tpu.memory_space<semaphore_mem>>) {add = true}
        %dma_wait3A_139 = arith.constant 0 : i32
        %dma_wait3A_140 = tpu.memref_slice %arg8[%add3A_96, %dma_wait3A_139] : memref<37x128xi32, #tpu.memory_space<vmem>> -> memref<1x128xi32, #tpu.memory_space<vmem>>
        %dma_wait3A_141 = tpu.memref_squeeze %dma_wait3A_140 : memref<1x128xi32, #tpu.memory_space<vmem>> -> memref<128xi32, #tpu.memory_space<vmem>>
        %dma_wait3A_142 = arith.constant 0 : i32
        %dma_wait3A_143 = arith.constant 0 : i32
        %dma_wait3A_144 = tpu.memref_slice %arg11[%dma_wait3A_142, %dma_wait3A_143] : memref<10112x128xf32, #tpu.memory_space<vmem_shared>> -> memref<10112x128xf32, #tpu.memory_space<vmem_shared>>
        tpu.wait_indirect_dma semaphore(%run_scoped3A_132 : memref<!tpu.dma_semaphore, #tpu.memory_space<semaphore_mem>>) src(%arg9 : memref<128x128xf32, #tpu.memory_space<vmem>>) dst(%dma_wait3A_144 : memref<10112x128xf32, #tpu.memory_space<vmem_shared>>)
        tpu.yield
      }) : () -> ()
      %mul3A_112 = arith.constant 2 : i32
      %mul3A_113 = arith.muli %scan3A_92, %mul3A_112 : i32
      %add3A_114 = arith.constant 1 : i32
      %add3A_115 = arith.addi %mul3A_113, %add3A_114 : i32
      %add3A_116 = arith.constant 2 : i32
      %add3A_117 = arith.addi %add3A_115, %add3A_116 : i32
      %sub3A_118 = arith.constant 1 : i32
      %sub3A_119 = arith.subi %add3A_117, %sub3A_118 : i32
      %dma_start3A_120 = arith.constant 0 : i32
      %dma_start3A_121 = tpu.memref_slice %arg7[%sub3A_119, %dma_start3A_120] : memref<37x128xi32, #tpu.memory_space<vmem>> -> memref<1x128xi32, #tpu.memory_space<vmem>>
      %dma_start3A_122 = tpu.memref_squeeze %dma_start3A_121 : memref<1x128xi32, #tpu.memory_space<vmem>> -> memref<128xi32, #tpu.memory_space<vmem>>
      %dma_start3A_123 = arith.constant 0 : i32
      %dma_start3A_124 = arith.constant 0 : i32
      %dma_start3A_125 = tpu.memref_slice %arg4[%dma_start3A_123, %dma_start3A_124] : memref<20000x128xf32, #tpu.memory_space<hbm>> -> memref<20000x128xf32, #tpu.memory_space<hbm>>
      tpu.enqueue_indirect_dma source(%dma_start3A_125 : memref<20000x128xf32, #tpu.memory_space<hbm>>) target(%arg9 : memref<128x128xf32, #tpu.memory_space<vmem>>) offsets(%dma_start3A_122 : memref<128xi32, #tpu.memory_space<vmem>>) semaphore(%arg12 : memref<!tpu.dma_semaphore, #tpu.memory_space<semaphore_mem>>)
      %dma_wait3A_126 = arith.constant 0 : i32
      %dma_wait3A_127 = tpu.memref_slice %arg7[%add3A_115, %dma_wait3A_126] : memref<37x128xi32, #tpu.memory_space<vmem>> -> memref<1x128xi32, #tpu.memory_space<vmem>>
      %dma_wait3A_128 = tpu.memref_squeeze %dma_wait3A_127 : memref<1x128xi32, #tpu.memory_space<vmem>> -> memref<128xi32, #tpu.memory_space<vmem>>
      %dma_wait3A_129 = arith.constant 0 : i32
      %dma_wait3A_130 = arith.constant 0 : i32
      %dma_wait3A_131 = tpu.memref_slice %arg4[%dma_wait3A_129, %dma_wait3A_130] : memref<20000x128xf32, #tpu.memory_space<hbm>> -> memref<20000x128xf32, #tpu.memory_space<hbm>>
      tpu.wait_indirect_dma semaphore(%arg13 : memref<!tpu.dma_semaphore, #tpu.memory_space<semaphore_mem>>) src(%dma_wait3A_131 : memref<20000x128xf32, #tpu.memory_space<hbm>>) dst(%arg10 : memref<128x128xf32, #tpu.memory_space<vmem>>)
      "tpu.region"() ({
        %run_scoped3A_132 = tpu.sem_alloc : memref<!tpu.dma_semaphore, #tpu.memory_space<semaphore_mem>>
        %dma_start3A_133 = arith.constant 0 : i32
        %dma_start3A_134 = tpu.memref_slice %arg8[%add3A_115, %dma_start3A_133] : memref<37x128xi32, #tpu.memory_space<vmem>> -> memref<1x128xi32, #tpu.memory_space<vmem>>
        %dma_start3A_135 = tpu.memref_squeeze %dma_start3A_134 : memref<1x128xi32, #tpu.memory_space<vmem>> -> memref<128xi32, #tpu.memory_space<vmem>>
        %dma_start3A_136 = arith.constant 0 : i32
        %dma_start3A_137 = arith.constant 0 : i32
        %dma_start3A_138 = tpu.memref_slice %arg11[%dma_start3A_136, %dma_start3A_137] : memref<10112x128xf32, #tpu.memory_space<vmem_shared>> -> memref<10112x128xf32, #tpu.memory_space<vmem_shared>>
        tpu.enqueue_indirect_dma source(%arg10 : memref<128x128xf32, #tpu.memory_space<vmem>>) target(%dma_start3A_138 : memref<10112x128xf32, #tpu.memory_space<vmem_shared>>) offsets(%dma_start3A_135 : memref<128xi32, #tpu.memory_space<vmem>>) semaphore(%run_scoped3A_132 : memref<!tpu.dma_semaphore, #tpu.memory_space<semaphore_mem>>) {add = true}
        %dma_wait3A_139 = arith.constant 0 : i32
        %dma_wait3A_140 = tpu.memref_slice %arg8[%add3A_115, %dma_wait3A_139] : memref<37x128xi32, #tpu.memory_space<vmem>> -> memref<1x128xi32, #tpu.memory_space<vmem>>
        %dma_wait3A_141 = tpu.memref_squeeze %dma_wait3A_140 : memref<1x128xi32, #tpu.memory_space<vmem>> -> memref<128xi32, #tpu.memory_space<vmem>>
        %dma_wait3A_142 = arith.constant 0 : i32
        %dma_wait3A_143 = arith.constant 0 : i32
        %dma_wait3A_144 = tpu.memref_slice %arg11[%dma_wait3A_142, %dma_wait3A_143] : memref<10112x128xf32, #tpu.memory_space<vmem_shared>> -> memref<10112x128xf32, #tpu.memory_space<vmem_shared>>
        tpu.wait_indirect_dma semaphore(%run_scoped3A_132 : memref<!tpu.dma_semaphore, #tpu.memory_space<semaphore_mem>>) src(%arg10 : memref<128x128xf32, #tpu.memory_space<vmem>>) dst(%dma_wait3A_144 : memref<10112x128xf32, #tpu.memory_space<vmem_shared>>)
        tpu.yield
      }) : () -> ()
    }
    %scan3A_57 = arith.constant 18 : i32
    %dma_wait3A_58 = arith.constant 36 : i32
    %dma_wait3A_59 = arith.constant 0 : i32
    %dma_wait3A_60 = tpu.memref_slice %arg7[%dma_wait3A_58, %dma_wait3A_59] : memref<37x128xi32, #tpu.memory_space<vmem>> -> memref<1x128xi32, #tpu.memory_space<vmem>>
    %dma_wait3A_61 = tpu.memref_squeeze %dma_wait3A_60 : memref<1x128xi32, #tpu.memory_space<vmem>> -> memref<128xi32, #tpu.memory_space<vmem>>
    %dma_wait3A_62 = arith.constant 0 : i32
    %dma_wait3A_63 = arith.constant 0 : i32
    %dma_wait3A_64 = tpu.memref_slice %arg4[%dma_wait3A_62, %dma_wait3A_63] : memref<20000x128xf32, #tpu.memory_space<hbm>> -> memref<20000x128xf32, #tpu.memory_space<hbm>>
    tpu.wait_indirect_dma semaphore(%arg12 : memref<!tpu.dma_semaphore, #tpu.memory_space<semaphore_mem>>) src(%dma_wait3A_64 : memref<20000x128xf32, #tpu.memory_space<hbm>>) dst(%arg9 : memref<128x128xf32, #tpu.memory_space<vmem>>)
    %run_scoped3A_65 = arith.constant 36 : i32
    "tpu.region"() ({
      %run_scoped3A_92 = tpu.sem_alloc : memref<!tpu.dma_semaphore, #tpu.memory_space<semaphore_mem>>
      %dma_start3A_93 = arith.constant 0 : i32
      %dma_start3A_94 = tpu.memref_slice %arg8[%run_scoped3A_65, %dma_start3A_93] : memref<37x128xi32, #tpu.memory_space<vmem>> -> memref<1x128xi32, #tpu.memory_space<vmem>>
      %dma_start3A_95 = tpu.memref_squeeze %dma_start3A_94 : memref<1x128xi32, #tpu.memory_space<vmem>> -> memref<128xi32, #tpu.memory_space<vmem>>
      %dma_start3A_96 = arith.constant 0 : i32
      %dma_start3A_97 = arith.constant 0 : i32
      %dma_start3A_98 = tpu.memref_slice %arg11[%dma_start3A_96, %dma_start3A_97] : memref<10112x128xf32, #tpu.memory_space<vmem_shared>> -> memref<10112x128xf32, #tpu.memory_space<vmem_shared>>
      tpu.enqueue_indirect_dma source(%arg9 : memref<128x128xf32, #tpu.memory_space<vmem>>) target(%dma_start3A_98 : memref<10112x128xf32, #tpu.memory_space<vmem_shared>>) offsets(%dma_start3A_95 : memref<128xi32, #tpu.memory_space<vmem>>) semaphore(%run_scoped3A_92 : memref<!tpu.dma_semaphore, #tpu.memory_space<semaphore_mem>>) {add = true}
      %dma_wait3A_99 = arith.constant 0 : i32
      %dma_wait3A_100 = tpu.memref_slice %arg8[%run_scoped3A_65, %dma_wait3A_99] : memref<37x128xi32, #tpu.memory_space<vmem>> -> memref<1x128xi32, #tpu.memory_space<vmem>>
      %dma_wait3A_101 = tpu.memref_squeeze %dma_wait3A_100 : memref<1x128xi32, #tpu.memory_space<vmem>> -> memref<128xi32, #tpu.memory_space<vmem>>
      %dma_wait3A_102 = arith.constant 0 : i32
      %dma_wait3A_103 = arith.constant 0 : i32
      %dma_wait3A_104 = tpu.memref_slice %arg11[%dma_wait3A_102, %dma_wait3A_103] : memref<10112x128xf32, #tpu.memory_space<vmem_shared>> -> memref<10112x128xf32, #tpu.memory_space<vmem_shared>>
      tpu.wait_indirect_dma semaphore(%run_scoped3A_92 : memref<!tpu.dma_semaphore, #tpu.memory_space<semaphore_mem>>) src(%arg9 : memref<128x128xf32, #tpu.memory_space<vmem>>) dst(%dma_wait3A_104 : memref<10112x128xf32, #tpu.memory_space<vmem_shared>>)
      tpu.yield
    }) : () -> ()
    %run_scoped3A_66 = arith.constant 3 : i32
    "tpu.region"() ({
      %run_scoped3A_92 = tpu.sem_alloc : memref<!tpu.dma_semaphore, #tpu.memory_space<semaphore_mem>>
      %dma_start3A_93 = arith.constant 0 : i32
      %dma_start3A_94 = arith.constant 0 : i32
      %dma_start3A_95 = tpu.memref_slice %arg2[%arg0, %arg1, %run_scoped3A_66, %dma_start3A_93, %dma_start3A_94] : memref<2x16x4x37x128xi32, #tpu.memory_space<hbm>> -> memref<1x1x1x37x128xi32, #tpu.memory_space<hbm>>
      %dma_start3A_96 = tpu.memref_squeeze %dma_start3A_95 : memref<1x1x1x37x128xi32, #tpu.memory_space<hbm>> -> memref<37x128xi32, #tpu.memory_space<hbm>>
      %dma_start3A_97 = arith.constant 0 : i32
      %dma_start3A_98 = arith.constant 0 : i32
      %dma_start3A_99 = tpu.memref_slice %arg2[%arg0, %arg1, %run_scoped3A_66, %dma_start3A_97, %dma_start3A_98] : memref<2x16x4x37x128xi32, #tpu.memory_space<hbm>> -> memref<1x1x1x37x128xi32, #tpu.memory_space<hbm>>
      %dma_start3A_100 = tpu.memref_squeeze %dma_start3A_99 : memref<1x1x1x37x128xi32, #tpu.memory_space<hbm>> -> memref<37x128xi32, #tpu.memory_space<hbm>>
      tpu.enqueue_dma source(%dma_start3A_100 : memref<37x128xi32, #tpu.memory_space<hbm>>) target(%arg7 : memref<37x128xi32, #tpu.memory_space<vmem>>) target_semaphore(%run_scoped3A_92 : memref<!tpu.dma_semaphore, #tpu.memory_space<semaphore_mem>>)
      %dma_wait3A_101 = arith.constant 0 : i32
      %dma_wait3A_102 = arith.constant 0 : i32
      %dma_wait3A_103 = tpu.memref_slice %arg2[%arg0, %arg1, %run_scoped3A_66, %dma_wait3A_101, %dma_wait3A_102] : memref<2x16x4x37x128xi32, #tpu.memory_space<hbm>> -> memref<1x1x1x37x128xi32, #tpu.memory_space<hbm>>
      %dma_wait3A_104 = tpu.memref_squeeze %dma_wait3A_103 : memref<1x1x1x37x128xi32, #tpu.memory_space<hbm>> -> memref<37x128xi32, #tpu.memory_space<hbm>>
      %dma_wait3A_105 = arith.constant 0 : i32
      %dma_wait3A_106 = arith.constant 0 : i32
      %dma_wait3A_107 = tpu.memref_slice %arg2[%arg0, %arg1, %run_scoped3A_66, %dma_wait3A_105, %dma_wait3A_106] : memref<2x16x4x37x128xi32, #tpu.memory_space<hbm>> -> memref<1x1x1x37x128xi32, #tpu.memory_space<hbm>>
      %dma_wait3A_108 = tpu.memref_squeeze %dma_wait3A_107 : memref<1x1x1x37x128xi32, #tpu.memory_space<hbm>> -> memref<37x128xi32, #tpu.memory_space<hbm>>
      tpu.wait_dma2 semaphore(%run_scoped3A_92 : memref<!tpu.dma_semaphore, #tpu.memory_space<semaphore_mem>>) src(%dma_wait3A_108 : memref<37x128xi32, #tpu.memory_space<hbm>>) dst(%arg7 : memref<37x128xi32, #tpu.memory_space<vmem>>)
      tpu.yield
    }) : () -> ()
    %run_scoped3A_67 = arith.constant 3 : i32
    "tpu.region"() ({
      %run_scoped3A_92 = tpu.sem_alloc : memref<!tpu.dma_semaphore, #tpu.memory_space<semaphore_mem>>
      %dma_start3A_93 = arith.constant 0 : i32
      %dma_start3A_94 = arith.constant 0 : i32
      %dma_start3A_95 = tpu.memref_slice %arg3[%arg0, %arg1, %run_scoped3A_67, %dma_start3A_93, %dma_start3A_94] : memref<2x16x4x37x128xi32, #tpu.memory_space<hbm>> -> memref<1x1x1x37x128xi32, #tpu.memory_space<hbm>>
      %dma_start3A_96 = tpu.memref_squeeze %dma_start3A_95 : memref<1x1x1x37x128xi32, #tpu.memory_space<hbm>> -> memref<37x128xi32, #tpu.memory_space<hbm>>
      %dma_start3A_97 = arith.constant 0 : i32
      %dma_start3A_98 = arith.constant 0 : i32
      %dma_start3A_99 = tpu.memref_slice %arg3[%arg0, %arg1, %run_scoped3A_67, %dma_start3A_97, %dma_start3A_98] : memref<2x16x4x37x128xi32, #tpu.memory_space<hbm>> -> memref<1x1x1x37x128xi32, #tpu.memory_space<hbm>>
      %dma_start3A_100 = tpu.memref_squeeze %dma_start3A_99 : memref<1x1x1x37x128xi32, #tpu.memory_space<hbm>> -> memref<37x128xi32, #tpu.memory_space<hbm>>
      tpu.enqueue_dma source(%dma_start3A_100 : memref<37x128xi32, #tpu.memory_space<hbm>>) target(%arg8 : memref<37x128xi32, #tpu.memory_space<vmem>>) target_semaphore(%run_scoped3A_92 : memref<!tpu.dma_semaphore, #tpu.memory_space<semaphore_mem>>)
      %dma_wait3A_101 = arith.constant 0 : i32
      %dma_wait3A_102 = arith.constant 0 : i32
      %dma_wait3A_103 = tpu.memref_slice %arg3[%arg0, %arg1, %run_scoped3A_67, %dma_wait3A_101, %dma_wait3A_102] : memref<2x16x4x37x128xi32, #tpu.memory_space<hbm>> -> memref<1x1x1x37x128xi32, #tpu.memory_space<hbm>>
      %dma_wait3A_104 = tpu.memref_squeeze %dma_wait3A_103 : memref<1x1x1x37x128xi32, #tpu.memory_space<hbm>> -> memref<37x128xi32, #tpu.memory_space<hbm>>
      %dma_wait3A_105 = arith.constant 0 : i32
      %dma_wait3A_106 = arith.constant 0 : i32
      %dma_wait3A_107 = tpu.memref_slice %arg3[%arg0, %arg1, %run_scoped3A_67, %dma_wait3A_105, %dma_wait3A_106] : memref<2x16x4x37x128xi32, #tpu.memory_space<hbm>> -> memref<1x1x1x37x128xi32, #tpu.memory_space<hbm>>
      %dma_wait3A_108 = tpu.memref_squeeze %dma_wait3A_107 : memref<1x1x1x37x128xi32, #tpu.memory_space<hbm>> -> memref<37x128xi32, #tpu.memory_space<hbm>>
      tpu.wait_dma2 semaphore(%run_scoped3A_92 : memref<!tpu.dma_semaphore, #tpu.memory_space<semaphore_mem>>) src(%dma_wait3A_108 : memref<37x128xi32, #tpu.memory_space<hbm>>) dst(%arg8 : memref<37x128xi32, #tpu.memory_space<vmem>>)
      tpu.yield
    }) : () -> ()
    %dma_start3A_68 = arith.constant 0 : i32
    %dma_start3A_69 = arith.constant 0 : i32
    %dma_start3A_70 = tpu.memref_slice %arg7[%dma_start3A_68, %dma_start3A_69] : memref<37x128xi32, #tpu.memory_space<vmem>> -> memref<1x128xi32, #tpu.memory_space<vmem>>
    %dma_start3A_71 = tpu.memref_squeeze %dma_start3A_70 : memref<1x128xi32, #tpu.memory_space<vmem>> -> memref<128xi32, #tpu.memory_space<vmem>>
    %dma_start3A_72 = arith.constant 0 : i32
    %dma_start3A_73 = arith.constant 0 : i32
    %dma_start3A_74 = tpu.memref_slice %arg4[%dma_start3A_72, %dma_start3A_73] : memref<20000x128xf32, #tpu.memory_space<hbm>> -> memref<20000x128xf32, #tpu.memory_space<hbm>>
    tpu.enqueue_indirect_dma source(%dma_start3A_74 : memref<20000x128xf32, #tpu.memory_space<hbm>>) target(%arg9 : memref<128x128xf32, #tpu.memory_space<vmem>>) offsets(%dma_start3A_71 : memref<128xi32, #tpu.memory_space<vmem>>) semaphore(%arg12 : memref<!tpu.dma_semaphore, #tpu.memory_space<semaphore_mem>>)
    %scan3A_75 = arith.constant 0 : i32
    %scan3A_76 = arith.constant 0 : i32
    %scan3A_77 = arith.constant 18 : i32
    %scan3A_78 = arith.addi %scan3A_76, %scan3A_77 : i32
    %scan3A_79 = arith.constant 1 : i32
    scf.for %scan3A_92 = %scan3A_76 to %scan3A_78 step %scan3A_79  : i32 {
      %mul3A_93 = arith.constant 2 : i32
      %mul3A_94 = arith.muli %scan3A_92, %mul3A_93 : i32
      %add3A_95 = arith.constant 0 : i32
      %add3A_96 = arith.addi %mul3A_94, %add3A_95 : i32
      %add3A_97 = arith.constant 2 : i32
      %add3A_98 = arith.addi %add3A_96, %add3A_97 : i32
      %sub3A = arith.constant 1 : i32
      %sub3A_99 = arith.subi %add3A_98, %sub3A : i32
      %dma_start3A_100 = arith.constant 0 : i32
      %dma_start3A_101 = tpu.memref_slice %arg7[%sub3A_99, %dma_start3A_100] : memref<37x128xi32, #tpu.memory_space<vmem>> -> memref<1x128xi32, #tpu.memory_space<vmem>>
      %dma_start3A_102 = tpu.memref_squeeze %dma_start3A_101 : memref<1x128xi32, #tpu.memory_space<vmem>> -> memref<128xi32, #tpu.memory_space<vmem>>
      %dma_start3A_103 = arith.constant 0 : i32
      %dma_start3A_104 = arith.constant 0 : i32
      %dma_start3A_105 = tpu.memref_slice %arg4[%dma_start3A_103, %dma_start3A_104] : memref<20000x128xf32, #tpu.memory_space<hbm>> -> memref<20000x128xf32, #tpu.memory_space<hbm>>
      tpu.enqueue_indirect_dma source(%dma_start3A_105 : memref<20000x128xf32, #tpu.memory_space<hbm>>) target(%arg10 : memref<128x128xf32, #tpu.memory_space<vmem>>) offsets(%dma_start3A_102 : memref<128xi32, #tpu.memory_space<vmem>>) semaphore(%arg13 : memref<!tpu.dma_semaphore, #tpu.memory_space<semaphore_mem>>)
      %dma_wait3A_106 = arith.constant 0 : i32
      %dma_wait3A_107 = tpu.memref_slice %arg7[%add3A_96, %dma_wait3A_106] : memref<37x128xi32, #tpu.memory_space<vmem>> -> memref<1x128xi32, #tpu.memory_space<vmem>>
      %dma_wait3A_108 = tpu.memref_squeeze %dma_wait3A_107 : memref<1x128xi32, #tpu.memory_space<vmem>> -> memref<128xi32, #tpu.memory_space<vmem>>
      %dma_wait3A_109 = arith.constant 0 : i32
      %dma_wait3A_110 = arith.constant 0 : i32
      %dma_wait3A_111 = tpu.memref_slice %arg4[%dma_wait3A_109, %dma_wait3A_110] : memref<20000x128xf32, #tpu.memory_space<hbm>> -> memref<20000x128xf32, #tpu.memory_space<hbm>>
      tpu.wait_indirect_dma semaphore(%arg12 : memref<!tpu.dma_semaphore, #tpu.memory_space<semaphore_mem>>) src(%dma_wait3A_111 : memref<20000x128xf32, #tpu.memory_space<hbm>>) dst(%arg9 : memref<128x128xf32, #tpu.memory_space<vmem>>)
      "tpu.region"() ({
        %run_scoped3A_132 = tpu.sem_alloc : memref<!tpu.dma_semaphore, #tpu.memory_space<semaphore_mem>>
        %dma_start3A_133 = arith.constant 0 : i32
        %dma_start3A_134 = tpu.memref_slice %arg8[%add3A_96, %dma_start3A_133] : memref<37x128xi32, #tpu.memory_space<vmem>> -> memref<1x128xi32, #tpu.memory_space<vmem>>
        %dma_start3A_135 = tpu.memref_squeeze %dma_start3A_134 : memref<1x128xi32, #tpu.memory_space<vmem>> -> memref<128xi32, #tpu.memory_space<vmem>>
        %dma_start3A_136 = arith.constant 0 : i32
        %dma_start3A_137 = arith.constant 0 : i32
        %dma_start3A_138 = tpu.memref_slice %arg11[%dma_start3A_136, %dma_start3A_137] : memref<10112x128xf32, #tpu.memory_space<vmem_shared>> -> memref<10112x128xf32, #tpu.memory_space<vmem_shared>>
        tpu.enqueue_indirect_dma source(%arg9 : memref<128x128xf32, #tpu.memory_space<vmem>>) target(%dma_start3A_138 : memref<10112x128xf32, #tpu.memory_space<vmem_shared>>) offsets(%dma_start3A_135 : memref<128xi32, #tpu.memory_space<vmem>>) semaphore(%run_scoped3A_132 : memref<!tpu.dma_semaphore, #tpu.memory_space<semaphore_mem>>) {add = true}
        %dma_wait3A_139 = arith.constant 0 : i32
        %dma_wait3A_140 = tpu.memref_slice %arg8[%add3A_96, %dma_wait3A_139] : memref<37x128xi32, #tpu.memory_space<vmem>> -> memref<1x128xi32, #tpu.memory_space<vmem>>
        %dma_wait3A_141 = tpu.memref_squeeze %dma_wait3A_140 : memref<1x128xi32, #tpu.memory_space<vmem>> -> memref<128xi32, #tpu.memory_space<vmem>>
        %dma_wait3A_142 = arith.constant 0 : i32
        %dma_wait3A_143 = arith.constant 0 : i32
        %dma_wait3A_144 = tpu.memref_slice %arg11[%dma_wait3A_142, %dma_wait3A_143] : memref<10112x128xf32, #tpu.memory_space<vmem_shared>> -> memref<10112x128xf32, #tpu.memory_space<vmem_shared>>
        tpu.wait_indirect_dma semaphore(%run_scoped3A_132 : memref<!tpu.dma_semaphore, #tpu.memory_space<semaphore_mem>>) src(%arg9 : memref<128x128xf32, #tpu.memory_space<vmem>>) dst(%dma_wait3A_144 : memref<10112x128xf32, #tpu.memory_space<vmem_shared>>)
        tpu.yield
      }) : () -> ()
      %mul3A_112 = arith.constant 2 : i32
      %mul3A_113 = arith.muli %scan3A_92, %mul3A_112 : i32
      %add3A_114 = arith.constant 1 : i32
      %add3A_115 = arith.addi %mul3A_113, %add3A_114 : i32
      %add3A_116 = arith.constant 2 : i32
      %add3A_117 = arith.addi %add3A_115, %add3A_116 : i32
      %sub3A_118 = arith.constant 1 : i32
      %sub3A_119 = arith.subi %add3A_117, %sub3A_118 : i32
      %dma_start3A_120 = arith.constant 0 : i32
      %dma_start3A_121 = tpu.memref_slice %arg7[%sub3A_119, %dma_start3A_120] : memref<37x128xi32, #tpu.memory_space<vmem>> -> memref<1x128xi32, #tpu.memory_space<vmem>>
      %dma_start3A_122 = tpu.memref_squeeze %dma_start3A_121 : memref<1x128xi32, #tpu.memory_space<vmem>> -> memref<128xi32, #tpu.memory_space<vmem>>
      %dma_start3A_123 = arith.constant 0 : i32
      %dma_start3A_124 = arith.constant 0 : i32
      %dma_start3A_125 = tpu.memref_slice %arg4[%dma_start3A_123, %dma_start3A_124] : memref<20000x128xf32, #tpu.memory_space<hbm>> -> memref<20000x128xf32, #tpu.memory_space<hbm>>
      tpu.enqueue_indirect_dma source(%dma_start3A_125 : memref<20000x128xf32, #tpu.memory_space<hbm>>) target(%arg9 : memref<128x128xf32, #tpu.memory_space<vmem>>) offsets(%dma_start3A_122 : memref<128xi32, #tpu.memory_space<vmem>>) semaphore(%arg12 : memref<!tpu.dma_semaphore, #tpu.memory_space<semaphore_mem>>)
      %dma_wait3A_126 = arith.constant 0 : i32
      %dma_wait3A_127 = tpu.memref_slice %arg7[%add3A_115, %dma_wait3A_126] : memref<37x128xi32, #tpu.memory_space<vmem>> -> memref<1x128xi32, #tpu.memory_space<vmem>>
      %dma_wait3A_128 = tpu.memref_squeeze %dma_wait3A_127 : memref<1x128xi32, #tpu.memory_space<vmem>> -> memref<128xi32, #tpu.memory_space<vmem>>
      %dma_wait3A_129 = arith.constant 0 : i32
      %dma_wait3A_130 = arith.constant 0 : i32
      %dma_wait3A_131 = tpu.memref_slice %arg4[%dma_wait3A_129, %dma_wait3A_130] : memref<20000x128xf32, #tpu.memory_space<hbm>> -> memref<20000x128xf32, #tpu.memory_space<hbm>>
      tpu.wait_indirect_dma semaphore(%arg13 : memref<!tpu.dma_semaphore, #tpu.memory_space<semaphore_mem>>) src(%dma_wait3A_131 : memref<20000x128xf32, #tpu.memory_space<hbm>>) dst(%arg10 : memref<128x128xf32, #tpu.memory_space<vmem>>)
      "tpu.region"() ({
        %run_scoped3A_132 = tpu.sem_alloc : memref<!tpu.dma_semaphore, #tpu.memory_space<semaphore_mem>>
        %dma_start3A_133 = arith.constant 0 : i32
        %dma_start3A_134 = tpu.memref_slice %arg8[%add3A_115, %dma_start3A_133] : memref<37x128xi32, #tpu.memory_space<vmem>> -> memref<1x128xi32, #tpu.memory_space<vmem>>
        %dma_start3A_135 = tpu.memref_squeeze %dma_start3A_134 : memref<1x128xi32, #tpu.memory_space<vmem>> -> memref<128xi32, #tpu.memory_space<vmem>>
        %dma_start3A_136 = arith.constant 0 : i32
        %dma_start3A_137 = arith.constant 0 : i32
        %dma_start3A_138 = tpu.memref_slice %arg11[%dma_start3A_136, %dma_start3A_137] : memref<10112x128xf32, #tpu.memory_space<vmem_shared>> -> memref<10112x128xf32, #tpu.memory_space<vmem_shared>>
        tpu.enqueue_indirect_dma source(%arg10 : memref<128x128xf32, #tpu.memory_space<vmem>>) target(%dma_start3A_138 : memref<10112x128xf32, #tpu.memory_space<vmem_shared>>) offsets(%dma_start3A_135 : memref<128xi32, #tpu.memory_space<vmem>>) semaphore(%run_scoped3A_132 : memref<!tpu.dma_semaphore, #tpu.memory_space<semaphore_mem>>) {add = true}
        %dma_wait3A_139 = arith.constant 0 : i32
        %dma_wait3A_140 = tpu.memref_slice %arg8[%add3A_115, %dma_wait3A_139] : memref<37x128xi32, #tpu.memory_space<vmem>> -> memref<1x128xi32, #tpu.memory_space<vmem>>
        %dma_wait3A_141 = tpu.memref_squeeze %dma_wait3A_140 : memref<1x128xi32, #tpu.memory_space<vmem>> -> memref<128xi32, #tpu.memory_space<vmem>>
        %dma_wait3A_142 = arith.constant 0 : i32
        %dma_wait3A_143 = arith.constant 0 : i32
        %dma_wait3A_144 = tpu.memref_slice %arg11[%dma_wait3A_142, %dma_wait3A_143] : memref<10112x128xf32, #tpu.memory_space<vmem_shared>> -> memref<10112x128xf32, #tpu.memory_space<vmem_shared>>
        tpu.wait_indirect_dma semaphore(%run_scoped3A_132 : memref<!tpu.dma_semaphore, #tpu.memory_space<semaphore_mem>>) src(%arg10 : memref<128x128xf32, #tpu.memory_space<vmem>>) dst(%dma_wait3A_144 : memref<10112x128xf32, #tpu.memory_space<vmem_shared>>)
        tpu.yield
      }) : () -> ()
    }
    %scan3A_80 = arith.constant 18 : i32
    %dma_wait3A_81 = arith.constant 36 : i32
    %dma_wait3A_82 = arith.constant 0 : i32
    %dma_wait3A_83 = tpu.memref_slice %arg7[%dma_wait3A_81, %dma_wait3A_82] : memref<37x128xi32, #tpu.memory_space<vmem>> -> memref<1x128xi32, #tpu.memory_space<vmem>>
    %dma_wait3A_84 = tpu.memref_squeeze %dma_wait3A_83 : memref<1x128xi32, #tpu.memory_space<vmem>> -> memref<128xi32, #tpu.memory_space<vmem>>
    %dma_wait3A_85 = arith.constant 0 : i32
    %dma_wait3A_86 = arith.constant 0 : i32
    %dma_wait3A_87 = tpu.memref_slice %arg4[%dma_wait3A_85, %dma_wait3A_86] : memref<20000x128xf32, #tpu.memory_space<hbm>> -> memref<20000x128xf32, #tpu.memory_space<hbm>>
    tpu.wait_indirect_dma semaphore(%arg12 : memref<!tpu.dma_semaphore, #tpu.memory_space<semaphore_mem>>) src(%dma_wait3A_87 : memref<20000x128xf32, #tpu.memory_space<hbm>>) dst(%arg9 : memref<128x128xf32, #tpu.memory_space<vmem>>)
    %run_scoped3A_88 = arith.constant 36 : i32
    "tpu.region"() ({
      %run_scoped3A_92 = tpu.sem_alloc : memref<!tpu.dma_semaphore, #tpu.memory_space<semaphore_mem>>
      %dma_start3A_93 = arith.constant 0 : i32
      %dma_start3A_94 = tpu.memref_slice %arg8[%run_scoped3A_88, %dma_start3A_93] : memref<37x128xi32, #tpu.memory_space<vmem>> -> memref<1x128xi32, #tpu.memory_space<vmem>>
      %dma_start3A_95 = tpu.memref_squeeze %dma_start3A_94 : memref<1x128xi32, #tpu.memory_space<vmem>> -> memref<128xi32, #tpu.memory_space<vmem>>
      %dma_start3A_96 = arith.constant 0 : i32
      %dma_start3A_97 = arith.constant 0 : i32
      %dma_start3A_98 = tpu.memref_slice %arg11[%dma_start3A_96, %dma_start3A_97] : memref<10112x128xf32, #tpu.memory_space<vmem_shared>> -> memref<10112x128xf32, #tpu.memory_space<vmem_shared>>
      tpu.enqueue_indirect_dma source(%arg9 : memref<128x128xf32, #tpu.memory_space<vmem>>) target(%dma_start3A_98 : memref<10112x128xf32, #tpu.memory_space<vmem_shared>>) offsets(%dma_start3A_95 : memref<128xi32, #tpu.memory_space<vmem>>) semaphore(%run_scoped3A_92 : memref<!tpu.dma_semaphore, #tpu.memory_space<semaphore_mem>>) {add = true}
      %dma_wait3A_99 = arith.constant 0 : i32
      %dma_wait3A_100 = tpu.memref_slice %arg8[%run_scoped3A_88, %dma_wait3A_99] : memref<37x128xi32, #tpu.memory_space<vmem>> -> memref<1x128xi32, #tpu.memory_space<vmem>>
      %dma_wait3A_101 = tpu.memref_squeeze %dma_wait3A_100 : memref<1x128xi32, #tpu.memory_space<vmem>> -> memref<128xi32, #tpu.memory_space<vmem>>
      %dma_wait3A_102 = arith.constant 0 : i32
      %dma_wait3A_103 = arith.constant 0 : i32
      %dma_wait3A_104 = tpu.memref_slice %arg11[%dma_wait3A_102, %dma_wait3A_103] : memref<10112x128xf32, #tpu.memory_space<vmem_shared>> -> memref<10112x128xf32, #tpu.memory_space<vmem_shared>>
      tpu.wait_indirect_dma semaphore(%run_scoped3A_92 : memref<!tpu.dma_semaphore, #tpu.memory_space<semaphore_mem>>) src(%arg9 : memref<128x128xf32, #tpu.memory_space<vmem>>) dst(%dma_wait3A_104 : memref<10112x128xf32, #tpu.memory_space<vmem_shared>>)
      tpu.yield
    }) : () -> ()
    %barrier3A_89 = arith.constant 0 : index
    tpu.barrier barrier_id(%barrier3A_89)
    %mul3A_90 = arith.constant 10112 : i32
    %mul3A_91 = arith.muli %arg0, %mul3A_90 : i32
    %add3A = arith.addi %mul3A_91, %mul3A_0 : i32
    "tpu.region"() ({
      %run_scoped3A_92 = tpu.sem_alloc : memref<!tpu.dma_semaphore, #tpu.memory_space<semaphore_mem>>
      %dma_start3A_93 = arith.constant 0 : i32
      %dma_start3A_94 = tpu.memref_slice %arg6[%add3A, %dma_start3A_93] : memref<20224x128xf32, #tpu.memory_space<hbm>> -> memref<632x128xf32, #tpu.memory_space<hbm>>
      %dma_start3A_95 = arith.constant 0 : i32
      %dma_start3A_96 = tpu.memref_slice %arg11[%mul3A_0, %dma_start3A_95] : memref<10112x128xf32, #tpu.memory_space<vmem_shared>> -> memref<632x128xf32, #tpu.memory_space<vmem_shared>>
      tpu.enqueue_dma source(%dma_start3A_96 : memref<632x128xf32, #tpu.memory_space<vmem_shared>>) target(%dma_start3A_94 : memref<632x128xf32, #tpu.memory_space<hbm>>) target_semaphore(%run_scoped3A_92 : memref<!tpu.dma_semaphore, #tpu.memory_space<semaphore_mem>>)
      %dma_wait3A_97 = arith.constant 0 : i32
      %dma_wait3A_98 = tpu.memref_slice %arg6[%add3A, %dma_wait3A_97] : memref<20224x128xf32, #tpu.memory_space<hbm>> -> memref<632x128xf32, #tpu.memory_space<hbm>>
      %dma_wait3A_99 = arith.constant 0 : i32
      %dma_wait3A_100 = tpu.memref_slice %arg11[%mul3A_0, %dma_wait3A_99] : memref<10112x128xf32, #tpu.memory_space<vmem_shared>> -> memref<632x128xf32, #tpu.memory_space<vmem_shared>>
      tpu.wait_dma2 semaphore(%run_scoped3A_92 : memref<!tpu.dma_semaphore, #tpu.memory_space<semaphore_mem>>) src(%dma_wait3A_100 : memref<632x128xf32, #tpu.memory_space<vmem_shared>>) dst(%dma_wait3A_98 : memref<632x128xf32, #tpu.memory_space<hbm>>)
      tpu.yield
    }) : () -> ()
    return
  }
}

#map = affine_map<(d0, d1) -> (0, 0, 0, 0, 0)>
#map1 = affine_map<(d0, d1) -> (0, 0)>
module attributes {stable_mosaic.version = 14 : i64} {
  func.func @_sc_segsum_body(%arg0: i32, %arg1: i32, %arg2: memref<2x16x4x37x128xi32, #tpu.memory_space<hbm>>, %arg3: memref<2x16x4x37x128xi32, #tpu.memory_space<hbm>>, %arg4: memref<20000x128xf32, #tpu.memory_space<hbm>>, %arg5: memref<632x128xf32, #tpu.memory_space<hbm>>, %arg6: memref<20224x128xf32, #tpu.memory_space<hbm>>, %arg7: memref<37x128xi32, #tpu.memory_space<vmem>>, %arg8: memref<37x128xi32, #tpu.memory_space<vmem>>, %arg9: memref<128x128xf32, #tpu.memory_space<vmem>>, %arg10: memref<128x128xf32, #tpu.memory_space<vmem>>, %arg11: memref<10112x128xf32, #tpu.memory_space<vmem_shared>>, %arg12: memref<!tpu.dma_semaphore, #tpu.memory_space<semaphore_mem>>, %arg13: memref<!tpu.dma_semaphore, #tpu.memory_space<semaphore_mem>>) attributes {dimension_semantics = [#tpu.dimension_semantics<core_parallel>, #tpu.dimension_semantics<subcore_parallel>], iteration_bounds = array<i64: 2, 16>, scalar_prefetch = 0 : i64, scratch_operands = 7 : i64, tpu.core_type = #tpu.core_type<sc_vector_subcore>, window_params = [{transform_indices = #map}, {transform_indices = #map}, {transform_indices = #map1}, {transform_indices = #map1}, {transform_indices = #map1}]} {
    %mul3A = arith.constant 632 : i32
    %mul3A_0 = arith.muli %arg1, %mul3A : i32
    "tpu.region"() ({
      %run_scoped3A_92 = tpu.sem_alloc : memref<!tpu.dma_semaphore, #tpu.memory_space<semaphore_mem>>
      %dma_start3A_93 = arith.constant 0 : i32
      %dma_start3A_94 = tpu.memref_slice %arg11[%mul3A_0, %dma_start3A_93] : memref<10112x128xf32, #tpu.memory_space<vmem_shared>> -> memref<632x128xf32, #tpu.memory_space<vmem_shared>>
      tpu.enqueue_dma source(%arg5 : memref<632x128xf32, #tpu.memory_space<hbm>>) target(%dma_start3A_94 : memref<632x128xf32, #tpu.memory_space<vmem_shared>>) target_semaphore(%run_scoped3A_92 : memref<!tpu.dma_semaphore, #tpu.memory_space<semaphore_mem>>)
      %dma_wait3A_95 = arith.constant 0 : i32
      %dma_wait3A_96 = tpu.memref_slice %arg11[%mul3A_0, %dma_wait3A_95] : memref<10112x128xf32, #tpu.memory_space<vmem_shared>> -> memref<632x128xf32, #tpu.memory_space<vmem_shared>>
      tpu.wait_dma2 semaphore(%run_scoped3A_92 : memref<!tpu.dma_semaphore, #tpu.memory_space<semaphore_mem>>) src(%arg5 : memref<632x128xf32, #tpu.memory_space<hbm>>) dst(%dma_wait3A_96 : memref<632x128xf32, #tpu.memory_space<vmem_shared>>)
      tpu.yield
    }) : () -> ()
    %barrier3A = arith.constant 0 : index
    tpu.barrier barrier_id(%barrier3A)
    %run_scoped3A = arith.constant 0 : i32
    "tpu.region"() ({
      %run_scoped3A_92 = tpu.sem_alloc : memref<!tpu.dma_semaphore, #tpu.memory_space<semaphore_mem>>
      %dma_start3A_93 = arith.constant 0 : i32
      %dma_start3A_94 = arith.constant 0 : i32
      %dma_start3A_95 = tpu.memref_slice %arg2[%arg0, %arg1, %run_scoped3A, %dma_start3A_93, %dma_start3A_94] : memref<2x16x4x37x128xi32, #tpu.memory_space<hbm>> -> memref<1x1x1x37x128xi32, #tpu.memory_space<hbm>>
      %dma_start3A_96 = tpu.memref_squeeze %dma_start3A_95 : memref<1x1x1x37x128xi32, #tpu.memory_space<hbm>> -> memref<37x128xi32, #tpu.memory_space<hbm>>
      %dma_start3A_97 = arith.constant 0 : i32
      %dma_start3A_98 = arith.constant 0 : i32
      %dma_start3A_99 = tpu.memref_slice %arg2[%arg0, %arg1, %run_scoped3A, %dma_start3A_97, %dma_start3A_98] : memref<2x16x4x37x128xi32, #tpu.memory_space<hbm>> -> memref<1x1x1x37x128xi32, #tpu.memory_space<hbm>>
      %dma_start3A_100 = tpu.memref_squeeze %dma_start3A_99 : memref<1x1x1x37x128xi32, #tpu.memory_space<hbm>> -> memref<37x128xi32, #tpu.memory_space<hbm>>
      tpu.enqueue_dma source(%dma_start3A_100 : memref<37x128xi32, #tpu.memory_space<hbm>>) target(%arg7 : memref<37x128xi32, #tpu.memory_space<vmem>>) target_semaphore(%run_scoped3A_92 : memref<!tpu.dma_semaphore, #tpu.memory_space<semaphore_mem>>)
      %dma_wait3A_101 = arith.constant 0 : i32
      %dma_wait3A_102 = arith.constant 0 : i32
      %dma_wait3A_103 = tpu.memref_slice %arg2[%arg0, %arg1, %run_scoped3A, %dma_wait3A_101, %dma_wait3A_102] : memref<2x16x4x37x128xi32, #tpu.memory_space<hbm>> -> memref<1x1x1x37x128xi32, #tpu.memory_space<hbm>>
      %dma_wait3A_104 = tpu.memref_squeeze %dma_wait3A_103 : memref<1x1x1x37x128xi32, #tpu.memory_space<hbm>> -> memref<37x128xi32, #tpu.memory_space<hbm>>
      %dma_wait3A_105 = arith.constant 0 : i32
      %dma_wait3A_106 = arith.constant 0 : i32
      %dma_wait3A_107 = tpu.memref_slice %arg2[%arg0, %arg1, %run_scoped3A, %dma_wait3A_105, %dma_wait3A_106] : memref<2x16x4x37x128xi32, #tpu.memory_space<hbm>> -> memref<1x1x1x37x128xi32, #tpu.memory_space<hbm>>
      %dma_wait3A_108 = tpu.memref_squeeze %dma_wait3A_107 : memref<1x1x1x37x128xi32, #tpu.memory_space<hbm>> -> memref<37x128xi32, #tpu.memory_space<hbm>>
      tpu.wait_dma2 semaphore(%run_scoped3A_92 : memref<!tpu.dma_semaphore, #tpu.memory_space<semaphore_mem>>) src(%dma_wait3A_108 : memref<37x128xi32, #tpu.memory_space<hbm>>) dst(%arg7 : memref<37x128xi32, #tpu.memory_space<vmem>>)
      tpu.yield
    }) : () -> ()
    %run_scoped3A_1 = arith.constant 0 : i32
    "tpu.region"() ({
      %run_scoped3A_92 = tpu.sem_alloc : memref<!tpu.dma_semaphore, #tpu.memory_space<semaphore_mem>>
      %dma_start3A_93 = arith.constant 0 : i32
      %dma_start3A_94 = arith.constant 0 : i32
      %dma_start3A_95 = tpu.memref_slice %arg3[%arg0, %arg1, %run_scoped3A_1, %dma_start3A_93, %dma_start3A_94] : memref<2x16x4x37x128xi32, #tpu.memory_space<hbm>> -> memref<1x1x1x37x128xi32, #tpu.memory_space<hbm>>
      %dma_start3A_96 = tpu.memref_squeeze %dma_start3A_95 : memref<1x1x1x37x128xi32, #tpu.memory_space<hbm>> -> memref<37x128xi32, #tpu.memory_space<hbm>>
      %dma_start3A_97 = arith.constant 0 : i32
      %dma_start3A_98 = arith.constant 0 : i32
      %dma_start3A_99 = tpu.memref_slice %arg3[%arg0, %arg1, %run_scoped3A_1, %dma_start3A_97, %dma_start3A_98] : memref<2x16x4x37x128xi32, #tpu.memory_space<hbm>> -> memref<1x1x1x37x128xi32, #tpu.memory_space<hbm>>
      %dma_start3A_100 = tpu.memref_squeeze %dma_start3A_99 : memref<1x1x1x37x128xi32, #tpu.memory_space<hbm>> -> memref<37x128xi32, #tpu.memory_space<hbm>>
      tpu.enqueue_dma source(%dma_start3A_100 : memref<37x128xi32, #tpu.memory_space<hbm>>) target(%arg8 : memref<37x128xi32, #tpu.memory_space<vmem>>) target_semaphore(%run_scoped3A_92 : memref<!tpu.dma_semaphore, #tpu.memory_space<semaphore_mem>>)
      %dma_wait3A_101 = arith.constant 0 : i32
      %dma_wait3A_102 = arith.constant 0 : i32
      %dma_wait3A_103 = tpu.memref_slice %arg3[%arg0, %arg1, %run_scoped3A_1, %dma_wait3A_101, %dma_wait3A_102] : memref<2x16x4x37x128xi32, #tpu.memory_space<hbm>> -> memref<1x1x1x37x128xi32, #tpu.memory_space<hbm>>
      %dma_wait3A_104 = tpu.memref_squeeze %dma_wait3A_103 : memref<1x1x1x37x128xi32, #tpu.memory_space<hbm>> -> memref<37x128xi32, #tpu.memory_space<hbm>>
      %dma_wait3A_105 = arith.constant 0 : i32
      %dma_wait3A_106 = arith.constant 0 : i32
      %dma_wait3A_107 = tpu.memref_slice %arg3[%arg0, %arg1, %run_scoped3A_1, %dma_wait3A_105, %dma_wait3A_106] : memref<2x16x4x37x128xi32, #tpu.memory_space<hbm>> -> memref<1x1x1x37x128xi32, #tpu.memory_space<hbm>>
      %dma_wait3A_108 = tpu.memref_squeeze %dma_wait3A_107 : memref<1x1x1x37x128xi32, #tpu.memory_space<hbm>> -> memref<37x128xi32, #tpu.memory_space<hbm>>
      tpu.wait_dma2 semaphore(%run_scoped3A_92 : memref<!tpu.dma_semaphore, #tpu.memory_space<semaphore_mem>>) src(%dma_wait3A_108 : memref<37x128xi32, #tpu.memory_space<hbm>>) dst(%arg8 : memref<37x128xi32, #tpu.memory_space<vmem>>)
      tpu.yield
    }) : () -> ()
    %dma_start3A = arith.constant 0 : i32
    %dma_start3A_2 = arith.constant 0 : i32
    %dma_start3A_3 = tpu.memref_slice %arg7[%dma_start3A, %dma_start3A_2] : memref<37x128xi32, #tpu.memory_space<vmem>> -> memref<1x128xi32, #tpu.memory_space<vmem>>
    %dma_start3A_4 = tpu.memref_squeeze %dma_start3A_3 : memref<1x128xi32, #tpu.memory_space<vmem>> -> memref<128xi32, #tpu.memory_space<vmem>>
    %dma_start3A_5 = arith.constant 0 : i32
    %dma_start3A_6 = arith.constant 0 : i32
    %dma_start3A_7 = tpu.memref_slice %arg4[%dma_start3A_5, %dma_start3A_6] : memref<20000x128xf32, #tpu.memory_space<hbm>> -> memref<20000x128xf32, #tpu.memory_space<hbm>>
    tpu.enqueue_indirect_dma source(%dma_start3A_7 : memref<20000x128xf32, #tpu.memory_space<hbm>>) target(%arg9 : memref<128x128xf32, #tpu.memory_space<vmem>>) offsets(%dma_start3A_4 : memref<128xi32, #tpu.memory_space<vmem>>) semaphore(%arg12 : memref<!tpu.dma_semaphore, #tpu.memory_space<semaphore_mem>>)
    %scan3A = arith.constant 0 : i32
    %scan3A_8 = arith.constant 0 : i32
    %scan3A_9 = arith.constant 18 : i32
    %scan3A_10 = arith.addi %scan3A_8, %scan3A_9 : i32
    %scan3A_11 = arith.constant 1 : i32
    scf.for %scan3A_92 = %scan3A_8 to %scan3A_10 step %scan3A_11  : i32 {
      %mul3A_93 = arith.constant 2 : i32
      %mul3A_94 = arith.muli %scan3A_92, %mul3A_93 : i32
      %add3A_95 = arith.constant 0 : i32
      %add3A_96 = arith.addi %mul3A_94, %add3A_95 : i32
      %add3A_97 = arith.constant 2 : i32
      %add3A_98 = arith.addi %add3A_96, %add3A_97 : i32
      %sub3A = arith.constant 1 : i32
      %sub3A_99 = arith.subi %add3A_98, %sub3A : i32
      %dma_start3A_100 = arith.constant 0 : i32
      %dma_start3A_101 = tpu.memref_slice %arg7[%sub3A_99, %dma_start3A_100] : memref<37x128xi32, #tpu.memory_space<vmem>> -> memref<1x128xi32, #tpu.memory_space<vmem>>
      %dma_start3A_102 = tpu.memref_squeeze %dma_start3A_101 : memref<1x128xi32, #tpu.memory_space<vmem>> -> memref<128xi32, #tpu.memory_space<vmem>>
      %dma_start3A_103 = arith.constant 0 : i32
      %dma_start3A_104 = arith.constant 0 : i32
      %dma_start3A_105 = tpu.memref_slice %arg4[%dma_start3A_103, %dma_start3A_104] : memref<20000x128xf32, #tpu.memory_space<hbm>> -> memref<20000x128xf32, #tpu.memory_space<hbm>>
      tpu.enqueue_indirect_dma source(%dma_start3A_105 : memref<20000x128xf32, #tpu.memory_space<hbm>>) target(%arg10 : memref<128x128xf32, #tpu.memory_space<vmem>>) offsets(%dma_start3A_102 : memref<128xi32, #tpu.memory_space<vmem>>) semaphore(%arg13 : memref<!tpu.dma_semaphore, #tpu.memory_space<semaphore_mem>>)
      %dma_wait3A_106 = arith.constant 0 : i32
      %dma_wait3A_107 = tpu.memref_slice %arg7[%add3A_96, %dma_wait3A_106] : memref<37x128xi32, #tpu.memory_space<vmem>> -> memref<1x128xi32, #tpu.memory_space<vmem>>
      %dma_wait3A_108 = tpu.memref_squeeze %dma_wait3A_107 : memref<1x128xi32, #tpu.memory_space<vmem>> -> memref<128xi32, #tpu.memory_space<vmem>>
      %dma_wait3A_109 = arith.constant 0 : i32
      %dma_wait3A_110 = arith.constant 0 : i32
      %dma_wait3A_111 = tpu.memref_slice %arg4[%dma_wait3A_109, %dma_wait3A_110] : memref<20000x128xf32, #tpu.memory_space<hbm>> -> memref<20000x128xf32, #tpu.memory_space<hbm>>
      tpu.wait_indirect_dma semaphore(%arg12 : memref<!tpu.dma_semaphore, #tpu.memory_space<semaphore_mem>>) src(%dma_wait3A_111 : memref<20000x128xf32, #tpu.memory_space<hbm>>) dst(%arg9 : memref<128x128xf32, #tpu.memory_space<vmem>>)
      "tpu.region"() ({
        %run_scoped3A_132 = tpu.sem_alloc : memref<!tpu.dma_semaphore, #tpu.memory_space<semaphore_mem>>
        %dma_start3A_133 = arith.constant 0 : i32
        %dma_start3A_134 = tpu.memref_slice %arg8[%add3A_96, %dma_start3A_133] : memref<37x128xi32, #tpu.memory_space<vmem>> -> memref<1x128xi32, #tpu.memory_space<vmem>>
        %dma_start3A_135 = tpu.memref_squeeze %dma_start3A_134 : memref<1x128xi32, #tpu.memory_space<vmem>> -> memref<128xi32, #tpu.memory_space<vmem>>
        %dma_start3A_136 = arith.constant 0 : i32
        %dma_start3A_137 = arith.constant 0 : i32
        %dma_start3A_138 = tpu.memref_slice %arg11[%dma_start3A_136, %dma_start3A_137] : memref<10112x128xf32, #tpu.memory_space<vmem_shared>> -> memref<10112x128xf32, #tpu.memory_space<vmem_shared>>
        tpu.enqueue_indirect_dma source(%arg9 : memref<128x128xf32, #tpu.memory_space<vmem>>) target(%dma_start3A_138 : memref<10112x128xf32, #tpu.memory_space<vmem_shared>>) offsets(%dma_start3A_135 : memref<128xi32, #tpu.memory_space<vmem>>) semaphore(%run_scoped3A_132 : memref<!tpu.dma_semaphore, #tpu.memory_space<semaphore_mem>>) {add = true}
        %dma_wait3A_139 = arith.constant 0 : i32
        %dma_wait3A_140 = tpu.memref_slice %arg8[%add3A_96, %dma_wait3A_139] : memref<37x128xi32, #tpu.memory_space<vmem>> -> memref<1x128xi32, #tpu.memory_space<vmem>>
        %dma_wait3A_141 = tpu.memref_squeeze %dma_wait3A_140 : memref<1x128xi32, #tpu.memory_space<vmem>> -> memref<128xi32, #tpu.memory_space<vmem>>
        %dma_wait3A_142 = arith.constant 0 : i32
        %dma_wait3A_143 = arith.constant 0 : i32
        %dma_wait3A_144 = tpu.memref_slice %arg11[%dma_wait3A_142, %dma_wait3A_143] : memref<10112x128xf32, #tpu.memory_space<vmem_shared>> -> memref<10112x128xf32, #tpu.memory_space<vmem_shared>>
        tpu.wait_indirect_dma semaphore(%run_scoped3A_132 : memref<!tpu.dma_semaphore, #tpu.memory_space<semaphore_mem>>) src(%arg9 : memref<128x128xf32, #tpu.memory_space<vmem>>) dst(%dma_wait3A_144 : memref<10112x128xf32, #tpu.memory_space<vmem_shared>>)
        tpu.yield
      }) : () -> ()
      %mul3A_112 = arith.constant 2 : i32
      %mul3A_113 = arith.muli %scan3A_92, %mul3A_112 : i32
      %add3A_114 = arith.constant 1 : i32
      %add3A_115 = arith.addi %mul3A_113, %add3A_114 : i32
      %add3A_116 = arith.constant 2 : i32
      %add3A_117 = arith.addi %add3A_115, %add3A_116 : i32
      %sub3A_118 = arith.constant 1 : i32
      %sub3A_119 = arith.subi %add3A_117, %sub3A_118 : i32
      %dma_start3A_120 = arith.constant 0 : i32
      %dma_start3A_121 = tpu.memref_slice %arg7[%sub3A_119, %dma_start3A_120] : memref<37x128xi32, #tpu.memory_space<vmem>> -> memref<1x128xi32, #tpu.memory_space<vmem>>
      %dma_start3A_122 = tpu.memref_squeeze %dma_start3A_121 : memref<1x128xi32, #tpu.memory_space<vmem>> -> memref<128xi32, #tpu.memory_space<vmem>>
      %dma_start3A_123 = arith.constant 0 : i32
      %dma_start3A_124 = arith.constant 0 : i32
      %dma_start3A_125 = tpu.memref_slice %arg4[%dma_start3A_123, %dma_start3A_124] : memref<20000x128xf32, #tpu.memory_space<hbm>> -> memref<20000x128xf32, #tpu.memory_space<hbm>>
      tpu.enqueue_indirect_dma source(%dma_start3A_125 : memref<20000x128xf32, #tpu.memory_space<hbm>>) target(%arg9 : memref<128x128xf32, #tpu.memory_space<vmem>>) offsets(%dma_start3A_122 : memref<128xi32, #tpu.memory_space<vmem>>) semaphore(%arg12 : memref<!tpu.dma_semaphore, #tpu.memory_space<semaphore_mem>>)
      %dma_wait3A_126 = arith.constant 0 : i32
      %dma_wait3A_127 = tpu.memref_slice %arg7[%add3A_115, %dma_wait3A_126] : memref<37x128xi32, #tpu.memory_space<vmem>> -> memref<1x128xi32, #tpu.memory_space<vmem>>
      %dma_wait3A_128 = tpu.memref_squeeze %dma_wait3A_127 : memref<1x128xi32, #tpu.memory_space<vmem>> -> memref<128xi32, #tpu.memory_space<vmem>>
      %dma_wait3A_129 = arith.constant 0 : i32
      %dma_wait3A_130 = arith.constant 0 : i32
      %dma_wait3A_131 = tpu.memref_slice %arg4[%dma_wait3A_129, %dma_wait3A_130] : memref<20000x128xf32, #tpu.memory_space<hbm>> -> memref<20000x128xf32, #tpu.memory_space<hbm>>
      tpu.wait_indirect_dma semaphore(%arg13 : memref<!tpu.dma_semaphore, #tpu.memory_space<semaphore_mem>>) src(%dma_wait3A_131 : memref<20000x128xf32, #tpu.memory_space<hbm>>) dst(%arg10 : memref<128x128xf32, #tpu.memory_space<vmem>>)
      "tpu.region"() ({
        %run_scoped3A_132 = tpu.sem_alloc : memref<!tpu.dma_semaphore, #tpu.memory_space<semaphore_mem>>
        %dma_start3A_133 = arith.constant 0 : i32
        %dma_start3A_134 = tpu.memref_slice %arg8[%add3A_115, %dma_start3A_133] : memref<37x128xi32, #tpu.memory_space<vmem>> -> memref<1x128xi32, #tpu.memory_space<vmem>>
        %dma_start3A_135 = tpu.memref_squeeze %dma_start3A_134 : memref<1x128xi32, #tpu.memory_space<vmem>> -> memref<128xi32, #tpu.memory_space<vmem>>
        %dma_start3A_136 = arith.constant 0 : i32
        %dma_start3A_137 = arith.constant 0 : i32
        %dma_start3A_138 = tpu.memref_slice %arg11[%dma_start3A_136, %dma_start3A_137] : memref<10112x128xf32, #tpu.memory_space<vmem_shared>> -> memref<10112x128xf32, #tpu.memory_space<vmem_shared>>
        tpu.enqueue_indirect_dma source(%arg10 : memref<128x128xf32, #tpu.memory_space<vmem>>) target(%dma_start3A_138 : memref<10112x128xf32, #tpu.memory_space<vmem_shared>>) offsets(%dma_start3A_135 : memref<128xi32, #tpu.memory_space<vmem>>) semaphore(%run_scoped3A_132 : memref<!tpu.dma_semaphore, #tpu.memory_space<semaphore_mem>>) {add = true}
        %dma_wait3A_139 = arith.constant 0 : i32
        %dma_wait3A_140 = tpu.memref_slice %arg8[%add3A_115, %dma_wait3A_139] : memref<37x128xi32, #tpu.memory_space<vmem>> -> memref<1x128xi32, #tpu.memory_space<vmem>>
        %dma_wait3A_141 = tpu.memref_squeeze %dma_wait3A_140 : memref<1x128xi32, #tpu.memory_space<vmem>> -> memref<128xi32, #tpu.memory_space<vmem>>
        %dma_wait3A_142 = arith.constant 0 : i32
        %dma_wait3A_143 = arith.constant 0 : i32
        %dma_wait3A_144 = tpu.memref_slice %arg11[%dma_wait3A_142, %dma_wait3A_143] : memref<10112x128xf32, #tpu.memory_space<vmem_shared>> -> memref<10112x128xf32, #tpu.memory_space<vmem_shared>>
        tpu.wait_indirect_dma semaphore(%run_scoped3A_132 : memref<!tpu.dma_semaphore, #tpu.memory_space<semaphore_mem>>) src(%arg10 : memref<128x128xf32, #tpu.memory_space<vmem>>) dst(%dma_wait3A_144 : memref<10112x128xf32, #tpu.memory_space<vmem_shared>>)
        tpu.yield
      }) : () -> ()
    }
    %scan3A_12 = arith.constant 18 : i32
    %dma_wait3A = arith.constant 36 : i32
    %dma_wait3A_13 = arith.constant 0 : i32
    %dma_wait3A_14 = tpu.memref_slice %arg7[%dma_wait3A, %dma_wait3A_13] : memref<37x128xi32, #tpu.memory_space<vmem>> -> memref<1x128xi32, #tpu.memory_space<vmem>>
    %dma_wait3A_15 = tpu.memref_squeeze %dma_wait3A_14 : memref<1x128xi32, #tpu.memory_space<vmem>> -> memref<128xi32, #tpu.memory_space<vmem>>
    %dma_wait3A_16 = arith.constant 0 : i32
    %dma_wait3A_17 = arith.constant 0 : i32
    %dma_wait3A_18 = tpu.memref_slice %arg4[%dma_wait3A_16, %dma_wait3A_17] : memref<20000x128xf32, #tpu.memory_space<hbm>> -> memref<20000x128xf32, #tpu.memory_space<hbm>>
    tpu.wait_indirect_dma semaphore(%arg12 : memref<!tpu.dma_semaphore, #tpu.memory_space<semaphore_mem>>) src(%dma_wait3A_18 : memref<20000x128xf32, #tpu.memory_space<hbm>>) dst(%arg9 : memref<128x128xf32, #tpu.memory_space<vmem>>)
    %run_scoped3A_19 = arith.constant 36 : i32
    "tpu.region"() ({
      %run_scoped3A_92 = tpu.sem_alloc : memref<!tpu.dma_semaphore, #tpu.memory_space<semaphore_mem>>
      %dma_start3A_93 = arith.constant 0 : i32
      %dma_start3A_94 = tpu.memref_slice %arg8[%run_scoped3A_19, %dma_start3A_93] : memref<37x128xi32, #tpu.memory_space<vmem>> -> memref<1x128xi32, #tpu.memory_space<vmem>>
      %dma_start3A_95 = tpu.memref_squeeze %dma_start3A_94 : memref<1x128xi32, #tpu.memory_space<vmem>> -> memref<128xi32, #tpu.memory_space<vmem>>
      %dma_start3A_96 = arith.constant 0 : i32
      %dma_start3A_97 = arith.constant 0 : i32
      %dma_start3A_98 = tpu.memref_slice %arg11[%dma_start3A_96, %dma_start3A_97] : memref<10112x128xf32, #tpu.memory_space<vmem_shared>> -> memref<10112x128xf32, #tpu.memory_space<vmem_shared>>
      tpu.enqueue_indirect_dma source(%arg9 : memref<128x128xf32, #tpu.memory_space<vmem>>) target(%dma_start3A_98 : memref<10112x128xf32, #tpu.memory_space<vmem_shared>>) offsets(%dma_start3A_95 : memref<128xi32, #tpu.memory_space<vmem>>) semaphore(%run_scoped3A_92 : memref<!tpu.dma_semaphore, #tpu.memory_space<semaphore_mem>>) {add = true}
      %dma_wait3A_99 = arith.constant 0 : i32
      %dma_wait3A_100 = tpu.memref_slice %arg8[%run_scoped3A_19, %dma_wait3A_99] : memref<37x128xi32, #tpu.memory_space<vmem>> -> memref<1x128xi32, #tpu.memory_space<vmem>>
      %dma_wait3A_101 = tpu.memref_squeeze %dma_wait3A_100 : memref<1x128xi32, #tpu.memory_space<vmem>> -> memref<128xi32, #tpu.memory_space<vmem>>
      %dma_wait3A_102 = arith.constant 0 : i32
      %dma_wait3A_103 = arith.constant 0 : i32
      %dma_wait3A_104 = tpu.memref_slice %arg11[%dma_wait3A_102, %dma_wait3A_103] : memref<10112x128xf32, #tpu.memory_space<vmem_shared>> -> memref<10112x128xf32, #tpu.memory_space<vmem_shared>>
      tpu.wait_indirect_dma semaphore(%run_scoped3A_92 : memref<!tpu.dma_semaphore, #tpu.memory_space<semaphore_mem>>) src(%arg9 : memref<128x128xf32, #tpu.memory_space<vmem>>) dst(%dma_wait3A_104 : memref<10112x128xf32, #tpu.memory_space<vmem_shared>>)
      tpu.yield
    }) : () -> ()
    %run_scoped3A_20 = arith.constant 1 : i32
    "tpu.region"() ({
      %run_scoped3A_92 = tpu.sem_alloc : memref<!tpu.dma_semaphore, #tpu.memory_space<semaphore_mem>>
      %dma_start3A_93 = arith.constant 0 : i32
      %dma_start3A_94 = arith.constant 0 : i32
      %dma_start3A_95 = tpu.memref_slice %arg2[%arg0, %arg1, %run_scoped3A_20, %dma_start3A_93, %dma_start3A_94] : memref<2x16x4x37x128xi32, #tpu.memory_space<hbm>> -> memref<1x1x1x37x128xi32, #tpu.memory_space<hbm>>
      %dma_start3A_96 = tpu.memref_squeeze %dma_start3A_95 : memref<1x1x1x37x128xi32, #tpu.memory_space<hbm>> -> memref<37x128xi32, #tpu.memory_space<hbm>>
      %dma_start3A_97 = arith.constant 0 : i32
      %dma_start3A_98 = arith.constant 0 : i32
      %dma_start3A_99 = tpu.memref_slice %arg2[%arg0, %arg1, %run_scoped3A_20, %dma_start3A_97, %dma_start3A_98] : memref<2x16x4x37x128xi32, #tpu.memory_space<hbm>> -> memref<1x1x1x37x128xi32, #tpu.memory_space<hbm>>
      %dma_start3A_100 = tpu.memref_squeeze %dma_start3A_99 : memref<1x1x1x37x128xi32, #tpu.memory_space<hbm>> -> memref<37x128xi32, #tpu.memory_space<hbm>>
      tpu.enqueue_dma source(%dma_start3A_100 : memref<37x128xi32, #tpu.memory_space<hbm>>) target(%arg7 : memref<37x128xi32, #tpu.memory_space<vmem>>) target_semaphore(%run_scoped3A_92 : memref<!tpu.dma_semaphore, #tpu.memory_space<semaphore_mem>>)
      %dma_wait3A_101 = arith.constant 0 : i32
      %dma_wait3A_102 = arith.constant 0 : i32
      %dma_wait3A_103 = tpu.memref_slice %arg2[%arg0, %arg1, %run_scoped3A_20, %dma_wait3A_101, %dma_wait3A_102] : memref<2x16x4x37x128xi32, #tpu.memory_space<hbm>> -> memref<1x1x1x37x128xi32, #tpu.memory_space<hbm>>
      %dma_wait3A_104 = tpu.memref_squeeze %dma_wait3A_103 : memref<1x1x1x37x128xi32, #tpu.memory_space<hbm>> -> memref<37x128xi32, #tpu.memory_space<hbm>>
      %dma_wait3A_105 = arith.constant 0 : i32
      %dma_wait3A_106 = arith.constant 0 : i32
      %dma_wait3A_107 = tpu.memref_slice %arg2[%arg0, %arg1, %run_scoped3A_20, %dma_wait3A_105, %dma_wait3A_106] : memref<2x16x4x37x128xi32, #tpu.memory_space<hbm>> -> memref<1x1x1x37x128xi32, #tpu.memory_space<hbm>>
      %dma_wait3A_108 = tpu.memref_squeeze %dma_wait3A_107 : memref<1x1x1x37x128xi32, #tpu.memory_space<hbm>> -> memref<37x128xi32, #tpu.memory_space<hbm>>
      tpu.wait_dma2 semaphore(%run_scoped3A_92 : memref<!tpu.dma_semaphore, #tpu.memory_space<semaphore_mem>>) src(%dma_wait3A_108 : memref<37x128xi32, #tpu.memory_space<hbm>>) dst(%arg7 : memref<37x128xi32, #tpu.memory_space<vmem>>)
      tpu.yield
    }) : () -> ()
    %run_scoped3A_21 = arith.constant 1 : i32
    "tpu.region"() ({
      %run_scoped3A_92 = tpu.sem_alloc : memref<!tpu.dma_semaphore, #tpu.memory_space<semaphore_mem>>
      %dma_start3A_93 = arith.constant 0 : i32
      %dma_start3A_94 = arith.constant 0 : i32
      %dma_start3A_95 = tpu.memref_slice %arg3[%arg0, %arg1, %run_scoped3A_21, %dma_start3A_93, %dma_start3A_94] : memref<2x16x4x37x128xi32, #tpu.memory_space<hbm>> -> memref<1x1x1x37x128xi32, #tpu.memory_space<hbm>>
      %dma_start3A_96 = tpu.memref_squeeze %dma_start3A_95 : memref<1x1x1x37x128xi32, #tpu.memory_space<hbm>> -> memref<37x128xi32, #tpu.memory_space<hbm>>
      %dma_start3A_97 = arith.constant 0 : i32
      %dma_start3A_98 = arith.constant 0 : i32
      %dma_start3A_99 = tpu.memref_slice %arg3[%arg0, %arg1, %run_scoped3A_21, %dma_start3A_97, %dma_start3A_98] : memref<2x16x4x37x128xi32, #tpu.memory_space<hbm>> -> memref<1x1x1x37x128xi32, #tpu.memory_space<hbm>>
      %dma_start3A_100 = tpu.memref_squeeze %dma_start3A_99 : memref<1x1x1x37x128xi32, #tpu.memory_space<hbm>> -> memref<37x128xi32, #tpu.memory_space<hbm>>
      tpu.enqueue_dma source(%dma_start3A_100 : memref<37x128xi32, #tpu.memory_space<hbm>>) target(%arg8 : memref<37x128xi32, #tpu.memory_space<vmem>>) target_semaphore(%run_scoped3A_92 : memref<!tpu.dma_semaphore, #tpu.memory_space<semaphore_mem>>)
      %dma_wait3A_101 = arith.constant 0 : i32
      %dma_wait3A_102 = arith.constant 0 : i32
      %dma_wait3A_103 = tpu.memref_slice %arg3[%arg0, %arg1, %run_scoped3A_21, %dma_wait3A_101, %dma_wait3A_102] : memref<2x16x4x37x128xi32, #tpu.memory_space<hbm>> -> memref<1x1x1x37x128xi32, #tpu.memory_space<hbm>>
      %dma_wait3A_104 = tpu.memref_squeeze %dma_wait3A_103 : memref<1x1x1x37x128xi32, #tpu.memory_space<hbm>> -> memref<37x128xi32, #tpu.memory_space<hbm>>
      %dma_wait3A_105 = arith.constant 0 : i32
      %dma_wait3A_106 = arith.constant 0 : i32
      %dma_wait3A_107 = tpu.memref_slice %arg3[%arg0, %arg1, %run_scoped3A_21, %dma_wait3A_105, %dma_wait3A_106] : memref<2x16x4x37x128xi32, #tpu.memory_space<hbm>> -> memref<1x1x1x37x128xi32, #tpu.memory_space<hbm>>
      %dma_wait3A_108 = tpu.memref_squeeze %dma_wait3A_107 : memref<1x1x1x37x128xi32, #tpu.memory_space<hbm>> -> memref<37x128xi32, #tpu.memory_space<hbm>>
      tpu.wait_dma2 semaphore(%run_scoped3A_92 : memref<!tpu.dma_semaphore, #tpu.memory_space<semaphore_mem>>) src(%dma_wait3A_108 : memref<37x128xi32, #tpu.memory_space<hbm>>) dst(%arg8 : memref<37x128xi32, #tpu.memory_space<vmem>>)
      tpu.yield
    }) : () -> ()
    %dma_start3A_22 = arith.constant 0 : i32
    %dma_start3A_23 = arith.constant 0 : i32
    %dma_start3A_24 = tpu.memref_slice %arg7[%dma_start3A_22, %dma_start3A_23] : memref<37x128xi32, #tpu.memory_space<vmem>> -> memref<1x128xi32, #tpu.memory_space<vmem>>
    %dma_start3A_25 = tpu.memref_squeeze %dma_start3A_24 : memref<1x128xi32, #tpu.memory_space<vmem>> -> memref<128xi32, #tpu.memory_space<vmem>>
    %dma_start3A_26 = arith.constant 0 : i32
    %dma_start3A_27 = arith.constant 0 : i32
    %dma_start3A_28 = tpu.memref_slice %arg4[%dma_start3A_26, %dma_start3A_27] : memref<20000x128xf32, #tpu.memory_space<hbm>> -> memref<20000x128xf32, #tpu.memory_space<hbm>>
    tpu.enqueue_indirect_dma source(%dma_start3A_28 : memref<20000x128xf32, #tpu.memory_space<hbm>>) target(%arg9 : memref<128x128xf32, #tpu.memory_space<vmem>>) offsets(%dma_start3A_25 : memref<128xi32, #tpu.memory_space<vmem>>) semaphore(%arg12 : memref<!tpu.dma_semaphore, #tpu.memory_space<semaphore_mem>>)
    %scan3A_29 = arith.constant 0 : i32
    %scan3A_30 = arith.constant 0 : i32
    %scan3A_31 = arith.constant 18 : i32
    %scan3A_32 = arith.addi %scan3A_30, %scan3A_31 : i32
    %scan3A_33 = arith.constant 1 : i32
    scf.for %scan3A_92 = %scan3A_30 to %scan3A_32 step %scan3A_33  : i32 {
      %mul3A_93 = arith.constant 2 : i32
      %mul3A_94 = arith.muli %scan3A_92, %mul3A_93 : i32
      %add3A_95 = arith.constant 0 : i32
      %add3A_96 = arith.addi %mul3A_94, %add3A_95 : i32
      %add3A_97 = arith.constant 2 : i32
      %add3A_98 = arith.addi %add3A_96, %add3A_97 : i32
      %sub3A = arith.constant 1 : i32
      %sub3A_99 = arith.subi %add3A_98, %sub3A : i32
      %dma_start3A_100 = arith.constant 0 : i32
      %dma_start3A_101 = tpu.memref_slice %arg7[%sub3A_99, %dma_start3A_100] : memref<37x128xi32, #tpu.memory_space<vmem>> -> memref<1x128xi32, #tpu.memory_space<vmem>>
      %dma_start3A_102 = tpu.memref_squeeze %dma_start3A_101 : memref<1x128xi32, #tpu.memory_space<vmem>> -> memref<128xi32, #tpu.memory_space<vmem>>
      %dma_start3A_103 = arith.constant 0 : i32
      %dma_start3A_104 = arith.constant 0 : i32
      %dma_start3A_105 = tpu.memref_slice %arg4[%dma_start3A_103, %dma_start3A_104] : memref<20000x128xf32, #tpu.memory_space<hbm>> -> memref<20000x128xf32, #tpu.memory_space<hbm>>
      tpu.enqueue_indirect_dma source(%dma_start3A_105 : memref<20000x128xf32, #tpu.memory_space<hbm>>) target(%arg10 : memref<128x128xf32, #tpu.memory_space<vmem>>) offsets(%dma_start3A_102 : memref<128xi32, #tpu.memory_space<vmem>>) semaphore(%arg13 : memref<!tpu.dma_semaphore, #tpu.memory_space<semaphore_mem>>)
      %dma_wait3A_106 = arith.constant 0 : i32
      %dma_wait3A_107 = tpu.memref_slice %arg7[%add3A_96, %dma_wait3A_106] : memref<37x128xi32, #tpu.memory_space<vmem>> -> memref<1x128xi32, #tpu.memory_space<vmem>>
      %dma_wait3A_108 = tpu.memref_squeeze %dma_wait3A_107 : memref<1x128xi32, #tpu.memory_space<vmem>> -> memref<128xi32, #tpu.memory_space<vmem>>
      %dma_wait3A_109 = arith.constant 0 : i32
      %dma_wait3A_110 = arith.constant 0 : i32
      %dma_wait3A_111 = tpu.memref_slice %arg4[%dma_wait3A_109, %dma_wait3A_110] : memref<20000x128xf32, #tpu.memory_space<hbm>> -> memref<20000x128xf32, #tpu.memory_space<hbm>>
      tpu.wait_indirect_dma semaphore(%arg12 : memref<!tpu.dma_semaphore, #tpu.memory_space<semaphore_mem>>) src(%dma_wait3A_111 : memref<20000x128xf32, #tpu.memory_space<hbm>>) dst(%arg9 : memref<128x128xf32, #tpu.memory_space<vmem>>)
      "tpu.region"() ({
        %run_scoped3A_132 = tpu.sem_alloc : memref<!tpu.dma_semaphore, #tpu.memory_space<semaphore_mem>>
        %dma_start3A_133 = arith.constant 0 : i32
        %dma_start3A_134 = tpu.memref_slice %arg8[%add3A_96, %dma_start3A_133] : memref<37x128xi32, #tpu.memory_space<vmem>> -> memref<1x128xi32, #tpu.memory_space<vmem>>
        %dma_start3A_135 = tpu.memref_squeeze %dma_start3A_134 : memref<1x128xi32, #tpu.memory_space<vmem>> -> memref<128xi32, #tpu.memory_space<vmem>>
        %dma_start3A_136 = arith.constant 0 : i32
        %dma_start3A_137 = arith.constant 0 : i32
        %dma_start3A_138 = tpu.memref_slice %arg11[%dma_start3A_136, %dma_start3A_137] : memref<10112x128xf32, #tpu.memory_space<vmem_shared>> -> memref<10112x128xf32, #tpu.memory_space<vmem_shared>>
        tpu.enqueue_indirect_dma source(%arg9 : memref<128x128xf32, #tpu.memory_space<vmem>>) target(%dma_start3A_138 : memref<10112x128xf32, #tpu.memory_space<vmem_shared>>) offsets(%dma_start3A_135 : memref<128xi32, #tpu.memory_space<vmem>>) semaphore(%run_scoped3A_132 : memref<!tpu.dma_semaphore, #tpu.memory_space<semaphore_mem>>) {add = true}
        %dma_wait3A_139 = arith.constant 0 : i32
        %dma_wait3A_140 = tpu.memref_slice %arg8[%add3A_96, %dma_wait3A_139] : memref<37x128xi32, #tpu.memory_space<vmem>> -> memref<1x128xi32, #tpu.memory_space<vmem>>
        %dma_wait3A_141 = tpu.memref_squeeze %dma_wait3A_140 : memref<1x128xi32, #tpu.memory_space<vmem>> -> memref<128xi32, #tpu.memory_space<vmem>>
        %dma_wait3A_142 = arith.constant 0 : i32
        %dma_wait3A_143 = arith.constant 0 : i32
        %dma_wait3A_144 = tpu.memref_slice %arg11[%dma_wait3A_142, %dma_wait3A_143] : memref<10112x128xf32, #tpu.memory_space<vmem_shared>> -> memref<10112x128xf32, #tpu.memory_space<vmem_shared>>
        tpu.wait_indirect_dma semaphore(%run_scoped3A_132 : memref<!tpu.dma_semaphore, #tpu.memory_space<semaphore_mem>>) src(%arg9 : memref<128x128xf32, #tpu.memory_space<vmem>>) dst(%dma_wait3A_144 : memref<10112x128xf32, #tpu.memory_space<vmem_shared>>)
        tpu.yield
      }) : () -> ()
      %mul3A_112 = arith.constant 2 : i32
      %mul3A_113 = arith.muli %scan3A_92, %mul3A_112 : i32
      %add3A_114 = arith.constant 1 : i32
      %add3A_115 = arith.addi %mul3A_113, %add3A_114 : i32
      %add3A_116 = arith.constant 2 : i32
      %add3A_117 = arith.addi %add3A_115, %add3A_116 : i32
      %sub3A_118 = arith.constant 1 : i32
      %sub3A_119 = arith.subi %add3A_117, %sub3A_118 : i32
      %dma_start3A_120 = arith.constant 0 : i32
      %dma_start3A_121 = tpu.memref_slice %arg7[%sub3A_119, %dma_start3A_120] : memref<37x128xi32, #tpu.memory_space<vmem>> -> memref<1x128xi32, #tpu.memory_space<vmem>>
      %dma_start3A_122 = tpu.memref_squeeze %dma_start3A_121 : memref<1x128xi32, #tpu.memory_space<vmem>> -> memref<128xi32, #tpu.memory_space<vmem>>
      %dma_start3A_123 = arith.constant 0 : i32
      %dma_start3A_124 = arith.constant 0 : i32
      %dma_start3A_125 = tpu.memref_slice %arg4[%dma_start3A_123, %dma_start3A_124] : memref<20000x128xf32, #tpu.memory_space<hbm>> -> memref<20000x128xf32, #tpu.memory_space<hbm>>
      tpu.enqueue_indirect_dma source(%dma_start3A_125 : memref<20000x128xf32, #tpu.memory_space<hbm>>) target(%arg9 : memref<128x128xf32, #tpu.memory_space<vmem>>) offsets(%dma_start3A_122 : memref<128xi32, #tpu.memory_space<vmem>>) semaphore(%arg12 : memref<!tpu.dma_semaphore, #tpu.memory_space<semaphore_mem>>)
      %dma_wait3A_126 = arith.constant 0 : i32
      %dma_wait3A_127 = tpu.memref_slice %arg7[%add3A_115, %dma_wait3A_126] : memref<37x128xi32, #tpu.memory_space<vmem>> -> memref<1x128xi32, #tpu.memory_space<vmem>>
      %dma_wait3A_128 = tpu.memref_squeeze %dma_wait3A_127 : memref<1x128xi32, #tpu.memory_space<vmem>> -> memref<128xi32, #tpu.memory_space<vmem>>
      %dma_wait3A_129 = arith.constant 0 : i32
      %dma_wait3A_130 = arith.constant 0 : i32
      %dma_wait3A_131 = tpu.memref_slice %arg4[%dma_wait3A_129, %dma_wait3A_130] : memref<20000x128xf32, #tpu.memory_space<hbm>> -> memref<20000x128xf32, #tpu.memory_space<hbm>>
      tpu.wait_indirect_dma semaphore(%arg13 : memref<!tpu.dma_semaphore, #tpu.memory_space<semaphore_mem>>) src(%dma_wait3A_131 : memref<20000x128xf32, #tpu.memory_space<hbm>>) dst(%arg10 : memref<128x128xf32, #tpu.memory_space<vmem>>)
      "tpu.region"() ({
        %run_scoped3A_132 = tpu.sem_alloc : memref<!tpu.dma_semaphore, #tpu.memory_space<semaphore_mem>>
        %dma_start3A_133 = arith.constant 0 : i32
        %dma_start3A_134 = tpu.memref_slice %arg8[%add3A_115, %dma_start3A_133] : memref<37x128xi32, #tpu.memory_space<vmem>> -> memref<1x128xi32, #tpu.memory_space<vmem>>
        %dma_start3A_135 = tpu.memref_squeeze %dma_start3A_134 : memref<1x128xi32, #tpu.memory_space<vmem>> -> memref<128xi32, #tpu.memory_space<vmem>>
        %dma_start3A_136 = arith.constant 0 : i32
        %dma_start3A_137 = arith.constant 0 : i32
        %dma_start3A_138 = tpu.memref_slice %arg11[%dma_start3A_136, %dma_start3A_137] : memref<10112x128xf32, #tpu.memory_space<vmem_shared>> -> memref<10112x128xf32, #tpu.memory_space<vmem_shared>>
        tpu.enqueue_indirect_dma source(%arg10 : memref<128x128xf32, #tpu.memory_space<vmem>>) target(%dma_start3A_138 : memref<10112x128xf32, #tpu.memory_space<vmem_shared>>) offsets(%dma_start3A_135 : memref<128xi32, #tpu.memory_space<vmem>>) semaphore(%run_scoped3A_132 : memref<!tpu.dma_semaphore, #tpu.memory_space<semaphore_mem>>) {add = true}
        %dma_wait3A_139 = arith.constant 0 : i32
        %dma_wait3A_140 = tpu.memref_slice %arg8[%add3A_115, %dma_wait3A_139] : memref<37x128xi32, #tpu.memory_space<vmem>> -> memref<1x128xi32, #tpu.memory_space<vmem>>
        %dma_wait3A_141 = tpu.memref_squeeze %dma_wait3A_140 : memref<1x128xi32, #tpu.memory_space<vmem>> -> memref<128xi32, #tpu.memory_space<vmem>>
        %dma_wait3A_142 = arith.constant 0 : i32
        %dma_wait3A_143 = arith.constant 0 : i32
        %dma_wait3A_144 = tpu.memref_slice %arg11[%dma_wait3A_142, %dma_wait3A_143] : memref<10112x128xf32, #tpu.memory_space<vmem_shared>> -> memref<10112x128xf32, #tpu.memory_space<vmem_shared>>
        tpu.wait_indirect_dma semaphore(%run_scoped3A_132 : memref<!tpu.dma_semaphore, #tpu.memory_space<semaphore_mem>>) src(%arg10 : memref<128x128xf32, #tpu.memory_space<vmem>>) dst(%dma_wait3A_144 : memref<10112x128xf32, #tpu.memory_space<vmem_shared>>)
        tpu.yield
      }) : () -> ()
    }
    %scan3A_34 = arith.constant 18 : i32
    %dma_wait3A_35 = arith.constant 36 : i32
    %dma_wait3A_36 = arith.constant 0 : i32
    %dma_wait3A_37 = tpu.memref_slice %arg7[%dma_wait3A_35, %dma_wait3A_36] : memref<37x128xi32, #tpu.memory_space<vmem>> -> memref<1x128xi32, #tpu.memory_space<vmem>>
    %dma_wait3A_38 = tpu.memref_squeeze %dma_wait3A_37 : memref<1x128xi32, #tpu.memory_space<vmem>> -> memref<128xi32, #tpu.memory_space<vmem>>
    %dma_wait3A_39 = arith.constant 0 : i32
    %dma_wait3A_40 = arith.constant 0 : i32
    %dma_wait3A_41 = tpu.memref_slice %arg4[%dma_wait3A_39, %dma_wait3A_40] : memref<20000x128xf32, #tpu.memory_space<hbm>> -> memref<20000x128xf32, #tpu.memory_space<hbm>>
    tpu.wait_indirect_dma semaphore(%arg12 : memref<!tpu.dma_semaphore, #tpu.memory_space<semaphore_mem>>) src(%dma_wait3A_41 : memref<20000x128xf32, #tpu.memory_space<hbm>>) dst(%arg9 : memref<128x128xf32, #tpu.memory_space<vmem>>)
    %run_scoped3A_42 = arith.constant 36 : i32
    "tpu.region"() ({
      %run_scoped3A_92 = tpu.sem_alloc : memref<!tpu.dma_semaphore, #tpu.memory_space<semaphore_mem>>
      %dma_start3A_93 = arith.constant 0 : i32
      %dma_start3A_94 = tpu.memref_slice %arg8[%run_scoped3A_42, %dma_start3A_93] : memref<37x128xi32, #tpu.memory_space<vmem>> -> memref<1x128xi32, #tpu.memory_space<vmem>>
      %dma_start3A_95 = tpu.memref_squeeze %dma_start3A_94 : memref<1x128xi32, #tpu.memory_space<vmem>> -> memref<128xi32, #tpu.memory_space<vmem>>
      %dma_start3A_96 = arith.constant 0 : i32
      %dma_start3A_97 = arith.constant 0 : i32
      %dma_start3A_98 = tpu.memref_slice %arg11[%dma_start3A_96, %dma_start3A_97] : memref<10112x128xf32, #tpu.memory_space<vmem_shared>> -> memref<10112x128xf32, #tpu.memory_space<vmem_shared>>
      tpu.enqueue_indirect_dma source(%arg9 : memref<128x128xf32, #tpu.memory_space<vmem>>) target(%dma_start3A_98 : memref<10112x128xf32, #tpu.memory_space<vmem_shared>>) offsets(%dma_start3A_95 : memref<128xi32, #tpu.memory_space<vmem>>) semaphore(%run_scoped3A_92 : memref<!tpu.dma_semaphore, #tpu.memory_space<semaphore_mem>>) {add = true}
      %dma_wait3A_99 = arith.constant 0 : i32
      %dma_wait3A_100 = tpu.memref_slice %arg8[%run_scoped3A_42, %dma_wait3A_99] : memref<37x128xi32, #tpu.memory_space<vmem>> -> memref<1x128xi32, #tpu.memory_space<vmem>>
      %dma_wait3A_101 = tpu.memref_squeeze %dma_wait3A_100 : memref<1x128xi32, #tpu.memory_space<vmem>> -> memref<128xi32, #tpu.memory_space<vmem>>
      %dma_wait3A_102 = arith.constant 0 : i32
      %dma_wait3A_103 = arith.constant 0 : i32
      %dma_wait3A_104 = tpu.memref_slice %arg11[%dma_wait3A_102, %dma_wait3A_103] : memref<10112x128xf32, #tpu.memory_space<vmem_shared>> -> memref<10112x128xf32, #tpu.memory_space<vmem_shared>>
      tpu.wait_indirect_dma semaphore(%run_scoped3A_92 : memref<!tpu.dma_semaphore, #tpu.memory_space<semaphore_mem>>) src(%arg9 : memref<128x128xf32, #tpu.memory_space<vmem>>) dst(%dma_wait3A_104 : memref<10112x128xf32, #tpu.memory_space<vmem_shared>>)
      tpu.yield
    }) : () -> ()
    %run_scoped3A_43 = arith.constant 2 : i32
    "tpu.region"() ({
      %run_scoped3A_92 = tpu.sem_alloc : memref<!tpu.dma_semaphore, #tpu.memory_space<semaphore_mem>>
      %dma_start3A_93 = arith.constant 0 : i32
      %dma_start3A_94 = arith.constant 0 : i32
      %dma_start3A_95 = tpu.memref_slice %arg2[%arg0, %arg1, %run_scoped3A_43, %dma_start3A_93, %dma_start3A_94] : memref<2x16x4x37x128xi32, #tpu.memory_space<hbm>> -> memref<1x1x1x37x128xi32, #tpu.memory_space<hbm>>
      %dma_start3A_96 = tpu.memref_squeeze %dma_start3A_95 : memref<1x1x1x37x128xi32, #tpu.memory_space<hbm>> -> memref<37x128xi32, #tpu.memory_space<hbm>>
      %dma_start3A_97 = arith.constant 0 : i32
      %dma_start3A_98 = arith.constant 0 : i32
      %dma_start3A_99 = tpu.memref_slice %arg2[%arg0, %arg1, %run_scoped3A_43, %dma_start3A_97, %dma_start3A_98] : memref<2x16x4x37x128xi32, #tpu.memory_space<hbm>> -> memref<1x1x1x37x128xi32, #tpu.memory_space<hbm>>
      %dma_start3A_100 = tpu.memref_squeeze %dma_start3A_99 : memref<1x1x1x37x128xi32, #tpu.memory_space<hbm>> -> memref<37x128xi32, #tpu.memory_space<hbm>>
      tpu.enqueue_dma source(%dma_start3A_100 : memref<37x128xi32, #tpu.memory_space<hbm>>) target(%arg7 : memref<37x128xi32, #tpu.memory_space<vmem>>) target_semaphore(%run_scoped3A_92 : memref<!tpu.dma_semaphore, #tpu.memory_space<semaphore_mem>>)
      %dma_wait3A_101 = arith.constant 0 : i32
      %dma_wait3A_102 = arith.constant 0 : i32
      %dma_wait3A_103 = tpu.memref_slice %arg2[%arg0, %arg1, %run_scoped3A_43, %dma_wait3A_101, %dma_wait3A_102] : memref<2x16x4x37x128xi32, #tpu.memory_space<hbm>> -> memref<1x1x1x37x128xi32, #tpu.memory_space<hbm>>
      %dma_wait3A_104 = tpu.memref_squeeze %dma_wait3A_103 : memref<1x1x1x37x128xi32, #tpu.memory_space<hbm>> -> memref<37x128xi32, #tpu.memory_space<hbm>>
      %dma_wait3A_105 = arith.constant 0 : i32
      %dma_wait3A_106 = arith.constant 0 : i32
      %dma_wait3A_107 = tpu.memref_slice %arg2[%arg0, %arg1, %run_scoped3A_43, %dma_wait3A_105, %dma_wait3A_106] : memref<2x16x4x37x128xi32, #tpu.memory_space<hbm>> -> memref<1x1x1x37x128xi32, #tpu.memory_space<hbm>>
      %dma_wait3A_108 = tpu.memref_squeeze %dma_wait3A_107 : memref<1x1x1x37x128xi32, #tpu.memory_space<hbm>> -> memref<37x128xi32, #tpu.memory_space<hbm>>
      tpu.wait_dma2 semaphore(%run_scoped3A_92 : memref<!tpu.dma_semaphore, #tpu.memory_space<semaphore_mem>>) src(%dma_wait3A_108 : memref<37x128xi32, #tpu.memory_space<hbm>>) dst(%arg7 : memref<37x128xi32, #tpu.memory_space<vmem>>)
      tpu.yield
    }) : () -> ()
    %run_scoped3A_44 = arith.constant 2 : i32
    "tpu.region"() ({
      %run_scoped3A_92 = tpu.sem_alloc : memref<!tpu.dma_semaphore, #tpu.memory_space<semaphore_mem>>
      %dma_start3A_93 = arith.constant 0 : i32
      %dma_start3A_94 = arith.constant 0 : i32
      %dma_start3A_95 = tpu.memref_slice %arg3[%arg0, %arg1, %run_scoped3A_44, %dma_start3A_93, %dma_start3A_94] : memref<2x16x4x37x128xi32, #tpu.memory_space<hbm>> -> memref<1x1x1x37x128xi32, #tpu.memory_space<hbm>>
      %dma_start3A_96 = tpu.memref_squeeze %dma_start3A_95 : memref<1x1x1x37x128xi32, #tpu.memory_space<hbm>> -> memref<37x128xi32, #tpu.memory_space<hbm>>
      %dma_start3A_97 = arith.constant 0 : i32
      %dma_start3A_98 = arith.constant 0 : i32
      %dma_start3A_99 = tpu.memref_slice %arg3[%arg0, %arg1, %run_scoped3A_44, %dma_start3A_97, %dma_start3A_98] : memref<2x16x4x37x128xi32, #tpu.memory_space<hbm>> -> memref<1x1x1x37x128xi32, #tpu.memory_space<hbm>>
      %dma_start3A_100 = tpu.memref_squeeze %dma_start3A_99 : memref<1x1x1x37x128xi32, #tpu.memory_space<hbm>> -> memref<37x128xi32, #tpu.memory_space<hbm>>
      tpu.enqueue_dma source(%dma_start3A_100 : memref<37x128xi32, #tpu.memory_space<hbm>>) target(%arg8 : memref<37x128xi32, #tpu.memory_space<vmem>>) target_semaphore(%run_scoped3A_92 : memref<!tpu.dma_semaphore, #tpu.memory_space<semaphore_mem>>)
      %dma_wait3A_101 = arith.constant 0 : i32
      %dma_wait3A_102 = arith.constant 0 : i32
      %dma_wait3A_103 = tpu.memref_slice %arg3[%arg0, %arg1, %run_scoped3A_44, %dma_wait3A_101, %dma_wait3A_102] : memref<2x16x4x37x128xi32, #tpu.memory_space<hbm>> -> memref<1x1x1x37x128xi32, #tpu.memory_space<hbm>>
      %dma_wait3A_104 = tpu.memref_squeeze %dma_wait3A_103 : memref<1x1x1x37x128xi32, #tpu.memory_space<hbm>> -> memref<37x128xi32, #tpu.memory_space<hbm>>
      %dma_wait3A_105 = arith.constant 0 : i32
      %dma_wait3A_106 = arith.constant 0 : i32
      %dma_wait3A_107 = tpu.memref_slice %arg3[%arg0, %arg1, %run_scoped3A_44, %dma_wait3A_105, %dma_wait3A_106] : memref<2x16x4x37x128xi32, #tpu.memory_space<hbm>> -> memref<1x1x1x37x128xi32, #tpu.memory_space<hbm>>
      %dma_wait3A_108 = tpu.memref_squeeze %dma_wait3A_107 : memref<1x1x1x37x128xi32, #tpu.memory_space<hbm>> -> memref<37x128xi32, #tpu.memory_space<hbm>>
      tpu.wait_dma2 semaphore(%run_scoped3A_92 : memref<!tpu.dma_semaphore, #tpu.memory_space<semaphore_mem>>) src(%dma_wait3A_108 : memref<37x128xi32, #tpu.memory_space<hbm>>) dst(%arg8 : memref<37x128xi32, #tpu.memory_space<vmem>>)
      tpu.yield
    }) : () -> ()
    %dma_start3A_45 = arith.constant 0 : i32
    %dma_start3A_46 = arith.constant 0 : i32
    %dma_start3A_47 = tpu.memref_slice %arg7[%dma_start3A_45, %dma_start3A_46] : memref<37x128xi32, #tpu.memory_space<vmem>> -> memref<1x128xi32, #tpu.memory_space<vmem>>
    %dma_start3A_48 = tpu.memref_squeeze %dma_start3A_47 : memref<1x128xi32, #tpu.memory_space<vmem>> -> memref<128xi32, #tpu.memory_space<vmem>>
    %dma_start3A_49 = arith.constant 0 : i32
    %dma_start3A_50 = arith.constant 0 : i32
    %dma_start3A_51 = tpu.memref_slice %arg4[%dma_start3A_49, %dma_start3A_50] : memref<20000x128xf32, #tpu.memory_space<hbm>> -> memref<20000x128xf32, #tpu.memory_space<hbm>>
    tpu.enqueue_indirect_dma source(%dma_start3A_51 : memref<20000x128xf32, #tpu.memory_space<hbm>>) target(%arg9 : memref<128x128xf32, #tpu.memory_space<vmem>>) offsets(%dma_start3A_48 : memref<128xi32, #tpu.memory_space<vmem>>) semaphore(%arg12 : memref<!tpu.dma_semaphore, #tpu.memory_space<semaphore_mem>>)
    %scan3A_52 = arith.constant 0 : i32
    %scan3A_53 = arith.constant 0 : i32
    %scan3A_54 = arith.constant 18 : i32
    %scan3A_55 = arith.addi %scan3A_53, %scan3A_54 : i32
    %scan3A_56 = arith.constant 1 : i32
    scf.for %scan3A_92 = %scan3A_53 to %scan3A_55 step %scan3A_56  : i32 {
      %mul3A_93 = arith.constant 2 : i32
      %mul3A_94 = arith.muli %scan3A_92, %mul3A_93 : i32
      %add3A_95 = arith.constant 0 : i32
      %add3A_96 = arith.addi %mul3A_94, %add3A_95 : i32
      %add3A_97 = arith.constant 2 : i32
      %add3A_98 = arith.addi %add3A_96, %add3A_97 : i32
      %sub3A = arith.constant 1 : i32
      %sub3A_99 = arith.subi %add3A_98, %sub3A : i32
      %dma_start3A_100 = arith.constant 0 : i32
      %dma_start3A_101 = tpu.memref_slice %arg7[%sub3A_99, %dma_start3A_100] : memref<37x128xi32, #tpu.memory_space<vmem>> -> memref<1x128xi32, #tpu.memory_space<vmem>>
      %dma_start3A_102 = tpu.memref_squeeze %dma_start3A_101 : memref<1x128xi32, #tpu.memory_space<vmem>> -> memref<128xi32, #tpu.memory_space<vmem>>
      %dma_start3A_103 = arith.constant 0 : i32
      %dma_start3A_104 = arith.constant 0 : i32
      %dma_start3A_105 = tpu.memref_slice %arg4[%dma_start3A_103, %dma_start3A_104] : memref<20000x128xf32, #tpu.memory_space<hbm>> -> memref<20000x128xf32, #tpu.memory_space<hbm>>
      tpu.enqueue_indirect_dma source(%dma_start3A_105 : memref<20000x128xf32, #tpu.memory_space<hbm>>) target(%arg10 : memref<128x128xf32, #tpu.memory_space<vmem>>) offsets(%dma_start3A_102 : memref<128xi32, #tpu.memory_space<vmem>>) semaphore(%arg13 : memref<!tpu.dma_semaphore, #tpu.memory_space<semaphore_mem>>)
      %dma_wait3A_106 = arith.constant 0 : i32
      %dma_wait3A_107 = tpu.memref_slice %arg7[%add3A_96, %dma_wait3A_106] : memref<37x128xi32, #tpu.memory_space<vmem>> -> memref<1x128xi32, #tpu.memory_space<vmem>>
      %dma_wait3A_108 = tpu.memref_squeeze %dma_wait3A_107 : memref<1x128xi32, #tpu.memory_space<vmem>> -> memref<128xi32, #tpu.memory_space<vmem>>
      %dma_wait3A_109 = arith.constant 0 : i32
      %dma_wait3A_110 = arith.constant 0 : i32
      %dma_wait3A_111 = tpu.memref_slice %arg4[%dma_wait3A_109, %dma_wait3A_110] : memref<20000x128xf32, #tpu.memory_space<hbm>> -> memref<20000x128xf32, #tpu.memory_space<hbm>>
      tpu.wait_indirect_dma semaphore(%arg12 : memref<!tpu.dma_semaphore, #tpu.memory_space<semaphore_mem>>) src(%dma_wait3A_111 : memref<20000x128xf32, #tpu.memory_space<hbm>>) dst(%arg9 : memref<128x128xf32, #tpu.memory_space<vmem>>)
      "tpu.region"() ({
        %run_scoped3A_132 = tpu.sem_alloc : memref<!tpu.dma_semaphore, #tpu.memory_space<semaphore_mem>>
        %dma_start3A_133 = arith.constant 0 : i32
        %dma_start3A_134 = tpu.memref_slice %arg8[%add3A_96, %dma_start3A_133] : memref<37x128xi32, #tpu.memory_space<vmem>> -> memref<1x128xi32, #tpu.memory_space<vmem>>
        %dma_start3A_135 = tpu.memref_squeeze %dma_start3A_134 : memref<1x128xi32, #tpu.memory_space<vmem>> -> memref<128xi32, #tpu.memory_space<vmem>>
        %dma_start3A_136 = arith.constant 0 : i32
        %dma_start3A_137 = arith.constant 0 : i32
        %dma_start3A_138 = tpu.memref_slice %arg11[%dma_start3A_136, %dma_start3A_137] : memref<10112x128xf32, #tpu.memory_space<vmem_shared>> -> memref<10112x128xf32, #tpu.memory_space<vmem_shared>>
        tpu.enqueue_indirect_dma source(%arg9 : memref<128x128xf32, #tpu.memory_space<vmem>>) target(%dma_start3A_138 : memref<10112x128xf32, #tpu.memory_space<vmem_shared>>) offsets(%dma_start3A_135 : memref<128xi32, #tpu.memory_space<vmem>>) semaphore(%run_scoped3A_132 : memref<!tpu.dma_semaphore, #tpu.memory_space<semaphore_mem>>) {add = true}
        %dma_wait3A_139 = arith.constant 0 : i32
        %dma_wait3A_140 = tpu.memref_slice %arg8[%add3A_96, %dma_wait3A_139] : memref<37x128xi32, #tpu.memory_space<vmem>> -> memref<1x128xi32, #tpu.memory_space<vmem>>
        %dma_wait3A_141 = tpu.memref_squeeze %dma_wait3A_140 : memref<1x128xi32, #tpu.memory_space<vmem>> -> memref<128xi32, #tpu.memory_space<vmem>>
        %dma_wait3A_142 = arith.constant 0 : i32
        %dma_wait3A_143 = arith.constant 0 : i32
        %dma_wait3A_144 = tpu.memref_slice %arg11[%dma_wait3A_142, %dma_wait3A_143] : memref<10112x128xf32, #tpu.memory_space<vmem_shared>> -> memref<10112x128xf32, #tpu.memory_space<vmem_shared>>
        tpu.wait_indirect_dma semaphore(%run_scoped3A_132 : memref<!tpu.dma_semaphore, #tpu.memory_space<semaphore_mem>>) src(%arg9 : memref<128x128xf32, #tpu.memory_space<vmem>>) dst(%dma_wait3A_144 : memref<10112x128xf32, #tpu.memory_space<vmem_shared>>)
        tpu.yield
      }) : () -> ()
      %mul3A_112 = arith.constant 2 : i32
      %mul3A_113 = arith.muli %scan3A_92, %mul3A_112 : i32
      %add3A_114 = arith.constant 1 : i32
      %add3A_115 = arith.addi %mul3A_113, %add3A_114 : i32
      %add3A_116 = arith.constant 2 : i32
      %add3A_117 = arith.addi %add3A_115, %add3A_116 : i32
      %sub3A_118 = arith.constant 1 : i32
      %sub3A_119 = arith.subi %add3A_117, %sub3A_118 : i32
      %dma_start3A_120 = arith.constant 0 : i32
      %dma_start3A_121 = tpu.memref_slice %arg7[%sub3A_119, %dma_start3A_120] : memref<37x128xi32, #tpu.memory_space<vmem>> -> memref<1x128xi32, #tpu.memory_space<vmem>>
      %dma_start3A_122 = tpu.memref_squeeze %dma_start3A_121 : memref<1x128xi32, #tpu.memory_space<vmem>> -> memref<128xi32, #tpu.memory_space<vmem>>
      %dma_start3A_123 = arith.constant 0 : i32
      %dma_start3A_124 = arith.constant 0 : i32
      %dma_start3A_125 = tpu.memref_slice %arg4[%dma_start3A_123, %dma_start3A_124] : memref<20000x128xf32, #tpu.memory_space<hbm>> -> memref<20000x128xf32, #tpu.memory_space<hbm>>
      tpu.enqueue_indirect_dma source(%dma_start3A_125 : memref<20000x128xf32, #tpu.memory_space<hbm>>) target(%arg9 : memref<128x128xf32, #tpu.memory_space<vmem>>) offsets(%dma_start3A_122 : memref<128xi32, #tpu.memory_space<vmem>>) semaphore(%arg12 : memref<!tpu.dma_semaphore, #tpu.memory_space<semaphore_mem>>)
      %dma_wait3A_126 = arith.constant 0 : i32
      %dma_wait3A_127 = tpu.memref_slice %arg7[%add3A_115, %dma_wait3A_126] : memref<37x128xi32, #tpu.memory_space<vmem>> -> memref<1x128xi32, #tpu.memory_space<vmem>>
      %dma_wait3A_128 = tpu.memref_squeeze %dma_wait3A_127 : memref<1x128xi32, #tpu.memory_space<vmem>> -> memref<128xi32, #tpu.memory_space<vmem>>
      %dma_wait3A_129 = arith.constant 0 : i32
      %dma_wait3A_130 = arith.constant 0 : i32
      %dma_wait3A_131 = tpu.memref_slice %arg4[%dma_wait3A_129, %dma_wait3A_130] : memref<20000x128xf32, #tpu.memory_space<hbm>> -> memref<20000x128xf32, #tpu.memory_space<hbm>>
      tpu.wait_indirect_dma semaphore(%arg13 : memref<!tpu.dma_semaphore, #tpu.memory_space<semaphore_mem>>) src(%dma_wait3A_131 : memref<20000x128xf32, #tpu.memory_space<hbm>>) dst(%arg10 : memref<128x128xf32, #tpu.memory_space<vmem>>)
      "tpu.region"() ({
        %run_scoped3A_132 = tpu.sem_alloc : memref<!tpu.dma_semaphore, #tpu.memory_space<semaphore_mem>>
        %dma_start3A_133 = arith.constant 0 : i32
        %dma_start3A_134 = tpu.memref_slice %arg8[%add3A_115, %dma_start3A_133] : memref<37x128xi32, #tpu.memory_space<vmem>> -> memref<1x128xi32, #tpu.memory_space<vmem>>
        %dma_start3A_135 = tpu.memref_squeeze %dma_start3A_134 : memref<1x128xi32, #tpu.memory_space<vmem>> -> memref<128xi32, #tpu.memory_space<vmem>>
        %dma_start3A_136 = arith.constant 0 : i32
        %dma_start3A_137 = arith.constant 0 : i32
        %dma_start3A_138 = tpu.memref_slice %arg11[%dma_start3A_136, %dma_start3A_137] : memref<10112x128xf32, #tpu.memory_space<vmem_shared>> -> memref<10112x128xf32, #tpu.memory_space<vmem_shared>>
        tpu.enqueue_indirect_dma source(%arg10 : memref<128x128xf32, #tpu.memory_space<vmem>>) target(%dma_start3A_138 : memref<10112x128xf32, #tpu.memory_space<vmem_shared>>) offsets(%dma_start3A_135 : memref<128xi32, #tpu.memory_space<vmem>>) semaphore(%run_scoped3A_132 : memref<!tpu.dma_semaphore, #tpu.memory_space<semaphore_mem>>) {add = true}
        %dma_wait3A_139 = arith.constant 0 : i32
        %dma_wait3A_140 = tpu.memref_slice %arg8[%add3A_115, %dma_wait3A_139] : memref<37x128xi32, #tpu.memory_space<vmem>> -> memref<1x128xi32, #tpu.memory_space<vmem>>
        %dma_wait3A_141 = tpu.memref_squeeze %dma_wait3A_140 : memref<1x128xi32, #tpu.memory_space<vmem>> -> memref<128xi32, #tpu.memory_space<vmem>>
        %dma_wait3A_142 = arith.constant 0 : i32
        %dma_wait3A_143 = arith.constant 0 : i32
        %dma_wait3A_144 = tpu.memref_slice %arg11[%dma_wait3A_142, %dma_wait3A_143] : memref<10112x128xf32, #tpu.memory_space<vmem_shared>> -> memref<10112x128xf32, #tpu.memory_space<vmem_shared>>
        tpu.wait_indirect_dma semaphore(%run_scoped3A_132 : memref<!tpu.dma_semaphore, #tpu.memory_space<semaphore_mem>>) src(%arg10 : memref<128x128xf32, #tpu.memory_space<vmem>>) dst(%dma_wait3A_144 : memref<10112x128xf32, #tpu.memory_space<vmem_shared>>)
        tpu.yield
      }) : () -> ()
    }
    %scan3A_57 = arith.constant 18 : i32
    %dma_wait3A_58 = arith.constant 36 : i32
    %dma_wait3A_59 = arith.constant 0 : i32
    %dma_wait3A_60 = tpu.memref_slice %arg7[%dma_wait3A_58, %dma_wait3A_59] : memref<37x128xi32, #tpu.memory_space<vmem>> -> memref<1x128xi32, #tpu.memory_space<vmem>>
    %dma_wait3A_61 = tpu.memref_squeeze %dma_wait3A_60 : memref<1x128xi32, #tpu.memory_space<vmem>> -> memref<128xi32, #tpu.memory_space<vmem>>
    %dma_wait3A_62 = arith.constant 0 : i32
    %dma_wait3A_63 = arith.constant 0 : i32
    %dma_wait3A_64 = tpu.memref_slice %arg4[%dma_wait3A_62, %dma_wait3A_63] : memref<20000x128xf32, #tpu.memory_space<hbm>> -> memref<20000x128xf32, #tpu.memory_space<hbm>>
    tpu.wait_indirect_dma semaphore(%arg12 : memref<!tpu.dma_semaphore, #tpu.memory_space<semaphore_mem>>) src(%dma_wait3A_64 : memref<20000x128xf32, #tpu.memory_space<hbm>>) dst(%arg9 : memref<128x128xf32, #tpu.memory_space<vmem>>)
    %run_scoped3A_65 = arith.constant 36 : i32
    "tpu.region"() ({
      %run_scoped3A_92 = tpu.sem_alloc : memref<!tpu.dma_semaphore, #tpu.memory_space<semaphore_mem>>
      %dma_start3A_93 = arith.constant 0 : i32
      %dma_start3A_94 = tpu.memref_slice %arg8[%run_scoped3A_65, %dma_start3A_93] : memref<37x128xi32, #tpu.memory_space<vmem>> -> memref<1x128xi32, #tpu.memory_space<vmem>>
      %dma_start3A_95 = tpu.memref_squeeze %dma_start3A_94 : memref<1x128xi32, #tpu.memory_space<vmem>> -> memref<128xi32, #tpu.memory_space<vmem>>
      %dma_start3A_96 = arith.constant 0 : i32
      %dma_start3A_97 = arith.constant 0 : i32
      %dma_start3A_98 = tpu.memref_slice %arg11[%dma_start3A_96, %dma_start3A_97] : memref<10112x128xf32, #tpu.memory_space<vmem_shared>> -> memref<10112x128xf32, #tpu.memory_space<vmem_shared>>
      tpu.enqueue_indirect_dma source(%arg9 : memref<128x128xf32, #tpu.memory_space<vmem>>) target(%dma_start3A_98 : memref<10112x128xf32, #tpu.memory_space<vmem_shared>>) offsets(%dma_start3A_95 : memref<128xi32, #tpu.memory_space<vmem>>) semaphore(%run_scoped3A_92 : memref<!tpu.dma_semaphore, #tpu.memory_space<semaphore_mem>>) {add = true}
      %dma_wait3A_99 = arith.constant 0 : i32
      %dma_wait3A_100 = tpu.memref_slice %arg8[%run_scoped3A_65, %dma_wait3A_99] : memref<37x128xi32, #tpu.memory_space<vmem>> -> memref<1x128xi32, #tpu.memory_space<vmem>>
      %dma_wait3A_101 = tpu.memref_squeeze %dma_wait3A_100 : memref<1x128xi32, #tpu.memory_space<vmem>> -> memref<128xi32, #tpu.memory_space<vmem>>
      %dma_wait3A_102 = arith.constant 0 : i32
      %dma_wait3A_103 = arith.constant 0 : i32
      %dma_wait3A_104 = tpu.memref_slice %arg11[%dma_wait3A_102, %dma_wait3A_103] : memref<10112x128xf32, #tpu.memory_space<vmem_shared>> -> memref<10112x128xf32, #tpu.memory_space<vmem_shared>>
      tpu.wait_indirect_dma semaphore(%run_scoped3A_92 : memref<!tpu.dma_semaphore, #tpu.memory_space<semaphore_mem>>) src(%arg9 : memref<128x128xf32, #tpu.memory_space<vmem>>) dst(%dma_wait3A_104 : memref<10112x128xf32, #tpu.memory_space<vmem_shared>>)
      tpu.yield
    }) : () -> ()
    %run_scoped3A_66 = arith.constant 3 : i32
    "tpu.region"() ({
      %run_scoped3A_92 = tpu.sem_alloc : memref<!tpu.dma_semaphore, #tpu.memory_space<semaphore_mem>>
      %dma_start3A_93 = arith.constant 0 : i32
      %dma_start3A_94 = arith.constant 0 : i32
      %dma_start3A_95 = tpu.memref_slice %arg2[%arg0, %arg1, %run_scoped3A_66, %dma_start3A_93, %dma_start3A_94] : memref<2x16x4x37x128xi32, #tpu.memory_space<hbm>> -> memref<1x1x1x37x128xi32, #tpu.memory_space<hbm>>
      %dma_start3A_96 = tpu.memref_squeeze %dma_start3A_95 : memref<1x1x1x37x128xi32, #tpu.memory_space<hbm>> -> memref<37x128xi32, #tpu.memory_space<hbm>>
      %dma_start3A_97 = arith.constant 0 : i32
      %dma_start3A_98 = arith.constant 0 : i32
      %dma_start3A_99 = tpu.memref_slice %arg2[%arg0, %arg1, %run_scoped3A_66, %dma_start3A_97, %dma_start3A_98] : memref<2x16x4x37x128xi32, #tpu.memory_space<hbm>> -> memref<1x1x1x37x128xi32, #tpu.memory_space<hbm>>
      %dma_start3A_100 = tpu.memref_squeeze %dma_start3A_99 : memref<1x1x1x37x128xi32, #tpu.memory_space<hbm>> -> memref<37x128xi32, #tpu.memory_space<hbm>>
      tpu.enqueue_dma source(%dma_start3A_100 : memref<37x128xi32, #tpu.memory_space<hbm>>) target(%arg7 : memref<37x128xi32, #tpu.memory_space<vmem>>) target_semaphore(%run_scoped3A_92 : memref<!tpu.dma_semaphore, #tpu.memory_space<semaphore_mem>>)
      %dma_wait3A_101 = arith.constant 0 : i32
      %dma_wait3A_102 = arith.constant 0 : i32
      %dma_wait3A_103 = tpu.memref_slice %arg2[%arg0, %arg1, %run_scoped3A_66, %dma_wait3A_101, %dma_wait3A_102] : memref<2x16x4x37x128xi32, #tpu.memory_space<hbm>> -> memref<1x1x1x37x128xi32, #tpu.memory_space<hbm>>
      %dma_wait3A_104 = tpu.memref_squeeze %dma_wait3A_103 : memref<1x1x1x37x128xi32, #tpu.memory_space<hbm>> -> memref<37x128xi32, #tpu.memory_space<hbm>>
      %dma_wait3A_105 = arith.constant 0 : i32
      %dma_wait3A_106 = arith.constant 0 : i32
      %dma_wait3A_107 = tpu.memref_slice %arg2[%arg0, %arg1, %run_scoped3A_66, %dma_wait3A_105, %dma_wait3A_106] : memref<2x16x4x37x128xi32, #tpu.memory_space<hbm>> -> memref<1x1x1x37x128xi32, #tpu.memory_space<hbm>>
      %dma_wait3A_108 = tpu.memref_squeeze %dma_wait3A_107 : memref<1x1x1x37x128xi32, #tpu.memory_space<hbm>> -> memref<37x128xi32, #tpu.memory_space<hbm>>
      tpu.wait_dma2 semaphore(%run_scoped3A_92 : memref<!tpu.dma_semaphore, #tpu.memory_space<semaphore_mem>>) src(%dma_wait3A_108 : memref<37x128xi32, #tpu.memory_space<hbm>>) dst(%arg7 : memref<37x128xi32, #tpu.memory_space<vmem>>)
      tpu.yield
    }) : () -> ()
    %run_scoped3A_67 = arith.constant 3 : i32
    "tpu.region"() ({
      %run_scoped3A_92 = tpu.sem_alloc : memref<!tpu.dma_semaphore, #tpu.memory_space<semaphore_mem>>
      %dma_start3A_93 = arith.constant 0 : i32
      %dma_start3A_94 = arith.constant 0 : i32
      %dma_start3A_95 = tpu.memref_slice %arg3[%arg0, %arg1, %run_scoped3A_67, %dma_start3A_93, %dma_start3A_94] : memref<2x16x4x37x128xi32, #tpu.memory_space<hbm>> -> memref<1x1x1x37x128xi32, #tpu.memory_space<hbm>>
      %dma_start3A_96 = tpu.memref_squeeze %dma_start3A_95 : memref<1x1x1x37x128xi32, #tpu.memory_space<hbm>> -> memref<37x128xi32, #tpu.memory_space<hbm>>
      %dma_start3A_97 = arith.constant 0 : i32
      %dma_start3A_98 = arith.constant 0 : i32
      %dma_start3A_99 = tpu.memref_slice %arg3[%arg0, %arg1, %run_scoped3A_67, %dma_start3A_97, %dma_start3A_98] : memref<2x16x4x37x128xi32, #tpu.memory_space<hbm>> -> memref<1x1x1x37x128xi32, #tpu.memory_space<hbm>>
      %dma_start3A_100 = tpu.memref_squeeze %dma_start3A_99 : memref<1x1x1x37x128xi32, #tpu.memory_space<hbm>> -> memref<37x128xi32, #tpu.memory_space<hbm>>
      tpu.enqueue_dma source(%dma_start3A_100 : memref<37x128xi32, #tpu.memory_space<hbm>>) target(%arg8 : memref<37x128xi32, #tpu.memory_space<vmem>>) target_semaphore(%run_scoped3A_92 : memref<!tpu.dma_semaphore, #tpu.memory_space<semaphore_mem>>)
      %dma_wait3A_101 = arith.constant 0 : i32
      %dma_wait3A_102 = arith.constant 0 : i32
      %dma_wait3A_103 = tpu.memref_slice %arg3[%arg0, %arg1, %run_scoped3A_67, %dma_wait3A_101, %dma_wait3A_102] : memref<2x16x4x37x128xi32, #tpu.memory_space<hbm>> -> memref<1x1x1x37x128xi32, #tpu.memory_space<hbm>>
      %dma_wait3A_104 = tpu.memref_squeeze %dma_wait3A_103 : memref<1x1x1x37x128xi32, #tpu.memory_space<hbm>> -> memref<37x128xi32, #tpu.memory_space<hbm>>
      %dma_wait3A_105 = arith.constant 0 : i32
      %dma_wait3A_106 = arith.constant 0 : i32
      %dma_wait3A_107 = tpu.memref_slice %arg3[%arg0, %arg1, %run_scoped3A_67, %dma_wait3A_105, %dma_wait3A_106] : memref<2x16x4x37x128xi32, #tpu.memory_space<hbm>> -> memref<1x1x1x37x128xi32, #tpu.memory_space<hbm>>
      %dma_wait3A_108 = tpu.memref_squeeze %dma_wait3A_107 : memref<1x1x1x37x128xi32, #tpu.memory_space<hbm>> -> memref<37x128xi32, #tpu.memory_space<hbm>>
      tpu.wait_dma2 semaphore(%run_scoped3A_92 : memref<!tpu.dma_semaphore, #tpu.memory_space<semaphore_mem>>) src(%dma_wait3A_108 : memref<37x128xi32, #tpu.memory_space<hbm>>) dst(%arg8 : memref<37x128xi32, #tpu.memory_space<vmem>>)
      tpu.yield
    }) : () -> ()
    %dma_start3A_68 = arith.constant 0 : i32
    %dma_start3A_69 = arith.constant 0 : i32
    %dma_start3A_70 = tpu.memref_slice %arg7[%dma_start3A_68, %dma_start3A_69] : memref<37x128xi32, #tpu.memory_space<vmem>> -> memref<1x128xi32, #tpu.memory_space<vmem>>
    %dma_start3A_71 = tpu.memref_squeeze %dma_start3A_70 : memref<1x128xi32, #tpu.memory_space<vmem>> -> memref<128xi32, #tpu.memory_space<vmem>>
    %dma_start3A_72 = arith.constant 0 : i32
    %dma_start3A_73 = arith.constant 0 : i32
    %dma_start3A_74 = tpu.memref_slice %arg4[%dma_start3A_72, %dma_start3A_73] : memref<20000x128xf32, #tpu.memory_space<hbm>> -> memref<20000x128xf32, #tpu.memory_space<hbm>>
    tpu.enqueue_indirect_dma source(%dma_start3A_74 : memref<20000x128xf32, #tpu.memory_space<hbm>>) target(%arg9 : memref<128x128xf32, #tpu.memory_space<vmem>>) offsets(%dma_start3A_71 : memref<128xi32, #tpu.memory_space<vmem>>) semaphore(%arg12 : memref<!tpu.dma_semaphore, #tpu.memory_space<semaphore_mem>>)
    %scan3A_75 = arith.constant 0 : i32
    %scan3A_76 = arith.constant 0 : i32
    %scan3A_77 = arith.constant 18 : i32
    %scan3A_78 = arith.addi %scan3A_76, %scan3A_77 : i32
    %scan3A_79 = arith.constant 1 : i32
    scf.for %scan3A_92 = %scan3A_76 to %scan3A_78 step %scan3A_79  : i32 {
      %mul3A_93 = arith.constant 2 : i32
      %mul3A_94 = arith.muli %scan3A_92, %mul3A_93 : i32
      %add3A_95 = arith.constant 0 : i32
      %add3A_96 = arith.addi %mul3A_94, %add3A_95 : i32
      %add3A_97 = arith.constant 2 : i32
      %add3A_98 = arith.addi %add3A_96, %add3A_97 : i32
      %sub3A = arith.constant 1 : i32
      %sub3A_99 = arith.subi %add3A_98, %sub3A : i32
      %dma_start3A_100 = arith.constant 0 : i32
      %dma_start3A_101 = tpu.memref_slice %arg7[%sub3A_99, %dma_start3A_100] : memref<37x128xi32, #tpu.memory_space<vmem>> -> memref<1x128xi32, #tpu.memory_space<vmem>>
      %dma_start3A_102 = tpu.memref_squeeze %dma_start3A_101 : memref<1x128xi32, #tpu.memory_space<vmem>> -> memref<128xi32, #tpu.memory_space<vmem>>
      %dma_start3A_103 = arith.constant 0 : i32
      %dma_start3A_104 = arith.constant 0 : i32
      %dma_start3A_105 = tpu.memref_slice %arg4[%dma_start3A_103, %dma_start3A_104] : memref<20000x128xf32, #tpu.memory_space<hbm>> -> memref<20000x128xf32, #tpu.memory_space<hbm>>
      tpu.enqueue_indirect_dma source(%dma_start3A_105 : memref<20000x128xf32, #tpu.memory_space<hbm>>) target(%arg10 : memref<128x128xf32, #tpu.memory_space<vmem>>) offsets(%dma_start3A_102 : memref<128xi32, #tpu.memory_space<vmem>>) semaphore(%arg13 : memref<!tpu.dma_semaphore, #tpu.memory_space<semaphore_mem>>)
      %dma_wait3A_106 = arith.constant 0 : i32
      %dma_wait3A_107 = tpu.memref_slice %arg7[%add3A_96, %dma_wait3A_106] : memref<37x128xi32, #tpu.memory_space<vmem>> -> memref<1x128xi32, #tpu.memory_space<vmem>>
      %dma_wait3A_108 = tpu.memref_squeeze %dma_wait3A_107 : memref<1x128xi32, #tpu.memory_space<vmem>> -> memref<128xi32, #tpu.memory_space<vmem>>
      %dma_wait3A_109 = arith.constant 0 : i32
      %dma_wait3A_110 = arith.constant 0 : i32
      %dma_wait3A_111 = tpu.memref_slice %arg4[%dma_wait3A_109, %dma_wait3A_110] : memref<20000x128xf32, #tpu.memory_space<hbm>> -> memref<20000x128xf32, #tpu.memory_space<hbm>>
      tpu.wait_indirect_dma semaphore(%arg12 : memref<!tpu.dma_semaphore, #tpu.memory_space<semaphore_mem>>) src(%dma_wait3A_111 : memref<20000x128xf32, #tpu.memory_space<hbm>>) dst(%arg9 : memref<128x128xf32, #tpu.memory_space<vmem>>)
      "tpu.region"() ({
        %run_scoped3A_132 = tpu.sem_alloc : memref<!tpu.dma_semaphore, #tpu.memory_space<semaphore_mem>>
        %dma_start3A_133 = arith.constant 0 : i32
        %dma_start3A_134 = tpu.memref_slice %arg8[%add3A_96, %dma_start3A_133] : memref<37x128xi32, #tpu.memory_space<vmem>> -> memref<1x128xi32, #tpu.memory_space<vmem>>
        %dma_start3A_135 = tpu.memref_squeeze %dma_start3A_134 : memref<1x128xi32, #tpu.memory_space<vmem>> -> memref<128xi32, #tpu.memory_space<vmem>>
        %dma_start3A_136 = arith.constant 0 : i32
        %dma_start3A_137 = arith.constant 0 : i32
        %dma_start3A_138 = tpu.memref_slice %arg11[%dma_start3A_136, %dma_start3A_137] : memref<10112x128xf32, #tpu.memory_space<vmem_shared>> -> memref<10112x128xf32, #tpu.memory_space<vmem_shared>>
        tpu.enqueue_indirect_dma source(%arg9 : memref<128x128xf32, #tpu.memory_space<vmem>>) target(%dma_start3A_138 : memref<10112x128xf32, #tpu.memory_space<vmem_shared>>) offsets(%dma_start3A_135 : memref<128xi32, #tpu.memory_space<vmem>>) semaphore(%run_scoped3A_132 : memref<!tpu.dma_semaphore, #tpu.memory_space<semaphore_mem>>) {add = true}
        %dma_wait3A_139 = arith.constant 0 : i32
        %dma_wait3A_140 = tpu.memref_slice %arg8[%add3A_96, %dma_wait3A_139] : memref<37x128xi32, #tpu.memory_space<vmem>> -> memref<1x128xi32, #tpu.memory_space<vmem>>
        %dma_wait3A_141 = tpu.memref_squeeze %dma_wait3A_140 : memref<1x128xi32, #tpu.memory_space<vmem>> -> memref<128xi32, #tpu.memory_space<vmem>>
        %dma_wait3A_142 = arith.constant 0 : i32
        %dma_wait3A_143 = arith.constant 0 : i32
        %dma_wait3A_144 = tpu.memref_slice %arg11[%dma_wait3A_142, %dma_wait3A_143] : memref<10112x128xf32, #tpu.memory_space<vmem_shared>> -> memref<10112x128xf32, #tpu.memory_space<vmem_shared>>
        tpu.wait_indirect_dma semaphore(%run_scoped3A_132 : memref<!tpu.dma_semaphore, #tpu.memory_space<semaphore_mem>>) src(%arg9 : memref<128x128xf32, #tpu.memory_space<vmem>>) dst(%dma_wait3A_144 : memref<10112x128xf32, #tpu.memory_space<vmem_shared>>)
        tpu.yield
      }) : () -> ()
      %mul3A_112 = arith.constant 2 : i32
      %mul3A_113 = arith.muli %scan3A_92, %mul3A_112 : i32
      %add3A_114 = arith.constant 1 : i32
      %add3A_115 = arith.addi %mul3A_113, %add3A_114 : i32
      %add3A_116 = arith.constant 2 : i32
      %add3A_117 = arith.addi %add3A_115, %add3A_116 : i32
      %sub3A_118 = arith.constant 1 : i32
      %sub3A_119 = arith.subi %add3A_117, %sub3A_118 : i32
      %dma_start3A_120 = arith.constant 0 : i32
      %dma_start3A_121 = tpu.memref_slice %arg7[%sub3A_119, %dma_start3A_120] : memref<37x128xi32, #tpu.memory_space<vmem>> -> memref<1x128xi32, #tpu.memory_space<vmem>>
      %dma_start3A_122 = tpu.memref_squeeze %dma_start3A_121 : memref<1x128xi32, #tpu.memory_space<vmem>> -> memref<128xi32, #tpu.memory_space<vmem>>
      %dma_start3A_123 = arith.constant 0 : i32
      %dma_start3A_124 = arith.constant 0 : i32
      %dma_start3A_125 = tpu.memref_slice %arg4[%dma_start3A_123, %dma_start3A_124] : memref<20000x128xf32, #tpu.memory_space<hbm>> -> memref<20000x128xf32, #tpu.memory_space<hbm>>
      tpu.enqueue_indirect_dma source(%dma_start3A_125 : memref<20000x128xf32, #tpu.memory_space<hbm>>) target(%arg9 : memref<128x128xf32, #tpu.memory_space<vmem>>) offsets(%dma_start3A_122 : memref<128xi32, #tpu.memory_space<vmem>>) semaphore(%arg12 : memref<!tpu.dma_semaphore, #tpu.memory_space<semaphore_mem>>)
      %dma_wait3A_126 = arith.constant 0 : i32
      %dma_wait3A_127 = tpu.memref_slice %arg7[%add3A_115, %dma_wait3A_126] : memref<37x128xi32, #tpu.memory_space<vmem>> -> memref<1x128xi32, #tpu.memory_space<vmem>>
      %dma_wait3A_128 = tpu.memref_squeeze %dma_wait3A_127 : memref<1x128xi32, #tpu.memory_space<vmem>> -> memref<128xi32, #tpu.memory_space<vmem>>
      %dma_wait3A_129 = arith.constant 0 : i32
      %dma_wait3A_130 = arith.constant 0 : i32
      %dma_wait3A_131 = tpu.memref_slice %arg4[%dma_wait3A_129, %dma_wait3A_130] : memref<20000x128xf32, #tpu.memory_space<hbm>> -> memref<20000x128xf32, #tpu.memory_space<hbm>>
      tpu.wait_indirect_dma semaphore(%arg13 : memref<!tpu.dma_semaphore, #tpu.memory_space<semaphore_mem>>) src(%dma_wait3A_131 : memref<20000x128xf32, #tpu.memory_space<hbm>>) dst(%arg10 : memref<128x128xf32, #tpu.memory_space<vmem>>)
      "tpu.region"() ({
        %run_scoped3A_132 = tpu.sem_alloc : memref<!tpu.dma_semaphore, #tpu.memory_space<semaphore_mem>>
        %dma_start3A_133 = arith.constant 0 : i32
        %dma_start3A_134 = tpu.memref_slice %arg8[%add3A_115, %dma_start3A_133] : memref<37x128xi32, #tpu.memory_space<vmem>> -> memref<1x128xi32, #tpu.memory_space<vmem>>
        %dma_start3A_135 = tpu.memref_squeeze %dma_start3A_134 : memref<1x128xi32, #tpu.memory_space<vmem>> -> memref<128xi32, #tpu.memory_space<vmem>>
        %dma_start3A_136 = arith.constant 0 : i32
        %dma_start3A_137 = arith.constant 0 : i32
        %dma_start3A_138 = tpu.memref_slice %arg11[%dma_start3A_136, %dma_start3A_137] : memref<10112x128xf32, #tpu.memory_space<vmem_shared>> -> memref<10112x128xf32, #tpu.memory_space<vmem_shared>>
        tpu.enqueue_indirect_dma source(%arg10 : memref<128x128xf32, #tpu.memory_space<vmem>>) target(%dma_start3A_138 : memref<10112x128xf32, #tpu.memory_space<vmem_shared>>) offsets(%dma_start3A_135 : memref<128xi32, #tpu.memory_space<vmem>>) semaphore(%run_scoped3A_132 : memref<!tpu.dma_semaphore, #tpu.memory_space<semaphore_mem>>) {add = true}
        %dma_wait3A_139 = arith.constant 0 : i32
        %dma_wait3A_140 = tpu.memref_slice %arg8[%add3A_115, %dma_wait3A_139] : memref<37x128xi32, #tpu.memory_space<vmem>> -> memref<1x128xi32, #tpu.memory_space<vmem>>
        %dma_wait3A_141 = tpu.memref_squeeze %dma_wait3A_140 : memref<1x128xi32, #tpu.memory_space<vmem>> -> memref<128xi32, #tpu.memory_space<vmem>>
        %dma_wait3A_142 = arith.constant 0 : i32
        %dma_wait3A_143 = arith.constant 0 : i32
        %dma_wait3A_144 = tpu.memref_slice %arg11[%dma_wait3A_142, %dma_wait3A_143] : memref<10112x128xf32, #tpu.memory_space<vmem_shared>> -> memref<10112x128xf32, #tpu.memory_space<vmem_shared>>
        tpu.wait_indirect_dma semaphore(%run_scoped3A_132 : memref<!tpu.dma_semaphore, #tpu.memory_space<semaphore_mem>>) src(%arg10 : memref<128x128xf32, #tpu.memory_space<vmem>>) dst(%dma_wait3A_144 : memref<10112x128xf32, #tpu.memory_space<vmem_shared>>)
        tpu.yield
      }) : () -> ()
    }
    %scan3A_80 = arith.constant 18 : i32
    %dma_wait3A_81 = arith.constant 36 : i32
    %dma_wait3A_82 = arith.constant 0 : i32
    %dma_wait3A_83 = tpu.memref_slice %arg7[%dma_wait3A_81, %dma_wait3A_82] : memref<37x128xi32, #tpu.memory_space<vmem>> -> memref<1x128xi32, #tpu.memory_space<vmem>>
    %dma_wait3A_84 = tpu.memref_squeeze %dma_wait3A_83 : memref<1x128xi32, #tpu.memory_space<vmem>> -> memref<128xi32, #tpu.memory_space<vmem>>
    %dma_wait3A_85 = arith.constant 0 : i32
    %dma_wait3A_86 = arith.constant 0 : i32
    %dma_wait3A_87 = tpu.memref_slice %arg4[%dma_wait3A_85, %dma_wait3A_86] : memref<20000x128xf32, #tpu.memory_space<hbm>> -> memref<20000x128xf32, #tpu.memory_space<hbm>>
    tpu.wait_indirect_dma semaphore(%arg12 : memref<!tpu.dma_semaphore, #tpu.memory_space<semaphore_mem>>) src(%dma_wait3A_87 : memref<20000x128xf32, #tpu.memory_space<hbm>>) dst(%arg9 : memref<128x128xf32, #tpu.memory_space<vmem>>)
    %run_scoped3A_88 = arith.constant 36 : i32
    "tpu.region"() ({
      %run_scoped3A_92 = tpu.sem_alloc : memref<!tpu.dma_semaphore, #tpu.memory_space<semaphore_mem>>
      %dma_start3A_93 = arith.constant 0 : i32
      %dma_start3A_94 = tpu.memref_slice %arg8[%run_scoped3A_88, %dma_start3A_93] : memref<37x128xi32, #tpu.memory_space<vmem>> -> memref<1x128xi32, #tpu.memory_space<vmem>>
      %dma_start3A_95 = tpu.memref_squeeze %dma_start3A_94 : memref<1x128xi32, #tpu.memory_space<vmem>> -> memref<128xi32, #tpu.memory_space<vmem>>
      %dma_start3A_96 = arith.constant 0 : i32
      %dma_start3A_97 = arith.constant 0 : i32
      %dma_start3A_98 = tpu.memref_slice %arg11[%dma_start3A_96, %dma_start3A_97] : memref<10112x128xf32, #tpu.memory_space<vmem_shared>> -> memref<10112x128xf32, #tpu.memory_space<vmem_shared>>
      tpu.enqueue_indirect_dma source(%arg9 : memref<128x128xf32, #tpu.memory_space<vmem>>) target(%dma_start3A_98 : memref<10112x128xf32, #tpu.memory_space<vmem_shared>>) offsets(%dma_start3A_95 : memref<128xi32, #tpu.memory_space<vmem>>) semaphore(%run_scoped3A_92 : memref<!tpu.dma_semaphore, #tpu.memory_space<semaphore_mem>>) {add = true}
      %dma_wait3A_99 = arith.constant 0 : i32
      %dma_wait3A_100 = tpu.memref_slice %arg8[%run_scoped3A_88, %dma_wait3A_99] : memref<37x128xi32, #tpu.memory_space<vmem>> -> memref<1x128xi32, #tpu.memory_space<vmem>>
      %dma_wait3A_101 = tpu.memref_squeeze %dma_wait3A_100 : memref<1x128xi32, #tpu.memory_space<vmem>> -> memref<128xi32, #tpu.memory_space<vmem>>
      %dma_wait3A_102 = arith.constant 0 : i32
      %dma_wait3A_103 = arith.constant 0 : i32
      %dma_wait3A_104 = tpu.memref_slice %arg11[%dma_wait3A_102, %dma_wait3A_103] : memref<10112x128xf32, #tpu.memory_space<vmem_shared>> -> memref<10112x128xf32, #tpu.memory_space<vmem_shared>>
      tpu.wait_indirect_dma semaphore(%run_scoped3A_92 : memref<!tpu.dma_semaphore, #tpu.memory_space<semaphore_mem>>) src(%arg9 : memref<128x128xf32, #tpu.memory_space<vmem>>) dst(%dma_wait3A_104 : memref<10112x128xf32, #tpu.memory_space<vmem_shared>>)
      tpu.yield
    }) : () -> ()
    %barrier3A_89 = arith.constant 0 : index
    tpu.barrier barrier_id(%barrier3A_89)
    %mul3A_90 = arith.constant 10112 : i32
    %mul3A_91 = arith.muli %arg0, %mul3A_90 : i32
    %add3A = arith.addi %mul3A_91, %mul3A_0 : i32
    "tpu.region"() ({
      %run_scoped3A_92 = tpu.sem_alloc : memref<!tpu.dma_semaphore, #tpu.memory_space<semaphore_mem>>
      %dma_start3A_93 = arith.constant 0 : i32
      %dma_start3A_94 = tpu.memref_slice %arg6[%add3A, %dma_start3A_93] : memref<20224x128xf32, #tpu.memory_space<hbm>> -> memref<632x128xf32, #tpu.memory_space<hbm>>
      %dma_start3A_95 = arith.constant 0 : i32
      %dma_start3A_96 = tpu.memref_slice %arg11[%mul3A_0, %dma_start3A_95] : memref<10112x128xf32, #tpu.memory_space<vmem_shared>> -> memref<632x128xf32, #tpu.memory_space<vmem_shared>>
      tpu.enqueue_dma source(%dma_start3A_96 : memref<632x128xf32, #tpu.memory_space<vmem_shared>>) target(%dma_start3A_94 : memref<632x128xf32, #tpu.memory_space<hbm>>) target_semaphore(%run_scoped3A_92 : memref<!tpu.dma_semaphore, #tpu.memory_space<semaphore_mem>>)
      %dma_wait3A_97 = arith.constant 0 : i32
      %dma_wait3A_98 = tpu.memref_slice %arg6[%add3A, %dma_wait3A_97] : memref<20224x128xf32, #tpu.memory_space<hbm>> -> memref<632x128xf32, #tpu.memory_space<hbm>>
      %dma_wait3A_99 = arith.constant 0 : i32
      %dma_wait3A_100 = tpu.memref_slice %arg11[%mul3A_0, %dma_wait3A_99] : memref<10112x128xf32, #tpu.memory_space<vmem_shared>> -> memref<632x128xf32, #tpu.memory_space<vmem_shared>>
      tpu.wait_dma2 semaphore(%run_scoped3A_92 : memref<!tpu.dma_semaphore, #tpu.memory_space<semaphore_mem>>) src(%dma_wait3A_100 : memref<632x128xf32, #tpu.memory_space<vmem_shared>>) dst(%dma_wait3A_98 : memref<632x128xf32, #tpu.memory_space<hbm>>)
      tpu.yield
    }) : () -> ()
    return
  }
}

module attributes {stable_mosaic.version = 14 : i64} {
  func.func @_enc_body(%arg0: i32, %arg1: memref<1000x128xf32, #tpu.memory_space<vmem>>, %arg2: memref<1000x128xf32, #tpu.memory_space<vmem>>, %arg3: memref<2x128x128xf32, #tpu.memory_space<vmem>>, %arg4: memref<2x128xf32, #tpu.memory_space<vmem>>, %arg5: memref<2x128x128xf32, #tpu.memory_space<vmem>>, %arg6: memref<2x128xf32, #tpu.memory_space<vmem>>, %arg7: memref<2x128xf32, #tpu.memory_space<vmem>>, %arg8: memref<2x128xf32, #tpu.memory_space<vmem>>, %arg9: memref<2x1000x128xf32, #tpu.memory_space<vmem>>) attributes {dimension_semantics = [#tpu.dimension_semantics<arbitrary>], iteration_bounds = array<i64: 10>, scalar_prefetch = 0 : i64, scratch_operands = 0 : i64, tpu.core_type = #tpu.core_type<tc>, window_params = [{transform_indices = @transform_0, window_bounds = array<i64: 1000, 128>}, {transform_indices = @transform_1, window_bounds = array<i64: 1000, 128>}, {pipeline_mode = #tpu.pipeline_mode<synchronous>, transform_indices = @transform_2, window_bounds = array<i64: 2, 128, 128>}, {pipeline_mode = #tpu.pipeline_mode<synchronous>, transform_indices = @transform_3, window_bounds = array<i64: 2, 128>}, {pipeline_mode = #tpu.pipeline_mode<synchronous>, transform_indices = @transform_4, window_bounds = array<i64: 2, 128, 128>}, {pipeline_mode = #tpu.pipeline_mode<synchronous>, transform_indices = @transform_5, window_bounds = array<i64: 2, 128>}, {pipeline_mode = #tpu.pipeline_mode<synchronous>, transform_indices = @transform_6, window_bounds = array<i64: 2, 128>}, {pipeline_mode = #tpu.pipeline_mode<synchronous>, transform_indices = @transform_7, window_bounds = array<i64: 2, 128>}, {transform_indices = @transform_8, window_bounds = array<i64: 2, 1000, 128>}]} {
    %get3A = arith.constant 0 : index
    %get3A_0 = arith.constant 0 : index
    %get3A_1 = vector.load %arg1[%get3A, %get3A_0] : memref<1000x128xf32, #tpu.memory_space<vmem>>, vector<1000x128xf32>
    %get3A_2 = arith.constant 0 : index
    %get3A_3 = arith.constant 0 : index
    %get3A_4 = arith.constant 0 : index
    %get3A_5 = vector.load %arg3[%get3A_2, %get3A_3, %get3A_4] : memref<2x128x128xf32, #tpu.memory_space<vmem>>, vector<1x128x128xf32>
    %get3A_6 = vector.shape_cast %get3A_5 : vector<1x128x128xf32> to vector<128x128xf32>
    %dot_general3A = arith.constant dense<0.000000e+00> : vector<1000x128xf32>
    %dot_general3A_7 = tpu.matmul %get3A_1, %get3A_6, %dot_general3A {dimension_numbers = #tpu.dot_dimension_numbers<[1], [0], [0], [1], [0, 0, 1, 1], [], []>, transpose_lhs_hint = false} : vector<1000x128xf32>, vector<128x128xf32>, vector<1000x128xf32> -> vector<1000x128xf32>
    %get3A_8 = arith.constant 0 : index
    %get3A_9 = arith.constant 0 : index
    %get3A_10 = vector.load %arg4[%get3A_8, %get3A_9] : memref<2x128xf32, #tpu.memory_space<vmem>>, vector<1x128xf32>
    %get3A_11 = vector.shape_cast %get3A_10 : vector<1x128xf32> to vector<128xf32>
    %broadcast_in_dim3A = vector.shape_cast %get3A_11 : vector<128xf32> to vector<1x128xf32>
    %add3A = vector.broadcast %broadcast_in_dim3A : vector<1x128xf32> to vector<1000x128xf32>
    %add3A_12 = arith.addf %dot_general3A_7, %add3A : vector<1000x128xf32>
    %max3A = arith.constant 0.000000e+00 : f32
    %max3A_13 = vector.broadcast %max3A : f32 to vector<1000x128xf32>
    %max3A_14 = arith.maximumf %add3A_12, %max3A_13 : vector<1000x128xf32>
    %get3A_15 = arith.constant 0 : index
    %get3A_16 = arith.constant 0 : index
    %get3A_17 = arith.constant 0 : index
    %get3A_18 = vector.load %arg5[%get3A_15, %get3A_16, %get3A_17] : memref<2x128x128xf32, #tpu.memory_space<vmem>>, vector<1x128x128xf32>
    %get3A_19 = vector.shape_cast %get3A_18 : vector<1x128x128xf32> to vector<128x128xf32>
    %dot_general3A_20 = arith.constant dense<0.000000e+00> : vector<1000x128xf32>
    %dot_general3A_21 = tpu.matmul %max3A_14, %get3A_19, %dot_general3A_20 {dimension_numbers = #tpu.dot_dimension_numbers<[1], [0], [0], [1], [0, 0, 1, 1], [], []>, transpose_lhs_hint = false} : vector<1000x128xf32>, vector<128x128xf32>, vector<1000x128xf32> -> vector<1000x128xf32>
    %get3A_22 = arith.constant 0 : index
    %get3A_23 = arith.constant 0 : index
    %get3A_24 = vector.load %arg6[%get3A_22, %get3A_23] : memref<2x128xf32, #tpu.memory_space<vmem>>, vector<1x128xf32>
    %get3A_25 = vector.shape_cast %get3A_24 : vector<1x128xf32> to vector<128xf32>
    %broadcast_in_dim3A_26 = vector.shape_cast %get3A_25 : vector<128xf32> to vector<1x128xf32>
    %add3A_27 = vector.broadcast %broadcast_in_dim3A_26 : vector<1x128xf32> to vector<1000x128xf32>
    %add3A_28 = arith.addf %dot_general3A_21, %add3A_27 : vector<1000x128xf32>
    %get3A_29 = arith.constant 0 : index
    %get3A_30 = arith.constant 0 : index
    %get3A_31 = vector.load %arg7[%get3A_29, %get3A_30] : memref<2x128xf32, #tpu.memory_space<vmem>>, vector<1x128xf32>
    %get3A_32 = vector.shape_cast %get3A_31 : vector<1x128xf32> to vector<128xf32>
    %broadcast_in_dim3A_33 = vector.shape_cast %get3A_32 : vector<128xf32> to vector<1x128xf32>
    %get3A_34 = arith.constant 0 : index
    %get3A_35 = arith.constant 0 : index
    %get3A_36 = vector.load %arg8[%get3A_34, %get3A_35] : memref<2x128xf32, #tpu.memory_space<vmem>>, vector<1x128xf32>
    %get3A_37 = vector.shape_cast %get3A_36 : vector<1x128xf32> to vector<128xf32>
    %broadcast_in_dim3A_38 = vector.shape_cast %get3A_37 : vector<128xf32> to vector<1x128xf32>
    %reduce_sum3A = arith.constant dense<0.000000e+00> : vector<1000xf32>
    %reduce_sum3A_39 = vector.multi_reduction <add>, %add3A_28, %reduce_sum3A [1] : vector<1000x128xf32> to vector<1000xf32>
    %broadcast_in_dim3A_40 = vector.shape_cast %reduce_sum3A_39 : vector<1000xf32> to vector<1000x1xf32>
    %div3A = arith.constant 1.280000e+02 : f32
    %div3A_41 = vector.broadcast %div3A : f32 to vector<1000x1xf32>
    %div3A_42 = arith.divf %broadcast_in_dim3A_40, %div3A_41 : vector<1000x1xf32>
    %sub3A = vector.broadcast %div3A_42 : vector<1000x1xf32> to vector<1000x128xf32>
    %sub3A_43 = arith.subf %add3A_28, %sub3A : vector<1000x128xf32>
    %integer_pow3A = arith.mulf %sub3A_43, %sub3A_43 : vector<1000x128xf32>
    %reduce_sum3A_44 = arith.constant dense<0.000000e+00> : vector<1000xf32>
    %reduce_sum3A_45 = vector.multi_reduction <add>, %integer_pow3A, %reduce_sum3A_44 [1] : vector<1000x128xf32> to vector<1000xf32>
    %broadcast_in_dim3A_46 = vector.shape_cast %reduce_sum3A_45 : vector<1000xf32> to vector<1000x1xf32>
    %div3A_47 = arith.constant 1.280000e+02 : f32
    %div3A_48 = vector.broadcast %div3A_47 : f32 to vector<1000x1xf32>
    %div3A_49 = arith.divf %broadcast_in_dim3A_46, %div3A_48 : vector<1000x1xf32>
    %sub3A_50 = vector.broadcast %div3A_42 : vector<1000x1xf32> to vector<1000x128xf32>
    %sub3A_51 = arith.subf %add3A_28, %sub3A_50 : vector<1000x128xf32>
    %add3A_52 = arith.constant 9.99999974E-6 : f32
    %add3A_53 = vector.broadcast %add3A_52 : f32 to vector<1000x1xf32>
    %add3A_54 = arith.addf %div3A_49, %add3A_53 : vector<1000x1xf32>
    %sqrt3A = math.sqrt %add3A_54 : vector<1000x1xf32>
    %div3A_55 = vector.broadcast %sqrt3A : vector<1000x1xf32> to vector<1000x128xf32>
    %div3A_56 = arith.divf %sub3A_51, %div3A_55 : vector<1000x128xf32>
    %mul3A = vector.broadcast %broadcast_in_dim3A_33 : vector<1x128xf32> to vector<1000x128xf32>
    %mul3A_57 = arith.mulf %div3A_56, %mul3A : vector<1000x128xf32>
    %add3A_58 = vector.broadcast %broadcast_in_dim3A_38 : vector<1x128xf32> to vector<1000x128xf32>
    %add3A_59 = arith.addf %mul3A_57, %add3A_58 : vector<1000x128xf32>
    %swap3A = arith.constant 0 : index
    %swap3A_60 = arith.constant 0 : index
    %swap3A_61 = arith.constant 0 : index
    %swap3A_62 = vector.load %arg9[%swap3A, %swap3A_60, %swap3A_61] : memref<2x1000x128xf32, #tpu.memory_space<vmem>>, vector<1x1000x128xf32>
    %swap3A_63 = vector.shape_cast %swap3A_62 : vector<1x1000x128xf32> to vector<1000x128xf32>
    %swap3A_64 = vector.shape_cast %add3A_59 : vector<1000x128xf32> to vector<1x1000x128xf32>
    tpu.vector_store %arg9[%swap3A, %swap3A_60, %swap3A_61], %swap3A_64 {strides = array<i32>} : memref<2x1000x128xf32, #tpu.memory_space<vmem>>, vector<1x1000x128xf32>,
    %get3A_65 = arith.constant 0 : index
    %get3A_66 = arith.constant 0 : index
    %get3A_67 = vector.load %arg2[%get3A_65, %get3A_66] : memref<1000x128xf32, #tpu.memory_space<vmem>>, vector<1000x128xf32>
    %get3A_68 = arith.constant 1 : index
    %get3A_69 = arith.constant 0 : index
    %get3A_70 = arith.constant 0 : index
    %get3A_71 = vector.load %arg3[%get3A_68, %get3A_69, %get3A_70] : memref<2x128x128xf32, #tpu.memory_space<vmem>>, vector<1x128x128xf32>
    %get3A_72 = vector.shape_cast %get3A_71 : vector<1x128x128xf32> to vector<128x128xf32>
    %dot_general3A_73 = arith.constant dense<0.000000e+00> : vector<1000x128xf32>
    %dot_general3A_74 = tpu.matmul %get3A_67, %get3A_72, %dot_general3A_73 {dimension_numbers = #tpu.dot_dimension_numbers<[1], [0], [0], [1], [0, 0, 1, 1], [], []>, transpose_lhs_hint = false} : vector<1000x128xf32>, vector<128x128xf32>, vector<1000x128xf32> -> vector<1000x128xf32>
    %get3A_75 = arith.constant 1 : index
    %get3A_76 = arith.constant 0 : index
    %get3A_77 = vector.load %arg4[%get3A_75, %get3A_76] : memref<2x128xf32, #tpu.memory_space<vmem>>, vector<1x128xf32>
    %get3A_78 = vector.shape_cast %get3A_77 : vector<1x128xf32> to vector<128xf32>
    %broadcast_in_dim3A_79 = vector.shape_cast %get3A_78 : vector<128xf32> to vector<1x128xf32>
    %add3A_80 = vector.broadcast %broadcast_in_dim3A_79 : vector<1x128xf32> to vector<1000x128xf32>
    %add3A_81 = arith.addf %dot_general3A_74, %add3A_80 : vector<1000x128xf32>
    %max3A_82 = arith.constant 0.000000e+00 : f32
    %max3A_83 = vector.broadcast %max3A_82 : f32 to vector<1000x128xf32>
    %max3A_84 = arith.maximumf %add3A_81, %max3A_83 : vector<1000x128xf32>
    %get3A_85 = arith.constant 1 : index
    %get3A_86 = arith.constant 0 : index
    %get3A_87 = arith.constant 0 : index
    %get3A_88 = vector.load %arg5[%get3A_85, %get3A_86, %get3A_87] : memref<2x128x128xf32, #tpu.memory_space<vmem>>, vector<1x128x128xf32>
    %get3A_89 = vector.shape_cast %get3A_88 : vector<1x128x128xf32> to vector<128x128xf32>
    %dot_general3A_90 = arith.constant dense<0.000000e+00> : vector<1000x128xf32>
    %dot_general3A_91 = tpu.matmul %max3A_84, %get3A_89, %dot_general3A_90 {dimension_numbers = #tpu.dot_dimension_numbers<[1], [0], [0], [1], [0, 0, 1, 1], [], []>, transpose_lhs_hint = false} : vector<1000x128xf32>, vector<128x128xf32>, vector<1000x128xf32> -> vector<1000x128xf32>
    %get3A_92 = arith.constant 1 : index
    %get3A_93 = arith.constant 0 : index
    %get3A_94 = vector.load %arg6[%get3A_92, %get3A_93] : memref<2x128xf32, #tpu.memory_space<vmem>>, vector<1x128xf32>
    %get3A_95 = vector.shape_cast %get3A_94 : vector<1x128xf32> to vector<128xf32>
    %broadcast_in_dim3A_96 = vector.shape_cast %get3A_95 : vector<128xf32> to vector<1x128xf32>
    %add3A_97 = vector.broadcast %broadcast_in_dim3A_96 : vector<1x128xf32> to vector<1000x128xf32>
    %add3A_98 = arith.addf %dot_general3A_91, %add3A_97 : vector<1000x128xf32>
    %get3A_99 = arith.constant 1 : index
    %get3A_100 = arith.constant 0 : index
    %get3A_101 = vector.load %arg7[%get3A_99, %get3A_100] : memref<2x128xf32, #tpu.memory_space<vmem>>, vector<1x128xf32>
    %get3A_102 = vector.shape_cast %get3A_101 : vector<1x128xf32> to vector<128xf32>
    %broadcast_in_dim3A_103 = vector.shape_cast %get3A_102 : vector<128xf32> to vector<1x128xf32>
    %get3A_104 = arith.constant 1 : index
    %get3A_105 = arith.constant 0 : index
    %get3A_106 = vector.load %arg8[%get3A_104, %get3A_105] : memref<2x128xf32, #tpu.memory_space<vmem>>, vector<1x128xf32>
    %get3A_107 = vector.shape_cast %get3A_106 : vector<1x128xf32> to vector<128xf32>
    %broadcast_in_dim3A_108 = vector.shape_cast %get3A_107 : vector<128xf32> to vector<1x128xf32>
    %reduce_sum3A_109 = arith.constant dense<0.000000e+00> : vector<1000xf32>
    %reduce_sum3A_110 = vector.multi_reduction <add>, %add3A_98, %reduce_sum3A_109 [1] : vector<1000x128xf32> to vector<1000xf32>
    %broadcast_in_dim3A_111 = vector.shape_cast %reduce_sum3A_110 : vector<1000xf32> to vector<1000x1xf32>
    %div3A_112 = arith.constant 1.280000e+02 : f32
    %div3A_113 = vector.broadcast %div3A_112 : f32 to vector<1000x1xf32>
    %div3A_114 = arith.divf %broadcast_in_dim3A_111, %div3A_113 : vector<1000x1xf32>
    %sub3A_115 = vector.broadcast %div3A_114 : vector<1000x1xf32> to vector<1000x128xf32>
    %sub3A_116 = arith.subf %add3A_98, %sub3A_115 : vector<1000x128xf32>
    %integer_pow3A_117 = arith.mulf %sub3A_116, %sub3A_116 : vector<1000x128xf32>
    %reduce_sum3A_118 = arith.constant dense<0.000000e+00> : vector<1000xf32>
    %reduce_sum3A_119 = vector.multi_reduction <add>, %integer_pow3A_117, %reduce_sum3A_118 [1] : vector<1000x128xf32> to vector<1000xf32>
    %broadcast_in_dim3A_120 = vector.shape_cast %reduce_sum3A_119 : vector<1000xf32> to vector<1000x1xf32>
    %div3A_121 = arith.constant 1.280000e+02 : f32
    %div3A_122 = vector.broadcast %div3A_121 : f32 to vector<1000x1xf32>
    %div3A_123 = arith.divf %broadcast_in_dim3A_120, %div3A_122 : vector<1000x1xf32>
    %sub3A_124 = vector.broadcast %div3A_114 : vector<1000x1xf32> to vector<1000x128xf32>
    %sub3A_125 = arith.subf %add3A_98, %sub3A_124 : vector<1000x128xf32>
    %add3A_126 = arith.constant 9.99999974E-6 : f32
    %add3A_127 = vector.broadcast %add3A_126 : f32 to vector<1000x1xf32>
    %add3A_128 = arith.addf %div3A_123, %add3A_127 : vector<1000x1xf32>
    %sqrt3A_129 = math.sqrt %add3A_128 : vector<1000x1xf32>
    %div3A_130 = vector.broadcast %sqrt3A_129 : vector<1000x1xf32> to vector<1000x128xf32>
    %div3A_131 = arith.divf %sub3A_125, %div3A_130 : vector<1000x128xf32>
    %mul3A_132 = vector.broadcast %broadcast_in_dim3A_103 : vector<1x128xf32> to vector<1000x128xf32>
    %mul3A_133 = arith.mulf %div3A_131, %mul3A_132 : vector<1000x128xf32>
    %add3A_134 = vector.broadcast %broadcast_in_dim3A_108 : vector<1x128xf32> to vector<1000x128xf32>
    %add3A_135 = arith.addf %mul3A_133, %add3A_134 : vector<1000x128xf32>
    %swap3A_136 = arith.constant 1 : index
    %swap3A_137 = arith.constant 0 : index
    %swap3A_138 = arith.constant 0 : index
    %swap3A_139 = vector.load %arg9[%swap3A_136, %swap3A_137, %swap3A_138] : memref<2x1000x128xf32, #tpu.memory_space<vmem>>, vector<1x1000x128xf32>
    %swap3A_140 = vector.shape_cast %swap3A_139 : vector<1x1000x128xf32> to vector<1000x128xf32>
    %swap3A_141 = vector.shape_cast %add3A_135 : vector<1000x128xf32> to vector<1x1000x128xf32>
    tpu.vector_store %arg9[%swap3A_136, %swap3A_137, %swap3A_138], %swap3A_141 {strides = array<i32>} : memref<2x1000x128xf32, #tpu.memory_space<vmem>>, vector<1x1000x128xf32>,
    return
  }
  func.func @transform_0(%arg0: i32) -> (i32, i32) {
    %c0_i32 = arith.constant 0 : i32
    %c0_i32_0 = arith.constant 0 : i32
    return %arg0, %c0_i32 : i32, i32
  }
  func.func @transform_1(%arg0: i32) -> (i32, i32) {
    %c0_i32 = arith.constant 0 : i32
    %c0_i32_0 = arith.constant 0 : i32
    return %arg0, %c0_i32 : i32, i32
  }
  func.func @transform_2(%arg0: i32) -> (i32, i32, i32) {
    %c0_i32 = arith.constant 0 : i32
    %c0_i32_0 = arith.constant 0 : i32
    %c0_i32_1 = arith.constant 0 : i32
    %c0_i32_2 = arith.constant 0 : i32
    return %c0_i32, %c0_i32_0, %c0_i32_1 : i32, i32, i32
  }
  func.func @transform_3(%arg0: i32) -> (i32, i32) {
    %c0_i32 = arith.constant 0 : i32
    %c0_i32_0 = arith.constant 0 : i32
    %c0_i32_1 = arith.constant 0 : i32
    return %c0_i32, %c0_i32_0 : i32, i32
  }
  func.func @transform_4(%arg0: i32) -> (i32, i32, i32) {
    %c0_i32 = arith.constant 0 : i32
    %c0_i32_0 = arith.constant 0 : i32
    %c0_i32_1 = arith.constant 0 : i32
    %c0_i32_2 = arith.constant 0 : i32
    return %c0_i32, %c0_i32_0, %c0_i32_1 : i32, i32, i32
  }
  func.func @transform_5(%arg0: i32) -> (i32, i32) {
    %c0_i32 = arith.constant 0 : i32
    %c0_i32_0 = arith.constant 0 : i32
    %c0_i32_1 = arith.constant 0 : i32
    return %c0_i32, %c0_i32_0 : i32, i32
  }
  func.func @transform_6(%arg0: i32) -> (i32, i32) {
    %c0_i32 = arith.constant 0 : i32
    %c0_i32_0 = arith.constant 0 : i32
    %c0_i32_1 = arith.constant 0 : i32
    return %c0_i32, %c0_i32_0 : i32, i32
  }
  func.func @transform_7(%arg0: i32) -> (i32, i32) {
    %c0_i32 = arith.constant 0 : i32
    %c0_i32_0 = arith.constant 0 : i32
    %c0_i32_1 = arith.constant 0 : i32
    return %c0_i32, %c0_i32_0 : i32, i32
  }
  func.func @transform_8(%arg0: i32) -> (i32, i32, i32) {
    %c0_i32 = arith.constant 0 : i32
    %c0_i32_0 = arith.constant 0 : i32
    %c0_i32_1 = arith.constant 0 : i32
    return %c0_i32, %arg0, %c0_i32_0 : i32, i32, i32
  }
}

module attributes {stable_mosaic.version = 14 : i64} {
  func.func @_layer_body(%arg0: i32, %arg1: memref<2x1000x128xf32, #tpu.memory_space<vmem>>, %arg2: memref<2x1000x128xf32, #tpu.memory_space<vmem>>, %arg3: memref<2x1000x128xf32, #tpu.memory_space<vmem>>, %arg4: memref<2x128x128xf32, #tpu.memory_space<vmem>>, %arg5: memref<2x128xf32, #tpu.memory_space<vmem>>, %arg6: memref<2x128x128xf32, #tpu.memory_space<vmem>>, %arg7: memref<2x128xf32, #tpu.memory_space<vmem>>, %arg8: memref<2x128xf32, #tpu.memory_space<vmem>>, %arg9: memref<2x1000x128xf32, #tpu.memory_space<vmem>>) attributes {dimension_semantics = [#tpu.dimension_semantics<arbitrary>], iteration_bounds = array<i64: 10>, scalar_prefetch = 0 : i64, scratch_operands = 0 : i64, tpu.core_type = #tpu.core_type<tc>, window_params = [{transform_indices = @transform_0, window_bounds = array<i64: 2, 1000, 128>}, {transform_indices = @transform_1, window_bounds = array<i64: 2, 1000, 128>}, {transform_indices = @transform_2, window_bounds = array<i64: 2, 1000, 128>}, {pipeline_mode = #tpu.pipeline_mode<synchronous>, transform_indices = @transform_3, window_bounds = array<i64: 2, 128, 128>}, {pipeline_mode = #tpu.pipeline_mode<synchronous>, transform_indices = @transform_4, window_bounds = array<i64: 2, 128>}, {pipeline_mode = #tpu.pipeline_mode<synchronous>, transform_indices = @transform_5, window_bounds = array<i64: 2, 128, 128>}, {pipeline_mode = #tpu.pipeline_mode<synchronous>, transform_indices = @transform_6, window_bounds = array<i64: 2, 128>}, {pipeline_mode = #tpu.pipeline_mode<synchronous>, transform_indices = @transform_7, window_bounds = array<i64: 2, 128>}, {transform_indices = @transform_8, window_bounds = array<i64: 2, 1000, 128>}]} {
    %get3A = arith.constant 1 : index
    %get3A_0 = arith.constant 0 : index
    %get3A_1 = arith.constant 0 : index
    %get3A_2 = vector.load %arg3[%get3A, %get3A_0, %get3A_1] : memref<2x1000x128xf32, #tpu.memory_space<vmem>>, vector<1x1000x1xf32>
    %get3A_3 = vector.shape_cast %get3A_2 : vector<1x1000x1xf32> to vector<1000x1xf32>
    %max3A = arith.constant 1.000000e+00 : f32
    %max3A_4 = vector.broadcast %max3A : f32 to vector<1000x1xf32>
    %max3A_5 = arith.maximumf %get3A_3, %max3A_4 : vector<1000x1xf32>
    %get3A_6 = arith.constant 1 : index
    %get3A_7 = arith.constant 0 : index
    %get3A_8 = arith.constant 0 : index
    %get3A_9 = vector.load %arg2[%get3A_6, %get3A_7, %get3A_8] : memref<2x1000x128xf32, #tpu.memory_space<vmem>>, vector<1x1000x128xf32>
    %get3A_10 = vector.shape_cast %get3A_9 : vector<1x1000x128xf32> to vector<1000x128xf32>
    %div3A = vector.broadcast %max3A_5 : vector<1000x1xf32> to vector<1000x128xf32>
    %div3A_11 = arith.divf %get3A_10, %div3A : vector<1000x128xf32>
    %get3A_12 = arith.constant 0 : index
    %get3A_13 = arith.constant 0 : index
    %get3A_14 = arith.constant 0 : index
    %get3A_15 = vector.load %arg1[%get3A_12, %get3A_13, %get3A_14] : memref<2x1000x128xf32, #tpu.memory_space<vmem>>, vector<1x1000x128xf32>
    %get3A_16 = vector.shape_cast %get3A_15 : vector<1x1000x128xf32> to vector<1000x128xf32>
    %get3A_17 = arith.constant 1 : index
    %get3A_18 = arith.constant 0 : index
    %get3A_19 = arith.constant 0 : index
    %get3A_20 = vector.load %arg4[%get3A_17, %get3A_18, %get3A_19] : memref<2x128x128xf32, #tpu.memory_space<vmem>>, vector<1x128x128xf32>
    %get3A_21 = vector.shape_cast %get3A_20 : vector<1x128x128xf32> to vector<128x128xf32>
    %dot_general3A = arith.constant dense<0.000000e+00> : vector<1000x128xf32>
    %dot_general3A_22 = tpu.matmul %div3A_11, %get3A_21, %dot_general3A {dimension_numbers = #tpu.dot_dimension_numbers<[1], [0], [0], [1], [0, 0, 1, 1], [], []>, transpose_lhs_hint = false} : vector<1000x128xf32>, vector<128x128xf32>, vector<1000x128xf32> -> vector<1000x128xf32>
    %get3A_23 = arith.constant 1 : index
    %get3A_24 = arith.constant 0 : index
    %get3A_25 = vector.load %arg5[%get3A_23, %get3A_24] : memref<2x128xf32, #tpu.memory_space<vmem>>, vector<1x128xf32>
    %get3A_26 = vector.shape_cast %get3A_25 : vector<1x128xf32> to vector<128xf32>
    %broadcast_in_dim3A = vector.shape_cast %get3A_26 : vector<128xf32> to vector<1x128xf32>
    %add3A = vector.broadcast %broadcast_in_dim3A : vector<1x128xf32> to vector<1000x128xf32>
    %add3A_27 = arith.addf %dot_general3A_22, %add3A : vector<1000x128xf32>
    %get3A_28 = arith.constant 1 : index
    %get3A_29 = arith.constant 0 : index
    %get3A_30 = arith.constant 0 : index
    %get3A_31 = vector.load %arg6[%get3A_28, %get3A_29, %get3A_30] : memref<2x128x128xf32, #tpu.memory_space<vmem>>, vector<1x128x128xf32>
    %get3A_32 = vector.shape_cast %get3A_31 : vector<1x128x128xf32> to vector<128x128xf32>
    %dot_general3A_33 = arith.constant dense<0.000000e+00> : vector<1000x128xf32>
    %dot_general3A_34 = tpu.matmul %get3A_16, %get3A_32, %dot_general3A_33 {dimension_numbers = #tpu.dot_dimension_numbers<[1], [0], [0], [1], [0, 0, 1, 1], [], []>, transpose_lhs_hint = false} : vector<1000x128xf32>, vector<128x128xf32>, vector<1000x128xf32> -> vector<1000x128xf32>
    %add3A_35 = arith.addf %add3A_27, %dot_general3A_34 : vector<1000x128xf32>
    %add3A_36 = arith.addf %add3A_35, %get3A_16 : vector<1000x128xf32>
    %get3A_37 = arith.constant 0 : index
    %get3A_38 = arith.constant 0 : index
    %get3A_39 = vector.load %arg7[%get3A_37, %get3A_38] : memref<2x128xf32, #tpu.memory_space<vmem>>, vector<1x128xf32>
    %get3A_40 = vector.shape_cast %get3A_39 : vector<1x128xf32> to vector<128xf32>
    %broadcast_in_dim3A_41 = vector.shape_cast %get3A_40 : vector<128xf32> to vector<1x128xf32>
    %get3A_42 = arith.constant 0 : index
    %get3A_43 = arith.constant 0 : index
    %get3A_44 = vector.load %arg8[%get3A_42, %get3A_43] : memref<2x128xf32, #tpu.memory_space<vmem>>, vector<1x128xf32>
    %get3A_45 = vector.shape_cast %get3A_44 : vector<1x128xf32> to vector<128xf32>
    %broadcast_in_dim3A_46 = vector.shape_cast %get3A_45 : vector<128xf32> to vector<1x128xf32>
    %reduce_sum3A = arith.constant dense<0.000000e+00> : vector<1000xf32>
    %reduce_sum3A_47 = vector.multi_reduction <add>, %add3A_36, %reduce_sum3A [1] : vector<1000x128xf32> to vector<1000xf32>
    %broadcast_in_dim3A_48 = vector.shape_cast %reduce_sum3A_47 : vector<1000xf32> to vector<1000x1xf32>
    %div3A_49 = arith.constant 1.280000e+02 : f32
    %div3A_50 = vector.broadcast %div3A_49 : f32 to vector<1000x1xf32>
    %div3A_51 = arith.divf %broadcast_in_dim3A_48, %div3A_50 : vector<1000x1xf32>
    %sub3A = vector.broadcast %div3A_51 : vector<1000x1xf32> to vector<1000x128xf32>
    %sub3A_52 = arith.subf %add3A_36, %sub3A : vector<1000x128xf32>
    %integer_pow3A = arith.mulf %sub3A_52, %sub3A_52 : vector<1000x128xf32>
    %reduce_sum3A_53 = arith.constant dense<0.000000e+00> : vector<1000xf32>
    %reduce_sum3A_54 = vector.multi_reduction <add>, %integer_pow3A, %reduce_sum3A_53 [1] : vector<1000x128xf32> to vector<1000xf32>
    %broadcast_in_dim3A_55 = vector.shape_cast %reduce_sum3A_54 : vector<1000xf32> to vector<1000x1xf32>
    %div3A_56 = arith.constant 1.280000e+02 : f32
    %div3A_57 = vector.broadcast %div3A_56 : f32 to vector<1000x1xf32>
    %div3A_58 = arith.divf %broadcast_in_dim3A_55, %div3A_57 : vector<1000x1xf32>
    %sub3A_59 = vector.broadcast %div3A_51 : vector<1000x1xf32> to vector<1000x128xf32>
    %sub3A_60 = arith.subf %add3A_36, %sub3A_59 : vector<1000x128xf32>
    %add3A_61 = arith.constant 9.99999974E-6 : f32
    %add3A_62 = vector.broadcast %add3A_61 : f32 to vector<1000x1xf32>
    %add3A_63 = arith.addf %div3A_58, %add3A_62 : vector<1000x1xf32>
    %sqrt3A = math.sqrt %add3A_63 : vector<1000x1xf32>
    %div3A_64 = vector.broadcast %sqrt3A : vector<1000x1xf32> to vector<1000x128xf32>
    %div3A_65 = arith.divf %sub3A_60, %div3A_64 : vector<1000x128xf32>
    %mul3A = vector.broadcast %broadcast_in_dim3A_41 : vector<1x128xf32> to vector<1000x128xf32>
    %mul3A_66 = arith.mulf %div3A_65, %mul3A : vector<1000x128xf32>
    %add3A_67 = vector.broadcast %broadcast_in_dim3A_46 : vector<1x128xf32> to vector<1000x128xf32>
    %add3A_68 = arith.addf %mul3A_66, %add3A_67 : vector<1000x128xf32>
    %max3A_69 = arith.constant 0.000000e+00 : f32
    %max3A_70 = vector.broadcast %max3A_69 : f32 to vector<1000x128xf32>
    %max3A_71 = arith.maximumf %add3A_68, %max3A_70 : vector<1000x128xf32>
    %swap3A = arith.constant 0 : index
    %swap3A_72 = arith.constant 0 : index
    %swap3A_73 = arith.constant 0 : index
    %swap3A_74 = vector.load %arg9[%swap3A, %swap3A_72, %swap3A_73] : memref<2x1000x128xf32, #tpu.memory_space<vmem>>, vector<1x1000x128xf32>
    %swap3A_75 = vector.shape_cast %swap3A_74 : vector<1x1000x128xf32> to vector<1000x128xf32>
    %swap3A_76 = vector.shape_cast %max3A_71 : vector<1000x128xf32> to vector<1x1000x128xf32>
    tpu.vector_store %arg9[%swap3A, %swap3A_72, %swap3A_73], %swap3A_76 {strides = array<i32>} : memref<2x1000x128xf32, #tpu.memory_space<vmem>>, vector<1x1000x128xf32>,
    %get3A_77 = arith.constant 0 : index
    %get3A_78 = arith.constant 0 : index
    %get3A_79 = arith.constant 0 : index
    %get3A_80 = vector.load %arg3[%get3A_77, %get3A_78, %get3A_79] : memref<2x1000x128xf32, #tpu.memory_space<vmem>>, vector<1x1000x1xf32>
    %get3A_81 = vector.shape_cast %get3A_80 : vector<1x1000x1xf32> to vector<1000x1xf32>
    %max3A_82 = arith.constant 1.000000e+00 : f32
    %max3A_83 = vector.broadcast %max3A_82 : f32 to vector<1000x1xf32>
    %max3A_84 = arith.maximumf %get3A_81, %max3A_83 : vector<1000x1xf32>
    %get3A_85 = arith.constant 0 : index
    %get3A_86 = arith.constant 0 : index
    %get3A_87 = arith.constant 0 : index
    %get3A_88 = vector.load %arg2[%get3A_85, %get3A_86, %get3A_87] : memref<2x1000x128xf32, #tpu.memory_space<vmem>>, vector<1x1000x128xf32>
    %get3A_89 = vector.shape_cast %get3A_88 : vector<1x1000x128xf32> to vector<1000x128xf32>
    %div3A_90 = vector.broadcast %max3A_84 : vector<1000x1xf32> to vector<1000x128xf32>
    %div3A_91 = arith.divf %get3A_89, %div3A_90 : vector<1000x128xf32>
    %get3A_92 = arith.constant 1 : index
    %get3A_93 = arith.constant 0 : index
    %get3A_94 = arith.constant 0 : index
    %get3A_95 = vector.load %arg1[%get3A_92, %get3A_93, %get3A_94] : memref<2x1000x128xf32, #tpu.memory_space<vmem>>, vector<1x1000x128xf32>
    %get3A_96 = vector.shape_cast %get3A_95 : vector<1x1000x128xf32> to vector<1000x128xf32>
    %get3A_97 = arith.constant 0 : index
    %get3A_98 = arith.constant 0 : index
    %get3A_99 = arith.constant 0 : index
    %get3A_100 = vector.load %arg4[%get3A_97, %get3A_98, %get3A_99] : memref<2x128x128xf32, #tpu.memory_space<vmem>>, vector<1x128x128xf32>
    %get3A_101 = vector.shape_cast %get3A_100 : vector<1x128x128xf32> to vector<128x128xf32>
    %dot_general3A_102 = arith.constant dense<0.000000e+00> : vector<1000x128xf32>
    %dot_general3A_103 = tpu.matmul %div3A_91, %get3A_101, %dot_general3A_102 {dimension_numbers = #tpu.dot_dimension_numbers<[1], [0], [0], [1], [0, 0, 1, 1], [], []>, transpose_lhs_hint = false} : vector<1000x128xf32>, vector<128x128xf32>, vector<1000x128xf32> -> vector<1000x128xf32>
    %get3A_104 = arith.constant 0 : index
    %get3A_105 = arith.constant 0 : index
    %get3A_106 = vector.load %arg5[%get3A_104, %get3A_105] : memref<2x128xf32, #tpu.memory_space<vmem>>, vector<1x128xf32>
    %get3A_107 = vector.shape_cast %get3A_106 : vector<1x128xf32> to vector<128xf32>
    %broadcast_in_dim3A_108 = vector.shape_cast %get3A_107 : vector<128xf32> to vector<1x128xf32>
    %add3A_109 = vector.broadcast %broadcast_in_dim3A_108 : vector<1x128xf32> to vector<1000x128xf32>
    %add3A_110 = arith.addf %dot_general3A_103, %add3A_109 : vector<1000x128xf32>
    %get3A_111 = arith.constant 0 : index
    %get3A_112 = arith.constant 0 : index
    %get3A_113 = arith.constant 0 : index
    %get3A_114 = vector.load %arg6[%get3A_111, %get3A_112, %get3A_113] : memref<2x128x128xf32, #tpu.memory_space<vmem>>, vector<1x128x128xf32>
    %get3A_115 = vector.shape_cast %get3A_114 : vector<1x128x128xf32> to vector<128x128xf32>
    %dot_general3A_116 = arith.constant dense<0.000000e+00> : vector<1000x128xf32>
    %dot_general3A_117 = tpu.matmul %get3A_96, %get3A_115, %dot_general3A_116 {dimension_numbers = #tpu.dot_dimension_numbers<[1], [0], [0], [1], [0, 0, 1, 1], [], []>, transpose_lhs_hint = false} : vector<1000x128xf32>, vector<128x128xf32>, vector<1000x128xf32> -> vector<1000x128xf32>
    %add3A_118 = arith.addf %add3A_110, %dot_general3A_117 : vector<1000x128xf32>
    %add3A_119 = arith.addf %add3A_118, %get3A_96 : vector<1000x128xf32>
    %get3A_120 = arith.constant 1 : index
    %get3A_121 = arith.constant 0 : index
    %get3A_122 = vector.load %arg7[%get3A_120, %get3A_121] : memref<2x128xf32, #tpu.memory_space<vmem>>, vector<1x128xf32>
    %get3A_123 = vector.shape_cast %get3A_122 : vector<1x128xf32> to vector<128xf32>
    %broadcast_in_dim3A_124 = vector.shape_cast %get3A_123 : vector<128xf32> to vector<1x128xf32>
    %get3A_125 = arith.constant 1 : index
    %get3A_126 = arith.constant 0 : index
    %get3A_127 = vector.load %arg8[%get3A_125, %get3A_126] : memref<2x128xf32, #tpu.memory_space<vmem>>, vector<1x128xf32>
    %get3A_128 = vector.shape_cast %get3A_127 : vector<1x128xf32> to vector<128xf32>
    %broadcast_in_dim3A_129 = vector.shape_cast %get3A_128 : vector<128xf32> to vector<1x128xf32>
    %reduce_sum3A_130 = arith.constant dense<0.000000e+00> : vector<1000xf32>
    %reduce_sum3A_131 = vector.multi_reduction <add>, %add3A_119, %reduce_sum3A_130 [1] : vector<1000x128xf32> to vector<1000xf32>
    %broadcast_in_dim3A_132 = vector.shape_cast %reduce_sum3A_131 : vector<1000xf32> to vector<1000x1xf32>
    %div3A_133 = arith.constant 1.280000e+02 : f32
    %div3A_134 = vector.broadcast %div3A_133 : f32 to vector<1000x1xf32>
    %div3A_135 = arith.divf %broadcast_in_dim3A_132, %div3A_134 : vector<1000x1xf32>
    %sub3A_136 = vector.broadcast %div3A_135 : vector<1000x1xf32> to vector<1000x128xf32>
    %sub3A_137 = arith.subf %add3A_119, %sub3A_136 : vector<1000x128xf32>
    %integer_pow3A_138 = arith.mulf %sub3A_137, %sub3A_137 : vector<1000x128xf32>
    %reduce_sum3A_139 = arith.constant dense<0.000000e+00> : vector<1000xf32>
    %reduce_sum3A_140 = vector.multi_reduction <add>, %integer_pow3A_138, %reduce_sum3A_139 [1] : vector<1000x128xf32> to vector<1000xf32>
    %broadcast_in_dim3A_141 = vector.shape_cast %reduce_sum3A_140 : vector<1000xf32> to vector<1000x1xf32>
    %div3A_142 = arith.constant 1.280000e+02 : f32
    %div3A_143 = vector.broadcast %div3A_142 : f32 to vector<1000x1xf32>
    %div3A_144 = arith.divf %broadcast_in_dim3A_141, %div3A_143 : vector<1000x1xf32>
    %sub3A_145 = vector.broadcast %div3A_135 : vector<1000x1xf32> to vector<1000x128xf32>
    %sub3A_146 = arith.subf %add3A_119, %sub3A_145 : vector<1000x128xf32>
    %add3A_147 = arith.constant 9.99999974E-6 : f32
    %add3A_148 = vector.broadcast %add3A_147 : f32 to vector<1000x1xf32>
    %add3A_149 = arith.addf %div3A_144, %add3A_148 : vector<1000x1xf32>
    %sqrt3A_150 = math.sqrt %add3A_149 : vector<1000x1xf32>
    %div3A_151 = vector.broadcast %sqrt3A_150 : vector<1000x1xf32> to vector<1000x128xf32>
    %div3A_152 = arith.divf %sub3A_146, %div3A_151 : vector<1000x128xf32>
    %mul3A_153 = vector.broadcast %broadcast_in_dim3A_124 : vector<1x128xf32> to vector<1000x128xf32>
    %mul3A_154 = arith.mulf %div3A_152, %mul3A_153 : vector<1000x128xf32>
    %add3A_155 = vector.broadcast %broadcast_in_dim3A_129 : vector<1x128xf32> to vector<1000x128xf32>
    %add3A_156 = arith.addf %mul3A_154, %add3A_155 : vector<1000x128xf32>
    %max3A_157 = arith.constant 0.000000e+00 : f32
    %max3A_158 = vector.broadcast %max3A_157 : f32 to vector<1000x128xf32>
    %max3A_159 = arith.maximumf %add3A_156, %max3A_158 : vector<1000x128xf32>
    %swap3A_160 = arith.constant 1 : index
    %swap3A_161 = arith.constant 0 : index
    %swap3A_162 = arith.constant 0 : index
    %swap3A_163 = vector.load %arg9[%swap3A_160, %swap3A_161, %swap3A_162] : memref<2x1000x128xf32, #tpu.memory_space<vmem>>, vector<1x1000x128xf32>
    %swap3A_164 = vector.shape_cast %swap3A_163 : vector<1x1000x128xf32> to vector<1000x128xf32>
    %swap3A_165 = vector.shape_cast %max3A_159 : vector<1000x128xf32> to vector<1x1000x128xf32>
    tpu.vector_store %arg9[%swap3A_160, %swap3A_161, %swap3A_162], %swap3A_165 {strides = array<i32>} : memref<2x1000x128xf32, #tpu.memory_space<vmem>>, vector<1x1000x128xf32>,
    return
  }
  func.func @transform_0(%arg0: i32) -> (i32, i32, i32) {
    %c0_i32 = arith.constant 0 : i32
    %c0_i32_0 = arith.constant 0 : i32
    %c0_i32_1 = arith.constant 0 : i32
    return %c0_i32, %arg0, %c0_i32_0 : i32, i32, i32
  }
  func.func @transform_1(%arg0: i32) -> (i32, i32, i32) {
    %c0_i32 = arith.constant 0 : i32
    %c0_i32_0 = arith.constant 0 : i32
    %c0_i32_1 = arith.constant 0 : i32
    return %c0_i32, %arg0, %c0_i32_0 : i32, i32, i32
  }
  func.func @transform_2(%arg0: i32) -> (i32, i32, i32) {
    %c0_i32 = arith.constant 0 : i32
    %c0_i32_0 = arith.constant 0 : i32
    %c0_i32_1 = arith.constant 0 : i32
    return %c0_i32, %arg0, %c0_i32_0 : i32, i32, i32
  }
  func.func @transform_3(%arg0: i32) -> (i32, i32, i32) {
    %c0_i32 = arith.constant 0 : i32
    %c0_i32_0 = arith.constant 0 : i32
    %c0_i32_1 = arith.constant 0 : i32
    %c0_i32_2 = arith.constant 0 : i32
    return %c0_i32, %c0_i32_0, %c0_i32_1 : i32, i32, i32
  }
  func.func @transform_4(%arg0: i32) -> (i32, i32) {
    %c0_i32 = arith.constant 0 : i32
    %c0_i32_0 = arith.constant 0 : i32
    %c0_i32_1 = arith.constant 0 : i32
    return %c0_i32, %c0_i32_0 : i32, i32
  }
  func.func @transform_5(%arg0: i32) -> (i32, i32, i32) {
    %c0_i32 = arith.constant 0 : i32
    %c0_i32_0 = arith.constant 0 : i32
    %c0_i32_1 = arith.constant 0 : i32
    %c0_i32_2 = arith.constant 0 : i32
    return %c0_i32, %c0_i32_0, %c0_i32_1 : i32, i32, i32
  }
  func.func @transform_6(%arg0: i32) -> (i32, i32) {
    %c0_i32 = arith.constant 0 : i32
    %c0_i32_0 = arith.constant 0 : i32
    %c0_i32_1 = arith.constant 0 : i32
    return %c0_i32, %c0_i32_0 : i32, i32
  }
  func.func @transform_7(%arg0: i32) -> (i32, i32) {
    %c0_i32 = arith.constant 0 : i32
    %c0_i32_0 = arith.constant 0 : i32
    %c0_i32_1 = arith.constant 0 : i32
    return %c0_i32, %c0_i32_0 : i32, i32
  }
  func.func @transform_8(%arg0: i32) -> (i32, i32, i32) {
    %c0_i32 = arith.constant 0 : i32
    %c0_i32_0 = arith.constant 0 : i32
    %c0_i32_1 = arith.constant 0 : i32
    return %c0_i32, %arg0, %c0_i32_0 : i32, i32, i32
  }
}

module attributes {stable_mosaic.version = 14 : i64} {
  func.func @_pool_body(%arg0: i32, %arg1: memref<2x1000x128xf32, #tpu.memory_space<vmem>>, %arg2: memref<1x1x1000xi32, #tpu.memory_space<vmem>>, %arg3: memref<1x1x1000xi32, #tpu.memory_space<vmem>>, %arg4: memref<128x128xf32, #tpu.memory_space<vmem>>, %arg5: memref<1x128xf32, #tpu.memory_space<vmem>>, %arg6: memref<1x128xf32, #tpu.memory_space<vmem>>, %arg7: memref<1x1xf32, #tpu.memory_space<vmem>>, %arg8: memref<16x128xf32, #tpu.memory_space<vmem>>, %arg9: memref<16x128xf32, #tpu.memory_space<vmem>>, %arg10: memref<16x128xf32, #tpu.memory_space<vmem>>, %arg11: memref<16x1xf32, #tpu.memory_space<vmem>>, %arg12: memref<2x16x128xf32, #tpu.memory_space<vmem>>, %arg13: memref<2x16x128xf32, #tpu.memory_space<vmem>>) attributes {dimension_semantics = [#tpu.dimension_semantics<arbitrary>], iteration_bounds = array<i64: 10>, scalar_prefetch = 0 : i64, scratch_operands = 2 : i64, tpu.core_type = #tpu.core_type<tc>, window_params = [{transform_indices = @transform_0, window_bounds = array<i64: 2, 1000, 128>}, {transform_indices = @transform_1, window_bounds = array<i64: 1, 1, 1000>}, {transform_indices = @transform_2, window_bounds = array<i64: 1, 1, 1000>}, {pipeline_mode = #tpu.pipeline_mode<synchronous>, transform_indices = @transform_3, window_bounds = array<i64: 128, 128>}, {pipeline_mode = #tpu.pipeline_mode<synchronous>, transform_indices = @transform_4, window_bounds = array<i64: 1, 128>}, {pipeline_mode = #tpu.pipeline_mode<synchronous>, transform_indices = @transform_5, window_bounds = array<i64: 1, 128>}, {pipeline_mode = #tpu.pipeline_mode<synchronous>, transform_indices = @transform_6, window_bounds = array<i64: 1, 1>}, {pipeline_mode = #tpu.pipeline_mode<synchronous>, transform_indices = @transform_7, window_bounds = array<i64: 16, 128>}, {pipeline_mode = #tpu.pipeline_mode<synchronous>, transform_indices = @transform_8, window_bounds = array<i64: 16, 128>}, {pipeline_mode = #tpu.pipeline_mode<synchronous>, transform_indices = @transform_9, window_bounds = array<i64: 16, 128>}, {pipeline_mode = #tpu.pipeline_mode<synchronous>, transform_indices = @transform_10, window_bounds = array<i64: 16, 1>}]} {
    %eq3A = arith.constant 0 : i32
    %eq3A_0 = arith.cmpi eq, %arg0, %eq3A : i32
    %convert_element_type3A = arith.extui %eq3A_0 : i1 to i32
    %cond3A = arith.constant 0 : i32
    %cond3A_1 = arith.cmpi ne, %convert_element_type3A, %cond3A : i32
    scf.if %cond3A_1 {
      %broadcast_in_dim3A_94 = arith.constant 0.000000e+00 : f32
      %broadcast_in_dim3A_95 = vector.broadcast %broadcast_in_dim3A_94 : f32 to vector<2x16x128xf32>
      %swap3A_96 = arith.constant 0 : index
      %swap3A_97 = arith.constant 0 : index
      %swap3A_98 = arith.constant 0 : index
      %swap3A_99 = vector.load %arg12[%swap3A_96, %swap3A_97, %swap3A_98] : memref<2x16x128xf32, #tpu.memory_space<vmem>>, vector<2x16x128xf32>
      tpu.vector_store %arg12[%swap3A_96, %swap3A_97, %swap3A_98], %broadcast_in_dim3A_95 {strides = array<i32>} : memref<2x16x128xf32, #tpu.memory_space<vmem>>, vector<2x16x128xf32>,
      %broadcast_in_dim3A_100 = arith.constant 0.000000e+00 : f32
      %broadcast_in_dim3A_101 = vector.broadcast %broadcast_in_dim3A_100 : f32 to vector<2x16x128xf32>
      %swap3A_102 = arith.constant 0 : index
      %swap3A_103 = arith.constant 0 : index
      %swap3A_104 = arith.constant 0 : index
      %swap3A_105 = vector.load %arg13[%swap3A_102, %swap3A_103, %swap3A_104] : memref<2x16x128xf32, #tpu.memory_space<vmem>>, vector<2x16x128xf32>
      tpu.vector_store %arg13[%swap3A_102, %swap3A_103, %swap3A_104], %broadcast_in_dim3A_101 {strides = array<i32>} : memref<2x16x128xf32, #tpu.memory_space<vmem>>, vector<2x16x128xf32>,
    } else {
    }
    %get3A = arith.constant 0 : index
    %get3A_2 = arith.constant 0 : index
    %get3A_3 = arith.constant 0 : index
    %get3A_4 = vector.load %arg2[%get3A, %get3A_2, %get3A_3] : memref<1x1x1000xi32, #tpu.memory_space<vmem>>, vector<1x1x1000xi32>
    %get3A_5 = vector.shape_cast %get3A_4 : vector<1x1x1000xi32> to vector<1000xi32>
    %broadcast_in_dim3A = vector.shape_cast %get3A_5 : vector<1000xi32> to vector<1000x1xi32>
    %iota3A = tpu.iota {dimensions = array<i32: 1>} : vector<1000x16xi32>
    %eq3A_6 = vector.broadcast %broadcast_in_dim3A : vector<1000x1xi32> to vector<1000x16xi32>
    %eq3A_7 = arith.cmpi eq, %eq3A_6, %iota3A : vector<1000x16xi32>
    %convert_element_type3A_8 = arith.extui %eq3A_7 : vector<1000x16xi1> to vector<1000x16xi32>
    %convert_element_type3A_9 = arith.sitofp %convert_element_type3A_8 : vector<1000x16xi32> to vector<1000x16xf32>
    %get3A_10 = arith.constant 0 : index
    %get3A_11 = arith.constant 0 : index
    %get3A_12 = arith.constant 0 : index
    %get3A_13 = vector.load %arg12[%get3A_10, %get3A_11, %get3A_12] : memref<2x16x128xf32, #tpu.memory_space<vmem>>, vector<1x16x128xf32>
    %get3A_14 = vector.shape_cast %get3A_13 : vector<1x16x128xf32> to vector<16x128xf32>
    %get3A_15 = arith.constant 0 : index
    %get3A_16 = arith.constant 0 : index
    %get3A_17 = arith.constant 0 : index
    %get3A_18 = vector.load %arg1[%get3A_15, %get3A_16, %get3A_17] : memref<2x1000x128xf32, #tpu.memory_space<vmem>>, vector<1x1000x128xf32>
    %get3A_19 = vector.shape_cast %get3A_18 : vector<1x1000x128xf32> to vector<1000x128xf32>
    %dot_general3A = arith.constant dense<0.000000e+00> : vector<16x128xf32>
    %dot_general3A_20 = tpu.matmul %convert_element_type3A_9, %get3A_19, %dot_general3A {dimension_numbers = #tpu.dot_dimension_numbers<[0], [0], [1], [1], [0, 1, 1, 1], [], []>, transpose_lhs_hint = false} : vector<1000x16xf32>, vector<1000x128xf32>, vector<16x128xf32> -> vector<16x128xf32>
    %add3A = arith.addf %get3A_14, %dot_general3A_20 : vector<16x128xf32>
    %swap3A = arith.constant 0 : index
    %swap3A_21 = arith.constant 0 : index
    %swap3A_22 = arith.constant 0 : index
    %swap3A_23 = vector.load %arg12[%swap3A, %swap3A_21, %swap3A_22] : memref<2x16x128xf32, #tpu.memory_space<vmem>>, vector<1x16x128xf32>
    %swap3A_24 = vector.shape_cast %swap3A_23 : vector<1x16x128xf32> to vector<16x128xf32>
    %swap3A_25 = vector.shape_cast %add3A : vector<16x128xf32> to vector<1x16x128xf32>
    tpu.vector_store %arg12[%swap3A, %swap3A_21, %swap3A_22], %swap3A_25 {strides = array<i32>} : memref<2x16x128xf32, #tpu.memory_space<vmem>>, vector<1x16x128xf32>,
    %reduce_sum3A = arith.constant dense<0.000000e+00> : vector<16xf32>
    %reduce_sum3A_26 = vector.multi_reduction <add>, %convert_element_type3A_9, %reduce_sum3A [0] : vector<1000x16xf32> to vector<16xf32>
    %get3A_27 = arith.constant 0 : index
    %get3A_28 = arith.constant 0 : index
    %get3A_29 = arith.constant 0 : index
    %get3A_30 = vector.load %arg13[%get3A_27, %get3A_28, %get3A_29] : memref<2x16x128xf32, #tpu.memory_space<vmem>>, vector<1x16x128xf32>
    %get3A_31 = vector.shape_cast %get3A_30 : vector<1x16x128xf32> to vector<16x128xf32>
    %broadcast_in_dim3A_32 = vector.shape_cast %reduce_sum3A_26 : vector<16xf32> to vector<16x1xf32>
    %broadcast_in_dim3A_33 = vector.shape_cast %broadcast_in_dim3A_32 : vector<16x1xf32> to vector<16x1xf32>
    %broadcast_in_dim3A_34 = vector.broadcast %broadcast_in_dim3A_33 : vector<16x1xf32> to vector<16x128xf32>
    %add3A_35 = arith.addf %get3A_31, %broadcast_in_dim3A_34 : vector<16x128xf32>
    %swap3A_36 = arith.constant 0 : index
    %swap3A_37 = arith.constant 0 : index
    %swap3A_38 = arith.constant 0 : index
    %swap3A_39 = vector.load %arg13[%swap3A_36, %swap3A_37, %swap3A_38] : memref<2x16x128xf32, #tpu.memory_space<vmem>>, vector<1x16x128xf32>
    %swap3A_40 = vector.shape_cast %swap3A_39 : vector<1x16x128xf32> to vector<16x128xf32>
    %swap3A_41 = vector.shape_cast %add3A_35 : vector<16x128xf32> to vector<1x16x128xf32>
    tpu.vector_store %arg13[%swap3A_36, %swap3A_37, %swap3A_38], %swap3A_41 {strides = array<i32>} : memref<2x16x128xf32, #tpu.memory_space<vmem>>, vector<1x16x128xf32>,
    %get3A_42 = arith.constant 0 : index
    %get3A_43 = arith.constant 0 : index
    %get3A_44 = arith.constant 0 : index
    %get3A_45 = vector.load %arg3[%get3A_42, %get3A_43, %get3A_44] : memref<1x1x1000xi32, #tpu.memory_space<vmem>>, vector<1x1x1000xi32>
    %get3A_46 = vector.shape_cast %get3A_45 : vector<1x1x1000xi32> to vector<1000xi32>
    %broadcast_in_dim3A_47 = vector.shape_cast %get3A_46 : vector<1000xi32> to vector<1000x1xi32>
    %iota3A_48 = tpu.iota {dimensions = array<i32: 1>} : vector<1000x16xi32>
    %eq3A_49 = vector.broadcast %broadcast_in_dim3A_47 : vector<1000x1xi32> to vector<1000x16xi32>
    %eq3A_50 = arith.cmpi eq, %eq3A_49, %iota3A_48 : vector<1000x16xi32>
    %convert_element_type3A_51 = arith.extui %eq3A_50 : vector<1000x16xi1> to vector<1000x16xi32>
    %convert_element_type3A_52 = arith.sitofp %convert_element_type3A_51 : vector<1000x16xi32> to vector<1000x16xf32>
    %get3A_53 = arith.constant 1 : index
    %get3A_54 = arith.constant 0 : index
    %get3A_55 = arith.constant 0 : index
    %get3A_56 = vector.load %arg12[%get3A_53, %get3A_54, %get3A_55] : memref<2x16x128xf32, #tpu.memory_space<vmem>>, vector<1x16x128xf32>
    %get3A_57 = vector.shape_cast %get3A_56 : vector<1x16x128xf32> to vector<16x128xf32>
    %get3A_58 = arith.constant 1 : index
    %get3A_59 = arith.constant 0 : index
    %get3A_60 = arith.constant 0 : index
    %get3A_61 = vector.load %arg1[%get3A_58, %get3A_59, %get3A_60] : memref<2x1000x128xf32, #tpu.memory_space<vmem>>, vector<1x1000x128xf32>
    %get3A_62 = vector.shape_cast %get3A_61 : vector<1x1000x128xf32> to vector<1000x128xf32>
    %dot_general3A_63 = arith.constant dense<0.000000e+00> : vector<16x128xf32>
    %dot_general3A_64 = tpu.matmul %convert_element_type3A_52, %get3A_62, %dot_general3A_63 {dimension_numbers = #tpu.dot_dimension_numbers<[0], [0], [1], [1], [0, 1, 1, 1], [], []>, transpose_lhs_hint = false} : vector<1000x16xf32>, vector<1000x128xf32>, vector<16x128xf32> -> vector<16x128xf32>
    %add3A_65 = arith.addf %get3A_57, %dot_general3A_64 : vector<16x128xf32>
    %swap3A_66 = arith.constant 1 : index
    %swap3A_67 = arith.constant 0 : index
    %swap3A_68 = arith.constant 0 : index
    %swap3A_69 = vector.load %arg12[%swap3A_66, %swap3A_67, %swap3A_68] : memref<2x16x128xf32, #tpu.memory_space<vmem>>, vector<1x16x128xf32>
    %swap3A_70 = vector.shape_cast %swap3A_69 : vector<1x16x128xf32> to vector<16x128xf32>
    %swap3A_71 = vector.shape_cast %add3A_65 : vector<16x128xf32> to vector<1x16x128xf32>
    tpu.vector_store %arg12[%swap3A_66, %swap3A_67, %swap3A_68], %swap3A_71 {strides = array<i32>} : memref<2x16x128xf32, #tpu.memory_space<vmem>>, vector<1x16x128xf32>,
    %reduce_sum3A_72 = arith.constant dense<0.000000e+00> : vector<16xf32>
    %reduce_sum3A_73 = vector.multi_reduction <add>, %convert_element_type3A_52, %reduce_sum3A_72 [0] : vector<1000x16xf32> to vector<16xf32>
    %get3A_74 = arith.constant 1 : index
    %get3A_75 = arith.constant 0 : index
    %get3A_76 = arith.constant 0 : index
    %get3A_77 = vector.load %arg13[%get3A_74, %get3A_75, %get3A_76] : memref<2x16x128xf32, #tpu.memory_space<vmem>>, vector<1x16x128xf32>
    %get3A_78 = vector.shape_cast %get3A_77 : vector<1x16x128xf32> to vector<16x128xf32>
    %broadcast_in_dim3A_79 = vector.shape_cast %reduce_sum3A_73 : vector<16xf32> to vector<16x1xf32>
    %broadcast_in_dim3A_80 = vector.shape_cast %broadcast_in_dim3A_79 : vector<16x1xf32> to vector<16x1xf32>
    %broadcast_in_dim3A_81 = vector.broadcast %broadcast_in_dim3A_80 : vector<16x1xf32> to vector<16x128xf32>
    %add3A_82 = arith.addf %get3A_78, %broadcast_in_dim3A_81 : vector<16x128xf32>
    %swap3A_83 = arith.constant 1 : index
    %swap3A_84 = arith.constant 0 : index
    %swap3A_85 = arith.constant 0 : index
    %swap3A_86 = vector.load %arg13[%swap3A_83, %swap3A_84, %swap3A_85] : memref<2x16x128xf32, #tpu.memory_space<vmem>>, vector<1x16x128xf32>
    %swap3A_87 = vector.shape_cast %swap3A_86 : vector<1x16x128xf32> to vector<16x128xf32>
    %swap3A_88 = vector.shape_cast %add3A_82 : vector<16x128xf32> to vector<1x16x128xf32>
    tpu.vector_store %arg13[%swap3A_83, %swap3A_84, %swap3A_85], %swap3A_88 {strides = array<i32>} : memref<2x16x128xf32, #tpu.memory_space<vmem>>, vector<1x16x128xf32>,
    %eq3A_89 = arith.constant 9 : i32
    %eq3A_90 = arith.cmpi eq, %arg0, %eq3A_89 : i32
    %convert_element_type3A_91 = arith.extui %eq3A_90 : i1 to i32
    %cond3A_92 = arith.constant 0 : i32
    %cond3A_93 = arith.cmpi ne, %convert_element_type3A_91, %cond3A_92 : i32
    scf.if %cond3A_93 {
      %get3A_94 = arith.constant 0 : index
      %get3A_95 = arith.constant 0 : index
      %get3A_96 = arith.constant 0 : index
      %get3A_97 = vector.load %arg12[%get3A_94, %get3A_95, %get3A_96] : memref<2x16x128xf32, #tpu.memory_space<vmem>>, vector<1x16x128xf32>
      %get3A_98 = vector.shape_cast %get3A_97 : vector<1x16x128xf32> to vector<16x128xf32>
      %get3A_99 = arith.constant 0 : index
      %get3A_100 = arith.constant 0 : index
      %get3A_101 = arith.constant 0 : index
      %get3A_102 = vector.load %arg13[%get3A_99, %get3A_100, %get3A_101] : memref<2x16x128xf32, #tpu.memory_space<vmem>>, vector<1x16x128xf32>
      %get3A_103 = vector.shape_cast %get3A_102 : vector<1x16x128xf32> to vector<16x128xf32>
      %max3A = arith.constant 1.000000e+00 : f32
      %max3A_104 = vector.broadcast %max3A : f32 to vector<16x128xf32>
      %max3A_105 = arith.maximumf %get3A_103, %max3A_104 : vector<16x128xf32>
      %div3A = arith.divf %get3A_98, %max3A_105 : vector<16x128xf32>
      %get3A_106 = arith.constant 1 : index
      %get3A_107 = arith.constant 0 : index
      %get3A_108 = arith.constant 0 : index
      %get3A_109 = vector.load %arg12[%get3A_106, %get3A_107, %get3A_108] : memref<2x16x128xf32, #tpu.memory_space<vmem>>, vector<1x16x128xf32>
      %get3A_110 = vector.shape_cast %get3A_109 : vector<1x16x128xf32> to vector<16x128xf32>
      %get3A_111 = arith.constant 1 : index
      %get3A_112 = arith.constant 0 : index
      %get3A_113 = arith.constant 0 : index
      %get3A_114 = vector.load %arg13[%get3A_111, %get3A_112, %get3A_113] : memref<2x16x128xf32, #tpu.memory_space<vmem>>, vector<1x16x128xf32>
      %get3A_115 = vector.shape_cast %get3A_114 : vector<1x16x128xf32> to vector<16x128xf32>
      %max3A_116 = arith.constant 1.000000e+00 : f32
      %max3A_117 = vector.broadcast %max3A_116 : f32 to vector<16x128xf32>
      %max3A_118 = arith.maximumf %get3A_115, %max3A_117 : vector<16x128xf32>
      %div3A_119 = arith.divf %get3A_110, %max3A_118 : vector<16x128xf32>
      %swap3A_120 = arith.constant 0 : index
      %swap3A_121 = arith.constant 0 : index
      %swap3A_122 = vector.load %arg8[%swap3A_120, %swap3A_121] : memref<16x128xf32, #tpu.memory_space<vmem>>, vector<16x128xf32>
      tpu.vector_store %arg8[%swap3A_120, %swap3A_121], %div3A {strides = array<i32>} : memref<16x128xf32, #tpu.memory_space<vmem>>, vector<16x128xf32>,
      %swap3A_123 = arith.constant 0 : index
      %swap3A_124 = arith.constant 0 : index
      %swap3A_125 = vector.load %arg9[%swap3A_123, %swap3A_124] : memref<16x128xf32, #tpu.memory_space<vmem>>, vector<16x128xf32>
      tpu.vector_store %arg9[%swap3A_123, %swap3A_124], %div3A_119 {strides = array<i32>} : memref<16x128xf32, #tpu.memory_space<vmem>>, vector<16x128xf32>,
      %add3A_126 = arith.addf %div3A, %div3A_119 : vector<16x128xf32>
      %mul3A = arith.constant 5.000000e-01 : f32
      %mul3A_127 = vector.broadcast %mul3A : f32 to vector<16x128xf32>
      %mul3A_128 = arith.mulf %add3A_126, %mul3A_127 : vector<16x128xf32>
      %swap3A_129 = arith.constant 0 : index
      %swap3A_130 = arith.constant 0 : index
      %swap3A_131 = vector.load %arg10[%swap3A_129, %swap3A_130] : memref<16x128xf32, #tpu.memory_space<vmem>>, vector<16x128xf32>
      tpu.vector_store %arg10[%swap3A_129, %swap3A_130], %mul3A_128 {strides = array<i32>} : memref<16x128xf32, #tpu.memory_space<vmem>>, vector<16x128xf32>,
      %get3A_132 = arith.constant 0 : index
      %get3A_133 = arith.constant 0 : index
      %get3A_134 = vector.load %arg4[%get3A_132, %get3A_133] : memref<128x128xf32, #tpu.memory_space<vmem>>, vector<128x128xf32>
      %dot_general3A_135 = arith.constant dense<0.000000e+00> : vector<16x128xf32>
      %dot_general3A_136 = tpu.matmul %mul3A_128, %get3A_134, %dot_general3A_135 {dimension_numbers = #tpu.dot_dimension_numbers<[1], [0], [0], [1], [0, 0, 1, 1], [], []>, transpose_lhs_hint = false} : vector<16x128xf32>, vector<128x128xf32>, vector<16x128xf32> -> vector<16x128xf32>
      %get3A_137 = arith.constant 0 : index
      %get3A_138 = arith.constant 0 : index
      %get3A_139 = vector.load %arg5[%get3A_137, %get3A_138] : memref<1x128xf32, #tpu.memory_space<vmem>>, vector<1x128xf32>
      %add3A_140 = vector.broadcast %get3A_139 : vector<1x128xf32> to vector<16x128xf32>
      %add3A_141 = arith.addf %dot_general3A_136, %add3A_140 : vector<16x128xf32>
      %max3A_142 = arith.constant 0.000000e+00 : f32
      %max3A_143 = vector.broadcast %max3A_142 : f32 to vector<16x128xf32>
      %max3A_144 = arith.maximumf %add3A_141, %max3A_143 : vector<16x128xf32>
      %get3A_145 = arith.constant 0 : index
      %get3A_146 = arith.constant 0 : index
      %get3A_147 = vector.load %arg6[%get3A_145, %get3A_146] : memref<1x128xf32, #tpu.memory_space<vmem>>, vector<1x128xf32>
      %mul3A_148 = vector.broadcast %get3A_147 : vector<1x128xf32> to vector<16x128xf32>
      %mul3A_149 = arith.mulf %max3A_144, %mul3A_148 : vector<16x128xf32>
      %reduce_sum3A_150 = arith.constant dense<0.000000e+00> : vector<16xf32>
      %reduce_sum3A_151 = vector.multi_reduction <add>, %mul3A_149, %reduce_sum3A_150 [1] : vector<16x128xf32> to vector<16xf32>
      %broadcast_in_dim3A_152 = vector.shape_cast %reduce_sum3A_151 : vector<16xf32> to vector<16x1xf32>
      %get3A_153 = arith.constant 0 : index
      %get3A_154 = arith.constant 0 : index
      %get3A_155 = vector.load %arg7[%get3A_153, %get3A_154] : memref<1x1xf32, #tpu.memory_space<vmem>>, vector<1x1xf32>
      %add3A_156 = vector.broadcast %get3A_155 : vector<1x1xf32> to vector<16x1xf32>
      %add3A_157 = arith.addf %broadcast_in_dim3A_152, %add3A_156 : vector<16x1xf32>
      %swap3A_158 = arith.constant 0 : index
      %swap3A_159 = arith.constant 0 : index
      %swap3A_160 = vector.load %arg11[%swap3A_158, %swap3A_159] : memref<16x1xf32, #tpu.memory_space<vmem>>, vector<16x1xf32>
      tpu.vector_store %arg11[%swap3A_158, %swap3A_159], %add3A_157 {strides = array<i32>} : memref<16x1xf32, #tpu.memory_space<vmem>>, vector<16x1xf32>,
    } else {
    }
    return
  }
  func.func @transform_0(%arg0: i32) -> (i32, i32, i32) {
    %c0_i32 = arith.constant 0 : i32
    %c0_i32_0 = arith.constant 0 : i32
    %c0_i32_1 = arith.constant 0 : i32
    return %c0_i32, %arg0, %c0_i32_0 : i32, i32, i32
  }
  func.func @transform_1(%arg0: i32) -> (i32, i32, i32) {
    %c0_i32 = arith.constant 0 : i32
    %c0_i32_0 = arith.constant 0 : i32
    %c0_i32_1 = arith.constant 0 : i32
    return %arg0, %c0_i32, %c0_i32_0 : i32, i32, i32
  }
  func.func @transform_2(%arg0: i32) -> (i32, i32, i32) {
    %c0_i32 = arith.constant 0 : i32
    %c0_i32_0 = arith.constant 0 : i32
    %c0_i32_1 = arith.constant 0 : i32
    return %arg0, %c0_i32, %c0_i32_0 : i32, i32, i32
  }
  func.func @transform_3(%arg0: i32) -> (i32, i32) {
    %c0_i32 = arith.constant 0 : i32
    %c0_i32_0 = arith.constant 0 : i32
    %c0_i32_1 = arith.constant 0 : i32
    return %c0_i32, %c0_i32_0 : i32, i32
  }
  func.func @transform_4(%arg0: i32) -> (i32, i32) {
    %c0_i32 = arith.constant 0 : i32
    %c0_i32_0 = arith.constant 0 : i32
    %c0_i32_1 = arith.constant 0 : i32
    return %c0_i32, %c0_i32_0 : i32, i32
  }
  func.func @transform_5(%arg0: i32) -> (i32, i32) {
    %c0_i32 = arith.constant 0 : i32
    %c0_i32_0 = arith.constant 0 : i32
    %c0_i32_1 = arith.constant 0 : i32
    return %c0_i32, %c0_i32_0 : i32, i32
  }
  func.func @transform_6(%arg0: i32) -> (i32, i32) {
    %c0_i32 = arith.constant 0 : i32
    %c0_i32_0 = arith.constant 0 : i32
    %c0_i32_1 = arith.constant 0 : i32
    return %c0_i32, %c0_i32_0 : i32, i32
  }
  func.func @transform_7(%arg0: i32) -> (i32, i32) {
    %c0_i32 = arith.constant 0 : i32
    %c0_i32_0 = arith.constant 0 : i32
    %c0_i32_1 = arith.constant 0 : i32
    return %c0_i32, %c0_i32_0 : i32, i32
  }
  func.func @transform_8(%arg0: i32) -> (i32, i32) {
    %c0_i32 = arith.constant 0 : i32
    %c0_i32_0 = arith.constant 0 : i32
    %c0_i32_1 = arith.constant 0 : i32
    return %c0_i32, %c0_i32_0 : i32, i32
  }
  func.func @transform_9(%arg0: i32) -> (i32, i32) {
    %c0_i32 = arith.constant 0 : i32
    %c0_i32_0 = arith.constant 0 : i32
    %c0_i32_1 = arith.constant 0 : i32
    return %c0_i32, %c0_i32_0 : i32, i32
  }
  func.func @transform_10(%arg0: i32) -> (i32, i32) {
    %c0_i32 = arith.constant 0 : i32
    %c0_i32_0 = arith.constant 0 : i32
    %c0_i32_1 = arith.constant 0 : i32
    return %c0_i32, %c0_i32_0 : i32, i32
  }
}

module attributes {stable_mosaic.version = 14 : i64} {
  func.func @_recon_body(%arg0: i32, %arg1: memref<2x1000x128xf32, #tpu.memory_space<vmem>>, %arg2: memref<2x128x128xf32, #tpu.memory_space<vmem>>, %arg3: memref<2x128xf32, #tpu.memory_space<vmem>>, %arg4: memref<1000x128xf32, #tpu.memory_space<vmem>>, %arg5: memref<1000x128xf32, #tpu.memory_space<vmem>>) attributes {dimension_semantics = [#tpu.dimension_semantics<arbitrary>], iteration_bounds = array<i64: 10>, scalar_prefetch = 0 : i64, scratch_operands = 0 : i64, tpu.core_type = #tpu.core_type<tc>, window_params = [{transform_indices = @transform_0, window_bounds = array<i64: 2, 1000, 128>}, {pipeline_mode = #tpu.pipeline_mode<synchronous>, transform_indices = @transform_1, window_bounds = array<i64: 2, 128, 128>}, {pipeline_mode = #tpu.pipeline_mode<synchronous>, transform_indices = @transform_2, window_bounds = array<i64: 2, 128>}, {transform_indices = @transform_3, window_bounds = array<i64: 1000, 128>}, {transform_indices = @transform_4, window_bounds = array<i64: 1000, 128>}]} {
    %get3A = arith.constant 0 : index
    %get3A_0 = arith.constant 0 : index
    %get3A_1 = arith.constant 0 : index
    %get3A_2 = vector.load %arg1[%get3A, %get3A_0, %get3A_1] : memref<2x1000x128xf32, #tpu.memory_space<vmem>>, vector<1x1000x128xf32>
    %get3A_3 = vector.shape_cast %get3A_2 : vector<1x1000x128xf32> to vector<1000x128xf32>
    %get3A_4 = arith.constant 0 : index
    %get3A_5 = arith.constant 0 : index
    %get3A_6 = arith.constant 0 : index
    %get3A_7 = vector.load %arg2[%get3A_4, %get3A_5, %get3A_6] : memref<2x128x128xf32, #tpu.memory_space<vmem>>, vector<1x128x128xf32>
    %get3A_8 = vector.shape_cast %get3A_7 : vector<1x128x128xf32> to vector<128x128xf32>
    %dot_general3A = arith.constant dense<0.000000e+00> : vector<1000x128xf32>
    %dot_general3A_9 = tpu.matmul %get3A_3, %get3A_8, %dot_general3A {dimension_numbers = #tpu.dot_dimension_numbers<[1], [0], [0], [1], [0, 0, 1, 1], [], []>, transpose_lhs_hint = false} : vector<1000x128xf32>, vector<128x128xf32>, vector<1000x128xf32> -> vector<1000x128xf32>
    %get3A_10 = arith.constant 0 : index
    %get3A_11 = arith.constant 0 : index
    %get3A_12 = vector.load %arg3[%get3A_10, %get3A_11] : memref<2x128xf32, #tpu.memory_space<vmem>>, vector<1x128xf32>
    %get3A_13 = vector.shape_cast %get3A_12 : vector<1x128xf32> to vector<128xf32>
    %broadcast_in_dim3A = vector.shape_cast %get3A_13 : vector<128xf32> to vector<1x128xf32>
    %add3A = vector.broadcast %broadcast_in_dim3A : vector<1x128xf32> to vector<1000x128xf32>
    %add3A_14 = arith.addf %dot_general3A_9, %add3A : vector<1000x128xf32>
    %swap3A = arith.constant 0 : index
    %swap3A_15 = arith.constant 0 : index
    %swap3A_16 = vector.load %arg4[%swap3A, %swap3A_15] : memref<1000x128xf32, #tpu.memory_space<vmem>>, vector<1000x128xf32>
    tpu.vector_store %arg4[%swap3A, %swap3A_15], %add3A_14 {strides = array<i32>} : memref<1000x128xf32, #tpu.memory_space<vmem>>, vector<1000x128xf32>,
    %get3A_17 = arith.constant 1 : index
    %get3A_18 = arith.constant 0 : index
    %get3A_19 = arith.constant 0 : index
    %get3A_20 = vector.load %arg1[%get3A_17, %get3A_18, %get3A_19] : memref<2x1000x128xf32, #tpu.memory_space<vmem>>, vector<1x1000x128xf32>
    %get3A_21 = vector.shape_cast %get3A_20 : vector<1x1000x128xf32> to vector<1000x128xf32>
    %get3A_22 = arith.constant 1 : index
    %get3A_23 = arith.constant 0 : index
    %get3A_24 = arith.constant 0 : index
    %get3A_25 = vector.load %arg2[%get3A_22, %get3A_23, %get3A_24] : memref<2x128x128xf32, #tpu.memory_space<vmem>>, vector<1x128x128xf32>
    %get3A_26 = vector.shape_cast %get3A_25 : vector<1x128x128xf32> to vector<128x128xf32>
    %dot_general3A_27 = arith.constant dense<0.000000e+00> : vector<1000x128xf32>
    %dot_general3A_28 = tpu.matmul %get3A_21, %get3A_26, %dot_general3A_27 {dimension_numbers = #tpu.dot_dimension_numbers<[1], [0], [0], [1], [0, 0, 1, 1], [], []>, transpose_lhs_hint = false} : vector<1000x128xf32>, vector<128x128xf32>, vector<1000x128xf32> -> vector<1000x128xf32>
    %get3A_29 = arith.constant 1 : index
    %get3A_30 = arith.constant 0 : index
    %get3A_31 = vector.load %arg3[%get3A_29, %get3A_30] : memref<2x128xf32, #tpu.memory_space<vmem>>, vector<1x128xf32>
    %get3A_32 = vector.shape_cast %get3A_31 : vector<1x128xf32> to vector<128xf32>
    %broadcast_in_dim3A_33 = vector.shape_cast %get3A_32 : vector<128xf32> to vector<1x128xf32>
    %add3A_34 = vector.broadcast %broadcast_in_dim3A_33 : vector<1x128xf32> to vector<1000x128xf32>
    %add3A_35 = arith.addf %dot_general3A_28, %add3A_34 : vector<1000x128xf32>
    %swap3A_36 = arith.constant 0 : index
    %swap3A_37 = arith.constant 0 : index
    %swap3A_38 = vector.load %arg5[%swap3A_36, %swap3A_37] : memref<1000x128xf32, #tpu.memory_space<vmem>>, vector<1000x128xf32>
    tpu.vector_store %arg5[%swap3A_36, %swap3A_37], %add3A_35 {strides = array<i32>} : memref<1000x128xf32, #tpu.memory_space<vmem>>, vector<1000x128xf32>,
    return
  }
  func.func @transform_0(%arg0: i32) -> (i32, i32, i32) {
    %c0_i32 = arith.constant 0 : i32
    %c0_i32_0 = arith.constant 0 : i32
    %c0_i32_1 = arith.constant 0 : i32
    return %c0_i32, %arg0, %c0_i32_0 : i32, i32, i32
  }
  func.func @transform_1(%arg0: i32) -> (i32, i32, i32) {
    %c0_i32 = arith.constant 0 : i32
    %c0_i32_0 = arith.constant 0 : i32
    %c0_i32_1 = arith.constant 0 : i32
    %c0_i32_2 = arith.constant 0 : i32
    return %c0_i32, %c0_i32_0, %c0_i32_1 : i32, i32, i32
  }
  func.func @transform_2(%arg0: i32) -> (i32, i32) {
    %c0_i32 = arith.constant 0 : i32
    %c0_i32_0 = arith.constant 0 : i32
    %c0_i32_1 = arith.constant 0 : i32
    return %c0_i32, %c0_i32_0 : i32, i32
  }
  func.func @transform_3(%arg0: i32) -> (i32, i32) {
    %c0_i32 = arith.constant 0 : i32
    %c0_i32_0 = arith.constant 0 : i32
    return %arg0, %c0_i32 : i32, i32
  }
  func.func @transform_4(%arg0: i32) -> (i32, i32) {
    %c0_i32 = arith.constant 0 : i32
    %c0_i32_0 = arith.constant 0 : i32
    return %arg0, %c0_i32 : i32, i32
  }
}

</mosaic_0001>

<sc_bundles>
// kernel: kernel.12.cloned.1.call-start
scs
__scs_entry_jumppad:
0x0: {  	(pc) =	sbr.rel $0x88, $3  }
0x1: {  	(tag) =	ssettag $0x0;
	lr =	simm.s32 $0x1  }
0x2: {  	[smem:$0x3F8A] =	sst lr;
	_ =	strace $0xD0000000  }
0x3: {  	_ = 	snop  }
0x4: {  	_ = 	snop  }
0x5: {  	_ = 	snop  }
0x6: {  	_ = 	snop  }
0x7: {  	_ = 	snop  }
__scs_overlays_trampoline_lowered:
0x8: {  	[smem:$0x3F99] =	sst s0  }
0x9: {  	[smem:$0x3F9A] =	sst s1  }
0xa: {  	[smem:$0x3F9B] =	sst s2  }
0xb: {  	[smem:$0x3F9C] =	sst s3  }
0xc: {  	[smem:$0x3F9D] =	sst s4  }
0xd: {  	[smem:$0x3F9E] =	sst s5  }
0xe: {  	[smem:$0x3F9F] =	sst s6  }
0xf: {  	[smem:$0x3FA0] =	sst s7  }
0x10: {  	[smem:$0x3FA1] =	sst s8  }
0x11: {  	[smem:$0x3FA2] =	sst s9;
	s0 =	simm.s32 @!p0 $0x0  }
0x12: {  	s1 =	sld [smem:$0x3F88];
	s0 =	simm.s32 @p0 $0x1  }
0x13: {  	[smem:$0x3FA3] =	sst s0;
	s0 =	simm.s32 @!p1 $0x0  }
0x14: {  	s2 =	sld [smem:$0x3F87];
	s0 =	simm.s32 @p1 $0x1  }
0x15: {  	[smem:$0x3FA4] =	sst s0;
	s0 =	simm.s32 @!p2 $0x0  }
0x16: {  	s3 =	sld [smem:$0x3FDB];
	s0 =	simm.s32 @p2 $0x1  }
0x17: {  	s4 =	simm.s32 $0x1BF5;
	[smem:$0x3FA6] =	sst s0  }
0x18: {  	s0 =	sld [smem:$0x3F89];
	_ =	swait.ge [sflag:s4], $0x0  }
0x19: {  	s7 =	sld [smem:$0x3F8A]  }
0x1a: {  	s8 =	sadd.s32 $0xFFFFE003, lr  }
0x1b: {  	s9 =	sadd.s32 $0xFFFFFEF7, lr;
	s5 =	simm.s32 $0xFFFFFFFF;
	p2 =	slt.u32 s8, $0xFFFFF086  }
0x1c: {  	p1 =	slt.u32 s9, $0xF7A;
	s5 =	simm.s32 @!p2 $0x0  }
0x1d: {  	s5 =	simm.s32 @p1 $0x1;
	p0 =	seq.s32 s7, s2  }
0x1e: {  	s7 =	smul.u32 @!p0 $0xF7A, s2;
	p2 =	seq.s32 @!p0 s5, $0x0  }
0x1f: {  	s9 =	smul.u32 $0xF7A, s1;
	s8 =	simm.s32 @!p0 $0x1BF5;
	p2 =	por !p2, p0  }
0x20: {  	[sflag:s8] =	ssyncset.s32 @!p0 $0xFFFFF086;
	s6 =	sadd.s32 @!p0 s3, s7;
	s7 =	simm.s32 @!p0 $0x108  }
0x21: {  	s3 =	sadd.s32 s3, s9;
	s6 =	sadd.s32 @!p0 $0x88, s6;
	s7 =	simm.s32 @p2 $0x1082  }
0x22: {  	[simem:s7], [sflag:s8] =	dma.local @!p0 [hbm:s6], $0xF7A  }
0x23: {  	s9 =	sor.u32 $0xD0000000, s2;
	s6 =	simm.s32 $0x108;
	_ =	swait.ge @!p0 [sflag:s8], $0x0  }
0x24: {  	s3 =	sadd.s32 $0x88, s3;
	s6 =	simm.s32 @!p1 $0x1082;
	[sflag:s4] =	ssyncset.s32 $0xFFFFF086  }
0x25: {  	[simem:s6], [sflag:s4] =	dma.local [hbm:s3], $0xF7A  }
0x26: {  	[smem:$0x3F8A] =	sst s1;
	(tag) =	ssettag s2;
	_ =	strace s9  }
0x27: {  	s1 =	sld [smem:$0x3F9A]  }
0x28: {  	s2 =	sld [smem:$0x3F9B]  }
0x29: {  	s4 =	sld [smem:$0x3F9D]  }
0x2a: {  	p0 =	seq.s32 s5, $0x0;
	s5 =	sld [smem:$0x3F9E]  }
0x2b: {  	s6 =	sld [smem:$0x3F9F]  }
0x2c: {  	s7 =	sld [smem:$0x3FA0]  }
0x2d: {  	s3 =	simm.s32 $0x108;
	s8 =	sld [smem:$0x3FA1]  }
0x2e: {  	s3 =	simm.s32 @!p0 $0x1082;
	s9 =	sld [smem:$0x3FA2]  }
0x2f: {  	lr =	sadd.s32 s0, s3;
	s0 =	sld [smem:$0x3F99]  }
0x30: {  	s3 =	sld [smem:$0x3F9C]  }
0x31: {  	[smem:$0x3FA5] =	sst s10  }
0x32: {  	s10 =	sld [smem:$0x3FA3];
	_ =	sdelay $0x3  }
0x33: {  	p0 =	seq.s32 s10, $0x1;
	s10 =	sld [smem:$0x3FA5];
	_ =	sdelay $0x3  }
0x34: {  	[smem:$0x3FA5] =	sst s10  }
0x35: {  	s10 =	sld [smem:$0x3FA4];
	_ =	sdelay $0x3  }
0x36: {  	p1 =	seq.s32 s10, $0x1;
	s10 =	sld [smem:$0x3FA5];
	_ =	sdelay $0x3  }
0x37: {  	[smem:$0x3FA5] =	sst s10  }
0x38: {  	s10 =	sld [smem:$0x3FA6]  }
0x39: {  	_ = 	snop;
	(pc) =	sbr.ind lr, $3  }
0x3a: {  	_ = 	snop  }
0x3b: {  	_ = 	snop  }
0x3c: {  	p2 =	seq.s32 s10, $0x1;
	s10 =	sld [smem:$0x3FA5]  }
0x3d: {  	_ =	shalt  }
0x3e: {  	_ =	shalt  }
0x3f: {  	_ =	shalt  }
0x40: {  	_ =	shalt  }
0x41: {  	_ =	shalt  }
0x42: {  	_ =	shalt  }
0x43: {  	_ =	shalt  }
0x44: {  	_ =	shalt  }
0x45: {  	_ =	shalt  }
0x46: {  	_ =	shalt  }
0x47: {  	_ =	shalt  }
0x48: {  	_ =	shalt  }
0x49: {  	_ =	shalt  }
0x4a: {  	_ =	shalt  }
0x4b: {  	_ =	shalt  }
0x4c: {  	_ =	shalt  }
0x4d: {  	_ =	shalt  }
0x4e: {  	_ =	shalt  }
0x4f: {  	_ =	shalt  }
0x50: {  	_ =	shalt  }
0x51: {  	_ =	shalt  }
0x52: {  	_ =	shalt  }
0x53: {  	_ =	shalt  }
0x54: {  	_ =	shalt  }
0x55: {  	_ =	shalt  }
0x56: {  	_ =	shalt  }
0x57: {  	_ =	shalt  }
0x58: {  	_ =	shalt  }
0x59: {  	_ =	shalt  }
0x5a: {  	_ =	shalt  }
0x5b: {  	_ =	shalt  }
0x5c: {  	_ =	shalt  }
0x5d: {  	_ =	shalt  }
0x5e: {  	_ =	shalt  }
0x5f: {  	_ =	shalt  }
0x60: {  	_ =	shalt  }
0x61: {  	_ =	shalt  }
0x62: {  	_ =	shalt  }
0x63: {  	_ =	shalt  }
0x64: {  	_ =	shalt  }
0x65: {  	_ =	shalt  }
0x66: {  	_ =	shalt  }
0x67: {  	_ =	shalt  }
0x68: {  	_ =	shalt  }
0x69: {  	_ =	shalt  }
0x6a: {  	_ =	shalt  }
0x6b: {  	_ =	shalt  }
0x6c: {  	_ =	shalt  }
0x6d: {  	_ =	shalt  }
0x6e: {  	_ =	shalt  }
0x6f: {  	_ =	shalt  }
0x70: {  	_ =	shalt  }
0x71: {  	_ =	shalt  }
0x72: {  	_ =	shalt  }
0x73: {  	_ =	shalt  }
0x74: {  	_ =	shalt  }
0x75: {  	_ =	shalt  }
0x76: {  	_ =	shalt  }
0x77: {  	_ =	shalt  }
0x78: {  	_ =	shalt  }
0x79: {  	_ =	shalt  }
0x7a: {  	_ =	shalt  }
0x7b: {  	_ =	shalt  }
0x7c: {  	_ =	shalt  }
0x7d: {  	_ =	shalt  }
0x7e: {  	_ =	shalt  }
0x7f: {  	_ =	shalt  }
0x80: {  	_ =	shalt  }
0x81: {  	_ =	shalt  }
0x82: {  	_ =	shalt  }
0x83: {  	_ =	shalt  }
0x84: {  	_ =	shalt  }
0x85: {  	_ =	shalt  }
0x86: {  	_ =	shalt  }
0x87: {  	_ =	shalt  }
.Lfunc_end0:
.L_simem_size_0:
called_computation_lowered:
.L_overlay_start_0:
0x88: {  	s2 =	sld [smem:$0x3FD9]  }
0x89: {  	s3 =	sld [smem:$0x3FFE];
	_ =	sdelay $0x1  }
0x8a: {  	s1 =	srdreg.scid  }
0x8b: {  	s0 =	sand.u32 $0x1, s1  }
0x8c: {  	s14 =	sshll.u32 s0, $0xA;
	s2 =	sadd.s32 s3, s2  }
0x8d: {  	s2 =	sadd.s32 s2, s14  }
0x8e: {  	[smem:$0x3FB1] =	sst s2  }
0x8f: {  	_ = 	snop  }
0x90: {  	s2 =	sld [smem:$0x3FD0];
	_ =	sdelay $0x2  }
0x91: {  	s15 =	simm.s32 $0xA;
	s4 =	simm.s32 $0x10  }
0x92: {  	[smem:s4], [sflag:s15] =	dma.local [hbm:s2], $0x1  }
0x93: {  	_ =	swait.eq [sflag:s15], $0x1  }
0x94: {  	[sflag:s15] =	ssyncset.done $0x0  }
0x95: {  	s16 =	sld [smem:$0x10];
	[sflag:s15] =	ssyncadd.s32 $0xFFFFFFFF  }
0x96: {  	s17 =	sld [smem:$0x14];
	(tm) =	ssettm $0x1  }
0x97: {  	s18 =	sld [smem:$0x3FFB];
	_ =	sdelay $0x3  }
0x98: {  	_ =	strace s18  }
0x99: {  	s4 =	sld [smem:$0x3FFC];
	_ =	sdelay $0x3  }
0x9a: {  	_ =	strace s4  }
0x9b: {  	s4 =	sld [smem:$0x3FFD];
	_ =	sdelay $0x3  }
0x9c: {  	_ =	strace s4  }
0x9d: {  	_ =	strace $0x8FFFFFFF  }
0x9e: {  	s19 =	sld [smem:$0x3FDB];
	_ =	sdelay $0x1  }
0x9f: {  	s5 =	simm.s32 $_scs_section_size  }
0xa0: {  	s6 =	simm.s32 $_size__tile_overlayer_lowered;
	s7 =	simm.s32 $_tile_overlayer_lowered  }
0xa1: {  	s22 =	simm.s32 $0x1BFF;
	s21 =	sshll.u32 s7, $0x1;
	s4 =	sadd.s32 s5, s19  }
0xa2: {  	s8 =	simm.s32 $0x0;
	s20 =	sshll.u32 s6, $0x1;
	s6 =	sadd.s32 s21, s4  }
0xa3: {  	[timem:s8], [sflag:s22] =	dma.local [hbm:s6], s20  }
0xa4: {  	_ =	swait.ge [sflag:s22], s20  }
0xa5: {  	s5 =	ssub.s32 $0x0, s20;
	[sflag:s22] =	ssyncset.done $0x0  }
0xa6: {  	[sflag:s22] =	ssyncadd.s32 s5;
	_ =	sdelay $0x1  }
0xa7: {  	s23 =	simm.s32 $0x1B8B  }
0xa8: {  	_ =	swait.ge [sflag:s23], $0x1  }
0xa9: {  	[sflag:s23] =	ssyncset.done $0x0  }
0xaa: {  	s25 =	simm.s32 $0x1B8E;
	s24 =	sld [smem:$0x3FFE];
	[sflag:s23] =	ssyncadd.s32 $0xFFFFFFFF  }
0xab: {  	s26 =	simm.s32 $execute0_lowered;
	[smem:$0x3FD2] =	sst s25  }
0xac: {  	s6 =	sshll.u32 s26, $0x1;
	_ =	strace $0x80000046;
	[dreg:$0x1] =	wrdreg $0xFFFFFFFF  }
0xad: {  	s28 =	simm.s32 $_size_execute0_lowered;
	s4 =	sadd.s32 s4, s6;
	[dreg:$0x0] =	wrdreg $0x0  }
0xae: {  	s6 =	sshll.u32 s28, $0x1;
	[dreg:$0x2] =	wrdreg s4  }
0xaf: {  	[dreg:$0x3] =	wrdreg s6  }
0xb0: {  	[dreg:$0x4] =	wrdreg $0xC0  }
0xb1: {  	_ =	task [dreg:s8], $0x5FFFF  }
0xb2: {  	[dreg:$0x1] =	wrdreg $0xFFFFFFFF  }
0xb3: {  	[dreg:$0x0] =	wrdreg $0x60  }
0xb4: {  	[dreg:$0x2] =	wrdreg s17  }
0xb5: {  	[dreg:$0x3] =	wrdreg s24  }
0xb6: {  	[dreg:$0x4] =	wrdreg s16  }
0xb7: {  	[dreg:$0x5] =	wrdreg $0xA8000  }
0xb8: {  	[dreg:$0x6] =	wrdreg $0x9  }
0xb9: {  	_ =	task.clear_ibuf [dreg:s8], $0x7FFFF;
	_ =	strace $0x90000046  }
0xba: {  	s29 =	simm.s32 $0x9;
	_ =	strace $0x80000048  }
0xbb: {  	_ =	swait.ge [sflag:s29], $0x1  }
0xbc: {  	[sflag:s29] =	ssyncadd.s32 $0xFFFFFFFF  }
0xbd: {  	_ =	strace $0x90000048  }
0xbe: {  	_ =	sfence  }
0xbf: {  	s30 =	sld [smem:$0x0];
	_ =	sdelay $0x2  }
0xc0: {  	s31 =	sshll.u32 s1, $0xD;
	s1 =	sshrl.u32 s1, $0x2  }
0xc1: {  	s3 =	sand.u32 $0x4000, s31;
	s1 =	sadd.s32 s1, s30  }
0xc2: {  	s0 =	sor.u32 s3, s0;
	s1 =	sshll.u32 s1, $0x11  }
0xc3: {  	s0 =	sor.u32 s1, s0  }
0xc4: {  	s0 =	sadd.s32 $0x8F2B, s0  }
0xc5: {  	[sflag:s0] =	ssyncadd.remote.s32 $0x1  }
0xc6: {  	_ =	sfence.sel $0xFFFF  }
0xc7: {  	[dreg:$0x0] =	wrdreg $0xFFFFFFFF;
	(pc) =	sbr.abs _section_cstart, $3  }
0xc8: {  	[dreg:$0x1] =	wrdreg $0xFFFFFFFF  }
0xc9: {  	_ =	task.clear_ibuf [dreg:s8], $0x2FFFF;
	_ =	strace $0x9FFFFFFF  }
0xca: {  	(tm) =	ssettm $0x7FFFFFFF  }
0xcb: {  	_ =	shalt  }
tec
execute0_lowered:
.L_overlay_start_1:
0x0: {  	(tag) =	ssettag $0x1  }
0x1: {  	s7 =	rddreg [dreg:$0x0]  }
0x2: {  	s6 =	rddreg [dreg:$0x1]  }
0x3: {  	s2 =	rddreg [dreg:$0x2]  }
0x4: {  	s3 =	rddreg [dreg:$0x3]  }
0x5: {  	s0 =	rddreg [dreg:$0x4]  }
0x6: {  	s5 =	srdreg.scid;
	s1 =	stileid.u32;
	s4 =	simm.s32 $0x0  }
0x7: {  	s16 =	simm.s32 $0x80;
	s17 =	simm.s32 $0x2800;
	s18 =	simm.s32 $0x6800  }
0x8: {  	s19 =	simm.s32 $0x1;
	s20 =	simm.s32 $0x2;
	s9 =	smul.u32 $0x2780, s1  }
0x9: {  	s21 =	simm.s32 $0x2600;
	s22 =	simm.s32 $0x0;
	s12 =	smul.u32 $0x5000, s1  }
0xa: {  	s8 =	sand.u32 $0x1, s5;
	[smem:$0x7FF] =	sst s4;
	s13 =	smul.u32 $0x4F000, s1  }
0xb: {  	s5 =	sadd.s32 $0x8600, s6;
	s30 =	sshll.u32 s1, $0x6;
	s10 =	smul.u32 $0x27800, s8  }
0xc: {  	_ =	strace $0x80000047;
	s11 =	smul.u32 $0x50000, s8;
	s8 =	ssub.s32 $0x2, s8  }
0xd: {  	s26 =	sshrl.u32 s8, $0x1;
	s29 =	sshrl.u32 s13, $0x2;
	s9 =	sadd.s32 s9, s10  }
0xe: {  	s15 =	ssub.s32 s8, s26;
	s28 =	sadd.s32 s12, s11;
	s13 =	sadd.s32 s29, s3  }
0xf: {  	s14 =	sadd.s32 s9, s6;
	s31 =	sshrl.u32 s28, $0x3;
	s6 =	sor.u32 $0x1C03, s30  }
0x10: {  	s12 =	smax.u32 s15, $0x1;
	s13 =	sshrl.u32 s13, $0x3;
	s15 =	simm.s32 $0x1400  }
0x11: {  	s7 =	sadd.s32 s7, s31;
	s11 =	sadd.s32 $0x56800, s14;
	s14 =	simm.s32 $0x3  }
0x12: {  	s8 =	sadd.s32 $0x280, s7;
	s9 =	sadd.s32 $0x500, s7;
	s10 =	sadd.s32 $0x780, s7  }
.LBB2_1:
0x13: {  	[spmem:s13], [sflag:s6] =	dma.local [hbm:s2], $0x2780  }
0x14: {  	_ =	swait.ge [sflag:s14], $0x2780  }
0x15: {  	[sflag:s14] =	ssyncset.done $0x0  }
0x16: {  	[sflag:s14] =	ssyncadd.s32 $0xFFFFD880  }
0x17: {  	[bflag:$0x0] =	sbarrier.arrive $0xFFFF  }
0x18: {  	[tilespmem:s4], [sflag:$0x3] =	stream.linear.gather [hbm4b:s7+s4], $0x1280, $0x38;
	[tilespmem:$0x1E400] =	vst v63  }
0x19: {  	_ =	swait.ge [sflag:s14], $0x1280  }
0x1a: {  	[sflag:s14] =	ssyncset.done $0x0  }
0x1b: {  	[sflag:s14] =	ssyncadd.s32 $0xFFFFED80  }
0x1c: {  	[tilespmem:s15], [sflag:$0x3] =	stream.linear.gather [hbm4b:s7+s4], $0x1280, $0x38;
	[tilespmem:$0x1E400] =	vst v63  }
0x1d: {  	_ =	swait.ge [sflag:s14], $0x1280  }
0x1e: {  	[sflag:s14] =	ssyncset.done $0x0  }
0x1f: {  	[sflag:s14] =	ssyncadd.s32 $0xFFFFED80  }
0x20: {  	[tilespmem:s17], [sflag:$0x1] =	stream.indirect.gather [hbm4b:s5+s16], $0x80, s4, s16, $0xb8;
	[tilespmem:$0x1E400] =	vst v63  }
0x21: {  	s23 =	simm.s32 $0x80  }
0x22: {  	[tilespmem:s18], [sflag:$0x2] =	stream.indirect.gather [hbm4b:s5+s16], $0x80, s23, s16, $0xb8;
	[tilespmem:$0x1E400] =	vst v63  }
0x23: {  	_ =	swait.ge [sflag:s19], $0x4000  }
0x24: {  	[sflag:s19] =	ssyncset.done $0x0  }
0x25: {  	s29 =	simm.s32 $0x1400;
	[sflag:s19] =	ssyncadd.s32 $0xFFFFC000  }
0x26: {  	[spmem:s3] =	stream.indirect.scatter.add.f32 [tilespmem:s17], [sflag:$0x3], $0x80, s29, s16, $0xb8;
	[tilespmem:$0x1E400] =	vst v63  }
0x27: {  	_ =	swait.ge [sflag:s14], $0x4000  }
0x28: {  	[sflag:s14] =	ssyncset.done $0x0  }
0x29: {  	s30 =	simm.s32 $0x100;
	[sflag:s14] =	ssyncadd.s32 $0xFFFFC000  }
0x2a: {  	[tilespmem:s17], [sflag:$0x1] =	stream.indirect.gather [hbm4b:s5+s16], $0x80, s30, s16, $0xb8;
	[tilespmem:$0x1E400] =	vst v63  }
0x2b: {  	_ =	swait.ge [sflag:s20], $0x4000  }
0x2c: {  	[sflag:s20] =	ssyncset.done $0x0  }
0x2d: {  	s31 =	simm.s32 $0x1480;
	[sflag:s20] =	ssyncadd.s32 $0xFFFFC000  }
0x2e: {  	[spmem:s3] =	stream.indirect.scatter.add.f32 [tilespmem:s18], [sflag:$0x3], $0x80, s31, s16, $0xb8;
	[tilespmem:$0x1E400] =	vst v63  }
0x2f: {  	_ =	swait.ge [sflag:s14], $0x4000  }
0x30: {  	s24 =	simm.s32 $0x800;
	s23 =	simm.s32 $0x100;
	[sflag:s14] =	ssyncset.done $0x0  }
.LBB2_2:
0x31: {  	s25 =	sadd.s32 $0x80, s23  }
0x32: {  	[sflag:s14] =	ssyncadd.s32 $0xFFFFC000;
	s26 =	smov.u32 s24;
	s28 =	sadd.s32 $0x400, s24  }
0x33: {  	[tilespmem:s18], [sflag:$0x2] =	stream.indirect.gather [hbm4b:s5+s16], $0x80, s25, s16, $0xb8;
	[tilespmem:$0x1E400] =	vst v63  }
0x34: {  	p0 =	sne.s32 s24, $0x4400;
	_ =	swait.ge [sflag:s19], $0x4000  }
0x35: {  	[sflag:s19] =	ssyncset.done $0x0  }
0x36: {  	s24 =	sadd.s32 $0x1400, s23;
	[sflag:s19] =	ssyncadd.s32 $0xFFFFC000  }
0x37: {  	[spmem:s3] =	stream.indirect.scatter.add.f32 [tilespmem:s17], [sflag:$0x3], $0x80, s24, s16, $0xb8;
	[tilespmem:$0x1E400] =	vst v63  }
0x38: {  	_ =	swait.ge [sflag:s14], $0x4000  }
0x39: {  	[sflag:s14] =	ssyncset.done $0x0  }
0x3a: {  	s24 =	sadd.s32 $0x100, s23;
	[sflag:s14] =	ssyncadd.s32 $0xFFFFC000  }
0x3b: {  	[tilespmem:s17], [sflag:$0x1] =	stream.indirect.gather [hbm4b:s5+s16], $0x80, s24, s16, $0xb8;
	[tilespmem:$0x1E400] =	vst v63  }
0x3c: {  	_ =	swait.ge [sflag:s20], $0x4000  }
.Ltmp0:
0x3d: {  	[sflag:s20] =	ssyncset.done $0x0;
	(pc) =	sbr.rel @p0 .LBB2_2-.Ltmp0, $4  }
0x3e: {  	s23 =	sadd.s32 $0x1480, s23;
	[sflag:s20] =	ssyncadd.s32 $0xFFFFC000  }
0x3f: {  	[spmem:s3] =	stream.indirect.scatter.add.f32 [tilespmem:s18], [sflag:$0x3], $0x80, s23, s16, $0xb8;
	[tilespmem:$0x1E400] =	vst v63  }
0x40: {  	_ =	swait.ge [sflag:s14], $0x4000  }
0x41: {  	s24 =	smov.u32 s28;
	s23 =	sshra.s32 s26, $0x2;
	[sflag:s14] =	ssyncset.done $0x0  }
0x42: {  	s24 =	sadd.s32 $0x80, s23;
	[sflag:s14] =	ssyncadd.s32 $0xFFFFC000  }
0x43: {  	[tilespmem:s18], [sflag:$0x2] =	stream.indirect.gather [hbm4b:s5+s16], $0x80, s24, s16, $0xb8;
	[tilespmem:$0x1E400] =	vst v63  }
0x44: {  	_ =	swait.ge [sflag:s19], $0x4000  }
0x45: {  	[sflag:s19] =	ssyncset.done $0x0  }
0x46: {  	s30 =	sadd.s32 $0x1400, s23;
	[sflag:s19] =	ssyncadd.s32 $0xFFFFC000  }
0x47: {  	[spmem:s3] =	stream.indirect.scatter.add.f32 [tilespmem:s17], [sflag:$0x3], $0x80, s30, s16, $0xb8;
	[tilespmem:$0x1E400] =	vst v63  }
0x48: {  	_ =	swait.ge [sflag:s14], $0x4000  }
0x49: {  	[sflag:s14] =	ssyncset.done $0x0  }
0x4a: {  	s31 =	sadd.s32 $0x100, s23;
	[sflag:s14] =	ssyncadd.s32 $0xFFFFC000  }
0x4b: {  	[tilespmem:s17], [sflag:$0x1] =	stream.indirect.gather [hbm4b:s5+s16], $0x80, s31, s16, $0xb8;
	[tilespmem:$0x1E400] =	vst v63  }
0x4c: {  	_ =	swait.ge [sflag:s20], $0x4000  }
0x4d: {  	[sflag:s20] =	ssyncset.done $0x0  }
0x4e: {  	s25 =	sadd.s32 $0x1480, s23;
	[sflag:s20] =	ssyncadd.s32 $0xFFFFC000  }
0x4f: {  	[spmem:s3] =	stream.indirect.scatter.add.f32 [tilespmem:s18], [sflag:$0x3], $0x80, s25, s16, $0xb8;
	[tilespmem:$0x1E400] =	vst v63  }
0x50: {  	_ =	swait.ge [sflag:s14], $0x4000  }
0x51: {  	[sflag:s14] =	ssyncset.done $0x0  }
0x52: {  	[sflag:s14] =	ssyncadd.s32 $0xFFFFC000  }
0x53: {  	_ =	swait.ge [sflag:s19], $0x4000  }
0x54: {  	[sflag:s19] =	ssyncset.done $0x0  }
0x55: {  	[sflag:s19] =	ssyncadd.s32 $0xFFFFC000  }
0x56: {  	[spmem:s3] =	stream.indirect.scatter.add.f32 [tilespmem:s17], [sflag:$0x3], $0x80, s21, s16, $0xb8;
	[tilespmem:$0x1E400] =	vst v63  }
0x57: {  	_ =	swait.ge [sflag:s14], $0x4000  }
0x58: {  	[sflag:s14] =	ssyncset.done $0x0  }
0x59: {  	s26 =	simm.s32 $0x0;
	[sflag:s14] =	ssyncadd.s32 $0xFFFFC000  }
0x5a: {  	[tilespmem:s26], [sflag:$0x3] =	stream.linear.gather [hbm4b:s8+s26], $0x1280, $0x38;
	[tilespmem:$0x1E400] =	vst v63  }
0x5b: {  	_ =	swait.ge [sflag:s14], $0x1280  }
0x5c: {  	[sflag:s14] =	ssyncset.done $0x0  }
0x5d: {  	[sflag:s14] =	ssyncadd.s32 $0xFFFFED80  }
0x5e: {  	[tilespmem:s15], [sflag:$0x3] =	stream.linear.gather [hbm4b:s8+s26], $0x1280, $0x38;
	[tilespmem:$0x1E400] =	vst v63  }
0x5f: {  	_ =	swait.ge [sflag:s14], $0x1280  }
0x60: {  	[sflag:s14] =	ssyncset.done $0x0  }
0x61: {  	[sflag:s14] =	ssyncadd.s32 $0xFFFFED80  }
0x62: {  	[tilespmem:s17], [sflag:$0x1] =	stream.indirect.gather [hbm4b:s5+s16], $0x80, s26, s16, $0xb8;
	[tilespmem:$0x1E400] =	vst v63  }
0x63: {  	s28 =	simm.s32 $0x80  }
0x64: {  	[tilespmem:s18], [sflag:$0x2] =	stream.indirect.gather [hbm4b:s5+s16], $0x80, s28, s16, $0xb8;
	[tilespmem:$0x1E400] =	vst v63  }
0x65: {  	_ =	swait.ge [sflag:s19], $0x4000  }
0x66: {  	[sflag:s19] =	ssyncset.done $0x0  }
0x67: {  	s29 =	simm.s32 $0x1400;
	[sflag:s19] =	ssyncadd.s32 $0xFFFFC000  }
0x68: {  	[spmem:s3] =	stream.indirect.scatter.add.f32 [tilespmem:s17], [sflag:$0x3], $0x80, s29, s16, $0xb8;
	[tilespmem:$0x1E400] =	vst v63  }
0x69: {  	_ =	swait.ge [sflag:s14], $0x4000  }
0x6a: {  	[sflag:s14] =	ssyncset.done $0x0  }
0x6b: {  	s30 =	simm.s32 $0x100;
	[sflag:s14] =	ssyncadd.s32 $0xFFFFC000  }
0x6c: {  	[tilespmem:s17], [sflag:$0x1] =	stream.indirect.gather [hbm4b:s5+s16], $0x80, s30, s16, $0xb8;
	[tilespmem:$0x1E400] =	vst v63  }
0x6d: {  	_ =	swait.ge [sflag:s20], $0x4000  }
0x6e: {  	[sflag:s20] =	ssyncset.done $0x0  }
0x6f: {  	s31 =	simm.s32 $0x1480;
	[sflag:s20] =	ssyncadd.s32 $0xFFFFC000  }
0x70: {  	[spmem:s3] =	stream.indirect.scatter.add.f32 [tilespmem:s18], [sflag:$0x3], $0x80, s31, s16, $0xb8;
	[tilespmem:$0x1E400] =	vst v63  }
0x71: {  	_ =	swait.ge [sflag:s14], $0x4000  }
0x72: {  	s23 =	simm.s32 $0x100;
	s24 =	simm.s32 $0x800;
	[sflag:s14] =	ssyncset.done $0x0  }
.LBB2_4:
0x73: {  	s25 =	sadd.s32 $0x80, s23  }
0x74: {  	[sflag:s14] =	ssyncadd.s32 $0xFFFFC000;
	s26 =	smov.u32 s24;
	s28 =	sadd.s32 $0x400, s24  }
0x75: {  	[tilespmem:s18], [sflag:$0x2] =	stream.indirect.gather [hbm4b:s5+s16], $0x80, s25, s16, $0xb8;
	[tilespmem:$0x1E400] =	vst v63  }
0x76: {  	p0 =	sne.s32 s24, $0x4400;
	_ =	swait.ge [sflag:s19], $0x4000  }
0x77: {  	[sflag:s19] =	ssyncset.done $0x0  }
0x78: {  	s24 =	sadd.s32 $0x1400, s23;
	[sflag:s19] =	ssyncadd.s32 $0xFFFFC000  }
0x79: {  	[spmem:s3] =	stream.indirect.scatter.add.f32 [tilespmem:s17], [sflag:$0x3], $0x80, s24, s16, $0xb8;
	[tilespmem:$0x1E400] =	vst v63  }
0x7a: {  	_ =	swait.ge [sflag:s14], $0x4000  }
0x7b: {  	[sflag:s14] =	ssyncset.done $0x0  }
0x7c: {  	s24 =	sadd.s32 $0x100, s23;
	[sflag:s14] =	ssyncadd.s32 $0xFFFFC000  }
0x7d: {  	[tilespmem:s17], [sflag:$0x1] =	stream.indirect.gather [hbm4b:s5+s16], $0x80, s24, s16, $0xb8;
	[tilespmem:$0x1E400] =	vst v63  }
0x7e: {  	_ =	swait.ge [sflag:s20], $0x4000  }
.Ltmp1:
0x7f: {  	[sflag:s20] =	ssyncset.done $0x0;
	(pc) =	sbr.rel @p0 .LBB2_4-.Ltmp1, $4  }
0x80: {  	s23 =	sadd.s32 $0x1480, s23;
	[sflag:s20] =	ssyncadd.s32 $0xFFFFC000  }
0x81: {  	[spmem:s3] =	stream.indirect.scatter.add.f32 [tilespmem:s18], [sflag:$0x3], $0x80, s23, s16, $0xb8;
	[tilespmem:$0x1E400] =	vst v63  }
0x82: {  	_ =	swait.ge [sflag:s14], $0x4000  }
0x83: {  	s24 =	smov.u32 s28;
	s23 =	sshra.s32 s26, $0x2;
	[sflag:s14] =	ssyncset.done $0x0  }
0x84: {  	s24 =	sadd.s32 $0x80, s23;
	[sflag:s14] =	ssyncadd.s32 $0xFFFFC000  }
0x85: {  	[tilespmem:s18], [sflag:$0x2] =	stream.indirect.gather [hbm4b:s5+s16], $0x80, s24, s16, $0xb8;
	[tilespmem:$0x1E400] =	vst v63  }
0x86: {  	_ =	swait.ge [sflag:s19], $0x4000  }
0x87: {  	[sflag:s19] =	ssyncset.done $0x0  }
0x88: {  	s30 =	sadd.s32 $0x1400, s23;
	[sflag:s19] =	ssyncadd.s32 $0xFFFFC000  }
0x89: {  	[spmem:s3] =	stream.indirect.scatter.add.f32 [tilespmem:s17], [sflag:$0x3], $0x80, s30, s16, $0xb8;
	[tilespmem:$0x1E400] =	vst v63  }
0x8a: {  	_ =	swait.ge [sflag:s14], $0x4000  }
0x8b: {  	[sflag:s14] =	ssyncset.done $0x0  }
0x8c: {  	s31 =	sadd.s32 $0x100, s23;
	[sflag:s14] =	ssyncadd.s32 $0xFFFFC000  }
0x8d: {  	[tilespmem:s17], [sflag:$0x1] =	stream.indirect.gather [hbm4b:s5+s16], $0x80, s31, s16, $0xb8;
	[tilespmem:$0x1E400] =	vst v63  }
0x8e: {  	_ =	swait.ge [sflag:s20], $0x4000  }
0x8f: {  	[sflag:s20] =	ssyncset.done $0x0  }
0x90: {  	s25 =	sadd.s32 $0x1480, s23;
	[sflag:s20] =	ssyncadd.s32 $0xFFFFC000  }
0x91: {  	[spmem:s3] =	stream.indirect.scatter.add.f32 [tilespmem:s18], [sflag:$0x3], $0x80, s25, s16, $0xb8;
	[tilespmem:$0x1E400] =	vst v63  }
0x92: {  	_ =	swait.ge [sflag:s14], $0x4000  }
0x93: {  	[sflag:s14] =	ssyncset.done $0x0  }
0x94: {  	[sflag:s14] =	ssyncadd.s32 $0xFFFFC000  }
0x95: {  	_ =	swait.ge [sflag:s19], $0x4000  }
0x96: {  	[sflag:s19] =	ssyncset.done $0x0  }
0x97: {  	[sflag:s19] =	ssyncadd.s32 $0xFFFFC000  }
0x98: {  	[spmem:s3] =	stream.indirect.scatter.add.f32 [tilespmem:s17], [sflag:$0x3], $0x80, s21, s16, $0xb8;
	[tilespmem:$0x1E400] =	vst v63  }
0x99: {  	_ =	swait.ge [sflag:s14], $0x4000  }
0x9a: {  	[sflag:s14] =	ssyncset.done $0x0  }
0x9b: {  	s26 =	simm.s32 $0x0;
	[sflag:s14] =	ssyncadd.s32 $0xFFFFC000  }
0x9c: {  	[tilespmem:s26], [sflag:$0x3] =	stream.linear.gather [hbm4b:s9+s26], $0x1280, $0x38;
	[tilespmem:$0x1E400] =	vst v63  }
0x9d: {  	_ =	swait.ge [sflag:s14], $0x1280  }
0x9e: {  	[sflag:s14] =	ssyncset.done $0x0  }
0x9f: {  	[sflag:s14] =	ssyncadd.s32 $0xFFFFED80  }
0xa0: {  	[tilespmem:s15], [sflag:$0x3] =	stream.linear.gather [hbm4b:s9+s26], $0x1280, $0x38;
	[tilespmem:$0x1E400] =	vst v63  }
0xa1: {  	_ =	swait.ge [sflag:s14], $0x1280  }
0xa2: {  	[sflag:s14] =	ssyncset.done $0x0  }
0xa3: {  	[sflag:s14] =	ssyncadd.s32 $0xFFFFED80  }
0xa4: {  	[tilespmem:s17], [sflag:$0x1] =	stream.indirect.gather [hbm4b:s5+s16], $0x80, s26, s16, $0xb8;
	[tilespmem:$0x1E400] =	vst v63  }
0xa5: {  	s28 =	simm.s32 $0x80  }
0xa6: {  	[tilespmem:s18], [sflag:$0x2] =	stream.indirect.gather [hbm4b:s5+s16], $0x80, s28, s16, $0xb8;
	[tilespmem:$0x1E400] =	vst v63  }
0xa7: {  	_ =	swait.ge [sflag:s19], $0x4000  }
0xa8: {  	[sflag:s19] =	ssyncset.done $0x0  }
0xa9: {  	s29 =	simm.s32 $0x1400;
	[sflag:s19] =	ssyncadd.s32 $0xFFFFC000  }
0xaa: {  	[spmem:s3] =	stream.indirect.scatter.add.f32 [tilespmem:s17], [sflag:$0x3], $0x80, s29, s16, $0xb8;
	[tilespmem:$0x1E400] =	vst v63  }
0xab: {  	_ =	swait.ge [sflag:s14], $0x4000  }
0xac: {  	[sflag:s14] =	ssyncset.done $0x0  }
0xad: {  	s30 =	simm.s32 $0x100;
	[sflag:s14] =	ssyncadd.s32 $0xFFFFC000  }
0xae: {  	[tilespmem:s17], [sflag:$0x1] =	stream.indirect.gather [hbm4b:s5+s16], $0x80, s30, s16, $0xb8;
	[tilespmem:$0x1E400] =	vst v63  }
0xaf: {  	_ =	swait.ge [sflag:s20], $0x4000  }
0xb0: {  	[sflag:s20] =	ssyncset.done $0x0  }
0xb1: {  	s31 =	simm.s32 $0x1480;
	[sflag:s20] =	ssyncadd.s32 $0xFFFFC000  }
0xb2: {  	[spmem:s3] =	stream.indirect.scatter.add.f32 [tilespmem:s18], [sflag:$0x3], $0x80, s31, s16, $0xb8;
	[tilespmem:$0x1E400] =	vst v63  }
0xb3: {  	_ =	swait.ge [sflag:s14], $0x4000  }
0xb4: {  	s23 =	simm.s32 $0x100;
	s24 =	simm.s32 $0x800;
	[sflag:s14] =	ssyncset.done $0x0  }
.LBB2_6:
0xb5: {  	s25 =	sadd.s32 $0x80, s23  }
0xb6: {  	[sflag:s14] =	ssyncadd.s32 $0xFFFFC000;
	s26 =	smov.u32 s24;
	s28 =	sadd.s32 $0x400, s24  }
0xb7: {  	[tilespmem:s18], [sflag:$0x2] =	stream.indirect.gather [hbm4b:s5+s16], $0x80, s25, s16, $0xb8;
	[tilespmem:$0x1E400] =	vst v63  }
0xb8: {  	p0 =	sne.s32 s24, $0x4400;
	_ =	swait.ge [sflag:s19], $0x4000  }
0xb9: {  	[sflag:s19] =	ssyncset.done $0x0  }
0xba: {  	s24 =	sadd.s32 $0x1400, s23;
	[sflag:s19] =	ssyncadd.s32 $0xFFFFC000  }
0xbb: {  	[spmem:s3] =	stream.indirect.scatter.add.f32 [tilespmem:s17], [sflag:$0x3], $0x80, s24, s16, $0xb8;
	[tilespmem:$0x1E400] =	vst v63  }
0xbc: {  	_ =	swait.ge [sflag:s14], $0x4000  }
0xbd: {  	[sflag:s14] =	ssyncset.done $0x0  }
0xbe: {  	s24 =	sadd.s32 $0x100, s23;
	[sflag:s14] =	ssyncadd.s32 $0xFFFFC000  }
0xbf: {  	[tilespmem:s17], [sflag:$0x1] =	stream.indirect.gather [hbm4b:s5+s16], $0x80, s24, s16, $0xb8;
	[tilespmem:$0x1E400] =	vst v63  }
0xc0: {  	_ =	swait.ge [sflag:s20], $0x4000  }
.Ltmp2:
0xc1: {  	[sflag:s20] =	ssyncset.done $0x0;
	(pc) =	sbr.rel @p0 .LBB2_6-.Ltmp2, $4  }
0xc2: {  	s23 =	sadd.s32 $0x1480, s23;
	[sflag:s20] =	ssyncadd.s32 $0xFFFFC000  }
0xc3: {  	[spmem:s3] =	stream.indirect.scatter.add.f32 [tilespmem:s18], [sflag:$0x3], $0x80, s23, s16, $0xb8;
	[tilespmem:$0x1E400] =	vst v63  }
0xc4: {  	_ =	swait.ge [sflag:s14], $0x4000  }
0xc5: {  	s24 =	smov.u32 s28;
	s23 =	sshra.s32 s26, $0x2;
	[sflag:s14] =	ssyncset.done $0x0  }
0xc6: {  	s24 =	sadd.s32 $0x80, s23;
	[sflag:s14] =	ssyncadd.s32 $0xFFFFC000  }
0xc7: {  	[tilespmem:s18], [sflag:$0x2] =	stream.indirect.gather [hbm4b:s5+s16], $0x80, s24, s16, $0xb8;
	[tilespmem:$0x1E400] =	vst v63  }
0xc8: {  	_ =	swait.ge [sflag:s19], $0x4000  }
0xc9: {  	[sflag:s19] =	ssyncset.done $0x0  }
0xca: {  	s30 =	sadd.s32 $0x1400, s23;
	[sflag:s19] =	ssyncadd.s32 $0xFFFFC000  }
0xcb: {  	[spmem:s3] =	stream.indirect.scatter.add.f32 [tilespmem:s17], [sflag:$0x3], $0x80, s30, s16, $0xb8;
	[tilespmem:$0x1E400] =	vst v63  }
0xcc: {  	_ =	swait.ge [sflag:s14], $0x4000  }
0xcd: {  	[sflag:s14] =	ssyncset.done $0x0  }
0xce: {  	s31 =	sadd.s32 $0x100, s23;
	[sflag:s14] =	ssyncadd.s32 $0xFFFFC000  }
0xcf: {  	[tilespmem:s17], [sflag:$0x1] =	stream.indirect.gather [hbm4b:s5+s16], $0x80, s31, s16, $0xb8;
	[tilespmem:$0x1E400] =	vst v63  }
0xd0: {  	_ =	swait.ge [sflag:s20], $0x4000  }
0xd1: {  	[sflag:s20] =	ssyncset.done $0x0  }
0xd2: {  	s25 =	sadd.s32 $0x1480, s23;
	[sflag:s20] =	ssyncadd.s32 $0xFFFFC000  }
0xd3: {  	[spmem:s3] =	stream.indirect.scatter.add.f32 [tilespmem:s18], [sflag:$0x3], $0x80, s25, s16, $0xb8;
	[tilespmem:$0x1E400] =	vst v63  }
0xd4: {  	_ =	swait.ge [sflag:s14], $0x4000  }
0xd5: {  	[sflag:s14] =	ssyncset.done $0x0  }
0xd6: {  	[sflag:s14] =	ssyncadd.s32 $0xFFFFC000  }
0xd7: {  	_ =	swait.ge [sflag:s19], $0x4000  }
0xd8: {  	[sflag:s19] =	ssyncset.done $0x0  }
0xd9: {  	[sflag:s19] =	ssyncadd.s32 $0xFFFFC000  }
0xda: {  	[spmem:s3] =	stream.indirect.scatter.add.f32 [tilespmem:s17], [sflag:$0x3], $0x80, s21, s16, $0xb8;
	[tilespmem:$0x1E400] =	vst v63  }
0xdb: {  	_ =	swait.ge [sflag:s14], $0x4000  }
0xdc: {  	[sflag:s14] =	ssyncset.done $0x0  }
0xdd: {  	s26 =	simm.s32 $0x0;
	[sflag:s14] =	ssyncadd.s32 $0xFFFFC000  }
0xde: {  	[tilespmem:s26], [sflag:$0x3] =	stream.linear.gather [hbm4b:s10+s26], $0x1280, $0x38;
	[tilespmem:$0x1E400] =	vst v63  }
0xdf: {  	_ =	swait.ge [sflag:s14], $0x1280  }
0xe0: {  	[sflag:s14] =	ssyncset.done $0x0  }
0xe1: {  	[sflag:s14] =	ssyncadd.s32 $0xFFFFED80  }
0xe2: {  	[tilespmem:s15], [sflag:$0x3] =	stream.linear.gather [hbm4b:s10+s26], $0x1280, $0x38;
	[tilespmem:$0x1E400] =	vst v63  }
0xe3: {  	_ =	swait.ge [sflag:s14], $0x1280  }
0xe4: {  	[sflag:s14] =	ssyncset.done $0x0  }
0xe5: {  	[sflag:s14] =	ssyncadd.s32 $0xFFFFED80  }
0xe6: {  	[tilespmem:s17], [sflag:$0x1] =	stream.indirect.gather [hbm4b:s5+s16], $0x80, s26, s16, $0xb8;
	[tilespmem:$0x1E400] =	vst v63  }
0xe7: {  	s28 =	simm.s32 $0x80  }
0xe8: {  	[tilespmem:s18], [sflag:$0x2] =	stream.indirect.gather [hbm4b:s5+s16], $0x80, s28, s16, $0xb8;
	[tilespmem:$0x1E400] =	vst v63  }
0xe9: {  	_ =	swait.ge [sflag:s19], $0x4000  }
0xea: {  	[sflag:s19] =	ssyncset.done $0x0  }
0xeb: {  	s29 =	simm.s32 $0x1400;
	[sflag:s19] =	ssyncadd.s32 $0xFFFFC000  }
0xec: {  	[spmem:s3] =	stream.indirect.scatter.add.f32 [tilespmem:s17], [sflag:$0x3], $0x80, s29, s16, $0xb8;
	[tilespmem:$0x1E400] =	vst v63  }
0xed: {  	_ =	swait.ge [sflag:s14], $0x4000  }
0xee: {  	[sflag:s14] =	ssyncset.done $0x0  }
0xef: {  	s30 =	simm.s32 $0x100;
	[sflag:s14] =	ssyncadd.s32 $0xFFFFC000  }
0xf0: {  	[tilespmem:s17], [sflag:$0x1] =	stream.indirect.gather [hbm4b:s5+s16], $0x80, s30, s16, $0xb8;
	[tilespmem:$0x1E400] =	vst v63  }
0xf1: {  	_ =	swait.ge [sflag:s20], $0x4000  }
0xf2: {  	[sflag:s20] =	ssyncset.done $0x0  }
0xf3: {  	s31 =	simm.s32 $0x1480;
	[sflag:s20] =	ssyncadd.s32 $0xFFFFC000  }
0xf4: {  	[spmem:s3] =	stream.indirect.scatter.add.f32 [tilespmem:s18], [sflag:$0x3], $0x80, s31, s16, $0xb8;
	[tilespmem:$0x1E400] =	vst v63  }
0xf5: {  	_ =	swait.ge [sflag:s14], $0x4000  }
0xf6: {  	s23 =	simm.s32 $0x100;
	s24 =	simm.s32 $0x800;
	[sflag:s14] =	ssyncset.done $0x0  }
.LBB2_8:
0xf7: {  	s25 =	sadd.s32 $0x80, s23  }
0xf8: {  	[sflag:s14] =	ssyncadd.s32 $0xFFFFC000;
	s26 =	smov.u32 s24;
	s28 =	sadd.s32 $0x400, s24  }
0xf9: {  	[tilespmem:s18], [sflag:$0x2] =	stream.indirect.gather [hbm4b:s5+s16], $0x80, s25, s16, $0xb8;
	[tilespmem:$0x1E400] =	vst v63  }
0xfa: {  	p0 =	sne.s32 s24, $0x4400;
	_ =	swait.ge [sflag:s19], $0x4000  }
0xfb: {  	[sflag:s19] =	ssyncset.done $0x0  }
0xfc: {  	s24 =	sadd.s32 $0x1400, s23;
	[sflag:s19] =	ssyncadd.s32 $0xFFFFC000  }
0xfd: {  	[spmem:s3] =	stream.indirect.scatter.add.f32 [tilespmem:s17], [sflag:$0x3], $0x80, s24, s16, $0xb8;
	[tilespmem:$0x1E400] =	vst v63  }
0xfe: {  	_ =	swait.ge [sflag:s14], $0x4000  }
0xff: {  	[sflag:s14] =	ssyncset.done $0x0  }
0x100: {  	s24 =	sadd.s32 $0x100, s23;
	[sflag:s14] =	ssyncadd.s32 $0xFFFFC000  }
0x101: {  	[tilespmem:s17], [sflag:$0x1] =	stream.indirect.gather [hbm4b:s5+s16], $0x80, s24, s16, $0xb8;
	[tilespmem:$0x1E400] =	vst v63  }
0x102: {  	_ =	swait.ge [sflag:s20], $0x4000  }
.Ltmp3:
0x103: {  	[sflag:s20] =	ssyncset.done $0x0;
	(pc) =	sbr.rel @p0 .LBB2_8-.Ltmp3, $4  }
0x104: {  	s23 =	sadd.s32 $0x1480, s23;
	[sflag:s20] =	ssyncadd.s32 $0xFFFFC000  }
0x105: {  	[spmem:s3] =	stream.indirect.scatter.add.f32 [tilespmem:s18], [sflag:$0x3], $0x80, s23, s16, $0xb8;
	[tilespmem:$0x1E400] =	vst v63  }
0x106: {  	_ =	swait.ge [sflag:s14], $0x4000  }
0x107: {  	s24 =	smov.u32 s28;
	s23 =	sshra.s32 s26, $0x2;
	[sflag:s14] =	ssyncset.done $0x0  }
0x108: {  	s24 =	sadd.s32 $0x80, s23;
	[sflag:s14] =	ssyncadd.s32 $0xFFFFC000  }
0x109: {  	[tilespmem:s18], [sflag:$0x2] =	stream.indirect.gather [hbm4b:s5+s16], $0x80, s24, s16, $0xb8;
	[tilespmem:$0x1E400] =	vst v63  }
0x10a: {  	_ =	swait.ge [sflag:s19], $0x4000  }
0x10b: {  	[sflag:s19] =	ssyncset.done $0x0  }
0x10c: {  	s29 =	sadd.s32 $0x1400, s23;
	[sflag:s19] =	ssyncadd.s32 $0xFFFFC000  }
0x10d: {  	[spmem:s3] =	stream.indirect.scatter.add.f32 [tilespmem:s17], [sflag:$0x3], $0x80, s29, s16, $0xb8;
	[tilespmem:$0x1E400] =	vst v63  }
0x10e: {  	_ =	swait.ge [sflag:s14], $0x4000  }
0x10f: {  	[sflag:s14] =	ssyncset.done $0x0  }
0x110: {  	s30 =	sadd.s32 $0x100, s23;
	[sflag:s14] =	ssyncadd.s32 $0xFFFFC000  }
0x111: {  	[tilespmem:s17], [sflag:$0x1] =	stream.indirect.gather [hbm4b:s5+s16], $0x80, s30, s16, $0xb8;
	[tilespmem:$0x1E400] =	vst v63  }
0x112: {  	_ =	swait.ge [sflag:s20], $0x4000  }
0x113: {  	[sflag:s20] =	ssyncset.done $0x0  }
0x114: {  	s31 =	sadd.s32 $0x1480, s23;
	[sflag:s20] =	ssyncadd.s32 $0xFFFFC000  }
0x115: {  	[spmem:s3] =	stream.indirect.scatter.add.f32 [tilespmem:s18], [sflag:$0x3], $0x80, s31, s16, $0xb8;
	[tilespmem:$0x1E400] =	vst v63  }
0x116: {  	_ =	swait.ge [sflag:s14], $0x4000  }
0x117: {  	[sflag:s14] =	ssyncset.done $0x0  }
0x118: {  	[sflag:s14] =	ssyncadd.s32 $0xFFFFC000  }
0x119: {  	_ =	swait.ge [sflag:s19], $0x4000  }
0x11a: {  	[sflag:s19] =	ssyncset.done $0x0  }
0x11b: {  	[sflag:s19] =	ssyncadd.s32 $0xFFFFC000  }
0x11c: {  	[spmem:s3] =	stream.indirect.scatter.add.f32 [tilespmem:s17], [sflag:$0x3], $0x80, s21, s16, $0xb8;
	[tilespmem:$0x1E400] =	vst v63  }
0x11d: {  	_ =	swait.ge [sflag:s14], $0x4000  }
0x11e: {  	s22 =	sadd.s32 $0x1, s22;
	[sflag:s14] =	ssyncset.done $0x0  }
0x11f: {  	p0 =	sne.s32 s22, s12;
	[sflag:s14] =	ssyncadd.s32 $0xFFFFC000  }
.Ltmp4:
0x120: {  	[bflag:$0x0] =	sbarrier.arrive $0xFFFF;
	(pc) =	sbr.rel @p0 .LBB2_1-.Ltmp4, $4  }
0x121: {  	[hbm:s11], [sflag:s6] =	dma.local [spmem:s13], $0x2780  }
0x122: {  	_ =	swait.ge [sflag:s14], $0x2780  }
0x123: {  	[sflag:s14] =	ssyncset.done $0x0  }
0x124: {  	[sflag:s14] =	ssyncadd.s32 $0xFFFFD880  }
0x125: {  	_ =	sfence.sel $0x180000  }
0x126: {  	[bflag:$0x0] =	sbarrier.arrive $0xFFFF  }
0x127: {  	p0 =	sne.s32 s1, $0x0;
	_ =	strace $0x90000047  }
0x128: {  	s0 =	sadd.s32 @!p0 $0x100000, s0;
	[bflag:$0x2] =	sbarrier.arrive $0xFFFF  }
0x129: {  	[sflag:s0] =	ssyncadd.tile.s32 @!p0 $0x1;
	_ =	shalt  }
.Lfunc_end2:
_tile_overlayer_lowered:
.L_overlay_start_2:
0x12a: {  	(tag) =	ssettag $0x2  }
0x12b: {  	s0 =	rddreg [dreg:$0x0];
	s2 =	stileid.u32  }
0x12c: {  	s1 =	rddreg [dreg:$0x1];
	p0 =	sne.s32 s2, $0x0  }
0x12d: {  	s3 =	rddreg [dreg:$0x2];
	[bflag:$0x3] =	sbarrier.arrive $0xFFFF;
	s2 =	simm.s32 @!p0 $0x1C03  }
0x12e: {  	[timem:s3], [sflag:s2] =	dma.local @!p0 [hbm:s0], s1  }
0x12f: {  	s0 =	simm.s32 @!p0 $0x3  }
0x130: {  	_ =	swait.ge @!p0 [sflag:s0], s1  }
0x131: {  	s1 =	ssub.s32 @!p0 $0x0, s1;
	[sflag:s0] =	ssyncset.done @!p0 $0x0  }
0x132: {  	[sflag:s0] =	ssyncadd.s32 @!p0 s1  }
0x133: {  	[bflag:$0x3] =	sbarrier.arrive $0xFFFF  }
0x134: {  	_ =	shalt  }

// kernel: kernel.15.cloned.1.call-start
scs
__scs_entry_jumppad:
0x0: {  	(pc) =	sbr.rel $0x88, $3  }
0x1: {  	(tag) =	ssettag $0x0;
	lr =	simm.s32 $0x1  }
0x2: {  	[smem:$0x3F8A] =	sst lr;
	_ =	strace $0xD0000000  }
0x3: {  	_ = 	snop  }
0x4: {  	_ = 	snop  }
0x5: {  	_ = 	snop  }
0x6: {  	_ = 	snop  }
0x7: {  	_ = 	snop  }
__scs_overlays_trampoline_lowered:
0x8: {  	[smem:$0x3F99] =	sst s0  }
0x9: {  	[smem:$0x3F9A] =	sst s1  }
0xa: {  	[smem:$0x3F9B] =	sst s2  }
0xb: {  	[smem:$0x3F9C] =	sst s3  }
0xc: {  	[smem:$0x3F9D] =	sst s4  }
0xd: {  	[smem:$0x3F9E] =	sst s5  }
0xe: {  	[smem:$0x3F9F] =	sst s6  }
0xf: {  	[smem:$0x3FA0] =	sst s7  }
0x10: {  	[smem:$0x3FA1] =	sst s8  }
0x11: {  	[smem:$0x3FA2] =	sst s9;
	s0 =	simm.s32 @!p0 $0x0  }
0x12: {  	s1 =	sld [smem:$0x3F88];
	s0 =	simm.s32 @p0 $0x1  }
0x13: {  	[smem:$0x3FA3] =	sst s0;
	s0 =	simm.s32 @!p1 $0x0  }
0x14: {  	s2 =	sld [smem:$0x3F87];
	s0 =	simm.s32 @p1 $0x1  }
0x15: {  	[smem:$0x3FA4] =	sst s0;
	s0 =	simm.s32 @!p2 $0x0  }
0x16: {  	s3 =	sld [smem:$0x3FDB];
	s0 =	simm.s32 @p2 $0x1  }
0x17: {  	s4 =	simm.s32 $0x1BF5;
	[smem:$0x3FA6] =	sst s0  }
0x18: {  	s0 =	sld [smem:$0x3F89];
	_ =	swait.ge [sflag:s4], $0x0  }
0x19: {  	s7 =	sld [smem:$0x3F8A]  }
0x1a: {  	s8 =	sadd.s32 $0xFFFFE003, lr  }
0x1b: {  	s9 =	sadd.s32 $0xFFFFFEF7, lr;
	s5 =	simm.s32 $0xFFFFFFFF;
	p2 =	slt.u32 s8, $0xFFFFF086  }
0x1c: {  	p1 =	slt.u32 s9, $0xF7A;
	s5 =	simm.s32 @!p2 $0x0  }
0x1d: {  	s5 =	simm.s32 @p1 $0x1;
	p0 =	seq.s32 s7, s2  }
0x1e: {  	s7 =	smul.u32 @!p0 $0xF7A, s2;
	p2 =	seq.s32 @!p0 s5, $0x0  }
0x1f: {  	s9 =	smul.u32 $0xF7A, s1;
	s8 =	simm.s32 @!p0 $0x1BF5;
	p2 =	por !p2, p0  }
0x20: {  	[sflag:s8] =	ssyncset.s32 @!p0 $0xFFFFF086;
	s6 =	sadd.s32 @!p0 s3, s7;
	s7 =	simm.s32 @!p0 $0x108  }
0x21: {  	s3 =	sadd.s32 s3, s9;
	s6 =	sadd.s32 @!p0 $0x88, s6;
	s7 =	simm.s32 @p2 $0x1082  }
0x22: {  	[simem:s7], [sflag:s8] =	dma.local @!p0 [hbm:s6], $0xF7A  }
0x23: {  	s9 =	sor.u32 $0xD0000000, s2;
	s6 =	simm.s32 $0x108;
	_ =	swait.ge @!p0 [sflag:s8], $0x0  }
0x24: {  	s3 =	sadd.s32 $0x88, s3;
	s6 =	simm.s32 @!p1 $0x1082;
	[sflag:s4] =	ssyncset.s32 $0xFFFFF086  }
0x25: {  	[simem:s6], [sflag:s4] =	dma.local [hbm:s3], $0xF7A  }
0x26: {  	[smem:$0x3F8A] =	sst s1;
	(tag) =	ssettag s2;
	_ =	strace s9  }
0x27: {  	s1 =	sld [smem:$0x3F9A]  }
0x28: {  	s2 =	sld [smem:$0x3F9B]  }
0x29: {  	s4 =	sld [smem:$0x3F9D]  }
0x2a: {  	p0 =	seq.s32 s5, $0x0;
	s5 =	sld [smem:$0x3F9E]  }
0x2b: {  	s6 =	sld [smem:$0x3F9F]  }
0x2c: {  	s7 =	sld [smem:$0x3FA0]  }
0x2d: {  	s3 =	simm.s32 $0x108;
	s8 =	sld [smem:$0x3FA1]  }
0x2e: {  	s3 =	simm.s32 @!p0 $0x1082;
	s9 =	sld [smem:$0x3FA2]  }
0x2f: {  	lr =	sadd.s32 s0, s3;
	s0 =	sld [smem:$0x3F99]  }
0x30: {  	s3 =	sld [smem:$0x3F9C]  }
0x31: {  	[smem:$0x3FA5] =	sst s10  }
0x32: {  	s10 =	sld [smem:$0x3FA3];
	_ =	sdelay $0x3  }
0x33: {  	p0 =	seq.s32 s10, $0x1;
	s10 =	sld [smem:$0x3FA5];
	_ =	sdelay $0x3  }
0x34: {  	[smem:$0x3FA5] =	sst s10  }
0x35: {  	s10 =	sld [smem:$0x3FA4];
	_ =	sdelay $0x3  }
0x36: {  	p1 =	seq.s32 s10, $0x1;
	s10 =	sld [smem:$0x3FA5];
	_ =	sdelay $0x3  }
0x37: {  	[smem:$0x3FA5] =	sst s10  }
0x38: {  	s10 =	sld [smem:$0x3FA6]  }
0x39: {  	_ = 	snop;
	(pc) =	sbr.ind lr, $3  }
0x3a: {  	_ = 	snop  }
0x3b: {  	_ = 	snop  }
0x3c: {  	p2 =	seq.s32 s10, $0x1;
	s10 =	sld [smem:$0x3FA5]  }
0x3d: {  	_ =	shalt  }
0x3e: {  	_ =	shalt  }
0x3f: {  	_ =	shalt  }
0x40: {  	_ =	shalt  }
0x41: {  	_ =	shalt  }
0x42: {  	_ =	shalt  }
0x43: {  	_ =	shalt  }
0x44: {  	_ =	shalt  }
0x45: {  	_ =	shalt  }
0x46: {  	_ =	shalt  }
0x47: {  	_ =	shalt  }
0x48: {  	_ =	shalt  }
0x49: {  	_ =	shalt  }
0x4a: {  	_ =	shalt  }
0x4b: {  	_ =	shalt  }
0x4c: {  	_ =	shalt  }
0x4d: {  	_ =	shalt  }
0x4e: {  	_ =	shalt  }
0x4f: {  	_ =	shalt  }
0x50: {  	_ =	shalt  }
0x51: {  	_ =	shalt  }
0x52: {  	_ =	shalt  }
0x53: {  	_ =	shalt  }
0x54: {  	_ =	shalt  }
0x55: {  	_ =	shalt  }
0x56: {  	_ =	shalt  }
0x57: {  	_ =	shalt  }
0x58: {  	_ =	shalt  }
0x59: {  	_ =	shalt  }
0x5a: {  	_ =	shalt  }
0x5b: {  	_ =	shalt  }
0x5c: {  	_ =	shalt  }
0x5d: {  	_ =	shalt  }
0x5e: {  	_ =	shalt  }
0x5f: {  	_ =	shalt  }
0x60: {  	_ =	shalt  }
0x61: {  	_ =	shalt  }
0x62: {  	_ =	shalt  }
0x63: {  	_ =	shalt  }
0x64: {  	_ =	shalt  }
0x65: {  	_ =	shalt  }
0x66: {  	_ =	shalt  }
0x67: {  	_ =	shalt  }
0x68: {  	_ =	shalt  }
0x69: {  	_ =	shalt  }
0x6a: {  	_ =	shalt  }
0x6b: {  	_ =	shalt  }
0x6c: {  	_ =	shalt  }
0x6d: {  	_ =	shalt  }
0x6e: {  	_ =	shalt  }
0x6f: {  	_ =	shalt  }
0x70: {  	_ =	shalt  }
0x71: {  	_ =	shalt  }
0x72: {  	_ =	shalt  }
0x73: {  	_ =	shalt  }
0x74: {  	_ =	shalt  }
0x75: {  	_ =	shalt  }
0x76: {  	_ =	shalt  }
0x77: {  	_ =	shalt  }
0x78: {  	_ =	shalt  }
0x79: {  	_ =	shalt  }
0x7a: {  	_ =	shalt  }
0x7b: {  	_ =	shalt  }
0x7c: {  	_ =	shalt  }
0x7d: {  	_ =	shalt  }
0x7e: {  	_ =	shalt  }
0x7f: {  	_ =	shalt  }
0x80: {  	_ =	shalt  }
0x81: {  	_ =	shalt  }
0x82: {  	_ =	shalt  }
0x83: {  	_ =	shalt  }
0x84: {  	_ =	shalt  }
0x85: {  	_ =	shalt  }
0x86: {  	_ =	shalt  }
0x87: {  	_ =	shalt  }
.Lfunc_end0:
.L_simem_size_0:
called_computation.1_lowered:
.L_overlay_start_0:
0x88: {  	s2 =	sld [smem:$0x3FD9]  }
0x89: {  	s3 =	sld [smem:$0x3FFE];
	_ =	sdelay $0x1  }
0x8a: {  	s1 =	srdreg.scid  }
0x8b: {  	s0 =	sand.u32 $0x1, s1  }
0x8c: {  	s14 =	sshll.u32 s0, $0xA;
	s2 =	sadd.s32 s3, s2  }
0x8d: {  	s2 =	sadd.s32 s2, s14  }
0x8e: {  	[smem:$0x3FB1] =	sst s2  }
0x8f: {  	_ = 	snop  }
0x90: {  	s2 =	sld [smem:$0x3FD0];
	_ =	sdelay $0x2  }
0x91: {  	s15 =	simm.s32 $0xA;
	s4 =	simm.s32 $0x10  }
0x92: {  	[smem:s4], [sflag:s15] =	dma.local [hbm:s2], $0x1  }
0x93: {  	_ =	swait.eq [sflag:s15], $0x1  }
0x94: {  	s16 =	sld [smem:$0x10];
	[sflag:s15] =	ssyncset.done $0x0  }
0x95: {  	s17 =	sld [smem:$0x14];
	[sflag:s15] =	ssyncadd.s32 $0xFFFFFFFF  }
0x96: {  	s18 =	sld [smem:$0x15];
	(tm) =	ssettm $0x1  }
0x97: {  	s5 =	sld [smem:$0x3FFB];
	_ =	sdelay $0x3  }
0x98: {  	_ =	strace s5  }
0x99: {  	s5 =	sld [smem:$0x3FFC];
	_ =	sdelay $0x3  }
0x9a: {  	_ =	strace s5  }
0x9b: {  	s5 =	sld [smem:$0x3FFD];
	_ =	sdelay $0x3  }
0x9c: {  	_ =	strace s5  }
0x9d: {  	_ =	strace $0x8FFFFFFF  }
0x9e: {  	s19 =	sld [smem:$0x3FDB];
	_ =	sdelay $0x1  }
0x9f: {  	s6 =	simm.s32 $_scs_section_size  }
0xa0: {  	s7 =	simm.s32 $_size__tile_overlayer_lowered;
	s8 =	simm.s32 $_tile_overlayer_lowered  }
0xa1: {  	s22 =	simm.s32 $0x1BFF;
	s21 =	sshll.u32 s8, $0x1;
	s5 =	sadd.s32 s6, s19  }
0xa2: {  	s9 =	simm.s32 $0x0;
	s20 =	sshll.u32 s7, $0x1;
	s7 =	sadd.s32 s21, s5  }
0xa3: {  	[timem:s9], [sflag:s22] =	dma.local [hbm:s7], s20  }
0xa4: {  	_ =	swait.ge [sflag:s22], s20  }
0xa5: {  	s6 =	ssub.s32 $0x0, s20;
	[sflag:s22] =	ssyncset.done $0x0  }
0xa6: {  	[sflag:s22] =	ssyncadd.s32 s6;
	_ =	sdelay $0x1  }
0xa7: {  	s23 =	simm.s32 $0x1B8B  }
0xa8: {  	_ =	swait.ge [sflag:s23], $0x1  }
0xa9: {  	[sflag:s23] =	ssyncset.done $0x0  }
0xaa: {  	s25 =	simm.s32 $0x1B8E;
	s24 =	sld [smem:$0x3FFE];
	[sflag:s23] =	ssyncadd.s32 $0xFFFFFFFF  }
0xab: {  	s26 =	simm.s32 $execute0_lowered;
	[smem:$0x3FD2] =	sst s25  }
0xac: {  	s7 =	sshll.u32 s26, $0x1;
	_ =	strace $0x80000049;
	[dreg:$0x1] =	wrdreg $0xFFFFFFFF  }
0xad: {  	s28 =	simm.s32 $_size_execute0_lowered;
	s5 =	sadd.s32 s5, s7;
	[dreg:$0x0] =	wrdreg $0x0  }
0xae: {  	s7 =	sshll.u32 s28, $0x1;
	[dreg:$0x2] =	wrdreg s5  }
0xaf: {  	[dreg:$0x3] =	wrdreg s7  }
0xb0: {  	[dreg:$0x4] =	wrdreg $0xC0  }
0xb1: {  	_ =	task [dreg:s9], $0x5FFFF  }
0xb2: {  	[dreg:$0x1] =	wrdreg $0xFFFFFFFF  }
0xb3: {  	[dreg:$0x0] =	wrdreg $0x60  }
0xb4: {  	[dreg:$0x2] =	wrdreg s18  }
0xb5: {  	[dreg:$0x3] =	wrdreg s17  }
0xb6: {  	[dreg:$0x4] =	wrdreg s24  }
0xb7: {  	[dreg:$0x5] =	wrdreg s16  }
0xb8: {  	[dreg:$0x6] =	wrdreg $0xA8000  }
0xb9: {  	[dreg:$0x7] =	wrdreg $0x9  }
0xba: {  	_ =	task.clear_ibuf [dreg:s9], $0x8FFFF;
	_ =	strace $0x90000049  }
0xbb: {  	s29 =	simm.s32 $0x9;
	_ =	strace $0x8000004B  }
0xbc: {  	_ =	swait.ge [sflag:s29], $0x1  }
0xbd: {  	[sflag:s29] =	ssyncadd.s32 $0xFFFFFFFF  }
0xbe: {  	_ =	strace $0x9000004B  }
0xbf: {  	_ =	sfence  }
0xc0: {  	s30 =	sld [smem:$0x0];
	_ =	sdelay $0x2  }
0xc1: {  	s31 =	sshll.u32 s1, $0xD;
	s1 =	sshrl.u32 s1, $0x2  }
0xc2: {  	s3 =	sand.u32 $0x4000, s31;
	s1 =	sadd.s32 s1, s30  }
0xc3: {  	s0 =	sor.u32 s3, s0;
	s1 =	sshll.u32 s1, $0x11  }
0xc4: {  	s0 =	sor.u32 s1, s0  }
0xc5: {  	s0 =	sadd.s32 $0x8F2B, s0  }
0xc6: {  	[sflag:s0] =	ssyncadd.remote.s32 $0x1  }
0xc7: {  	_ =	sfence.sel $0xFFFF  }
0xc8: {  	[dreg:$0x0] =	wrdreg $0xFFFFFFFF;
	(pc) =	sbr.abs _section_cstart, $3  }
0xc9: {  	[dreg:$0x1] =	wrdreg $0xFFFFFFFF  }
0xca: {  	_ =	task.clear_ibuf [dreg:s9], $0x2FFFF;
	_ =	strace $0x9FFFFFFF  }
0xcb: {  	(tm) =	ssettm $0x7FFFFFFF  }
tec
execute0_lowered:
.L_overlay_start_1:
0x0: {  	(tag) =	ssettag $0x1  }
0x1: {  	s13 =	rddreg [dreg:$0x0]  }
0x2: {  	s14 =	rddreg [dreg:$0x1]  }
0x3: {  	s6 =	rddreg [dreg:$0x2]  }
0x4: {  	s2 =	rddreg [dreg:$0x3]  }
0x5: {  	s1 =	srdreg.scid;
	s0 =	stileid.u32  }
0x6: {  	s3 =	rddreg [dreg:$0x4];
	s4 =	simm.s32 $0x0;
	s20 =	simm.s32 $0x80  }
0x7: {  	s21 =	simm.s32 $0x2800;
	s22 =	simm.s32 $0x6800;
	s7 =	smul.u32 $0x2780, s0  }
0x8: {  	s23 =	simm.s32 $0x1;
	s24 =	simm.s32 $0x2;
	s9 =	smul.u32 $0x4F000, s0  }
0x9: {  	s5 =	sand.u32 $0x1, s1;
	[smem:$0x7FF] =	sst s4;
	s11 =	smul.u32 $0x5000, s0  }
0xa: {  	s30 =	sshll.u32 s0, $0x6;
	s8 =	smul.u32 $0x27800, s5;
	_ =	strace $0x8000004A  }
0xb: {  	s10 =	smul.u32 $0x50000, s5;
	s25 =	ssub.s32 $0x2, s5;
	s5 =	sadd.s32 $0xA5800, s6  }
0xc: {  	s26 =	sshrl.u32 s25, $0x1;
	s28 =	sshrl.u32 s9, $0x2;
	s7 =	sadd.s32 s7, s8  }
0xd: {  	s16 =	ssub.s32 s25, s26;
	s29 =	sadd.s32 s11, s10;
	s17 =	sadd.s32 s28, s3  }
0xe: {  	s25 =	simm.s32 $0x2600;
	s26 =	simm.s32 $0x0;
	s15 =	sadd.s32 s7, s6  }
0xf: {  	s12 =	sshrl.u32 s29, $0x3;
	s6 =	sor.u32 $0x1C03, s30;
	s16 =	smax.u32 s16, $0x1  }
0x10: {  	s17 =	sshrl.u32 s17, $0x3;
	s7 =	sadd.s32 s13, s12;
	s31 =	sadd.s32 $0x280, s12  }
0x11: {  	s8 =	sadd.s32 s14, s12;
	s18 =	sadd.s32 $0x500, s12;
	s19 =	sadd.s32 $0x780, s12  }
0x12: {  	s15 =	sadd.s32 $0xF3A00, s15;
	s9 =	sadd.s32 s13, s31;
	s10 =	sadd.s32 s14, s31  }
0x13: {  	s11 =	sadd.s32 s13, s18;
	s12 =	sadd.s32 s14, s18;
	s13 =	sadd.s32 s13, s19  }
0x14: {  	s14 =	sadd.s32 s14, s19;
	s18 =	simm.s32 $0x3;
	s19 =	simm.s32 $0x1400  }
.LBB2_1:
0x15: {  	[spmem:s17], [sflag:s6] =	dma.local [hbm:s2], $0x2780  }
0x16: {  	_ =	swait.ge [sflag:s18], $0x2780  }
0x17: {  	[sflag:s18] =	ssyncset.done $0x0  }
0x18: {  	[sflag:s18] =	ssyncadd.s32 $0xFFFFD880  }
0x19: {  	[bflag:$0x0] =	sbarrier.arrive $0xFFFF  }
0x1a: {  	[tilespmem:s4], [sflag:$0x3] =	stream.linear.gather [hbm4b:s7+s4], $0x1280, $0x38;
	[tilespmem:$0x1E400] =	vst v63  }
0x1b: {  	_ =	swait.ge [sflag:s18], $0x1280  }
0x1c: {  	[sflag:s18] =	ssyncset.done $0x0  }
0x1d: {  	[sflag:s18] =	ssyncadd.s32 $0xFFFFED80  }
0x1e: {  	[tilespmem:s19], [sflag:$0x3] =	stream.linear.gather [hbm4b:s8+s4], $0x1280, $0x38;
	[tilespmem:$0x1E400] =	vst v63  }
0x1f: {  	_ =	swait.ge [sflag:s18], $0x1280  }
0x20: {  	[sflag:s18] =	ssyncset.done $0x0  }
0x21: {  	[sflag:s18] =	ssyncadd.s32 $0xFFFFED80  }
0x22: {  	[tilespmem:s21], [sflag:$0x1] =	stream.indirect.gather [hbm4b:s5+s20], $0x80, s4, s20, $0xb8;
	[tilespmem:$0x1E400] =	vst v63  }
0x23: {  	s28 =	simm.s32 $0x80  }
0x24: {  	[tilespmem:s22], [sflag:$0x2] =	stream.indirect.gather [hbm4b:s5+s20], $0x80, s28, s20, $0xb8;
	[tilespmem:$0x1E400] =	vst v63  }
0x25: {  	_ =	swait.ge [sflag:s23], $0x4000  }
0x26: {  	[sflag:s23] =	ssyncset.done $0x0  }
0x27: {  	s28 =	simm.s32 $0x1400;
	[sflag:s23] =	ssyncadd.s32 $0xFFFFC000  }
0x28: {  	[spmem:s3] =	stream.indirect.scatter.add.f32 [tilespmem:s21], [sflag:$0x3], $0x80, s28, s20, $0xb8;
	[tilespmem:$0x1E400] =	vst v63  }
0x29: {  	_ =	swait.ge [sflag:s18], $0x4000  }
0x2a: {  	[sflag:s18] =	ssyncset.done $0x0  }
0x2b: {  	s28 =	simm.s32 $0x100;
	[sflag:s18] =	ssyncadd.s32 $0xFFFFC000  }
0x2c: {  	[tilespmem:s21], [sflag:$0x1] =	stream.indirect.gather [hbm4b:s5+s20], $0x80, s28, s20, $0xb8;
	[tilespmem:$0x1E400] =	vst v63  }
0x2d: {  	_ =	swait.ge [sflag:s24], $0x4000  }
0x2e: {  	[sflag:s24] =	ssyncset.done $0x0  }
0x2f: {  	s28 =	simm.s32 $0x1480;
	[sflag:s24] =	ssyncadd.s32 $0xFFFFC000  }
0x30: {  	[spmem:s3] =	stream.indirect.scatter.add.f32 [tilespmem:s22], [sflag:$0x3], $0x80, s28, s20, $0xb8;
	[tilespmem:$0x1E400] =	vst v63  }
0x31: {  	_ =	swait.ge [sflag:s18], $0x4000  }
0x32: {  	s29 =	simm.s32 $0x800;
	s28 =	simm.s32 $0x100;
	[sflag:s18] =	ssyncset.done $0x0  }
.LBB2_2:
0x33: {  	s30 =	sadd.s32 $0x80, s28  }
0x34: {  	[sflag:s18] =	ssyncadd.s32 $0xFFFFC000;
	s31 =	smov.u32 s29;
	s1 =	sadd.s32 $0x400, s29  }
0x35: {  	[tilespmem:s22], [sflag:$0x2] =	stream.indirect.gather [hbm4b:s5+s20], $0x80, s30, s20, $0xb8;
	[tilespmem:$0x1E400] =	vst v63  }
0x36: {  	p0 =	sne.s32 s29, $0x4400;
	_ =	swait.ge [sflag:s23], $0x4000  }
0x37: {  	[sflag:s23] =	ssyncset.done $0x0  }
0x38: {  	s29 =	sadd.s32 $0x1400, s28;
	[sflag:s23] =	ssyncadd.s32 $0xFFFFC000  }
0x39: {  	[spmem:s3] =	stream.indirect.scatter.add.f32 [tilespmem:s21], [sflag:$0x3], $0x80, s29, s20, $0xb8;
	[tilespmem:$0x1E400] =	vst v63  }
0x3a: {  	_ =	swait.ge [sflag:s18], $0x4000  }
0x3b: {  	[sflag:s18] =	ssyncset.done $0x0  }
0x3c: {  	s29 =	sadd.s32 $0x100, s28;
	[sflag:s18] =	ssyncadd.s32 $0xFFFFC000  }
0x3d: {  	[tilespmem:s21], [sflag:$0x1] =	stream.indirect.gather [hbm4b:s5+s20], $0x80, s29, s20, $0xb8;
	[tilespmem:$0x1E400] =	vst v63  }
0x3e: {  	_ =	swait.ge [sflag:s24], $0x4000  }
.Ltmp0:
0x3f: {  	[sflag:s24] =	ssyncset.done $0x0;
	(pc) =	sbr.rel @p0 .LBB2_2-.Ltmp0, $4  }
0x40: {  	s28 =	sadd.s32 $0x1480, s28;
	[sflag:s24] =	ssyncadd.s32 $0xFFFFC000  }
0x41: {  	[spmem:s3] =	stream.indirect.scatter.add.f32 [tilespmem:s22], [sflag:$0x3], $0x80, s28, s20, $0xb8;
	[tilespmem:$0x1E400] =	vst v63  }
0x42: {  	_ =	swait.ge [sflag:s18], $0x4000  }
0x43: {  	s29 =	smov.u32 s1;
	s28 =	sshra.s32 s31, $0x2;
	[sflag:s18] =	ssyncset.done $0x0  }
0x44: {  	s1 =	sadd.s32 $0x80, s28;
	[sflag:s18] =	ssyncadd.s32 $0xFFFFC000  }
0x45: {  	[tilespmem:s22], [sflag:$0x2] =	stream.indirect.gather [hbm4b:s5+s20], $0x80, s1, s20, $0xb8;
	[tilespmem:$0x1E400] =	vst v63  }
0x46: {  	_ =	swait.ge [sflag:s23], $0x4000  }
0x47: {  	[sflag:s23] =	ssyncset.done $0x0  }
0x48: {  	s30 =	sadd.s32 $0x1400, s28;
	[sflag:s23] =	ssyncadd.s32 $0xFFFFC000  }
0x49: {  	[spmem:s3] =	stream.indirect.scatter.add.f32 [tilespmem:s21], [sflag:$0x3], $0x80, s30, s20, $0xb8;
	[tilespmem:$0x1E400] =	vst v63  }
0x4a: {  	_ =	swait.ge [sflag:s18], $0x4000  }
0x4b: {  	[sflag:s18] =	ssyncset.done $0x0  }
0x4c: {  	s31 =	sadd.s32 $0x100, s28;
	[sflag:s18] =	ssyncadd.s32 $0xFFFFC000  }
0x4d: {  	[tilespmem:s21], [sflag:$0x1] =	stream.indirect.gather [hbm4b:s5+s20], $0x80, s31, s20, $0xb8;
	[tilespmem:$0x1E400] =	vst v63  }
0x4e: {  	_ =	swait.ge [sflag:s24], $0x4000  }
0x4f: {  	[sflag:s24] =	ssyncset.done $0x0  }
0x50: {  	s30 =	sadd.s32 $0x1480, s28;
	[sflag:s24] =	ssyncadd.s32 $0xFFFFC000  }
0x51: {  	[spmem:s3] =	stream.indirect.scatter.add.f32 [tilespmem:s22], [sflag:$0x3], $0x80, s30, s20, $0xb8;
	[tilespmem:$0x1E400] =	vst v63  }
0x52: {  	_ =	swait.ge [sflag:s18], $0x4000  }
0x53: {  	[sflag:s18] =	ssyncset.done $0x0  }
0x54: {  	[sflag:s18] =	ssyncadd.s32 $0xFFFFC000  }
0x55: {  	_ =	swait.ge [sflag:s23], $0x4000  }
0x56: {  	[sflag:s23] =	ssyncset.done $0x0  }
0x57: {  	[sflag:s23] =	ssyncadd.s32 $0xFFFFC000  }
0x58: {  	[spmem:s3] =	stream.indirect.scatter.add.f32 [tilespmem:s21], [sflag:$0x3], $0x80, s25, s20, $0xb8;
	[tilespmem:$0x1E400] =	vst v63  }
0x59: {  	_ =	swait.ge [sflag:s18], $0x4000  }
0x5a: {  	[sflag:s18] =	ssyncset.done $0x0  }
0x5b: {  	s31 =	simm.s32 $0x0;
	[sflag:s18] =	ssyncadd.s32 $0xFFFFC000  }
0x5c: {  	[tilespmem:s31], [sflag:$0x3] =	stream.linear.gather [hbm4b:s9+s31], $0x1280, $0x38;
	[tilespmem:$0x1E400] =	vst v63  }
0x5d: {  	_ =	swait.ge [sflag:s18], $0x1280  }
0x5e: {  	[sflag:s18] =	ssyncset.done $0x0  }
0x5f: {  	[sflag:s18] =	ssyncadd.s32 $0xFFFFED80  }
0x60: {  	[tilespmem:s19], [sflag:$0x3] =	stream.linear.gather [hbm4b:s10+s31], $0x1280, $0x38;
	[tilespmem:$0x1E400] =	vst v63  }
0x61: {  	_ =	swait.ge [sflag:s18], $0x1280  }
0x62: {  	[sflag:s18] =	ssyncset.done $0x0  }
0x63: {  	[sflag:s18] =	ssyncadd.s32 $0xFFFFED80  }
0x64: {  	[tilespmem:s21], [sflag:$0x1] =	stream.indirect.gather [hbm4b:s5+s20], $0x80, s31, s20, $0xb8;
	[tilespmem:$0x1E400] =	vst v63  }
0x65: {  	s30 =	simm.s32 $0x80  }
0x66: {  	[tilespmem:s22], [sflag:$0x2] =	stream.indirect.gather [hbm4b:s5+s20], $0x80, s30, s20, $0xb8;
	[tilespmem:$0x1E400] =	vst v63  }
0x67: {  	_ =	swait.ge [sflag:s23], $0x4000  }
0x68: {  	[sflag:s23] =	ssyncset.done $0x0  }
0x69: {  	s31 =	simm.s32 $0x1400;
	[sflag:s23] =	ssyncadd.s32 $0xFFFFC000  }
0x6a: {  	[spmem:s3] =	stream.indirect.scatter.add.f32 [tilespmem:s21], [sflag:$0x3], $0x80, s31, s20, $0xb8;
	[tilespmem:$0x1E400] =	vst v63  }
0x6b: {  	_ =	swait.ge [sflag:s18], $0x4000  }
0x6c: {  	[sflag:s18] =	ssyncset.done $0x0  }
0x6d: {  	s30 =	simm.s32 $0x100;
	[sflag:s18] =	ssyncadd.s32 $0xFFFFC000  }
0x6e: {  	[tilespmem:s21], [sflag:$0x1] =	stream.indirect.gather [hbm4b:s5+s20], $0x80, s30, s20, $0xb8;
	[tilespmem:$0x1E400] =	vst v63  }
0x6f: {  	_ =	swait.ge [sflag:s24], $0x4000  }
0x70: {  	[sflag:s24] =	ssyncset.done $0x0  }
0x71: {  	s31 =	simm.s32 $0x1480;
	[sflag:s24] =	ssyncadd.s32 $0xFFFFC000  }
0x72: {  	[spmem:s3] =	stream.indirect.scatter.add.f32 [tilespmem:s22], [sflag:$0x3], $0x80, s31, s20, $0xb8;
	[tilespmem:$0x1E400] =	vst v63  }
0x73: {  	_ =	swait.ge [sflag:s18], $0x4000  }
0x74: {  	s29 =	simm.s32 $0x800;
	s28 =	simm.s32 $0x100;
	[sflag:s18] =	ssyncset.done $0x0  }
.LBB2_4:
0x75: {  	s1 =	sadd.s32 $0x80, s28  }
0x76: {  	[sflag:s18] =	ssyncadd.s32 $0xFFFFC000;
	s30 =	smov.u32 s29;
	s31 =	sadd.s32 $0x400, s29  }
0x77: {  	[tilespmem:s22], [sflag:$0x2] =	stream.indirect.gather [hbm4b:s5+s20], $0x80, s1, s20, $0xb8;
	[tilespmem:$0x1E400] =	vst v63  }
0x78: {  	p0 =	sne.s32 s29, $0x4400;
	_ =	swait.ge [sflag:s23], $0x4000  }
0x79: {  	[sflag:s23] =	ssyncset.done $0x0  }
0x7a: {  	s1 =	sadd.s32 $0x1400, s28;
	[sflag:s23] =	ssyncadd.s32 $0xFFFFC000  }
0x7b: {  	[spmem:s3] =	stream.indirect.scatter.add.f32 [tilespmem:s21], [sflag:$0x3], $0x80, s1, s20, $0xb8;
	[tilespmem:$0x1E400] =	vst v63  }
0x7c: {  	_ =	swait.ge [sflag:s18], $0x4000  }
0x7d: {  	[sflag:s18] =	ssyncset.done $0x0  }
0x7e: {  	s1 =	sadd.s32 $0x100, s28;
	[sflag:s18] =	ssyncadd.s32 $0xFFFFC000  }
0x7f: {  	[tilespmem:s21], [sflag:$0x1] =	stream.indirect.gather [hbm4b:s5+s20], $0x80, s1, s20, $0xb8;
	[tilespmem:$0x1E400] =	vst v63  }
0x80: {  	_ =	swait.ge [sflag:s24], $0x4000  }
.Ltmp1:
0x81: {  	[sflag:s24] =	ssyncset.done $0x0;
	(pc) =	sbr.rel @p0 .LBB2_4-.Ltmp1, $4  }
0x82: {  	s1 =	sadd.s32 $0x1480, s28;
	[sflag:s24] =	ssyncadd.s32 $0xFFFFC000  }
0x83: {  	[spmem:s3] =	stream.indirect.scatter.add.f32 [tilespmem:s22], [sflag:$0x3], $0x80, s1, s20, $0xb8;
	[tilespmem:$0x1E400] =	vst v63  }
0x84: {  	_ =	swait.ge [sflag:s18], $0x4000  }
0x85: {  	s29 =	smov.u32 s31;
	s28 =	sshra.s32 s30, $0x2;
	[sflag:s18] =	ssyncset.done $0x0  }
0x86: {  	s1 =	sadd.s32 $0x80, s28;
	[sflag:s18] =	ssyncadd.s32 $0xFFFFC000  }
0x87: {  	[tilespmem:s22], [sflag:$0x2] =	stream.indirect.gather [hbm4b:s5+s20], $0x80, s1, s20, $0xb8;
	[tilespmem:$0x1E400] =	vst v63  }
0x88: {  	_ =	swait.ge [sflag:s23], $0x4000  }
0x89: {  	[sflag:s23] =	ssyncset.done $0x0  }
0x8a: {  	s30 =	sadd.s32 $0x1400, s28;
	[sflag:s23] =	ssyncadd.s32 $0xFFFFC000  }
0x8b: {  	[spmem:s3] =	stream.indirect.scatter.add.f32 [tilespmem:s21], [sflag:$0x3], $0x80, s30, s20, $0xb8;
	[tilespmem:$0x1E400] =	vst v63  }
0x8c: {  	_ =	swait.ge [sflag:s18], $0x4000  }
0x8d: {  	[sflag:s18] =	ssyncset.done $0x0  }
0x8e: {  	s31 =	sadd.s32 $0x100, s28;
	[sflag:s18] =	ssyncadd.s32 $0xFFFFC000  }
0x8f: {  	[tilespmem:s21], [sflag:$0x1] =	stream.indirect.gather [hbm4b:s5+s20], $0x80, s31, s20, $0xb8;
	[tilespmem:$0x1E400] =	vst v63  }
0x90: {  	_ =	swait.ge [sflag:s24], $0x4000  }
0x91: {  	[sflag:s24] =	ssyncset.done $0x0  }
0x92: {  	s30 =	sadd.s32 $0x1480, s28;
	[sflag:s24] =	ssyncadd.s32 $0xFFFFC000  }
0x93: {  	[spmem:s3] =	stream.indirect.scatter.add.f32 [tilespmem:s22], [sflag:$0x3], $0x80, s30, s20, $0xb8;
	[tilespmem:$0x1E400] =	vst v63  }
0x94: {  	_ =	swait.ge [sflag:s18], $0x4000  }
0x95: {  	[sflag:s18] =	ssyncset.done $0x0  }
0x96: {  	[sflag:s18] =	ssyncadd.s32 $0xFFFFC000  }
0x97: {  	_ =	swait.ge [sflag:s23], $0x4000  }
0x98: {  	[sflag:s23] =	ssyncset.done $0x0  }
0x99: {  	[sflag:s23] =	ssyncadd.s32 $0xFFFFC000  }
0x9a: {  	[spmem:s3] =	stream.indirect.scatter.add.f32 [tilespmem:s21], [sflag:$0x3], $0x80, s25, s20, $0xb8;
	[tilespmem:$0x1E400] =	vst v63  }
0x9b: {  	_ =	swait.ge [sflag:s18], $0x4000  }
0x9c: {  	[sflag:s18] =	ssyncset.done $0x0  }
0x9d: {  	s31 =	simm.s32 $0x0;
	[sflag:s18] =	ssyncadd.s32 $0xFFFFC000  }
0x9e: {  	[tilespmem:s31], [sflag:$0x3] =	stream.linear.gather [hbm4b:s11+s31], $0x1280, $0x38;
	[tilespmem:$0x1E400] =	vst v63  }
0x9f: {  	_ =	swait.ge [sflag:s18], $0x1280  }
0xa0: {  	[sflag:s18] =	ssyncset.done $0x0  }
0xa1: {  	[sflag:s18] =	ssyncadd.s32 $0xFFFFED80  }
0xa2: {  	[tilespmem:s19], [sflag:$0x3] =	stream.linear.gather [hbm4b:s12+s31], $0x1280, $0x38;
	[tilespmem:$0x1E400] =	vst v63  }
0xa3: {  	_ =	swait.ge [sflag:s18], $0x1280  }
0xa4: {  	[sflag:s18] =	ssyncset.done $0x0  }
0xa5: {  	[sflag:s18] =	ssyncadd.s32 $0xFFFFED80  }
0xa6: {  	[tilespmem:s21], [sflag:$0x1] =	stream.indirect.gather [hbm4b:s5+s20], $0x80, s31, s20, $0xb8;
	[tilespmem:$0x1E400] =	vst v63  }
0xa7: {  	s30 =	simm.s32 $0x80  }
0xa8: {  	[tilespmem:s22], [sflag:$0x2] =	stream.indirect.gather [hbm4b:s5+s20], $0x80, s30, s20, $0xb8;
	[tilespmem:$0x1E400] =	vst v63  }
0xa9: {  	_ =	swait.ge [sflag:s23], $0x4000  }
0xaa: {  	[sflag:s23] =	ssyncset.done $0x0  }
0xab: {  	s31 =	simm.s32 $0x1400;
	[sflag:s23] =	ssyncadd.s32 $0xFFFFC000  }
0xac: {  	[spmem:s3] =	stream.indirect.scatter.add.f32 [tilespmem:s21], [sflag:$0x3], $0x80, s31, s20, $0xb8;
	[tilespmem:$0x1E400] =	vst v63  }
0xad: {  	_ =	swait.ge [sflag:s18], $0x4000  }
0xae: {  	[sflag:s18] =	ssyncset.done $0x0  }
0xaf: {  	s30 =	simm.s32 $0x100;
	[sflag:s18] =	ssyncadd.s32 $0xFFFFC000  }
0xb0: {  	[tilespmem:s21], [sflag:$0x1] =	stream.indirect.gather [hbm4b:s5+s20], $0x80, s30, s20, $0xb8;
	[tilespmem:$0x1E400] =	vst v63  }
0xb1: {  	_ =	swait.ge [sflag:s24], $0x4000  }
0xb2: {  	[sflag:s24] =	ssyncset.done $0x0  }
0xb3: {  	s31 =	simm.s32 $0x1480;
	[sflag:s24] =	ssyncadd.s32 $0xFFFFC000  }
0xb4: {  	[spmem:s3] =	stream.indirect.scatter.add.f32 [tilespmem:s22], [sflag:$0x3], $0x80, s31, s20, $0xb8;
	[tilespmem:$0x1E400] =	vst v63  }
0xb5: {  	_ =	swait.ge [sflag:s18], $0x4000  }
0xb6: {  	s29 =	simm.s32 $0x800;
	s28 =	simm.s32 $0x100;
	[sflag:s18] =	ssyncset.done $0x0  }
.LBB2_6:
0xb7: {  	s1 =	sadd.s32 $0x80, s28  }
0xb8: {  	[sflag:s18] =	ssyncadd.s32 $0xFFFFC000;
	s30 =	smov.u32 s29;
	s31 =	sadd.s32 $0x400, s29  }
0xb9: {  	[tilespmem:s22], [sflag:$0x2] =	stream.indirect.gather [hbm4b:s5+s20], $0x80, s1, s20, $0xb8;
	[tilespmem:$0x1E400] =	vst v63  }
0xba: {  	p0 =	sne.s32 s29, $0x4400;
	_ =	swait.ge [sflag:s23], $0x4000  }
0xbb: {  	[sflag:s23] =	ssyncset.done $0x0  }
0xbc: {  	s1 =	sadd.s32 $0x1400, s28;
	[sflag:s23] =	ssyncadd.s32 $0xFFFFC000  }
0xbd: {  	[spmem:s3] =	stream.indirect.scatter.add.f32 [tilespmem:s21], [sflag:$0x3], $0x80, s1, s20, $0xb8;
	[tilespmem:$0x1E400] =	vst v63  }
0xbe: {  	_ =	swait.ge [sflag:s18], $0x4000  }
0xbf: {  	[sflag:s18] =	ssyncset.done $0x0  }
0xc0: {  	s1 =	sadd.s32 $0x100, s28;
	[sflag:s18] =	ssyncadd.s32 $0xFFFFC000  }
0xc1: {  	[tilespmem:s21], [sflag:$0x1] =	stream.indirect.gather [hbm4b:s5+s20], $0x80, s1, s20, $0xb8;
	[tilespmem:$0x1E400] =	vst v63  }
0xc2: {  	_ =	swait.ge [sflag:s24], $0x4000  }
.Ltmp2:
0xc3: {  	[sflag:s24] =	ssyncset.done $0x0;
	(pc) =	sbr.rel @p0 .LBB2_6-.Ltmp2, $4  }
0xc4: {  	s1 =	sadd.s32 $0x1480, s28;
	[sflag:s24] =	ssyncadd.s32 $0xFFFFC000  }
0xc5: {  	[spmem:s3] =	stream.indirect.scatter.add.f32 [tilespmem:s22], [sflag:$0x3], $0x80, s1, s20, $0xb8;
	[tilespmem:$0x1E400] =	vst v63  }
0xc6: {  	_ =	swait.ge [sflag:s18], $0x4000  }
0xc7: {  	s29 =	smov.u32 s31;
	s28 =	sshra.s32 s30, $0x2;
	[sflag:s18] =	ssyncset.done $0x0  }
0xc8: {  	s1 =	sadd.s32 $0x80, s28;
	[sflag:s18] =	ssyncadd.s32 $0xFFFFC000  }
0xc9: {  	[tilespmem:s22], [sflag:$0x2] =	stream.indirect.gather [hbm4b:s5+s20], $0x80, s1, s20, $0xb8;
	[tilespmem:$0x1E400] =	vst v63  }
0xca: {  	_ =	swait.ge [sflag:s23], $0x4000  }
0xcb: {  	[sflag:s23] =	ssyncset.done $0x0  }
0xcc: {  	s30 =	sadd.s32 $0x1400, s28;
	[sflag:s23] =	ssyncadd.s32 $0xFFFFC000  }
0xcd: {  	[spmem:s3] =	stream.indirect.scatter.add.f32 [tilespmem:s21], [sflag:$0x3], $0x80, s30, s20, $0xb8;
	[tilespmem:$0x1E400] =	vst v63  }
0xce: {  	_ =	swait.ge [sflag:s18], $0x4000  }
0xcf: {  	[sflag:s18] =	ssyncset.done $0x0  }
0xd0: {  	s31 =	sadd.s32 $0x100, s28;
	[sflag:s18] =	ssyncadd.s32 $0xFFFFC000  }
0xd1: {  	[tilespmem:s21], [sflag:$0x1] =	stream.indirect.gather [hbm4b:s5+s20], $0x80, s31, s20, $0xb8;
	[tilespmem:$0x1E400] =	vst v63  }
0xd2: {  	_ =	swait.ge [sflag:s24], $0x4000  }
0xd3: {  	[sflag:s24] =	ssyncset.done $0x0  }
0xd4: {  	s30 =	sadd.s32 $0x1480, s28;
	[sflag:s24] =	ssyncadd.s32 $0xFFFFC000  }
0xd5: {  	[spmem:s3] =	stream.indirect.scatter.add.f32 [tilespmem:s22], [sflag:$0x3], $0x80, s30, s20, $0xb8;
	[tilespmem:$0x1E400] =	vst v63  }
0xd6: {  	_ =	swait.ge [sflag:s18], $0x4000  }
0xd7: {  	[sflag:s18] =	ssyncset.done $0x0  }
0xd8: {  	[sflag:s18] =	ssyncadd.s32 $0xFFFFC000  }
0xd9: {  	_ =	swait.ge [sflag:s23], $0x4000  }
0xda: {  	[sflag:s23] =	ssyncset.done $0x0  }
0xdb: {  	[sflag:s23] =	ssyncadd.s32 $0xFFFFC000  }
0xdc: {  	[spmem:s3] =	stream.indirect.scatter.add.f32 [tilespmem:s21], [sflag:$0x3], $0x80, s25, s20, $0xb8;
	[tilespmem:$0x1E400] =	vst v63  }
0xdd: {  	_ =	swait.ge [sflag:s18], $0x4000  }
0xde: {  	[sflag:s18] =	ssyncset.done $0x0  }
0xdf: {  	s31 =	simm.s32 $0x0;
	[sflag:s18] =	ssyncadd.s32 $0xFFFFC000  }
0xe0: {  	[tilespmem:s31], [sflag:$0x3] =	stream.linear.gather [hbm4b:s13+s31], $0x1280, $0x38;
	[tilespmem:$0x1E400] =	vst v63  }
0xe1: {  	_ =	swait.ge [sflag:s18], $0x1280  }
0xe2: {  	[sflag:s18] =	ssyncset.done $0x0  }
0xe3: {  	[sflag:s18] =	ssyncadd.s32 $0xFFFFED80  }
0xe4: {  	[tilespmem:s19], [sflag:$0x3] =	stream.linear.gather [hbm4b:s14+s31], $0x1280, $0x38;
	[tilespmem:$0x1E400] =	vst v63  }
0xe5: {  	_ =	swait.ge [sflag:s18], $0x1280  }
0xe6: {  	[sflag:s18] =	ssyncset.done $0x0  }
0xe7: {  	[sflag:s18] =	ssyncadd.s32 $0xFFFFED80  }
0xe8: {  	[tilespmem:s21], [sflag:$0x1] =	stream.indirect.gather [hbm4b:s5+s20], $0x80, s31, s20, $0xb8;
	[tilespmem:$0x1E400] =	vst v63  }
0xe9: {  	s30 =	simm.s32 $0x80  }
0xea: {  	[tilespmem:s22], [sflag:$0x2] =	stream.indirect.gather [hbm4b:s5+s20], $0x80, s30, s20, $0xb8;
	[tilespmem:$0x1E400] =	vst v63  }
0xeb: {  	_ =	swait.ge [sflag:s23], $0x4000  }
0xec: {  	[sflag:s23] =	ssyncset.done $0x0  }
0xed: {  	s31 =	simm.s32 $0x1400;
	[sflag:s23] =	ssyncadd.s32 $0xFFFFC000  }
0xee: {  	[spmem:s3] =	stream.indirect.scatter.add.f32 [tilespmem:s21], [sflag:$0x3], $0x80, s31, s20, $0xb8;
	[tilespmem:$0x1E400] =	vst v63  }
0xef: {  	_ =	swait.ge [sflag:s18], $0x4000  }
0xf0: {  	[sflag:s18] =	ssyncset.done $0x0  }
0xf1: {  	s30 =	simm.s32 $0x100;
	[sflag:s18] =	ssyncadd.s32 $0xFFFFC000  }
0xf2: {  	[tilespmem:s21], [sflag:$0x1] =	stream.indirect.gather [hbm4b:s5+s20], $0x80, s30, s20, $0xb8;
	[tilespmem:$0x1E400] =	vst v63  }
0xf3: {  	_ =	swait.ge [sflag:s24], $0x4000  }
0xf4: {  	[sflag:s24] =	ssyncset.done $0x0  }
0xf5: {  	s31 =	simm.s32 $0x1480;
	[sflag:s24] =	ssyncadd.s32 $0xFFFFC000  }
0xf6: {  	[spmem:s3] =	stream.indirect.scatter.add.f32 [tilespmem:s22], [sflag:$0x3], $0x80, s31, s20, $0xb8;
	[tilespmem:$0x1E400] =	vst v63  }
0xf7: {  	_ =	swait.ge [sflag:s18], $0x4000  }
0xf8: {  	s29 =	simm.s32 $0x800;
	s28 =	simm.s32 $0x100;
	[sflag:s18] =	ssyncset.done $0x0  }
.LBB2_8:
0xf9: {  	s1 =	sadd.s32 $0x80, s28  }
0xfa: {  	[sflag:s18] =	ssyncadd.s32 $0xFFFFC000;
	s30 =	smov.u32 s29;
	s31 =	sadd.s32 $0x400, s29  }
0xfb: {  	[tilespmem:s22], [sflag:$0x2] =	stream.indirect.gather [hbm4b:s5+s20], $0x80, s1, s20, $0xb8;
	[tilespmem:$0x1E400] =	vst v63  }
0xfc: {  	p0 =	sne.s32 s29, $0x4400;
	_ =	swait.ge [sflag:s23], $0x4000  }
0xfd: {  	[sflag:s23] =	ssyncset.done $0x0  }
0xfe: {  	s1 =	sadd.s32 $0x1400, s28;
	[sflag:s23] =	ssyncadd.s32 $0xFFFFC000  }
0xff: {  	[spmem:s3] =	stream.indirect.scatter.add.f32 [tilespmem:s21], [sflag:$0x3], $0x80, s1, s20, $0xb8;
	[tilespmem:$0x1E400] =	vst v63  }
0x100: {  	_ =	swait.ge [sflag:s18], $0x4000  }
0x101: {  	[sflag:s18] =	ssyncset.done $0x0  }
0x102: {  	s1 =	sadd.s32 $0x100, s28;
	[sflag:s18] =	ssyncadd.s32 $0xFFFFC000  }
0x103: {  	[tilespmem:s21], [sflag:$0x1] =	stream.indirect.gather [hbm4b:s5+s20], $0x80, s1, s20, $0xb8;
	[tilespmem:$0x1E400] =	vst v63  }
0x104: {  	_ =	swait.ge [sflag:s24], $0x4000  }
.Ltmp3:
0x105: {  	[sflag:s24] =	ssyncset.done $0x0;
	(pc) =	sbr.rel @p0 .LBB2_8-.Ltmp3, $4  }
0x106: {  	s1 =	sadd.s32 $0x1480, s28;
	[sflag:s24] =	ssyncadd.s32 $0xFFFFC000  }
0x107: {  	[spmem:s3] =	stream.indirect.scatter.add.f32 [tilespmem:s22], [sflag:$0x3], $0x80, s1, s20, $0xb8;
	[tilespmem:$0x1E400] =	vst v63  }
0x108: {  	_ =	swait.ge [sflag:s18], $0x4000  }
0x109: {  	s29 =	smov.u32 s31;
	s28 =	sshra.s32 s30, $0x2;
	[sflag:s18] =	ssyncset.done $0x0  }
0x10a: {  	s1 =	sadd.s32 $0x80, s28;
	[sflag:s18] =	ssyncadd.s32 $0xFFFFC000  }
0x10b: {  	[tilespmem:s22], [sflag:$0x2] =	stream.indirect.gather [hbm4b:s5+s20], $0x80, s1, s20, $0xb8;
	[tilespmem:$0x1E400] =	vst v63  }
0x10c: {  	_ =	swait.ge [sflag:s23], $0x4000  }
0x10d: {  	[sflag:s23] =	ssyncset.done $0x0  }
0x10e: {  	s29 =	sadd.s32 $0x1400, s28;
	[sflag:s23] =	ssyncadd.s32 $0xFFFFC000  }
0x10f: {  	[spmem:s3] =	stream.indirect.scatter.add.f32 [tilespmem:s21], [sflag:$0x3], $0x80, s29, s20, $0xb8;
	[tilespmem:$0x1E400] =	vst v63  }
0x110: {  	_ =	swait.ge [sflag:s18], $0x4000  }
0x111: {  	[sflag:s18] =	ssyncset.done $0x0  }
0x112: {  	s30 =	sadd.s32 $0x100, s28;
	[sflag:s18] =	ssyncadd.s32 $0xFFFFC000  }
0x113: {  	[tilespmem:s21], [sflag:$0x1] =	stream.indirect.gather [hbm4b:s5+s20], $0x80, s30, s20, $0xb8;
	[tilespmem:$0x1E400] =	vst v63  }
0x114: {  	_ =	swait.ge [sflag:s24], $0x4000  }
0x115: {  	[sflag:s24] =	ssyncset.done $0x0  }
0x116: {  	s31 =	sadd.s32 $0x1480, s28;
	[sflag:s24] =	ssyncadd.s32 $0xFFFFC000  }
0x117: {  	[spmem:s3] =	stream.indirect.scatter.add.f32 [tilespmem:s22], [sflag:$0x3], $0x80, s31, s20, $0xb8;
	[tilespmem:$0x1E400] =	vst v63  }
0x118: {  	_ =	swait.ge [sflag:s18], $0x4000  }
0x119: {  	[sflag:s18] =	ssyncset.done $0x0  }
0x11a: {  	[sflag:s18] =	ssyncadd.s32 $0xFFFFC000  }
0x11b: {  	_ =	swait.ge [sflag:s23], $0x4000  }
0x11c: {  	[sflag:s23] =	ssyncset.done $0x0  }
0x11d: {  	[sflag:s23] =	ssyncadd.s32 $0xFFFFC000  }
0x11e: {  	[spmem:s3] =	stream.indirect.scatter.add.f32 [tilespmem:s21], [sflag:$0x3], $0x80, s25, s20, $0xb8;
	[tilespmem:$0x1E400] =	vst v63  }
0x11f: {  	_ =	swait.ge [sflag:s18], $0x4000  }
0x120: {  	s26 =	sadd.s32 $0x1, s26;
	[sflag:s18] =	ssyncset.done $0x0  }
0x121: {  	p0 =	sne.s32 s26, s16;
	[sflag:s18] =	ssyncadd.s32 $0xFFFFC000  }
.Ltmp4:
0x122: {  	[bflag:$0x0] =	sbarrier.arrive $0xFFFF;
	(pc) =	sbr.rel @p0 .LBB2_1-.Ltmp4, $4  }
0x123: {  	[hbm:s15], [sflag:s6] =	dma.local [spmem:s17], $0x2780  }
0x124: {  	_ =	swait.ge [sflag:s18], $0x2780  }
0x125: {  	[sflag:s18] =	ssyncset.done $0x0  }
0x126: {  	[sflag:s18] =	ssyncadd.s32 $0xFFFFD880  }
0x127: {  	_ =	sfence.sel $0x180000  }
0x128: {  	[bflag:$0x0] =	sbarrier.arrive $0xFFFF  }
0x129: {  	_ =	strace $0x9000004A  }
0x12a: {  	[bflag:$0x2] =	sbarrier.arrive $0xFFFF  }
0x12b: {  	p0 =	sne.s32 s0, $0x0;
	s0 =	rddreg [dreg:$0x5]  }
0x12c: {  	s0 =	sadd.s32 @!p0 $0x100000, s0  }
0x12d: {  	[sflag:s0] =	ssyncadd.tile.s32 @!p0 $0x1;
	_ =	shalt  }
.Lfunc_end2:
_tile_overlayer_lowered:
.L_overlay_start_2:
0x12e: {  	(tag) =	ssettag $0x2  }
0x12f: {  	s0 =	rddreg [dreg:$0x0];
	s2 =	stileid.u32  }
0x130: {  	s1 =	rddreg [dreg:$0x1];
	p0 =	sne.s32 s2, $0x0  }
0x131: {  	s3 =	rddreg [dreg:$0x2];
	[bflag:$0x3] =	sbarrier.arrive $0xFFFF;
	s2 =	simm.s32 @!p0 $0x1C03  }
0x132: {  	[timem:s3], [sflag:s2] =	dma.local @!p0 [hbm:s0], s1  }
0x133: {  	s0 =	simm.s32 @!p0 $0x3  }
0x134: {  	_ =	swait.ge @!p0 [sflag:s0], s1  }
0x135: {  	s1 =	ssub.s32 @!p0 $0x0, s1;
	[sflag:s0] =	ssyncset.done @!p0 $0x0  }
0x136: {  	[sflag:s0] =	ssyncadd.s32 @!p0 s1  }
0x137: {  	[bflag:$0x3] =	sbarrier.arrive $0xFFFF  }
0x138: {  	_ =	shalt  }

// kernel: kernel.18.cloned.1.call-start
scs
__scs_entry_jumppad:
0x0: {  	(pc) =	sbr.rel $0x88, $3  }
0x1: {  	(tag) =	ssettag $0x0;
	lr =	simm.s32 $0x1  }
0x2: {  	[smem:$0x3F8A] =	sst lr;
	_ =	strace $0xD0000000  }
0x3: {  	_ = 	snop  }
0x4: {  	_ = 	snop  }
0x5: {  	_ = 	snop  }
0x6: {  	_ = 	snop  }
0x7: {  	_ = 	snop  }
__scs_overlays_trampoline_lowered:
0x8: {  	[smem:$0x3F99] =	sst s0  }
0x9: {  	[smem:$0x3F9A] =	sst s1  }
0xa: {  	[smem:$0x3F9B] =	sst s2  }
0xb: {  	[smem:$0x3F9C] =	sst s3  }
0xc: {  	[smem:$0x3F9D] =	sst s4  }
0xd: {  	[smem:$0x3F9E] =	sst s5  }
0xe: {  	[smem:$0x3F9F] =	sst s6  }
0xf: {  	[smem:$0x3FA0] =	sst s7  }
0x10: {  	[smem:$0x3FA1] =	sst s8  }
0x11: {  	[smem:$0x3FA2] =	sst s9;
	s0 =	simm.s32 @!p0 $0x0  }
0x12: {  	s1 =	sld [smem:$0x3F88];
	s0 =	simm.s32 @p0 $0x1  }
0x13: {  	[smem:$0x3FA3] =	sst s0;
	s0 =	simm.s32 @!p1 $0x0  }
0x14: {  	s2 =	sld [smem:$0x3F87];
	s0 =	simm.s32 @p1 $0x1  }
0x15: {  	[smem:$0x3FA4] =	sst s0;
	s0 =	simm.s32 @!p2 $0x0  }
0x16: {  	s3 =	sld [smem:$0x3FDB];
	s0 =	simm.s32 @p2 $0x1  }
0x17: {  	s4 =	simm.s32 $0x1BF5;
	[smem:$0x3FA6] =	sst s0  }
0x18: {  	s0 =	sld [smem:$0x3F89];
	_ =	swait.ge [sflag:s4], $0x0  }
0x19: {  	s7 =	sld [smem:$0x3F8A]  }
0x1a: {  	s8 =	sadd.s32 $0xFFFFE003, lr  }
0x1b: {  	s9 =	sadd.s32 $0xFFFFFEF7, lr;
	s5 =	simm.s32 $0xFFFFFFFF;
	p2 =	slt.u32 s8, $0xFFFFF086  }
0x1c: {  	p1 =	slt.u32 s9, $0xF7A;
	s5 =	simm.s32 @!p2 $0x0  }
0x1d: {  	s5 =	simm.s32 @p1 $0x1;
	p0 =	seq.s32 s7, s2  }
0x1e: {  	s7 =	smul.u32 @!p0 $0xF7A, s2;
	p2 =	seq.s32 @!p0 s5, $0x0  }
0x1f: {  	s9 =	smul.u32 $0xF7A, s1;
	s8 =	simm.s32 @!p0 $0x1BF5;
	p2 =	por !p2, p0  }
0x20: {  	[sflag:s8] =	ssyncset.s32 @!p0 $0xFFFFF086;
	s6 =	sadd.s32 @!p0 s3, s7;
	s7 =	simm.s32 @!p0 $0x108  }
0x21: {  	s3 =	sadd.s32 s3, s9;
	s6 =	sadd.s32 @!p0 $0x88, s6;
	s7 =	simm.s32 @p2 $0x1082  }
0x22: {  	[simem:s7], [sflag:s8] =	dma.local @!p0 [hbm:s6], $0xF7A  }
0x23: {  	s9 =	sor.u32 $0xD0000000, s2;
	s6 =	simm.s32 $0x108;
	_ =	swait.ge @!p0 [sflag:s8], $0x0  }
0x24: {  	s3 =	sadd.s32 $0x88, s3;
	s6 =	simm.s32 @!p1 $0x1082;
	[sflag:s4] =	ssyncset.s32 $0xFFFFF086  }
0x25: {  	[simem:s6], [sflag:s4] =	dma.local [hbm:s3], $0xF7A  }
0x26: {  	[smem:$0x3F8A] =	sst s1;
	(tag) =	ssettag s2;
	_ =	strace s9  }
0x27: {  	s1 =	sld [smem:$0x3F9A]  }
0x28: {  	s2 =	sld [smem:$0x3F9B]  }
0x29: {  	s4 =	sld [smem:$0x3F9D]  }
0x2a: {  	p0 =	seq.s32 s5, $0x0;
	s5 =	sld [smem:$0x3F9E]  }
0x2b: {  	s6 =	sld [smem:$0x3F9F]  }
0x2c: {  	s7 =	sld [smem:$0x3FA0]  }
0x2d: {  	s3 =	simm.s32 $0x108;
	s8 =	sld [smem:$0x3FA1]  }
0x2e: {  	s3 =	simm.s32 @!p0 $0x1082;
	s9 =	sld [smem:$0x3FA2]  }
0x2f: {  	lr =	sadd.s32 s0, s3;
	s0 =	sld [smem:$0x3F99]  }
0x30: {  	s3 =	sld [smem:$0x3F9C]  }
0x31: {  	[smem:$0x3FA5] =	sst s10  }
0x32: {  	s10 =	sld [smem:$0x3FA3];
	_ =	sdelay $0x3  }
0x33: {  	p0 =	seq.s32 s10, $0x1;
	s10 =	sld [smem:$0x3FA5];
	_ =	sdelay $0x3  }
0x34: {  	[smem:$0x3FA5] =	sst s10  }
0x35: {  	s10 =	sld [smem:$0x3FA4];
	_ =	sdelay $0x3  }
0x36: {  	p1 =	seq.s32 s10, $0x1;
	s10 =	sld [smem:$0x3FA5];
	_ =	sdelay $0x3  }
0x37: {  	[smem:$0x3FA5] =	sst s10  }
0x38: {  	s10 =	sld [smem:$0x3FA6]  }
0x39: {  	_ = 	snop;
	(pc) =	sbr.ind lr, $3  }
0x3a: {  	_ = 	snop  }
0x3b: {  	_ = 	snop  }
0x3c: {  	p2 =	seq.s32 s10, $0x1;
	s10 =	sld [smem:$0x3FA5]  }
0x3d: {  	_ =	shalt  }
0x3e: {  	_ =	shalt  }
0x3f: {  	_ =	shalt  }
0x40: {  	_ =	shalt  }
0x41: {  	_ =	shalt  }
0x42: {  	_ =	shalt  }
0x43: {  	_ =	shalt  }
0x44: {  	_ =	shalt  }
0x45: {  	_ =	shalt  }
0x46: {  	_ =	shalt  }
0x47: {  	_ =	shalt  }
0x48: {  	_ =	shalt  }
0x49: {  	_ =	shalt  }
0x4a: {  	_ =	shalt  }
0x4b: {  	_ =	shalt  }
0x4c: {  	_ =	shalt  }
0x4d: {  	_ =	shalt  }
0x4e: {  	_ =	shalt  }
0x4f: {  	_ =	shalt  }
0x50: {  	_ =	shalt  }
0x51: {  	_ =	shalt  }
0x52: {  	_ =	shalt  }
0x53: {  	_ =	shalt  }
0x54: {  	_ =	shalt  }
0x55: {  	_ =	shalt  }
0x56: {  	_ =	shalt  }
0x57: {  	_ =	shalt  }
0x58: {  	_ =	shalt  }
0x59: {  	_ =	shalt  }
0x5a: {  	_ =	shalt  }
0x5b: {  	_ =	shalt  }
0x5c: {  	_ =	shalt  }
0x5d: {  	_ =	shalt  }
0x5e: {  	_ =	shalt  }
0x5f: {  	_ =	shalt  }
0x60: {  	_ =	shalt  }
0x61: {  	_ =	shalt  }
0x62: {  	_ =	shalt  }
0x63: {  	_ =	shalt  }
0x64: {  	_ =	shalt  }
0x65: {  	_ =	shalt  }
0x66: {  	_ =	shalt  }
0x67: {  	_ =	shalt  }
0x68: {  	_ =	shalt  }
0x69: {  	_ =	shalt  }
0x6a: {  	_ =	shalt  }
0x6b: {  	_ =	shalt  }
0x6c: {  	_ =	shalt  }
0x6d: {  	_ =	shalt  }
0x6e: {  	_ =	shalt  }
0x6f: {  	_ =	shalt  }
0x70: {  	_ =	shalt  }
0x71: {  	_ =	shalt  }
0x72: {  	_ =	shalt  }
0x73: {  	_ =	shalt  }
0x74: {  	_ =	shalt  }
0x75: {  	_ =	shalt  }
0x76: {  	_ =	shalt  }
0x77: {  	_ =	shalt  }
0x78: {  	_ =	shalt  }
0x79: {  	_ =	shalt  }
0x7a: {  	_ =	shalt  }
0x7b: {  	_ =	shalt  }
0x7c: {  	_ =	shalt  }
0x7d: {  	_ =	shalt  }
0x7e: {  	_ =	shalt  }
0x7f: {  	_ =	shalt  }
0x80: {  	_ =	shalt  }
0x81: {  	_ =	shalt  }
0x82: {  	_ =	shalt  }
0x83: {  	_ =	shalt  }
0x84: {  	_ =	shalt  }
0x85: {  	_ =	shalt  }
0x86: {  	_ =	shalt  }
0x87: {  	_ =	shalt  }
.Lfunc_end0:
.L_simem_size_0:
called_computation.2_lowered:
.L_overlay_start_0:
0x88: {  	s2 =	sld [smem:$0x3FD9]  }
0x89: {  	s3 =	sld [smem:$0x3FFE];
	_ =	sdelay $0x1  }
0x8a: {  	s1 =	srdreg.scid  }
0x8b: {  	s0 =	sand.u32 $0x1, s1  }
0x8c: {  	s14 =	sshll.u32 s0, $0xA;
	s2 =	sadd.s32 s3, s2  }
0x8d: {  	s2 =	sadd.s32 s2, s14  }
0x8e: {  	[smem:$0x3FB1] =	sst s2  }
0x8f: {  	_ = 	snop  }
0x90: {  	s2 =	sld [smem:$0x3FD0];
	_ =	sdelay $0x2  }
0x91: {  	s15 =	simm.s32 $0xA;
	s4 =	simm.s32 $0x10  }
0x92: {  	[smem:s4], [sflag:s15] =	dma.local [hbm:s2], $0x1  }
0x93: {  	_ =	swait.eq [sflag:s15], $0x1  }
0x94: {  	s16 =	sld [smem:$0x10];
	[sflag:s15] =	ssyncset.done $0x0  }
0x95: {  	s17 =	sld [smem:$0x14];
	[sflag:s15] =	ssyncadd.s32 $0xFFFFFFFF  }
0x96: {  	s18 =	sld [smem:$0x15];
	(tm) =	ssettm $0x1  }
0x97: {  	s5 =	sld [smem:$0x3FFB];
	_ =	sdelay $0x3  }
0x98: {  	_ =	strace s5  }
0x99: {  	s5 =	sld [smem:$0x3FFC];
	_ =	sdelay $0x3  }
0x9a: {  	_ =	strace s5  }
0x9b: {  	s5 =	sld [smem:$0x3FFD];
	_ =	sdelay $0x3  }
0x9c: {  	_ =	strace s5  }
0x9d: {  	_ =	strace $0x8FFFFFFF  }
0x9e: {  	s19 =	sld [smem:$0x3FDB];
	_ =	sdelay $0x1  }
0x9f: {  	s6 =	simm.s32 $_scs_section_size  }
0xa0: {  	s7 =	simm.s32 $_size__tile_overlayer_lowered;
	s8 =	simm.s32 $_tile_overlayer_lowered  }
0xa1: {  	s22 =	simm.s32 $0x1BFF;
	s21 =	sshll.u32 s8, $0x1;
	s5 =	sadd.s32 s6, s19  }
0xa2: {  	s9 =	simm.s32 $0x0;
	s20 =	sshll.u32 s7, $0x1;
	s7 =	sadd.s32 s21, s5  }
0xa3: {  	[timem:s9], [sflag:s22] =	dma.local [hbm:s7], s20  }
0xa4: {  	_ =	swait.ge [sflag:s22], s20  }
0xa5: {  	s6 =	ssub.s32 $0x0, s20;
	[sflag:s22] =	ssyncset.done $0x0  }
0xa6: {  	[sflag:s22] =	ssyncadd.s32 s6;
	_ =	sdelay $0x1  }
0xa7: {  	s23 =	simm.s32 $0x1B8B  }
0xa8: {  	_ =	swait.ge [sflag:s23], $0x1  }
0xa9: {  	[sflag:s23] =	ssyncset.done $0x0  }
0xaa: {  	s25 =	simm.s32 $0x1B8E;
	s24 =	sld [smem:$0x3FFE];
	[sflag:s23] =	ssyncadd.s32 $0xFFFFFFFF  }
0xab: {  	s26 =	simm.s32 $execute0_lowered;
	[smem:$0x3FD2] =	sst s25  }
0xac: {  	s7 =	sshll.u32 s26, $0x1;
	_ =	strace $0x8000004C;
	[dreg:$0x1] =	wrdreg $0xFFFFFFFF  }
0xad: {  	s28 =	simm.s32 $_size_execute0_lowered;
	s5 =	sadd.s32 s5, s7;
	[dreg:$0x0] =	wrdreg $0x0  }
0xae: {  	s7 =	sshll.u32 s28, $0x1;
	[dreg:$0x2] =	wrdreg s5  }
0xaf: {  	[dreg:$0x3] =	wrdreg s7  }
0xb0: {  	[dreg:$0x4] =	wrdreg $0xC0  }
0xb1: {  	_ =	task [dreg:s9], $0x5FFFF  }
0xb2: {  	[dreg:$0x1] =	wrdreg $0xFFFFFFFF  }
0xb3: {  	[dreg:$0x0] =	wrdreg $0x60  }
0xb4: {  	[dreg:$0x2] =	wrdreg s18  }
0xb5: {  	[dreg:$0x3] =	wrdreg s17  }
0xb6: {  	[dreg:$0x4] =	wrdreg s24  }
0xb7: {  	[dreg:$0x5] =	wrdreg s16  }
0xb8: {  	[dreg:$0x6] =	wrdreg $0xA8000  }
0xb9: {  	[dreg:$0x7] =	wrdreg $0x9  }
0xba: {  	_ =	task.clear_ibuf [dreg:s9], $0x8FFFF;
	_ =	strace $0x9000004C  }
0xbb: {  	s29 =	simm.s32 $0x9;
	_ =	strace $0x8000004E  }
0xbc: {  	_ =	swait.ge [sflag:s29], $0x1  }
0xbd: {  	[sflag:s29] =	ssyncadd.s32 $0xFFFFFFFF  }
0xbe: {  	_ =	strace $0x9000004E  }
0xbf: {  	_ =	sfence  }
0xc0: {  	s30 =	sld [smem:$0x0];
	_ =	sdelay $0x2  }
0xc1: {  	s31 =	sshll.u32 s1, $0xD;
	s1 =	sshrl.u32 s1, $0x2  }
0xc2: {  	s3 =	sand.u32 $0x4000, s31;
	s1 =	sadd.s32 s1, s30  }
0xc3: {  	s0 =	sor.u32 s3, s0;
	s1 =	sshll.u32 s1, $0x11  }
0xc4: {  	s0 =	sor.u32 s1, s0  }
0xc5: {  	s0 =	sadd.s32 $0x8F2B, s0  }
0xc6: {  	[sflag:s0] =	ssyncadd.remote.s32 $0x1  }
0xc7: {  	_ =	sfence.sel $0xFFFF  }
0xc8: {  	[dreg:$0x0] =	wrdreg $0xFFFFFFFF;
	(pc) =	sbr.abs _section_cstart, $3  }
0xc9: {  	[dreg:$0x1] =	wrdreg $0xFFFFFFFF  }
0xca: {  	_ =	task.clear_ibuf [dreg:s9], $0x2FFFF;
	_ =	strace $0x9FFFFFFF  }
0xcb: {  	(tm) =	ssettm $0x7FFFFFFF  }
tec
execute0_lowered:
.L_overlay_start_1:
0x0: {  	(tag) =	ssettag $0x1  }
0x1: {  	s13 =	rddreg [dreg:$0x0]  }
0x2: {  	s14 =	rddreg [dreg:$0x1]  }
0x3: {  	s6 =	rddreg [dreg:$0x2]  }
0x4: {  	s2 =	rddreg [dreg:$0x3]  }
0x5: {  	s1 =	srdreg.scid;
	s0 =	stileid.u32  }
0x6: {  	s3 =	rddreg [dreg:$0x4];
	s4 =	simm.s32 $0x0;
	s20 =	simm.s32 $0x80  }
0x7: {  	s21 =	simm.s32 $0x2800;
	s22 =	simm.s32 $0x6800;
	s7 =	smul.u32 $0x2780, s0  }
0x8: {  	s23 =	simm.s32 $0x1;
	s24 =	simm.s32 $0x2;
	s9 =	smul.u32 $0x4F000, s0  }
0x9: {  	s5 =	sand.u32 $0x1, s1;
	[smem:$0x7FF] =	sst s4;
	s11 =	smul.u32 $0x5000, s0  }
0xa: {  	s30 =	sshll.u32 s0, $0x6;
	s8 =	smul.u32 $0x27800, s5;
	_ =	strace $0x8000004D  }
0xb: {  	s10 =	smul.u32 $0x50000, s5;
	s25 =	ssub.s32 $0x2, s5;
	s5 =	sadd.s32 $0x8600, s6  }
0xc: {  	s26 =	sshrl.u32 s25, $0x1;
	s28 =	sshrl.u32 s9, $0x2;
	s7 =	sadd.s32 s7, s8  }
0xd: {  	s16 =	ssub.s32 s25, s26;
	s29 =	sadd.s32 s11, s10;
	s17 =	sadd.s32 s28, s3  }
0xe: {  	s25 =	simm.s32 $0x2600;
	s26 =	simm.s32 $0x0;
	s15 =	sadd.s32 s7, s6  }
0xf: {  	s12 =	sshrl.u32 s29, $0x3;
	s6 =	sor.u32 $0x1C03, s30;
	s16 =	smax.u32 s16, $0x1  }
0x10: {  	s17 =	sshrl.u32 s17, $0x3;
	s7 =	sadd.s32 s13, s12;
	s31 =	sadd.s32 $0x280, s12  }
0x11: {  	s8 =	sadd.s32 s14, s12;
	s18 =	sadd.s32 $0x500, s12;
	s19 =	sadd.s32 $0x780, s12  }
0x12: {  	s15 =	sadd.s32 $0xA5800, s15;
	s9 =	sadd.s32 s13, s31;
	s10 =	sadd.s32 s14, s31  }
0x13: {  	s11 =	sadd.s32 s13, s18;
	s12 =	sadd.s32 s14, s18;
	s13 =	sadd.s32 s13, s19  }
0x14: {  	s14 =	sadd.s32 s14, s19;
	s18 =	simm.s32 $0x3;
	s19 =	simm.s32 $0x1400  }
.LBB2_1:
0x15: {  	[spmem:s17], [sflag:s6] =	dma.local [hbm:s2], $0x2780  }
0x16: {  	_ =	swait.ge [sflag:s18], $0x2780  }
0x17: {  	[sflag:s18] =	ssyncset.done $0x0  }
0x18: {  	[sflag:s18] =	ssyncadd.s32 $0xFFFFD880  }
0x19: {  	[bflag:$0x0] =	sbarrier.arrive $0xFFFF  }
0x1a: {  	[tilespmem:s4], [sflag:$0x3] =	stream.linear.gather [hbm4b:s7+s4], $0x1280, $0x38;
	[tilespmem:$0x1E400] =	vst v63  }
0x1b: {  	_ =	swait.ge [sflag:s18], $0x1280  }
0x1c: {  	[sflag:s18] =	ssyncset.done $0x0  }
0x1d: {  	[sflag:s18] =	ssyncadd.s32 $0xFFFFED80  }
0x1e: {  	[tilespmem:s19], [sflag:$0x3] =	stream.linear.gather [hbm4b:s8+s4], $0x1280, $0x38;
	[tilespmem:$0x1E400] =	vst v63  }
0x1f: {  	_ =	swait.ge [sflag:s18], $0x1280  }
0x20: {  	[sflag:s18] =	ssyncset.done $0x0  }
0x21: {  	[sflag:s18] =	ssyncadd.s32 $0xFFFFED80  }
0x22: {  	[tilespmem:s21], [sflag:$0x1] =	stream.indirect.gather [hbm4b:s5+s20], $0x80, s4, s20, $0xb8;
	[tilespmem:$0x1E400] =	vst v63  }
0x23: {  	s28 =	simm.s32 $0x80  }
0x24: {  	[tilespmem:s22], [sflag:$0x2] =	stream.indirect.gather [hbm4b:s5+s20], $0x80, s28, s20, $0xb8;
	[tilespmem:$0x1E400] =	vst v63  }
0x25: {  	_ =	swait.ge [sflag:s23], $0x4000  }
0x26: {  	[sflag:s23] =	ssyncset.done $0x0  }
0x27: {  	s28 =	simm.s32 $0x1400;
	[sflag:s23] =	ssyncadd.s32 $0xFFFFC000  }
0x28: {  	[spmem:s3] =	stream.indirect.scatter.add.f32 [tilespmem:s21], [sflag:$0x3], $0x80, s28, s20, $0xb8;
	[tilespmem:$0x1E400] =	vst v63  }
0x29: {  	_ =	swait.ge [sflag:s18], $0x4000  }
0x2a: {  	[sflag:s18] =	ssyncset.done $0x0  }
0x2b: {  	s28 =	simm.s32 $0x100;
	[sflag:s18] =	ssyncadd.s32 $0xFFFFC000  }
0x2c: {  	[tilespmem:s21], [sflag:$0x1] =	stream.indirect.gather [hbm4b:s5+s20], $0x80, s28, s20, $0xb8;
	[tilespmem:$0x1E400] =	vst v63  }
0x2d: {  	_ =	swait.ge [sflag:s24], $0x4000  }
0x2e: {  	[sflag:s24] =	ssyncset.done $0x0  }
0x2f: {  	s28 =	simm.s32 $0x1480;
	[sflag:s24] =	ssyncadd.s32 $0xFFFFC000  }
0x30: {  	[spmem:s3] =	stream.indirect.scatter.add.f32 [tilespmem:s22], [sflag:$0x3], $0x80, s28, s20, $0xb8;
	[tilespmem:$0x1E400] =	vst v63  }
0x31: {  	_ =	swait.ge [sflag:s18], $0x4000  }
0x32: {  	s29 =	simm.s32 $0x800;
	s28 =	simm.s32 $0x100;
	[sflag:s18] =	ssyncset.done $0x0  }
.LBB2_2:
0x33: {  	s30 =	sadd.s32 $0x80, s28  }
0x34: {  	[sflag:s18] =	ssyncadd.s32 $0xFFFFC000;
	s31 =	smov.u32 s29;
	s1 =	sadd.s32 $0x400, s29  }
0x35: {  	[tilespmem:s22], [sflag:$0x2] =	stream.indirect.gather [hbm4b:s5+s20], $0x80, s30, s20, $0xb8;
	[tilespmem:$0x1E400] =	vst v63  }
0x36: {  	p0 =	sne.s32 s29, $0x4400;
	_ =	swait.ge [sflag:s23], $0x4000  }
0x37: {  	[sflag:s23] =	ssyncset.done $0x0  }
0x38: {  	s29 =	sadd.s32 $0x1400, s28;
	[sflag:s23] =	ssyncadd.s32 $0xFFFFC000  }
0x39: {  	[spmem:s3] =	stream.indirect.scatter.add.f32 [tilespmem:s21], [sflag:$0x3], $0x80, s29, s20, $0xb8;
	[tilespmem:$0x1E400] =	vst v63  }
0x3a: {  	_ =	swait.ge [sflag:s18], $0x4000  }
0x3b: {  	[sflag:s18] =	ssyncset.done $0x0  }
0x3c: {  	s29 =	sadd.s32 $0x100, s28;
	[sflag:s18] =	ssyncadd.s32 $0xFFFFC000  }
0x3d: {  	[tilespmem:s21], [sflag:$0x1] =	stream.indirect.gather [hbm4b:s5+s20], $0x80, s29, s20, $0xb8;
	[tilespmem:$0x1E400] =	vst v63  }
0x3e: {  	_ =	swait.ge [sflag:s24], $0x4000  }
.Ltmp0:
0x3f: {  	[sflag:s24] =	ssyncset.done $0x0;
	(pc) =	sbr.rel @p0 .LBB2_2-.Ltmp0, $4  }
0x40: {  	s28 =	sadd.s32 $0x1480, s28;
	[sflag:s24] =	ssyncadd.s32 $0xFFFFC000  }
0x41: {  	[spmem:s3] =	stream.indirect.scatter.add.f32 [tilespmem:s22], [sflag:$0x3], $0x80, s28, s20, $0xb8;
	[tilespmem:$0x1E400] =	vst v63  }
0x42: {  	_ =	swait.ge [sflag:s18], $0x4000  }
0x43: {  	s29 =	smov.u32 s1;
	s28 =	sshra.s32 s31, $0x2;
	[sflag:s18] =	ssyncset.done $0x0  }
0x44: {  	s1 =	sadd.s32 $0x80, s28;
	[sflag:s18] =	ssyncadd.s32 $0xFFFFC000  }
0x45: {  	[tilespmem:s22], [sflag:$0x2] =	stream.indirect.gather [hbm4b:s5+s20], $0x80, s1, s20, $0xb8;
	[tilespmem:$0x1E400] =	vst v63  }
0x46: {  	_ =	swait.ge [sflag:s23], $0x4000  }
0x47: {  	[sflag:s23] =	ssyncset.done $0x0  }
0x48: {  	s30 =	sadd.s32 $0x1400, s28;
	[sflag:s23] =	ssyncadd.s32 $0xFFFFC000  }
0x49: {  	[spmem:s3] =	stream.indirect.scatter.add.f32 [tilespmem:s21], [sflag:$0x3], $0x80, s30, s20, $0xb8;
	[tilespmem:$0x1E400] =	vst v63  }
0x4a: {  	_ =	swait.ge [sflag:s18], $0x4000  }
0x4b: {  	[sflag:s18] =	ssyncset.done $0x0  }
0x4c: {  	s31 =	sadd.s32 $0x100, s28;
	[sflag:s18] =	ssyncadd.s32 $0xFFFFC000  }
0x4d: {  	[tilespmem:s21], [sflag:$0x1] =	stream.indirect.gather [hbm4b:s5+s20], $0x80, s31, s20, $0xb8;
	[tilespmem:$0x1E400] =	vst v63  }
0x4e: {  	_ =	swait.ge [sflag:s24], $0x4000  }
0x4f: {  	[sflag:s24] =	ssyncset.done $0x0  }
0x50: {  	s30 =	sadd.s32 $0x1480, s28;
	[sflag:s24] =	ssyncadd.s32 $0xFFFFC000  }
0x51: {  	[spmem:s3] =	stream.indirect.scatter.add.f32 [tilespmem:s22], [sflag:$0x3], $0x80, s30, s20, $0xb8;
	[tilespmem:$0x1E400] =	vst v63  }
0x52: {  	_ =	swait.ge [sflag:s18], $0x4000  }
0x53: {  	[sflag:s18] =	ssyncset.done $0x0  }
0x54: {  	[sflag:s18] =	ssyncadd.s32 $0xFFFFC000  }
0x55: {  	_ =	swait.ge [sflag:s23], $0x4000  }
0x56: {  	[sflag:s23] =	ssyncset.done $0x0  }
0x57: {  	[sflag:s23] =	ssyncadd.s32 $0xFFFFC000  }
0x58: {  	[spmem:s3] =	stream.indirect.scatter.add.f32 [tilespmem:s21], [sflag:$0x3], $0x80, s25, s20, $0xb8;
	[tilespmem:$0x1E400] =	vst v63  }
0x59: {  	_ =	swait.ge [sflag:s18], $0x4000  }
0x5a: {  	[sflag:s18] =	ssyncset.done $0x0  }
0x5b: {  	s31 =	simm.s32 $0x0;
	[sflag:s18] =	ssyncadd.s32 $0xFFFFC000  }
0x5c: {  	[tilespmem:s31], [sflag:$0x3] =	stream.linear.gather [hbm4b:s9+s31], $0x1280, $0x38;
	[tilespmem:$0x1E400] =	vst v63  }
0x5d: {  	_ =	swait.ge [sflag:s18], $0x1280  }
0x5e: {  	[sflag:s18] =	ssyncset.done $0x0  }
0x5f: {  	[sflag:s18] =	ssyncadd.s32 $0xFFFFED80  }
0x60: {  	[tilespmem:s19], [sflag:$0x3] =	stream.linear.gather [hbm4b:s10+s31], $0x1280, $0x38;
	[tilespmem:$0x1E400] =	vst v63  }
0x61: {  	_ =	swait.ge [sflag:s18], $0x1280  }
0x62: {  	[sflag:s18] =	ssyncset.done $0x0  }
0x63: {  	[sflag:s18] =	ssyncadd.s32 $0xFFFFED80  }
0x64: {  	[tilespmem:s21], [sflag:$0x1] =	stream.indirect.gather [hbm4b:s5+s20], $0x80, s31, s20, $0xb8;
	[tilespmem:$0x1E400] =	vst v63  }
0x65: {  	s30 =	simm.s32 $0x80  }
0x66: {  	[tilespmem:s22], [sflag:$0x2] =	stream.indirect.gather [hbm4b:s5+s20], $0x80, s30, s20, $0xb8;
	[tilespmem:$0x1E400] =	vst v63  }
0x67: {  	_ =	swait.ge [sflag:s23], $0x4000  }
0x68: {  	[sflag:s23] =	ssyncset.done $0x0  }
0x69: {  	s31 =	simm.s32 $0x1400;
	[sflag:s23] =	ssyncadd.s32 $0xFFFFC000  }
0x6a: {  	[spmem:s3] =	stream.indirect.scatter.add.f32 [tilespmem:s21], [sflag:$0x3], $0x80, s31, s20, $0xb8;
	[tilespmem:$0x1E400] =	vst v63  }
0x6b: {  	_ =	swait.ge [sflag:s18], $0x4000  }
0x6c: {  	[sflag:s18] =	ssyncset.done $0x0  }
0x6d: {  	s30 =	simm.s32 $0x100;
	[sflag:s18] =	ssyncadd.s32 $0xFFFFC000  }
0x6e: {  	[tilespmem:s21], [sflag:$0x1] =	stream.indirect.gather [hbm4b:s5+s20], $0x80, s30, s20, $0xb8;
	[tilespmem:$0x1E400] =	vst v63  }
0x6f: {  	_ =	swait.ge [sflag:s24], $0x4000  }
0x70: {  	[sflag:s24] =	ssyncset.done $0x0  }
0x71: {  	s31 =	simm.s32 $0x1480;
	[sflag:s24] =	ssyncadd.s32 $0xFFFFC000  }
0x72: {  	[spmem:s3] =	stream.indirect.scatter.add.f32 [tilespmem:s22], [sflag:$0x3], $0x80, s31, s20, $0xb8;
	[tilespmem:$0x1E400] =	vst v63  }
0x73: {  	_ =	swait.ge [sflag:s18], $0x4000  }
0x74: {  	s29 =	simm.s32 $0x800;
	s28 =	simm.s32 $0x100;
	[sflag:s18] =	ssyncset.done $0x0  }
.LBB2_4:
0x75: {  	s1 =	sadd.s32 $0x80, s28  }
0x76: {  	[sflag:s18] =	ssyncadd.s32 $0xFFFFC000;
	s30 =	smov.u32 s29;
	s31 =	sadd.s32 $0x400, s29  }
0x77: {  	[tilespmem:s22], [sflag:$0x2] =	stream.indirect.gather [hbm4b:s5+s20], $0x80, s1, s20, $0xb8;
	[tilespmem:$0x1E400] =	vst v63  }
0x78: {  	p0 =	sne.s32 s29, $0x4400;
	_ =	swait.ge [sflag:s23], $0x4000  }
0x79: {  	[sflag:s23] =	ssyncset.done $0x0  }
0x7a: {  	s1 =	sadd.s32 $0x1400, s28;
	[sflag:s23] =	ssyncadd.s32 $0xFFFFC000  }
0x7b: {  	[spmem:s3] =	stream.indirect.scatter.add.f32 [tilespmem:s21], [sflag:$0x3], $0x80, s1, s20, $0xb8;
	[tilespmem:$0x1E400] =	vst v63  }
0x7c: {  	_ =	swait.ge [sflag:s18], $0x4000  }
0x7d: {  	[sflag:s18] =	ssyncset.done $0x0  }
0x7e: {  	s1 =	sadd.s32 $0x100, s28;
	[sflag:s18] =	ssyncadd.s32 $0xFFFFC000  }
0x7f: {  	[tilespmem:s21], [sflag:$0x1] =	stream.indirect.gather [hbm4b:s5+s20], $0x80, s1, s20, $0xb8;
	[tilespmem:$0x1E400] =	vst v63  }
0x80: {  	_ =	swait.ge [sflag:s24], $0x4000  }
.Ltmp1:
0x81: {  	[sflag:s24] =	ssyncset.done $0x0;
	(pc) =	sbr.rel @p0 .LBB2_4-.Ltmp1, $4  }
0x82: {  	s1 =	sadd.s32 $0x1480, s28;
	[sflag:s24] =	ssyncadd.s32 $0xFFFFC000  }
0x83: {  	[spmem:s3] =	stream.indirect.scatter.add.f32 [tilespmem:s22], [sflag:$0x3], $0x80, s1, s20, $0xb8;
	[tilespmem:$0x1E400] =	vst v63  }
0x84: {  	_ =	swait.ge [sflag:s18], $0x4000  }
0x85: {  	s29 =	smov.u32 s31;
	s28 =	sshra.s32 s30, $0x2;
	[sflag:s18] =	ssyncset.done $0x0  }
0x86: {  	s1 =	sadd.s32 $0x80, s28;
	[sflag:s18] =	ssyncadd.s32 $0xFFFFC000  }
0x87: {  	[tilespmem:s22], [sflag:$0x2] =	stream.indirect.gather [hbm4b:s5+s20], $0x80, s1, s20, $0xb8;
	[tilespmem:$0x1E400] =	vst v63  }
0x88: {  	_ =	swait.ge [sflag:s23], $0x4000  }
0x89: {  	[sflag:s23] =	ssyncset.done $0x0  }
0x8a: {  	s30 =	sadd.s32 $0x1400, s28;
	[sflag:s23] =	ssyncadd.s32 $0xFFFFC000  }
0x8b: {  	[spmem:s3] =	stream.indirect.scatter.add.f32 [tilespmem:s21], [sflag:$0x3], $0x80, s30, s20, $0xb8;
	[tilespmem:$0x1E400] =	vst v63  }
0x8c: {  	_ =	swait.ge [sflag:s18], $0x4000  }
0x8d: {  	[sflag:s18] =	ssyncset.done $0x0  }
0x8e: {  	s31 =	sadd.s32 $0x100, s28;
	[sflag:s18] =	ssyncadd.s32 $0xFFFFC000  }
0x8f: {  	[tilespmem:s21], [sflag:$0x1] =	stream.indirect.gather [hbm4b:s5+s20], $0x80, s31, s20, $0xb8;
	[tilespmem:$0x1E400] =	vst v63  }
0x90: {  	_ =	swait.ge [sflag:s24], $0x4000  }
0x91: {  	[sflag:s24] =	ssyncset.done $0x0  }
0x92: {  	s30 =	sadd.s32 $0x1480, s28;
	[sflag:s24] =	ssyncadd.s32 $0xFFFFC000  }
0x93: {  	[spmem:s3] =	stream.indirect.scatter.add.f32 [tilespmem:s22], [sflag:$0x3], $0x80, s30, s20, $0xb8;
	[tilespmem:$0x1E400] =	vst v63  }
0x94: {  	_ =	swait.ge [sflag:s18], $0x4000  }
0x95: {  	[sflag:s18] =	ssyncset.done $0x0  }
0x96: {  	[sflag:s18] =	ssyncadd.s32 $0xFFFFC000  }
0x97: {  	_ =	swait.ge [sflag:s23], $0x4000  }
0x98: {  	[sflag:s23] =	ssyncset.done $0x0  }
0x99: {  	[sflag:s23] =	ssyncadd.s32 $0xFFFFC000  }
0x9a: {  	[spmem:s3] =	stream.indirect.scatter.add.f32 [tilespmem:s21], [sflag:$0x3], $0x80, s25, s20, $0xb8;
	[tilespmem:$0x1E400] =	vst v63  }
0x9b: {  	_ =	swait.ge [sflag:s18], $0x4000  }
0x9c: {  	[sflag:s18] =	ssyncset.done $0x0  }
0x9d: {  	s31 =	simm.s32 $0x0;
	[sflag:s18] =	ssyncadd.s32 $0xFFFFC000  }
0x9e: {  	[tilespmem:s31], [sflag:$0x3] =	stream.linear.gather [hbm4b:s11+s31], $0x1280, $0x38;
	[tilespmem:$0x1E400] =	vst v63  }
0x9f: {  	_ =	swait.ge [sflag:s18], $0x1280  }
0xa0: {  	[sflag:s18] =	ssyncset.done $0x0  }
0xa1: {  	[sflag:s18] =	ssyncadd.s32 $0xFFFFED80  }
0xa2: {  	[tilespmem:s19], [sflag:$0x3] =	stream.linear.gather [hbm4b:s12+s31], $0x1280, $0x38;
	[tilespmem:$0x1E400] =	vst v63  }
0xa3: {  	_ =	swait.ge [sflag:s18], $0x1280  }
0xa4: {  	[sflag:s18] =	ssyncset.done $0x0  }
0xa5: {  	[sflag:s18] =	ssyncadd.s32 $0xFFFFED80  }
0xa6: {  	[tilespmem:s21], [sflag:$0x1] =	stream.indirect.gather [hbm4b:s5+s20], $0x80, s31, s20, $0xb8;
	[tilespmem:$0x1E400] =	vst v63  }
0xa7: {  	s30 =	simm.s32 $0x80  }
0xa8: {  	[tilespmem:s22], [sflag:$0x2] =	stream.indirect.gather [hbm4b:s5+s20], $0x80, s30, s20, $0xb8;
	[tilespmem:$0x1E400] =	vst v63  }
0xa9: {  	_ =	swait.ge [sflag:s23], $0x4000  }
0xaa: {  	[sflag:s23] =	ssyncset.done $0x0  }
0xab: {  	s31 =	simm.s32 $0x1400;
	[sflag:s23] =	ssyncadd.s32 $0xFFFFC000  }
0xac: {  	[spmem:s3] =	stream.indirect.scatter.add.f32 [tilespmem:s21], [sflag:$0x3], $0x80, s31, s20, $0xb8;
	[tilespmem:$0x1E400] =	vst v63  }
0xad: {  	_ =	swait.ge [sflag:s18], $0x4000  }
0xae: {  	[sflag:s18] =	ssyncset.done $0x0  }
0xaf: {  	s30 =	simm.s32 $0x100;
	[sflag:s18] =	ssyncadd.s32 $0xFFFFC000  }
0xb0: {  	[tilespmem:s21], [sflag:$0x1] =	stream.indirect.gather [hbm4b:s5+s20], $0x80, s30, s20, $0xb8;
	[tilespmem:$0x1E400] =	vst v63  }
0xb1: {  	_ =	swait.ge [sflag:s24], $0x4000  }
0xb2: {  	[sflag:s24] =	ssyncset.done $0x0  }
0xb3: {  	s31 =	simm.s32 $0x1480;
	[sflag:s24] =	ssyncadd.s32 $0xFFFFC000  }
0xb4: {  	[spmem:s3] =	stream.indirect.scatter.add.f32 [tilespmem:s22], [sflag:$0x3], $0x80, s31, s20, $0xb8;
	[tilespmem:$0x1E400] =	vst v63  }
0xb5: {  	_ =	swait.ge [sflag:s18], $0x4000  }
0xb6: {  	s29 =	simm.s32 $0x800;
	s28 =	simm.s32 $0x100;
	[sflag:s18] =	ssyncset.done $0x0  }
.LBB2_6:
0xb7: {  	s1 =	sadd.s32 $0x80, s28  }
0xb8: {  	[sflag:s18] =	ssyncadd.s32 $0xFFFFC000;
	s30 =	smov.u32 s29;
	s31 =	sadd.s32 $0x400, s29  }
0xb9: {  	[tilespmem:s22], [sflag:$0x2] =	stream.indirect.gather [hbm4b:s5+s20], $0x80, s1, s20, $0xb8;
	[tilespmem:$0x1E400] =	vst v63  }
0xba: {  	p0 =	sne.s32 s29, $0x4400;
	_ =	swait.ge [sflag:s23], $0x4000  }
0xbb: {  	[sflag:s23] =	ssyncset.done $0x0  }
0xbc: {  	s1 =	sadd.s32 $0x1400, s28;
	[sflag:s23] =	ssyncadd.s32 $0xFFFFC000  }
0xbd: {  	[spmem:s3] =	stream.indirect.scatter.add.f32 [tilespmem:s21], [sflag:$0x3], $0x80, s1, s20, $0xb8;
	[tilespmem:$0x1E400] =	vst v63  }
0xbe: {  	_ =	swait.ge [sflag:s18], $0x4000  }
0xbf: {  	[sflag:s18] =	ssyncset.done $0x0  }
0xc0: {  	s1 =	sadd.s32 $0x100, s28;
	[sflag:s18] =	ssyncadd.s32 $0xFFFFC000  }
0xc1: {  	[tilespmem:s21], [sflag:$0x1] =	stream.indirect.gather [hbm4b:s5+s20], $0x80, s1, s20, $0xb8;
	[tilespmem:$0x1E400] =	vst v63  }
0xc2: {  	_ =	swait.ge [sflag:s24], $0x4000  }
.Ltmp2:
0xc3: {  	[sflag:s24] =	ssyncset.done $0x0;
	(pc) =	sbr.rel @p0 .LBB2_6-.Ltmp2, $4  }
0xc4: {  	s1 =	sadd.s32 $0x1480, s28;
	[sflag:s24] =	ssyncadd.s32 $0xFFFFC000  }
0xc5: {  	[spmem:s3] =	stream.indirect.scatter.add.f32 [tilespmem:s22], [sflag:$0x3], $0x80, s1, s20, $0xb8;
	[tilespmem:$0x1E400] =	vst v63  }
0xc6: {  	_ =	swait.ge [sflag:s18], $0x4000  }
0xc7: {  	s29 =	smov.u32 s31;
	s28 =	sshra.s32 s30, $0x2;
	[sflag:s18] =	ssyncset.done $0x0  }
0xc8: {  	s1 =	sadd.s32 $0x80, s28;
	[sflag:s18] =	ssyncadd.s32 $0xFFFFC000  }
0xc9: {  	[tilespmem:s22], [sflag:$0x2] =	stream.indirect.gather [hbm4b:s5+s20], $0x80, s1, s20, $0xb8;
	[tilespmem:$0x1E400] =	vst v63  }
0xca: {  	_ =	swait.ge [sflag:s23], $0x4000  }
0xcb: {  	[sflag:s23] =	ssyncset.done $0x0  }
0xcc: {  	s30 =	sadd.s32 $0x1400, s28;
	[sflag:s23] =	ssyncadd.s32 $0xFFFFC000  }
0xcd: {  	[spmem:s3] =	stream.indirect.scatter.add.f32 [tilespmem:s21], [sflag:$0x3], $0x80, s30, s20, $0xb8;
	[tilespmem:$0x1E400] =	vst v63  }
0xce: {  	_ =	swait.ge [sflag:s18], $0x4000  }
0xcf: {  	[sflag:s18] =	ssyncset.done $0x0  }
0xd0: {  	s31 =	sadd.s32 $0x100, s28;
	[sflag:s18] =	ssyncadd.s32 $0xFFFFC000  }
0xd1: {  	[tilespmem:s21], [sflag:$0x1] =	stream.indirect.gather [hbm4b:s5+s20], $0x80, s31, s20, $0xb8;
	[tilespmem:$0x1E400] =	vst v63  }
0xd2: {  	_ =	swait.ge [sflag:s24], $0x4000  }
0xd3: {  	[sflag:s24] =	ssyncset.done $0x0  }
0xd4: {  	s30 =	sadd.s32 $0x1480, s28;
	[sflag:s24] =	ssyncadd.s32 $0xFFFFC000  }
0xd5: {  	[spmem:s3] =	stream.indirect.scatter.add.f32 [tilespmem:s22], [sflag:$0x3], $0x80, s30, s20, $0xb8;
	[tilespmem:$0x1E400] =	vst v63  }
0xd6: {  	_ =	swait.ge [sflag:s18], $0x4000  }
0xd7: {  	[sflag:s18] =	ssyncset.done $0x0  }
0xd8: {  	[sflag:s18] =	ssyncadd.s32 $0xFFFFC000  }
0xd9: {  	_ =	swait.ge [sflag:s23], $0x4000  }
0xda: {  	[sflag:s23] =	ssyncset.done $0x0  }
0xdb: {  	[sflag:s23] =	ssyncadd.s32 $0xFFFFC000  }
0xdc: {  	[spmem:s3] =	stream.indirect.scatter.add.f32 [tilespmem:s21], [sflag:$0x3], $0x80, s25, s20, $0xb8;
	[tilespmem:$0x1E400] =	vst v63  }
0xdd: {  	_ =	swait.ge [sflag:s18], $0x4000  }
0xde: {  	[sflag:s18] =	ssyncset.done $0x0  }
0xdf: {  	s31 =	simm.s32 $0x0;
	[sflag:s18] =	ssyncadd.s32 $0xFFFFC000  }
0xe0: {  	[tilespmem:s31], [sflag:$0x3] =	stream.linear.gather [hbm4b:s13+s31], $0x1280, $0x38;
	[tilespmem:$0x1E400] =	vst v63  }
0xe1: {  	_ =	swait.ge [sflag:s18], $0x1280  }
0xe2: {  	[sflag:s18] =	ssyncset.done $0x0  }
0xe3: {  	[sflag:s18] =	ssyncadd.s32 $0xFFFFED80  }
0xe4: {  	[tilespmem:s19], [sflag:$0x3] =	stream.linear.gather [hbm4b:s14+s31], $0x1280, $0x38;
	[tilespmem:$0x1E400] =	vst v63  }
0xe5: {  	_ =	swait.ge [sflag:s18], $0x1280  }
0xe6: {  	[sflag:s18] =	ssyncset.done $0x0  }
0xe7: {  	[sflag:s18] =	ssyncadd.s32 $0xFFFFED80  }
0xe8: {  	[tilespmem:s21], [sflag:$0x1] =	stream.indirect.gather [hbm4b:s5+s20], $0x80, s31, s20, $0xb8;
	[tilespmem:$0x1E400] =	vst v63  }
0xe9: {  	s30 =	simm.s32 $0x80  }
0xea: {  	[tilespmem:s22], [sflag:$0x2] =	stream.indirect.gather [hbm4b:s5+s20], $0x80, s30, s20, $0xb8;
	[tilespmem:$0x1E400] =	vst v63  }
0xeb: {  	_ =	swait.ge [sflag:s23], $0x4000  }
0xec: {  	[sflag:s23] =	ssyncset.done $0x0  }
0xed: {  	s31 =	simm.s32 $0x1400;
	[sflag:s23] =	ssyncadd.s32 $0xFFFFC000  }
0xee: {  	[spmem:s3] =	stream.indirect.scatter.add.f32 [tilespmem:s21], [sflag:$0x3], $0x80, s31, s20, $0xb8;
	[tilespmem:$0x1E400] =	vst v63  }
0xef: {  	_ =	swait.ge [sflag:s18], $0x4000  }
0xf0: {  	[sflag:s18] =	ssyncset.done $0x0  }
0xf1: {  	s30 =	simm.s32 $0x100;
	[sflag:s18] =	ssyncadd.s32 $0xFFFFC000  }
0xf2: {  	[tilespmem:s21], [sflag:$0x1] =	stream.indirect.gather [hbm4b:s5+s20], $0x80, s30, s20, $0xb8;
	[tilespmem:$0x1E400] =	vst v63  }
0xf3: {  	_ =	swait.ge [sflag:s24], $0x4000  }
0xf4: {  	[sflag:s24] =	ssyncset.done $0x0  }
0xf5: {  	s31 =	simm.s32 $0x1480;
	[sflag:s24] =	ssyncadd.s32 $0xFFFFC000  }
0xf6: {  	[spmem:s3] =	stream.indirect.scatter.add.f32 [tilespmem:s22], [sflag:$0x3], $0x80, s31, s20, $0xb8;
	[tilespmem:$0x1E400] =	vst v63  }
0xf7: {  	_ =	swait.ge [sflag:s18], $0x4000  }
0xf8: {  	s29 =	simm.s32 $0x800;
	s28 =	simm.s32 $0x100;
	[sflag:s18] =	ssyncset.done $0x0  }
.LBB2_8:
0xf9: {  	s1 =	sadd.s32 $0x80, s28  }
0xfa: {  	[sflag:s18] =	ssyncadd.s32 $0xFFFFC000;
	s30 =	smov.u32 s29;
	s31 =	sadd.s32 $0x400, s29  }
0xfb: {  	[tilespmem:s22], [sflag:$0x2] =	stream.indirect.gather [hbm4b:s5+s20], $0x80, s1, s20, $0xb8;
	[tilespmem:$0x1E400] =	vst v63  }
0xfc: {  	p0 =	sne.s32 s29, $0x4400;
	_ =	swait.ge [sflag:s23], $0x4000  }
0xfd: {  	[sflag:s23] =	ssyncset.done $0x0  }
0xfe: {  	s1 =	sadd.s32 $0x1400, s28;
	[sflag:s23] =	ssyncadd.s32 $0xFFFFC000  }
0xff: {  	[spmem:s3] =	stream.indirect.scatter.add.f32 [tilespmem:s21], [sflag:$0x3], $0x80, s1, s20, $0xb8;
	[tilespmem:$0x1E400] =	vst v63  }
0x100: {  	_ =	swait.ge [sflag:s18], $0x4000  }
0x101: {  	[sflag:s18] =	ssyncset.done $0x0  }
0x102: {  	s1 =	sadd.s32 $0x100, s28;
	[sflag:s18] =	ssyncadd.s32 $0xFFFFC000  }
0x103: {  	[tilespmem:s21], [sflag:$0x1] =	stream.indirect.gather [hbm4b:s5+s20], $0x80, s1, s20, $0xb8;
	[tilespmem:$0x1E400] =	vst v63  }
0x104: {  	_ =	swait.ge [sflag:s24], $0x4000  }
.Ltmp3:
0x105: {  	[sflag:s24] =	ssyncset.done $0x0;
	(pc) =	sbr.rel @p0 .LBB2_8-.Ltmp3, $4  }
0x106: {  	s1 =	sadd.s32 $0x1480, s28;
	[sflag:s24] =	ssyncadd.s32 $0xFFFFC000  }
0x107: {  	[spmem:s3] =	stream.indirect.scatter.add.f32 [tilespmem:s22], [sflag:$0x3], $0x80, s1, s20, $0xb8;
	[tilespmem:$0x1E400] =	vst v63  }
0x108: {  	_ =	swait.ge [sflag:s18], $0x4000  }
0x109: {  	s29 =	smov.u32 s31;
	s28 =	sshra.s32 s30, $0x2;
	[sflag:s18] =	ssyncset.done $0x0  }
0x10a: {  	s1 =	sadd.s32 $0x80, s28;
	[sflag:s18] =	ssyncadd.s32 $0xFFFFC000  }
0x10b: {  	[tilespmem:s22], [sflag:$0x2] =	stream.indirect.gather [hbm4b:s5+s20], $0x80, s1, s20, $0xb8;
	[tilespmem:$0x1E400] =	vst v63  }
0x10c: {  	_ =	swait.ge [sflag:s23], $0x4000  }
0x10d: {  	[sflag:s23] =	ssyncset.done $0x0  }
0x10e: {  	s29 =	sadd.s32 $0x1400, s28;
	[sflag:s23] =	ssyncadd.s32 $0xFFFFC000  }
0x10f: {  	[spmem:s3] =	stream.indirect.scatter.add.f32 [tilespmem:s21], [sflag:$0x3], $0x80, s29, s20, $0xb8;
	[tilespmem:$0x1E400] =	vst v63  }
0x110: {  	_ =	swait.ge [sflag:s18], $0x4000  }
0x111: {  	[sflag:s18] =	ssyncset.done $0x0  }
0x112: {  	s30 =	sadd.s32 $0x100, s28;
	[sflag:s18] =	ssyncadd.s32 $0xFFFFC000  }
0x113: {  	[tilespmem:s21], [sflag:$0x1] =	stream.indirect.gather [hbm4b:s5+s20], $0x80, s30, s20, $0xb8;
	[tilespmem:$0x1E400] =	vst v63  }
0x114: {  	_ =	swait.ge [sflag:s24], $0x4000  }
0x115: {  	[sflag:s24] =	ssyncset.done $0x0  }
0x116: {  	s31 =	sadd.s32 $0x1480, s28;
	[sflag:s24] =	ssyncadd.s32 $0xFFFFC000  }
0x117: {  	[spmem:s3] =	stream.indirect.scatter.add.f32 [tilespmem:s22], [sflag:$0x3], $0x80, s31, s20, $0xb8;
	[tilespmem:$0x1E400] =	vst v63  }
0x118: {  	_ =	swait.ge [sflag:s18], $0x4000  }
0x119: {  	[sflag:s18] =	ssyncset.done $0x0  }
0x11a: {  	[sflag:s18] =	ssyncadd.s32 $0xFFFFC000  }
0x11b: {  	_ =	swait.ge [sflag:s23], $0x4000  }
0x11c: {  	[sflag:s23] =	ssyncset.done $0x0  }
0x11d: {  	[sflag:s23] =	ssyncadd.s32 $0xFFFFC000  }
0x11e: {  	[spmem:s3] =	stream.indirect.scatter.add.f32 [tilespmem:s21], [sflag:$0x3], $0x80, s25, s20, $0xb8;
	[tilespmem:$0x1E400] =	vst v63  }
0x11f: {  	_ =	swait.ge [sflag:s18], $0x4000  }
0x120: {  	s26 =	sadd.s32 $0x1, s26;
	[sflag:s18] =	ssyncset.done $0x0  }
0x121: {  	p0 =	sne.s32 s26, s16;
	[sflag:s18] =	ssyncadd.s32 $0xFFFFC000  }
.Ltmp4:
0x122: {  	[bflag:$0x0] =	sbarrier.arrive $0xFFFF;
	(pc) =	sbr.rel @p0 .LBB2_1-.Ltmp4, $4  }
0x123: {  	[hbm:s15], [sflag:s6] =	dma.local [spmem:s17], $0x2780  }
0x124: {  	_ =	swait.ge [sflag:s18], $0x2780  }
0x125: {  	[sflag:s18] =	ssyncset.done $0x0  }
0x126: {  	[sflag:s18] =	ssyncadd.s32 $0xFFFFD880  }
0x127: {  	_ =	sfence.sel $0x180000  }
0x128: {  	[bflag:$0x0] =	sbarrier.arrive $0xFFFF  }
0x129: {  	_ =	strace $0x9000004D  }
0x12a: {  	[bflag:$0x2] =	sbarrier.arrive $0xFFFF  }
0x12b: {  	p0 =	sne.s32 s0, $0x0;
	s0 =	rddreg [dreg:$0x5]  }
0x12c: {  	s0 =	sadd.s32 @!p0 $0x100000, s0  }
0x12d: {  	[sflag:s0] =	ssyncadd.tile.s32 @!p0 $0x1;
	_ =	shalt  }
.Lfunc_end2:
_tile_overlayer_lowered:
.L_overlay_start_2:
0x12e: {  	(tag) =	ssettag $0x2  }
0x12f: {  	s0 =	rddreg [dreg:$0x0];
	s2 =	stileid.u32  }
0x130: {  	s1 =	rddreg [dreg:$0x1];
	p0 =	sne.s32 s2, $0x0  }
0x131: {  	s3 =	rddreg [dreg:$0x2];
	[bflag:$0x3] =	sbarrier.arrive $0xFFFF;
	s2 =	simm.s32 @!p0 $0x1C03  }
0x132: {  	[timem:s3], [sflag:s2] =	dma.local @!p0 [hbm:s0], s1  }
0x133: {  	s0 =	simm.s32 @!p0 $0x3  }
0x134: {  	_ =	swait.ge @!p0 [sflag:s0], s1  }
0x135: {  	s1 =	ssub.s32 @!p0 $0x0, s1;
	[sflag:s0] =	ssyncset.done @!p0 $0x0  }
0x136: {  	[sflag:s0] =	ssyncadd.s32 @!p0 s1  }
0x137: {  	[bflag:$0x3] =	sbarrier.arrive $0xFFFF  }
0x138: {  	_ =	shalt  }

// kernel: kernel.21.cloned.1.call-start
scs
__scs_entry_jumppad:
0x0: {  	(pc) =	sbr.rel $0x88, $3  }
0x1: {  	(tag) =	ssettag $0x0;
	lr =	simm.s32 $0x1  }
0x2: {  	[smem:$0x3F8A] =	sst lr;
	_ =	strace $0xD0000000  }
0x3: {  	_ = 	snop  }
0x4: {  	_ = 	snop  }
0x5: {  	_ = 	snop  }
0x6: {  	_ = 	snop  }
0x7: {  	_ = 	snop  }
__scs_overlays_trampoline_lowered:
0x8: {  	[smem:$0x3F99] =	sst s0  }
0x9: {  	[smem:$0x3F9A] =	sst s1  }
0xa: {  	[smem:$0x3F9B] =	sst s2  }
0xb: {  	[smem:$0x3F9C] =	sst s3  }
0xc: {  	[smem:$0x3F9D] =	sst s4  }
0xd: {  	[smem:$0x3F9E] =	sst s5  }
0xe: {  	[smem:$0x3F9F] =	sst s6  }
0xf: {  	[smem:$0x3FA0] =	sst s7  }
0x10: {  	[smem:$0x3FA1] =	sst s8  }
0x11: {  	[smem:$0x3FA2] =	sst s9;
	s0 =	simm.s32 @!p0 $0x0  }
0x12: {  	s1 =	sld [smem:$0x3F88];
	s0 =	simm.s32 @p0 $0x1  }
0x13: {  	[smem:$0x3FA3] =	sst s0;
	s0 =	simm.s32 @!p1 $0x0  }
0x14: {  	s2 =	sld [smem:$0x3F87];
	s0 =	simm.s32 @p1 $0x1  }
0x15: {  	[smem:$0x3FA4] =	sst s0;
	s0 =	simm.s32 @!p2 $0x0  }
0x16: {  	s3 =	sld [smem:$0x3FDB];
	s0 =	simm.s32 @p2 $0x1  }
0x17: {  	s4 =	simm.s32 $0x1BF5;
	[smem:$0x3FA6] =	sst s0  }
0x18: {  	s0 =	sld [smem:$0x3F89];
	_ =	swait.ge [sflag:s4], $0x0  }
0x19: {  	s7 =	sld [smem:$0x3F8A]  }
0x1a: {  	s8 =	sadd.s32 $0xFFFFE003, lr  }
0x1b: {  	s9 =	sadd.s32 $0xFFFFFEF7, lr;
	s5 =	simm.s32 $0xFFFFFFFF;
	p2 =	slt.u32 s8, $0xFFFFF086  }
0x1c: {  	p1 =	slt.u32 s9, $0xF7A;
	s5 =	simm.s32 @!p2 $0x0  }
0x1d: {  	s5 =	simm.s32 @p1 $0x1;
	p0 =	seq.s32 s7, s2  }
0x1e: {  	s7 =	smul.u32 @!p0 $0xF7A, s2;
	p2 =	seq.s32 @!p0 s5, $0x0  }
0x1f: {  	s9 =	smul.u32 $0xF7A, s1;
	s8 =	simm.s32 @!p0 $0x1BF5;
	p2 =	por !p2, p0  }
0x20: {  	[sflag:s8] =	ssyncset.s32 @!p0 $0xFFFFF086;
	s6 =	sadd.s32 @!p0 s3, s7;
	s7 =	simm.s32 @!p0 $0x108  }
0x21: {  	s3 =	sadd.s32 s3, s9;
	s6 =	sadd.s32 @!p0 $0x88, s6;
	s7 =	simm.s32 @p2 $0x1082  }
0x22: {  	[simem:s7], [sflag:s8] =	dma.local @!p0 [hbm:s6], $0xF7A  }
0x23: {  	s9 =	sor.u32 $0xD0000000, s2;
	s6 =	simm.s32 $0x108;
	_ =	swait.ge @!p0 [sflag:s8], $0x0  }
0x24: {  	s3 =	sadd.s32 $0x88, s3;
	s6 =	simm.s32 @!p1 $0x1082;
	[sflag:s4] =	ssyncset.s32 $0xFFFFF086  }
0x25: {  	[simem:s6], [sflag:s4] =	dma.local [hbm:s3], $0xF7A  }
0x26: {  	[smem:$0x3F8A] =	sst s1;
	(tag) =	ssettag s2;
	_ =	strace s9  }
0x27: {  	s1 =	sld [smem:$0x3F9A]  }
0x28: {  	s2 =	sld [smem:$0x3F9B]  }
0x29: {  	s4 =	sld [smem:$0x3F9D]  }
0x2a: {  	p0 =	seq.s32 s5, $0x0;
	s5 =	sld [smem:$0x3F9E]  }
0x2b: {  	s6 =	sld [smem:$0x3F9F]  }
0x2c: {  	s7 =	sld [smem:$0x3FA0]  }
0x2d: {  	s3 =	simm.s32 $0x108;
	s8 =	sld [smem:$0x3FA1]  }
0x2e: {  	s3 =	simm.s32 @!p0 $0x1082;
	s9 =	sld [smem:$0x3FA2]  }
0x2f: {  	lr =	sadd.s32 s0, s3;
	s0 =	sld [smem:$0x3F99]  }
0x30: {  	s3 =	sld [smem:$0x3F9C]  }
0x31: {  	[smem:$0x3FA5] =	sst s10  }
0x32: {  	s10 =	sld [smem:$0x3FA3];
	_ =	sdelay $0x3  }
0x33: {  	p0 =	seq.s32 s10, $0x1;
	s10 =	sld [smem:$0x3FA5];
	_ =	sdelay $0x3  }
0x34: {  	[smem:$0x3FA5] =	sst s10  }
0x35: {  	s10 =	sld [smem:$0x3FA4];
	_ =	sdelay $0x3  }
0x36: {  	p1 =	seq.s32 s10, $0x1;
	s10 =	sld [smem:$0x3FA5];
	_ =	sdelay $0x3  }
0x37: {  	[smem:$0x3FA5] =	sst s10  }
0x38: {  	s10 =	sld [smem:$0x3FA6]  }
0x39: {  	_ = 	snop;
	(pc) =	sbr.ind lr, $3  }
0x3a: {  	_ = 	snop  }
0x3b: {  	_ = 	snop  }
0x3c: {  	p2 =	seq.s32 s10, $0x1;
	s10 =	sld [smem:$0x3FA5]  }
0x3d: {  	_ =	shalt  }
0x3e: {  	_ =	shalt  }
0x3f: {  	_ =	shalt  }
0x40: {  	_ =	shalt  }
0x41: {  	_ =	shalt  }
0x42: {  	_ =	shalt  }
0x43: {  	_ =	shalt  }
0x44: {  	_ =	shalt  }
0x45: {  	_ =	shalt  }
0x46: {  	_ =	shalt  }
0x47: {  	_ =	shalt  }
0x48: {  	_ =	shalt  }
0x49: {  	_ =	shalt  }
0x4a: {  	_ =	shalt  }
0x4b: {  	_ =	shalt  }
0x4c: {  	_ =	shalt  }
0x4d: {  	_ =	shalt  }
0x4e: {  	_ =	shalt  }
0x4f: {  	_ =	shalt  }
0x50: {  	_ =	shalt  }
0x51: {  	_ =	shalt  }
0x52: {  	_ =	shalt  }
0x53: {  	_ =	shalt  }
0x54: {  	_ =	shalt  }
0x55: {  	_ =	shalt  }
0x56: {  	_ =	shalt  }
0x57: {  	_ =	shalt  }
0x58: {  	_ =	shalt  }
0x59: {  	_ =	shalt  }
0x5a: {  	_ =	shalt  }
0x5b: {  	_ =	shalt  }
0x5c: {  	_ =	shalt  }
0x5d: {  	_ =	shalt  }
0x5e: {  	_ =	shalt  }
0x5f: {  	_ =	shalt  }
0x60: {  	_ =	shalt  }
0x61: {  	_ =	shalt  }
0x62: {  	_ =	shalt  }
0x63: {  	_ =	shalt  }
0x64: {  	_ =	shalt  }
0x65: {  	_ =	shalt  }
0x66: {  	_ =	shalt  }
0x67: {  	_ =	shalt  }
0x68: {  	_ =	shalt  }
0x69: {  	_ =	shalt  }
0x6a: {  	_ =	shalt  }
0x6b: {  	_ =	shalt  }
0x6c: {  	_ =	shalt  }
0x6d: {  	_ =	shalt  }
0x6e: {  	_ =	shalt  }
0x6f: {  	_ =	shalt  }
0x70: {  	_ =	shalt  }
0x71: {  	_ =	shalt  }
0x72: {  	_ =	shalt  }
0x73: {  	_ =	shalt  }
0x74: {  	_ =	shalt  }
0x75: {  	_ =	shalt  }
0x76: {  	_ =	shalt  }
0x77: {  	_ =	shalt  }
0x78: {  	_ =	shalt  }
0x79: {  	_ =	shalt  }
0x7a: {  	_ =	shalt  }
0x7b: {  	_ =	shalt  }
0x7c: {  	_ =	shalt  }
0x7d: {  	_ =	shalt  }
0x7e: {  	_ =	shalt  }
0x7f: {  	_ =	shalt  }
0x80: {  	_ =	shalt  }
0x81: {  	_ =	shalt  }
0x82: {  	_ =	shalt  }
0x83: {  	_ =	shalt  }
0x84: {  	_ =	shalt  }
0x85: {  	_ =	shalt  }
0x86: {  	_ =	shalt  }
0x87: {  	_ =	shalt  }
.Lfunc_end0:
.L_simem_size_0:
called_computation.3_lowered:
.L_overlay_start_0:
0x88: {  	s2 =	sld [smem:$0x3FD9]  }
0x89: {  	s3 =	sld [smem:$0x3FFE];
	_ =	sdelay $0x1  }
0x8a: {  	s1 =	srdreg.scid  }
0x8b: {  	s0 =	sand.u32 $0x1, s1  }
0x8c: {  	s14 =	sshll.u32 s0, $0xA;
	s2 =	sadd.s32 s3, s2  }
0x8d: {  	s2 =	sadd.s32 s2, s14  }
0x8e: {  	[smem:$0x3FB1] =	sst s2  }
0x8f: {  	_ = 	snop  }
0x90: {  	s2 =	sld [smem:$0x3FD0];
	_ =	sdelay $0x2  }
0x91: {  	s15 =	simm.s32 $0xA;
	s4 =	simm.s32 $0x10  }
0x92: {  	[smem:s4], [sflag:s15] =	dma.local [hbm:s2], $0x1  }
0x93: {  	_ =	swait.eq [sflag:s15], $0x1  }
0x94: {  	s16 =	sld [smem:$0x10];
	[sflag:s15] =	ssyncset.done $0x0  }
0x95: {  	s17 =	sld [smem:$0x14];
	[sflag:s15] =	ssyncadd.s32 $0xFFFFFFFF  }
0x96: {  	s18 =	sld [smem:$0x15];
	(tm) =	ssettm $0x1  }
0x97: {  	s5 =	sld [smem:$0x3FFB];
	_ =	sdelay $0x3  }
0x98: {  	_ =	strace s5  }
0x99: {  	s5 =	sld [smem:$0x3FFC];
	_ =	sdelay $0x3  }
0x9a: {  	_ =	strace s5  }
0x9b: {  	s5 =	sld [smem:$0x3FFD];
	_ =	sdelay $0x3  }
0x9c: {  	_ =	strace s5  }
0x9d: {  	_ =	strace $0x8FFFFFFF  }
0x9e: {  	s19 =	sld [smem:$0x3FDB];
	_ =	sdelay $0x1  }
0x9f: {  	s6 =	simm.s32 $_scs_section_size  }
0xa0: {  	s7 =	simm.s32 $_size__tile_overlayer_lowered;
	s8 =	simm.s32 $_tile_overlayer_lowered  }
0xa1: {  	s22 =	simm.s32 $0x1BFF;
	s21 =	sshll.u32 s8, $0x1;
	s5 =	sadd.s32 s6, s19  }
0xa2: {  	s9 =	simm.s32 $0x0;
	s20 =	sshll.u32 s7, $0x1;
	s7 =	sadd.s32 s21, s5  }
0xa3: {  	[timem:s9], [sflag:s22] =	dma.local [hbm:s7], s20  }
0xa4: {  	_ =	swait.ge [sflag:s22], s20  }
0xa5: {  	s6 =	ssub.s32 $0x0, s20;
	[sflag:s22] =	ssyncset.done $0x0  }
0xa6: {  	[sflag:s22] =	ssyncadd.s32 s6;
	_ =	sdelay $0x1  }
0xa7: {  	s23 =	simm.s32 $0x1B8B  }
0xa8: {  	_ =	swait.ge [sflag:s23], $0x1  }
0xa9: {  	[sflag:s23] =	ssyncset.done $0x0  }
0xaa: {  	s25 =	simm.s32 $0x1B8E;
	s24 =	sld [smem:$0x3FFE];
	[sflag:s23] =	ssyncadd.s32 $0xFFFFFFFF  }
0xab: {  	s26 =	simm.s32 $execute0_lowered;
	[smem:$0x3FD2] =	sst s25  }
0xac: {  	s7 =	sshll.u32 s26, $0x1;
	_ =	strace $0x8000004F;
	[dreg:$0x1] =	wrdreg $0xFFFFFFFF  }
0xad: {  	s28 =	simm.s32 $_size_execute0_lowered;
	s5 =	sadd.s32 s5, s7;
	[dreg:$0x0] =	wrdreg $0x0  }
0xae: {  	s7 =	sshll.u32 s28, $0x1;
	[dreg:$0x2] =	wrdreg s5  }
0xaf: {  	[dreg:$0x3] =	wrdreg s7  }
0xb0: {  	[dreg:$0x4] =	wrdreg $0xC0  }
0xb1: {  	_ =	task [dreg:s9], $0x5FFFF  }
0xb2: {  	[dreg:$0x1] =	wrdreg $0xFFFFFFFF  }
0xb3: {  	[dreg:$0x0] =	wrdreg $0x60  }
0xb4: {  	[dreg:$0x2] =	wrdreg s18  }
0xb5: {  	[dreg:$0x3] =	wrdreg s17  }
0xb6: {  	[dreg:$0x4] =	wrdreg s24  }
0xb7: {  	[dreg:$0x5] =	wrdreg s16  }
0xb8: {  	[dreg:$0x6] =	wrdreg $0xA8000  }
0xb9: {  	[dreg:$0x7] =	wrdreg $0x9  }
0xba: {  	_ =	task.clear_ibuf [dreg:s9], $0x8FFFF;
	_ =	strace $0x9000004F  }
0xbb: {  	s29 =	simm.s32 $0x9;
	_ =	strace $0x80000051  }
0xbc: {  	_ =	swait.ge [sflag:s29], $0x1  }
0xbd: {  	[sflag:s29] =	ssyncadd.s32 $0xFFFFFFFF  }
0xbe: {  	_ =	strace $0x90000051  }
0xbf: {  	_ =	sfence  }
0xc0: {  	s30 =	sld [smem:$0x0];
	_ =	sdelay $0x2  }
0xc1: {  	s31 =	sshll.u32 s1, $0xD;
	s1 =	sshrl.u32 s1, $0x2  }
0xc2: {  	s3 =	sand.u32 $0x4000, s31;
	s1 =	sadd.s32 s1, s30  }
0xc3: {  	s0 =	sor.u32 s3, s0;
	s1 =	sshll.u32 s1, $0x11  }
0xc4: {  	s0 =	sor.u32 s1, s0  }
0xc5: {  	s0 =	sadd.s32 $0x8F2B, s0  }
0xc6: {  	[sflag:s0] =	ssyncadd.remote.s32 $0x1  }
0xc7: {  	_ =	sfence.sel $0xFFFF  }
0xc8: {  	[dreg:$0x0] =	wrdreg $0xFFFFFFFF;
	(pc) =	sbr.abs _section_cstart, $3  }
0xc9: {  	[dreg:$0x1] =	wrdreg $0xFFFFFFFF  }
0xca: {  	_ =	task.clear_ibuf [dreg:s9], $0x2FFFF;
	_ =	strace $0x9FFFFFFF  }
0xcb: {  	(tm) =	ssettm $0x7FFFFFFF  }
tec
execute0_lowered:
.L_overlay_start_1:
0x0: {  	(tag) =	ssettag $0x1  }
0x1: {  	s13 =	rddreg [dreg:$0x0]  }
0x2: {  	s14 =	rddreg [dreg:$0x1]  }
0x3: {  	s6 =	rddreg [dreg:$0x2]  }
0x4: {  	s2 =	rddreg [dreg:$0x3]  }
0x5: {  	s1 =	srdreg.scid;
	s0 =	stileid.u32  }
0x6: {  	s3 =	rddreg [dreg:$0x4];
	s4 =	simm.s32 $0x0;
	s20 =	simm.s32 $0x80  }
0x7: {  	s21 =	simm.s32 $0x2800;
	s22 =	simm.s32 $0x6800;
	s7 =	smul.u32 $0x2780, s0  }
0x8: {  	s23 =	simm.s32 $0x1;
	s24 =	simm.s32 $0x2;
	s9 =	smul.u32 $0x4F000, s0  }
0x9: {  	s5 =	sand.u32 $0x1, s1;
	[smem:$0x7FF] =	sst s4;
	s11 =	smul.u32 $0x5000, s0  }
0xa: {  	s30 =	sshll.u32 s0, $0x6;
	s8 =	smul.u32 $0x27800, s5;
	_ =	strace $0x80000050  }
0xb: {  	s10 =	smul.u32 $0x50000, s5;
	s25 =	ssub.s32 $0x2, s5;
	s5 =	sadd.s32 $0x8600, s6  }
0xc: {  	s26 =	sshrl.u32 s25, $0x1;
	s28 =	sshrl.u32 s9, $0x2;
	s7 =	sadd.s32 s7, s8  }
0xd: {  	s16 =	ssub.s32 s25, s26;
	s29 =	sadd.s32 s11, s10;
	s17 =	sadd.s32 s28, s3  }
0xe: {  	s25 =	simm.s32 $0x2600;
	s26 =	simm.s32 $0x0;
	s15 =	sadd.s32 s7, s6  }
0xf: {  	s12 =	sshrl.u32 s29, $0x3;
	s6 =	sor.u32 $0x1C03, s30;
	s16 =	smax.u32 s16, $0x1  }
0x10: {  	s17 =	sshrl.u32 s17, $0x3;
	s7 =	sadd.s32 s13, s12;
	s31 =	sadd.s32 $0x280, s12  }
0x11: {  	s8 =	sadd.s32 s14, s12;
	s18 =	sadd.s32 $0x500, s12;
	s19 =	sadd.s32 $0x780, s12  }
0x12: {  	s15 =	sadd.s32 $0xA5800, s15;
	s9 =	sadd.s32 s13, s31;
	s10 =	sadd.s32 s14, s31  }
0x13: {  	s11 =	sadd.s32 s13, s18;
	s12 =	sadd.s32 s14, s18;
	s13 =	sadd.s32 s13, s19  }
0x14: {  	s14 =	sadd.s32 s14, s19;
	s18 =	simm.s32 $0x3;
	s19 =	simm.s32 $0x1400  }
.LBB2_1:
0x15: {  	[spmem:s17], [sflag:s6] =	dma.local [hbm:s2], $0x2780  }
0x16: {  	_ =	swait.ge [sflag:s18], $0x2780  }
0x17: {  	[sflag:s18] =	ssyncset.done $0x0  }
0x18: {  	[sflag:s18] =	ssyncadd.s32 $0xFFFFD880  }
0x19: {  	[bflag:$0x0] =	sbarrier.arrive $0xFFFF  }
0x1a: {  	[tilespmem:s4], [sflag:$0x3] =	stream.linear.gather [hbm4b:s7+s4], $0x1280, $0x38;
	[tilespmem:$0x1E400] =	vst v63  }
0x1b: {  	_ =	swait.ge [sflag:s18], $0x1280  }
0x1c: {  	[sflag:s18] =	ssyncset.done $0x0  }
0x1d: {  	[sflag:s18] =	ssyncadd.s32 $0xFFFFED80  }
0x1e: {  	[tilespmem:s19], [sflag:$0x3] =	stream.linear.gather [hbm4b:s8+s4], $0x1280, $0x38;
	[tilespmem:$0x1E400] =	vst v63  }
0x1f: {  	_ =	swait.ge [sflag:s18], $0x1280  }
0x20: {  	[sflag:s18] =	ssyncset.done $0x0  }
0x21: {  	[sflag:s18] =	ssyncadd.s32 $0xFFFFED80  }
0x22: {  	[tilespmem:s21], [sflag:$0x1] =	stream.indirect.gather [hbm4b:s5+s20], $0x80, s4, s20, $0xb8;
	[tilespmem:$0x1E400] =	vst v63  }
0x23: {  	s28 =	simm.s32 $0x80  }
0x24: {  	[tilespmem:s22], [sflag:$0x2] =	stream.indirect.gather [hbm4b:s5+s20], $0x80, s28, s20, $0xb8;
	[tilespmem:$0x1E400] =	vst v63  }
0x25: {  	_ =	swait.ge [sflag:s23], $0x4000  }
0x26: {  	[sflag:s23] =	ssyncset.done $0x0  }
0x27: {  	s28 =	simm.s32 $0x1400;
	[sflag:s23] =	ssyncadd.s32 $0xFFFFC000  }
0x28: {  	[spmem:s3] =	stream.indirect.scatter.add.f32 [tilespmem:s21], [sflag:$0x3], $0x80, s28, s20, $0xb8;
	[tilespmem:$0x1E400] =	vst v63  }
0x29: {  	_ =	swait.ge [sflag:s18], $0x4000  }
0x2a: {  	[sflag:s18] =	ssyncset.done $0x0  }
0x2b: {  	s28 =	simm.s32 $0x100;
	[sflag:s18] =	ssyncadd.s32 $0xFFFFC000  }
0x2c: {  	[tilespmem:s21], [sflag:$0x1] =	stream.indirect.gather [hbm4b:s5+s20], $0x80, s28, s20, $0xb8;
	[tilespmem:$0x1E400] =	vst v63  }
0x2d: {  	_ =	swait.ge [sflag:s24], $0x4000  }
0x2e: {  	[sflag:s24] =	ssyncset.done $0x0  }
0x2f: {  	s28 =	simm.s32 $0x1480;
	[sflag:s24] =	ssyncadd.s32 $0xFFFFC000  }
0x30: {  	[spmem:s3] =	stream.indirect.scatter.add.f32 [tilespmem:s22], [sflag:$0x3], $0x80, s28, s20, $0xb8;
	[tilespmem:$0x1E400] =	vst v63  }
0x31: {  	_ =	swait.ge [sflag:s18], $0x4000  }
0x32: {  	s29 =	simm.s32 $0x800;
	s28 =	simm.s32 $0x100;
	[sflag:s18] =	ssyncset.done $0x0  }
.LBB2_2:
0x33: {  	s30 =	sadd.s32 $0x80, s28  }
0x34: {  	[sflag:s18] =	ssyncadd.s32 $0xFFFFC000;
	s31 =	smov.u32 s29;
	s1 =	sadd.s32 $0x400, s29  }
0x35: {  	[tilespmem:s22], [sflag:$0x2] =	stream.indirect.gather [hbm4b:s5+s20], $0x80, s30, s20, $0xb8;
	[tilespmem:$0x1E400] =	vst v63  }
0x36: {  	p0 =	sne.s32 s29, $0x4400;
	_ =	swait.ge [sflag:s23], $0x4000  }
0x37: {  	[sflag:s23] =	ssyncset.done $0x0  }
0x38: {  	s29 =	sadd.s32 $0x1400, s28;
	[sflag:s23] =	ssyncadd.s32 $0xFFFFC000  }
0x39: {  	[spmem:s3] =	stream.indirect.scatter.add.f32 [tilespmem:s21], [sflag:$0x3], $0x80, s29, s20, $0xb8;
	[tilespmem:$0x1E400] =	vst v63  }
0x3a: {  	_ =	swait.ge [sflag:s18], $0x4000  }
0x3b: {  	[sflag:s18] =	ssyncset.done $0x0  }
0x3c: {  	s29 =	sadd.s32 $0x100, s28;
	[sflag:s18] =	ssyncadd.s32 $0xFFFFC000  }
0x3d: {  	[tilespmem:s21], [sflag:$0x1] =	stream.indirect.gather [hbm4b:s5+s20], $0x80, s29, s20, $0xb8;
	[tilespmem:$0x1E400] =	vst v63  }
0x3e: {  	_ =	swait.ge [sflag:s24], $0x4000  }
.Ltmp0:
0x3f: {  	[sflag:s24] =	ssyncset.done $0x0;
	(pc) =	sbr.rel @p0 .LBB2_2-.Ltmp0, $4  }
0x40: {  	s28 =	sadd.s32 $0x1480, s28;
	[sflag:s24] =	ssyncadd.s32 $0xFFFFC000  }
0x41: {  	[spmem:s3] =	stream.indirect.scatter.add.f32 [tilespmem:s22], [sflag:$0x3], $0x80, s28, s20, $0xb8;
	[tilespmem:$0x1E400] =	vst v63  }
0x42: {  	_ =	swait.ge [sflag:s18], $0x4000  }
0x43: {  	s29 =	smov.u32 s1;
	s28 =	sshra.s32 s31, $0x2;
	[sflag:s18] =	ssyncset.done $0x0  }
0x44: {  	s1 =	sadd.s32 $0x80, s28;
	[sflag:s18] =	ssyncadd.s32 $0xFFFFC000  }
0x45: {  	[tilespmem:s22], [sflag:$0x2] =	stream.indirect.gather [hbm4b:s5+s20], $0x80, s1, s20, $0xb8;
	[tilespmem:$0x1E400] =	vst v63  }
0x46: {  	_ =	swait.ge [sflag:s23], $0x4000  }
0x47: {  	[sflag:s23] =	ssyncset.done $0x0  }
0x48: {  	s30 =	sadd.s32 $0x1400, s28;
	[sflag:s23] =	ssyncadd.s32 $0xFFFFC000  }
0x49: {  	[spmem:s3] =	stream.indirect.scatter.add.f32 [tilespmem:s21], [sflag:$0x3], $0x80, s30, s20, $0xb8;
	[tilespmem:$0x1E400] =	vst v63  }
0x4a: {  	_ =	swait.ge [sflag:s18], $0x4000  }
0x4b: {  	[sflag:s18] =	ssyncset.done $0x0  }
0x4c: {  	s31 =	sadd.s32 $0x100, s28;
	[sflag:s18] =	ssyncadd.s32 $0xFFFFC000  }
0x4d: {  	[tilespmem:s21], [sflag:$0x1] =	stream.indirect.gather [hbm4b:s5+s20], $0x80, s31, s20, $0xb8;
	[tilespmem:$0x1E400] =	vst v63  }
0x4e: {  	_ =	swait.ge [sflag:s24], $0x4000  }
0x4f: {  	[sflag:s24] =	ssyncset.done $0x0  }
0x50: {  	s30 =	sadd.s32 $0x1480, s28;
	[sflag:s24] =	ssyncadd.s32 $0xFFFFC000  }
0x51: {  	[spmem:s3] =	stream.indirect.scatter.add.f32 [tilespmem:s22], [sflag:$0x3], $0x80, s30, s20, $0xb8;
	[tilespmem:$0x1E400] =	vst v63  }
0x52: {  	_ =	swait.ge [sflag:s18], $0x4000  }
0x53: {  	[sflag:s18] =	ssyncset.done $0x0  }
0x54: {  	[sflag:s18] =	ssyncadd.s32 $0xFFFFC000  }
0x55: {  	_ =	swait.ge [sflag:s23], $0x4000  }
0x56: {  	[sflag:s23] =	ssyncset.done $0x0  }
0x57: {  	[sflag:s23] =	ssyncadd.s32 $0xFFFFC000  }
0x58: {  	[spmem:s3] =	stream.indirect.scatter.add.f32 [tilespmem:s21], [sflag:$0x3], $0x80, s25, s20, $0xb8;
	[tilespmem:$0x1E400] =	vst v63  }
0x59: {  	_ =	swait.ge [sflag:s18], $0x4000  }
0x5a: {  	[sflag:s18] =	ssyncset.done $0x0  }
0x5b: {  	s31 =	simm.s32 $0x0;
	[sflag:s18] =	ssyncadd.s32 $0xFFFFC000  }
0x5c: {  	[tilespmem:s31], [sflag:$0x3] =	stream.linear.gather [hbm4b:s9+s31], $0x1280, $0x38;
	[tilespmem:$0x1E400] =	vst v63  }
0x5d: {  	_ =	swait.ge [sflag:s18], $0x1280  }
0x5e: {  	[sflag:s18] =	ssyncset.done $0x0  }
0x5f: {  	[sflag:s18] =	ssyncadd.s32 $0xFFFFED80  }
0x60: {  	[tilespmem:s19], [sflag:$0x3] =	stream.linear.gather [hbm4b:s10+s31], $0x1280, $0x38;
	[tilespmem:$0x1E400] =	vst v63  }
0x61: {  	_ =	swait.ge [sflag:s18], $0x1280  }
0x62: {  	[sflag:s18] =	ssyncset.done $0x0  }
0x63: {  	[sflag:s18] =	ssyncadd.s32 $0xFFFFED80  }
0x64: {  	[tilespmem:s21], [sflag:$0x1] =	stream.indirect.gather [hbm4b:s5+s20], $0x80, s31, s20, $0xb8;
	[tilespmem:$0x1E400] =	vst v63  }
0x65: {  	s30 =	simm.s32 $0x80  }
0x66: {  	[tilespmem:s22], [sflag:$0x2] =	stream.indirect.gather [hbm4b:s5+s20], $0x80, s30, s20, $0xb8;
	[tilespmem:$0x1E400] =	vst v63  }
0x67: {  	_ =	swait.ge [sflag:s23], $0x4000  }
0x68: {  	[sflag:s23] =	ssyncset.done $0x0  }
0x69: {  	s31 =	simm.s32 $0x1400;
	[sflag:s23] =	ssyncadd.s32 $0xFFFFC000  }
0x6a: {  	[spmem:s3] =	stream.indirect.scatter.add.f32 [tilespmem:s21], [sflag:$0x3], $0x80, s31, s20, $0xb8;
	[tilespmem:$0x1E400] =	vst v63  }
0x6b: {  	_ =	swait.ge [sflag:s18], $0x4000  }
0x6c: {  	[sflag:s18] =	ssyncset.done $0x0  }
0x6d: {  	s30 =	simm.s32 $0x100;
	[sflag:s18] =	ssyncadd.s32 $0xFFFFC000  }
0x6e: {  	[tilespmem:s21], [sflag:$0x1] =	stream.indirect.gather [hbm4b:s5+s20], $0x80, s30, s20, $0xb8;
	[tilespmem:$0x1E400] =	vst v63  }
0x6f: {  	_ =	swait.ge [sflag:s24], $0x4000  }
0x70: {  	[sflag:s24] =	ssyncset.done $0x0  }
0x71: {  	s31 =	simm.s32 $0x1480;
	[sflag:s24] =	ssyncadd.s32 $0xFFFFC000  }
0x72: {  	[spmem:s3] =	stream.indirect.scatter.add.f32 [tilespmem:s22], [sflag:$0x3], $0x80, s31, s20, $0xb8;
	[tilespmem:$0x1E400] =	vst v63  }
0x73: {  	_ =	swait.ge [sflag:s18], $0x4000  }
0x74: {  	s29 =	simm.s32 $0x800;
	s28 =	simm.s32 $0x100;
	[sflag:s18] =	ssyncset.done $0x0  }
.LBB2_4:
0x75: {  	s1 =	sadd.s32 $0x80, s28  }
0x76: {  	[sflag:s18] =	ssyncadd.s32 $0xFFFFC000;
	s30 =	smov.u32 s29;
	s31 =	sadd.s32 $0x400, s29  }
0x77: {  	[tilespmem:s22], [sflag:$0x2] =	stream.indirect.gather [hbm4b:s5+s20], $0x80, s1, s20, $0xb8;
	[tilespmem:$0x1E400] =	vst v63  }
0x78: {  	p0 =	sne.s32 s29, $0x4400;
	_ =	swait.ge [sflag:s23], $0x4000  }
0x79: {  	[sflag:s23] =	ssyncset.done $0x0  }
0x7a: {  	s1 =	sadd.s32 $0x1400, s28;
	[sflag:s23] =	ssyncadd.s32 $0xFFFFC000  }
0x7b: {  	[spmem:s3] =	stream.indirect.scatter.add.f32 [tilespmem:s21], [sflag:$0x3], $0x80, s1, s20, $0xb8;
	[tilespmem:$0x1E400] =	vst v63  }
0x7c: {  	_ =	swait.ge [sflag:s18], $0x4000  }
0x7d: {  	[sflag:s18] =	ssyncset.done $0x0  }
0x7e: {  	s1 =	sadd.s32 $0x100, s28;
	[sflag:s18] =	ssyncadd.s32 $0xFFFFC000  }
0x7f: {  	[tilespmem:s21], [sflag:$0x1] =	stream.indirect.gather [hbm4b:s5+s20], $0x80, s1, s20, $0xb8;
	[tilespmem:$0x1E400] =	vst v63  }
0x80: {  	_ =	swait.ge [sflag:s24], $0x4000  }
.Ltmp1:
0x81: {  	[sflag:s24] =	ssyncset.done $0x0;
	(pc) =	sbr.rel @p0 .LBB2_4-.Ltmp1, $4  }
0x82: {  	s1 =	sadd.s32 $0x1480, s28;
	[sflag:s24] =	ssyncadd.s32 $0xFFFFC000  }
0x83: {  	[spmem:s3] =	stream.indirect.scatter.add.f32 [tilespmem:s22], [sflag:$0x3], $0x80, s1, s20, $0xb8;
	[tilespmem:$0x1E400] =	vst v63  }
0x84: {  	_ =	swait.ge [sflag:s18], $0x4000  }
0x85: {  	s29 =	smov.u32 s31;
	s28 =	sshra.s32 s30, $0x2;
	[sflag:s18] =	ssyncset.done $0x0  }
0x86: {  	s1 =	sadd.s32 $0x80, s28;
	[sflag:s18] =	ssyncadd.s32 $0xFFFFC000  }
0x87: {  	[tilespmem:s22], [sflag:$0x2] =	stream.indirect.gather [hbm4b:s5+s20], $0x80, s1, s20, $0xb8;
	[tilespmem:$0x1E400] =	vst v63  }
0x88: {  	_ =	swait.ge [sflag:s23], $0x4000  }
0x89: {  	[sflag:s23] =	ssyncset.done $0x0  }
0x8a: {  	s30 =	sadd.s32 $0x1400, s28;
	[sflag:s23] =	ssyncadd.s32 $0xFFFFC000  }
0x8b: {  	[spmem:s3] =	stream.indirect.scatter.add.f32 [tilespmem:s21], [sflag:$0x3], $0x80, s30, s20, $0xb8;
	[tilespmem:$0x1E400] =	vst v63  }
0x8c: {  	_ =	swait.ge [sflag:s18], $0x4000  }
0x8d: {  	[sflag:s18] =	ssyncset.done $0x0  }
0x8e: {  	s31 =	sadd.s32 $0x100, s28;
	[sflag:s18] =	ssyncadd.s32 $0xFFFFC000  }
0x8f: {  	[tilespmem:s21], [sflag:$0x1] =	stream.indirect.gather [hbm4b:s5+s20], $0x80, s31, s20, $0xb8;
	[tilespmem:$0x1E400] =	vst v63  }
0x90: {  	_ =	swait.ge [sflag:s24], $0x4000  }
0x91: {  	[sflag:s24] =	ssyncset.done $0x0  }
0x92: {  	s30 =	sadd.s32 $0x1480, s28;
	[sflag:s24] =	ssyncadd.s32 $0xFFFFC000  }
0x93: {  	[spmem:s3] =	stream.indirect.scatter.add.f32 [tilespmem:s22], [sflag:$0x3], $0x80, s30, s20, $0xb8;
	[tilespmem:$0x1E400] =	vst v63  }
0x94: {  	_ =	swait.ge [sflag:s18], $0x4000  }
0x95: {  	[sflag:s18] =	ssyncset.done $0x0  }
0x96: {  	[sflag:s18] =	ssyncadd.s32 $0xFFFFC000  }
0x97: {  	_ =	swait.ge [sflag:s23], $0x4000  }
0x98: {  	[sflag:s23] =	ssyncset.done $0x0  }
0x99: {  	[sflag:s23] =	ssyncadd.s32 $0xFFFFC000  }
0x9a: {  	[spmem:s3] =	stream.indirect.scatter.add.f32 [tilespmem:s21], [sflag:$0x3], $0x80, s25, s20, $0xb8;
	[tilespmem:$0x1E400] =	vst v63  }
0x9b: {  	_ =	swait.ge [sflag:s18], $0x4000  }
0x9c: {  	[sflag:s18] =	ssyncset.done $0x0  }
0x9d: {  	s31 =	simm.s32 $0x0;
	[sflag:s18] =	ssyncadd.s32 $0xFFFFC000  }
0x9e: {  	[tilespmem:s31], [sflag:$0x3] =	stream.linear.gather [hbm4b:s11+s31], $0x1280, $0x38;
	[tilespmem:$0x1E400] =	vst v63  }
0x9f: {  	_ =	swait.ge [sflag:s18], $0x1280  }
0xa0: {  	[sflag:s18] =	ssyncset.done $0x0  }
0xa1: {  	[sflag:s18] =	ssyncadd.s32 $0xFFFFED80  }
0xa2: {  	[tilespmem:s19], [sflag:$0x3] =	stream.linear.gather [hbm4b:s12+s31], $0x1280, $0x38;
	[tilespmem:$0x1E400] =	vst v63  }
0xa3: {  	_ =	swait.ge [sflag:s18], $0x1280  }
0xa4: {  	[sflag:s18] =	ssyncset.done $0x0  }
0xa5: {  	[sflag:s18] =	ssyncadd.s32 $0xFFFFED80  }
0xa6: {  	[tilespmem:s21], [sflag:$0x1] =	stream.indirect.gather [hbm4b:s5+s20], $0x80, s31, s20, $0xb8;
	[tilespmem:$0x1E400] =	vst v63  }
0xa7: {  	s30 =	simm.s32 $0x80  }
0xa8: {  	[tilespmem:s22], [sflag:$0x2] =	stream.indirect.gather [hbm4b:s5+s20], $0x80, s30, s20, $0xb8;
	[tilespmem:$0x1E400] =	vst v63  }
0xa9: {  	_ =	swait.ge [sflag:s23], $0x4000  }
0xaa: {  	[sflag:s23] =	ssyncset.done $0x0  }
0xab: {  	s31 =	simm.s32 $0x1400;
	[sflag:s23] =	ssyncadd.s32 $0xFFFFC000  }
0xac: {  	[spmem:s3] =	stream.indirect.scatter.add.f32 [tilespmem:s21], [sflag:$0x3], $0x80, s31, s20, $0xb8;
	[tilespmem:$0x1E400] =	vst v63  }
0xad: {  	_ =	swait.ge [sflag:s18], $0x4000  }
0xae: {  	[sflag:s18] =	ssyncset.done $0x0  }
0xaf: {  	s30 =	simm.s32 $0x100;
	[sflag:s18] =	ssyncadd.s32 $0xFFFFC000  }
0xb0: {  	[tilespmem:s21], [sflag:$0x1] =	stream.indirect.gather [hbm4b:s5+s20], $0x80, s30, s20, $0xb8;
	[tilespmem:$0x1E400] =	vst v63  }
0xb1: {  	_ =	swait.ge [sflag:s24], $0x4000  }
0xb2: {  	[sflag:s24] =	ssyncset.done $0x0  }
0xb3: {  	s31 =	simm.s32 $0x1480;
	[sflag:s24] =	ssyncadd.s32 $0xFFFFC000  }
0xb4: {  	[spmem:s3] =	stream.indirect.scatter.add.f32 [tilespmem:s22], [sflag:$0x3], $0x80, s31, s20, $0xb8;
	[tilespmem:$0x1E400] =	vst v63  }
0xb5: {  	_ =	swait.ge [sflag:s18], $0x4000  }
0xb6: {  	s29 =	simm.s32 $0x800;
	s28 =	simm.s32 $0x100;
	[sflag:s18] =	ssyncset.done $0x0  }
.LBB2_6:
0xb7: {  	s1 =	sadd.s32 $0x80, s28  }
0xb8: {  	[sflag:s18] =	ssyncadd.s32 $0xFFFFC000;
	s30 =	smov.u32 s29;
	s31 =	sadd.s32 $0x400, s29  }
0xb9: {  	[tilespmem:s22], [sflag:$0x2] =	stream.indirect.gather [hbm4b:s5+s20], $0x80, s1, s20, $0xb8;
	[tilespmem:$0x1E400] =	vst v63  }
0xba: {  	p0 =	sne.s32 s29, $0x4400;
	_ =	swait.ge [sflag:s23], $0x4000  }
0xbb: {  	[sflag:s23] =	ssyncset.done $0x0  }
0xbc: {  	s1 =	sadd.s32 $0x1400, s28;
	[sflag:s23] =	ssyncadd.s32 $0xFFFFC000  }
0xbd: {  	[spmem:s3] =	stream.indirect.scatter.add.f32 [tilespmem:s21], [sflag:$0x3], $0x80, s1, s20, $0xb8;
	[tilespmem:$0x1E400] =	vst v63  }
0xbe: {  	_ =	swait.ge [sflag:s18], $0x4000  }
0xbf: {  	[sflag:s18] =	ssyncset.done $0x0  }
0xc0: {  	s1 =	sadd.s32 $0x100, s28;
	[sflag:s18] =	ssyncadd.s32 $0xFFFFC000  }
0xc1: {  	[tilespmem:s21], [sflag:$0x1] =	stream.indirect.gather [hbm4b:s5+s20], $0x80, s1, s20, $0xb8;
	[tilespmem:$0x1E400] =	vst v63  }
0xc2: {  	_ =	swait.ge [sflag:s24], $0x4000  }
.Ltmp2:
0xc3: {  	[sflag:s24] =	ssyncset.done $0x0;
	(pc) =	sbr.rel @p0 .LBB2_6-.Ltmp2, $4  }
0xc4: {  	s1 =	sadd.s32 $0x1480, s28;
	[sflag:s24] =	ssyncadd.s32 $0xFFFFC000  }
0xc5: {  	[spmem:s3] =	stream.indirect.scatter.add.f32 [tilespmem:s22], [sflag:$0x3], $0x80, s1, s20, $0xb8;
	[tilespmem:$0x1E400] =	vst v63  }
0xc6: {  	_ =	swait.ge [sflag:s18], $0x4000  }
0xc7: {  	s29 =	smov.u32 s31;
	s28 =	sshra.s32 s30, $0x2;
	[sflag:s18] =	ssyncset.done $0x0  }
0xc8: {  	s1 =	sadd.s32 $0x80, s28;
	[sflag:s18] =	ssyncadd.s32 $0xFFFFC000  }
0xc9: {  	[tilespmem:s22], [sflag:$0x2] =	stream.indirect.gather [hbm4b:s5+s20], $0x80, s1, s20, $0xb8;
	[tilespmem:$0x1E400] =	vst v63  }
0xca: {  	_ =	swait.ge [sflag:s23], $0x4000  }
0xcb: {  	[sflag:s23] =	ssyncset.done $0x0  }
0xcc: {  	s30 =	sadd.s32 $0x1400, s28;
	[sflag:s23] =	ssyncadd.s32 $0xFFFFC000  }
0xcd: {  	[spmem:s3] =	stream.indirect.scatter.add.f32 [tilespmem:s21], [sflag:$0x3], $0x80, s30, s20, $0xb8;
	[tilespmem:$0x1E400] =	vst v63  }
0xce: {  	_ =	swait.ge [sflag:s18], $0x4000  }
0xcf: {  	[sflag:s18] =	ssyncset.done $0x0  }
0xd0: {  	s31 =	sadd.s32 $0x100, s28;
	[sflag:s18] =	ssyncadd.s32 $0xFFFFC000  }
0xd1: {  	[tilespmem:s21], [sflag:$0x1] =	stream.indirect.gather [hbm4b:s5+s20], $0x80, s31, s20, $0xb8;
	[tilespmem:$0x1E400] =	vst v63  }
0xd2: {  	_ =	swait.ge [sflag:s24], $0x4000  }
0xd3: {  	[sflag:s24] =	ssyncset.done $0x0  }
0xd4: {  	s30 =	sadd.s32 $0x1480, s28;
	[sflag:s24] =	ssyncadd.s32 $0xFFFFC000  }
0xd5: {  	[spmem:s3] =	stream.indirect.scatter.add.f32 [tilespmem:s22], [sflag:$0x3], $0x80, s30, s20, $0xb8;
	[tilespmem:$0x1E400] =	vst v63  }
0xd6: {  	_ =	swait.ge [sflag:s18], $0x4000  }
0xd7: {  	[sflag:s18] =	ssyncset.done $0x0  }
0xd8: {  	[sflag:s18] =	ssyncadd.s32 $0xFFFFC000  }
0xd9: {  	_ =	swait.ge [sflag:s23], $0x4000  }
0xda: {  	[sflag:s23] =	ssyncset.done $0x0  }
0xdb: {  	[sflag:s23] =	ssyncadd.s32 $0xFFFFC000  }
0xdc: {  	[spmem:s3] =	stream.indirect.scatter.add.f32 [tilespmem:s21], [sflag:$0x3], $0x80, s25, s20, $0xb8;
	[tilespmem:$0x1E400] =	vst v63  }
0xdd: {  	_ =	swait.ge [sflag:s18], $0x4000  }
0xde: {  	[sflag:s18] =	ssyncset.done $0x0  }
0xdf: {  	s31 =	simm.s32 $0x0;
	[sflag:s18] =	ssyncadd.s32 $0xFFFFC000  }
0xe0: {  	[tilespmem:s31], [sflag:$0x3] =	stream.linear.gather [hbm4b:s13+s31], $0x1280, $0x38;
	[tilespmem:$0x1E400] =	vst v63  }
0xe1: {  	_ =	swait.ge [sflag:s18], $0x1280  }
0xe2: {  	[sflag:s18] =	ssyncset.done $0x0  }
0xe3: {  	[sflag:s18] =	ssyncadd.s32 $0xFFFFED80  }
0xe4: {  	[tilespmem:s19], [sflag:$0x3] =	stream.linear.gather [hbm4b:s14+s31], $0x1280, $0x38;
	[tilespmem:$0x1E400] =	vst v63  }
0xe5: {  	_ =	swait.ge [sflag:s18], $0x1280  }
0xe6: {  	[sflag:s18] =	ssyncset.done $0x0  }
0xe7: {  	[sflag:s18] =	ssyncadd.s32 $0xFFFFED80  }
0xe8: {  	[tilespmem:s21], [sflag:$0x1] =	stream.indirect.gather [hbm4b:s5+s20], $0x80, s31, s20, $0xb8;
	[tilespmem:$0x1E400] =	vst v63  }
0xe9: {  	s30 =	simm.s32 $0x80  }
0xea: {  	[tilespmem:s22], [sflag:$0x2] =	stream.indirect.gather [hbm4b:s5+s20], $0x80, s30, s20, $0xb8;
	[tilespmem:$0x1E400] =	vst v63  }
0xeb: {  	_ =	swait.ge [sflag:s23], $0x4000  }
0xec: {  	[sflag:s23] =	ssyncset.done $0x0  }
0xed: {  	s31 =	simm.s32 $0x1400;
	[sflag:s23] =	ssyncadd.s32 $0xFFFFC000  }
0xee: {  	[spmem:s3] =	stream.indirect.scatter.add.f32 [tilespmem:s21], [sflag:$0x3], $0x80, s31, s20, $0xb8;
	[tilespmem:$0x1E400] =	vst v63  }
0xef: {  	_ =	swait.ge [sflag:s18], $0x4000  }
0xf0: {  	[sflag:s18] =	ssyncset.done $0x0  }
0xf1: {  	s30 =	simm.s32 $0x100;
	[sflag:s18] =	ssyncadd.s32 $0xFFFFC000  }
0xf2: {  	[tilespmem:s21], [sflag:$0x1] =	stream.indirect.gather [hbm4b:s5+s20], $0x80, s30, s20, $0xb8;
	[tilespmem:$0x1E400] =	vst v63  }
0xf3: {  	_ =	swait.ge [sflag:s24], $0x4000  }
0xf4: {  	[sflag:s24] =	ssyncset.done $0x0  }
0xf5: {  	s31 =	simm.s32 $0x1480;
	[sflag:s24] =	ssyncadd.s32 $0xFFFFC000  }
0xf6: {  	[spmem:s3] =	stream.indirect.scatter.add.f32 [tilespmem:s22], [sflag:$0x3], $0x80, s31, s20, $0xb8;
	[tilespmem:$0x1E400] =	vst v63  }
0xf7: {  	_ =	swait.ge [sflag:s18], $0x4000  }
0xf8: {  	s29 =	simm.s32 $0x800;
	s28 =	simm.s32 $0x100;
	[sflag:s18] =	ssyncset.done $0x0  }
.LBB2_8:
0xf9: {  	s1 =	sadd.s32 $0x80, s28  }
0xfa: {  	[sflag:s18] =	ssyncadd.s32 $0xFFFFC000;
	s30 =	smov.u32 s29;
	s31 =	sadd.s32 $0x400, s29  }
0xfb: {  	[tilespmem:s22], [sflag:$0x2] =	stream.indirect.gather [hbm4b:s5+s20], $0x80, s1, s20, $0xb8;
	[tilespmem:$0x1E400] =	vst v63  }
0xfc: {  	p0 =	sne.s32 s29, $0x4400;
	_ =	swait.ge [sflag:s23], $0x4000  }
0xfd: {  	[sflag:s23] =	ssyncset.done $0x0  }
0xfe: {  	s1 =	sadd.s32 $0x1400, s28;
	[sflag:s23] =	ssyncadd.s32 $0xFFFFC000  }
0xff: {  	[spmem:s3] =	stream.indirect.scatter.add.f32 [tilespmem:s21], [sflag:$0x3], $0x80, s1, s20, $0xb8;
	[tilespmem:$0x1E400] =	vst v63  }
0x100: {  	_ =	swait.ge [sflag:s18], $0x4000  }
0x101: {  	[sflag:s18] =	ssyncset.done $0x0  }
0x102: {  	s1 =	sadd.s32 $0x100, s28;
	[sflag:s18] =	ssyncadd.s32 $0xFFFFC000  }
0x103: {  	[tilespmem:s21], [sflag:$0x1] =	stream.indirect.gather [hbm4b:s5+s20], $0x80, s1, s20, $0xb8;
	[tilespmem:$0x1E400] =	vst v63  }
0x104: {  	_ =	swait.ge [sflag:s24], $0x4000  }
.Ltmp3:
0x105: {  	[sflag:s24] =	ssyncset.done $0x0;
	(pc) =	sbr.rel @p0 .LBB2_8-.Ltmp3, $4  }
0x106: {  	s1 =	sadd.s32 $0x1480, s28;
	[sflag:s24] =	ssyncadd.s32 $0xFFFFC000  }
0x107: {  	[spmem:s3] =	stream.indirect.scatter.add.f32 [tilespmem:s22], [sflag:$0x3], $0x80, s1, s20, $0xb8;
	[tilespmem:$0x1E400] =	vst v63  }
0x108: {  	_ =	swait.ge [sflag:s18], $0x4000  }
0x109: {  	s29 =	smov.u32 s31;
	s28 =	sshra.s32 s30, $0x2;
	[sflag:s18] =	ssyncset.done $0x0  }
0x10a: {  	s1 =	sadd.s32 $0x80, s28;
	[sflag:s18] =	ssyncadd.s32 $0xFFFFC000  }
0x10b: {  	[tilespmem:s22], [sflag:$0x2] =	stream.indirect.gather [hbm4b:s5+s20], $0x80, s1, s20, $0xb8;
	[tilespmem:$0x1E400] =	vst v63  }
0x10c: {  	_ =	swait.ge [sflag:s23], $0x4000  }
0x10d: {  	[sflag:s23] =	ssyncset.done $0x0  }
0x10e: {  	s29 =	sadd.s32 $0x1400, s28;
	[sflag:s23] =	ssyncadd.s32 $0xFFFFC000  }
0x10f: {  	[spmem:s3] =	stream.indirect.scatter.add.f32 [tilespmem:s21], [sflag:$0x3], $0x80, s29, s20, $0xb8;
	[tilespmem:$0x1E400] =	vst v63  }
0x110: {  	_ =	swait.ge [sflag:s18], $0x4000  }
0x111: {  	[sflag:s18] =	ssyncset.done $0x0  }
0x112: {  	s30 =	sadd.s32 $0x100, s28;
	[sflag:s18] =	ssyncadd.s32 $0xFFFFC000  }
0x113: {  	[tilespmem:s21], [sflag:$0x1] =	stream.indirect.gather [hbm4b:s5+s20], $0x80, s30, s20, $0xb8;
	[tilespmem:$0x1E400] =	vst v63  }
0x114: {  	_ =	swait.ge [sflag:s24], $0x4000  }
0x115: {  	[sflag:s24] =	ssyncset.done $0x0  }
0x116: {  	s31 =	sadd.s32 $0x1480, s28;
	[sflag:s24] =	ssyncadd.s32 $0xFFFFC000  }
0x117: {  	[spmem:s3] =	stream.indirect.scatter.add.f32 [tilespmem:s22], [sflag:$0x3], $0x80, s31, s20, $0xb8;
	[tilespmem:$0x1E400] =	vst v63  }
0x118: {  	_ =	swait.ge [sflag:s18], $0x4000  }
0x119: {  	[sflag:s18] =	ssyncset.done $0x0  }
0x11a: {  	[sflag:s18] =	ssyncadd.s32 $0xFFFFC000  }
0x11b: {  	_ =	swait.ge [sflag:s23], $0x4000  }
0x11c: {  	[sflag:s23] =	ssyncset.done $0x0  }
0x11d: {  	[sflag:s23] =	ssyncadd.s32 $0xFFFFC000  }
0x11e: {  	[spmem:s3] =	stream.indirect.scatter.add.f32 [tilespmem:s21], [sflag:$0x3], $0x80, s25, s20, $0xb8;
	[tilespmem:$0x1E400] =	vst v63  }
0x11f: {  	_ =	swait.ge [sflag:s18], $0x4000  }
0x120: {  	s26 =	sadd.s32 $0x1, s26;
	[sflag:s18] =	ssyncset.done $0x0  }
0x121: {  	p0 =	sne.s32 s26, s16;
	[sflag:s18] =	ssyncadd.s32 $0xFFFFC000  }
.Ltmp4:
0x122: {  	[bflag:$0x0] =	sbarrier.arrive $0xFFFF;
	(pc) =	sbr.rel @p0 .LBB2_1-.Ltmp4, $4  }
0x123: {  	[hbm:s15], [sflag:s6] =	dma.local [spmem:s17], $0x2780  }
0x124: {  	_ =	swait.ge [sflag:s18], $0x2780  }
0x125: {  	[sflag:s18] =	ssyncset.done $0x0  }
0x126: {  	[sflag:s18] =	ssyncadd.s32 $0xFFFFD880  }
0x127: {  	_ =	sfence.sel $0x180000  }
0x128: {  	[bflag:$0x0] =	sbarrier.arrive $0xFFFF  }
0x129: {  	_ =	strace $0x90000050  }
0x12a: {  	[bflag:$0x2] =	sbarrier.arrive $0xFFFF  }
0x12b: {  	p0 =	sne.s32 s0, $0x0;
	s0 =	rddreg [dreg:$0x5]  }
0x12c: {  	s0 =	sadd.s32 @!p0 $0x100000, s0  }
0x12d: {  	[sflag:s0] =	ssyncadd.tile.s32 @!p0 $0x1;
	_ =	shalt  }
.Lfunc_end2:
_tile_overlayer_lowered:
.L_overlay_start_2:
0x12e: {  	(tag) =	ssettag $0x2  }
0x12f: {  	s0 =	rddreg [dreg:$0x0];
	s2 =	stileid.u32  }
0x130: {  	s1 =	rddreg [dreg:$0x1];
	p0 =	sne.s32 s2, $0x0  }
0x131: {  	s3 =	rddreg [dreg:$0x2];
	[bflag:$0x3] =	sbarrier.arrive $0xFFFF;
	s2 =	simm.s32 @!p0 $0x1C03  }
0x132: {  	[timem:s3], [sflag:s2] =	dma.local @!p0 [hbm:s0], s1  }
0x133: {  	s0 =	simm.s32 @!p0 $0x3  }
0x134: {  	_ =	swait.ge @!p0 [sflag:s0], s1  }
0x135: {  	s1 =	ssub.s32 @!p0 $0x0, s1;
	[sflag:s0] =	ssyncset.done @!p0 $0x0  }
0x136: {  	[sflag:s0] =	ssyncadd.s32 @!p0 s1  }
0x137: {  	[bflag:$0x3] =	sbarrier.arrive $0xFFFF  }
0x138: {  	_ =	shalt  }

</sc_bundles>
